<compile_context>
chip_gen: v7x
topology: tpu7x:2x2x1
jax: 0.10.2.dev20260603
libtpu: 0.0.44.dev20260713+nightly
codegen_flags: <defaults>
</compile_context>

<pallas_src>
import functools

import numpy as np

import jax
import jax.numpy as jnp
from jax import lax
from jax.experimental import pallas as pl
from jax.experimental.pallas import tpu as pltpu
from jax.experimental.pallas import tpu_sc as plsc

D = 128
BATCH = 1024
S1 = 10
S2 = 25
N1 = BATCH * S1
LANES = 16
NV = D // LANES

NC = 2
NS = 16
NW = NC * NS

H0_PW = BATCH // NW
H1_PW = N1 // NW
H1_CHUNK = 80
N1_CHUNKS = H1_PW // H1_CHUNK
SEG_PW = N1 // NW
CH_SEGS = 8
CH_ROWS = CH_SEGS * S2
CH_SPLIT = 104
N_CH = SEG_PW // CH_SEGS
NBUF = 2
N_ROUNDS = N_CH // NBUF

_f32 = jnp.float32


def _seg_mean(rows, base, n, scale, out, out_row):
    unroll = 5
    def body(r5, acc):
        for u in range(unroll):
            r = base + r5 * unroll + u
            acc = tuple(acc[j] + rows[r, pl.ds(LANES * j, LANES)]
                        for j in range(NV))
        return acc
    acc = lax.fori_loop(0, n // unroll, body,
                        tuple(jnp.zeros((LANES,), _f32) for _ in range(NV)))
    for j in range(NV):
        out[out_row, pl.ds(LANES * j, LANES)] = acc[j] * scale


@functools.partial(
    pl.kernel,
    mesh=plsc.VectorSubcoreMesh(core_axis_name="c", subcore_axis_name="s"),
    out_type=(
        jax.ShapeDtypeStruct((BATCH, D), _f32),
        jax.ShapeDtypeStruct((BATCH, D), _f32),
        jax.ShapeDtypeStruct((N1, D), _f32),
        jax.ShapeDtypeStruct((N1, D), _f32),
    ),
    scratch_types=(
        pltpu.VMEM((H0_PW,), jnp.int32),
        pltpu.VMEM((H1_PW,), jnp.int32),
        pltpu.VMEM((SEG_PW * S2,), jnp.int32),
        pltpu.VMEM((H0_PW, D), _f32),
        pltpu.VMEM((H1_CHUNK, D), _f32),
        pltpu.VMEM((H0_PW, D), _f32),
        pltpu.VMEM((NBUF, CH_ROWS, D), _f32),
        pltpu.VMEM((NBUF, CH_SEGS, D), _f32),
        pltpu.SemaphoreType.DMA,
        pltpu.SemaphoreType.DMA,
        pltpu.SemaphoreType.DMA,
        pltpu.SemaphoreType.DMA,
        pltpu.SemaphoreType.DMA,
    ),
)
def _sc_gather(feat, s0, s1, s2, h0_out, m1_out, h1_out, m2_out,
               idx0, idx1, idx2, rows0, rows1, m1b, rows2, m2st,
               sem, semg0, semg1, semw0, semw1):
    semg = (semg0, semg1)
    semw = (semw0, semw1)
    wid = lax.axis_index("s") * NC + lax.axis_index("c")

    def _m2_gathers(g, b):
        base = g * CH_ROWS
        lo = pltpu.make_async_copy(
            feat.at[idx2.at[pl.ds(base, CH_SPLIT)]],
            rows2.at[b].at[pl.ds(0, CH_SPLIT)], semg[b])
        hi = pltpu.make_async_copy(
            feat.at[idx2.at[pl.ds(base + CH_SPLIT, CH_ROWS - CH_SPLIT)]],
            rows2.at[b].at[pl.ds(CH_SPLIT, CH_ROWS - CH_SPLIT)], semg[b])
        return lo, hi

    pltpu.sync_copy(s2.at[pl.ds(wid * (SEG_PW * S2), SEG_PW * S2)], idx2)
    for b in range(NBUF):
        for cp in _m2_gathers(b, b):
            cp.start()

    pltpu.sync_copy(s0.at[pl.ds(wid * H0_PW, H0_PW)], idx0)
    pltpu.async_copy(feat.at[idx0], rows0, sem).wait()
    pltpu.sync_copy(rows0, h0_out.at[pl.ds(wid * H0_PW, H0_PW)])

    pltpu.sync_copy(s1.at[pl.ds(wid * H1_PW, H1_PW)], idx1)
    for c in range(N1_CHUNKS):
        pltpu.async_copy(
            feat.at[idx1.at[pl.ds(c * H1_CHUNK, H1_CHUNK)]], rows1,
            sem).wait()
        pltpu.sync_copy(
            rows1, h1_out.at[pl.ds(wid * H1_PW + c * H1_CHUNK, H1_CHUNK)])

        def m1_seg(s, carry):
            _seg_mean(rows1, S1 * s, S1, 1.0 / S1, m1b,
                      c * (H1_CHUNK // S1) + s)
            return carry

        lax.fori_loop(0, H1_CHUNK // S1, m1_seg, 0)
    pltpu.sync_copy(m1b, m1_out.at[pl.ds(wid * H0_PW, H0_PW)])

    def _m2_write(g, b):
        return pltpu.make_async_copy(
            m2st.at[b],
            m2_out.at[pl.ds(wid * SEG_PW + CH_SEGS * g, CH_SEGS)], semw[b])

    def m2_round(i, carry):
        for b in range(NBUF):
            g = NBUF * i + b
            for cp in _m2_gathers(g, b):
                cp.wait()
            buf = rows2.at[b]

            @pl.when(i > 0)
            def _():
                _m2_write(g - NBUF, b).wait()

            def m2_seg(s, carry2):
                _seg_mean(buf, S2 * s, S2, 1.0 / S2, m2st.at[b], s)
                return carry2

            lax.fori_loop(0, CH_SEGS, m2_seg, 0)
            _m2_write(g, b).start()

            @pl.when(i < N_ROUNDS - 1)
            def _():
                for cp in _m2_gathers(g + NBUF, b):
                    cp.start()
        return carry

    lax.fori_loop(0, N_ROUNDS, m2_round, 0)
    for b in range(NBUF):
        _m2_write(NBUF * (N_ROUNDS - 1) + b, b).wait()


_BLK = 1280
_NT = N1 // _BLK


def _tc_dense(h0, m1, h1, m2, ws0, wn0, ws1, wn1, p0, out):
    t = pl.program_id(0)
    dot = lambda a, b: lax.dot(a, b, preferred_element_type=_f32)
    relu = lambda x: jnp.maximum(x, 0.0)
    ws0v = ws0[:]
    wn0v = wn0[:]

    @pl.when(t == 0)
    def _():
        a = relu(dot(h0[:], ws0v))
        b = relu(dot(m1[:], wn0v))
        out[:, 0:D] = dot(a, ws1[0:D, :]) + dot(b, ws1[D:2 * D, :])

    xs = relu(dot(h1[:], ws0v))
    xn = relu(dot(m2[:], wn0v))
    ms = dot(p0[:], xs)
    mn = dot(p0[:], xn)
    res = dot(ms, wn1[0:D, :]) + dot(mn, wn1[D:2 * D, :])
    out[pl.ds(t * (_BLK // S1), _BLK // S1), D:2 * D] = res


_tc_call = pl.pallas_call(
    _tc_dense,
    grid=(_NT,),
    in_specs=[
        pl.BlockSpec((BATCH, D), lambda t: (0, 0)),
        pl.BlockSpec((BATCH, D), lambda t: (0, 0)),
        pl.BlockSpec((_BLK, D), lambda t: (t, 0)),
        pl.BlockSpec((_BLK, D), lambda t: (t, 0)),
        pl.BlockSpec((D, D), lambda t: (0, 0)),
        pl.BlockSpec((D, D), lambda t: (0, 0)),
        pl.BlockSpec((2 * D, D), lambda t: (0, 0)),
        pl.BlockSpec((2 * D, D), lambda t: (0, 0)),
        pl.BlockSpec((_BLK // S1, _BLK), lambda t: (0, 0)),
    ],
    out_specs=pl.BlockSpec((BATCH, 2 * D), lambda t: (0, 0)),
    out_shape=jax.ShapeDtypeStruct((BATCH, 2 * D), _f32),
)

_P0 = np.asarray(
    (np.arange(1280)[None, :] // S1 == np.arange(128)[:, None]) / S1,
    dtype=np.float32)


def kernel(features, samples_0, samples_1, samples_2,
           W_self_0, W_neigh_0, W_self_1, W_neigh_1):
    h0, m1, h1, m2 = _sc_gather(features, samples_0, samples_1, samples_2)
    return _tc_call(h0, m1, h1, m2, W_self_0, W_neigh_0, W_self_1, W_neigh_1,
                    _P0)

# --- scband reference (transcript-rebuilt; emitter-appended) ---
"""Pipeline reference for scband-aggregate-23192823398595 (READ-ONLY COPY).

The authoritative reference and input builder live on the scoring server;
editing this copy changes nothing except your own understanding.
"""

import jax, jax.numpy as jnp
import numpy as np

N_NODES = 100000
D_FEAT = 128
DIMS = [128, 128, 128]
NUM_SAMPLES = [25, 10]
SUPPORT_SIZES = [1, 10, 250]
BATCH = 1024


def _glorot(key, shape):
    lim = np.sqrt(6.0 / (shape[0] + shape[1]))
    return jax.random.uniform(key, shape, minval=-lim, maxval=lim, dtype=jnp.float32)


def setup_inputs(seed: int = 0) -> dict:
    key = jax.random.key(seed)
    ks = jax.random.split(key, 8)
    features = jax.random.normal(ks[0], (N_NODES, D_FEAT), dtype=jnp.float32)
    samples_0 = jax.random.randint(ks[1], (BATCH,), 0, N_NODES, dtype=jnp.int32)
    samples_1 = jax.random.randint(ks[2], (BATCH * SUPPORT_SIZES[1],), 0, N_NODES, dtype=jnp.int32)
    samples_2 = jax.random.randint(ks[3], (BATCH * SUPPORT_SIZES[2],), 0, N_NODES, dtype=jnp.int32)
    # MeanAggregator weights: layer 0 input dim = dims[0], layer 1 input dim = 2*dims[1] (concat)
    W_self_0 = _glorot(ks[4], (DIMS[0], DIMS[1]))
    W_neigh_0 = _glorot(ks[5], (DIMS[0], DIMS[1]))
    W_self_1 = _glorot(ks[6], (2 * DIMS[1], DIMS[2]))
    W_neigh_1 = _glorot(ks[7], (2 * DIMS[1], DIMS[2]))
    return {
        "features": features,
        "samples_0": samples_0,
        "samples_1": samples_1,
        "samples_2": samples_2,
        "W_self_0": W_self_0,
        "W_neigh_0": W_neigh_0,
        "W_self_1": W_self_1,
        "W_neigh_1": W_neigh_1,
    }


def _mean_aggregate(self_vecs, neigh_vecs, W_self, W_neigh, act):
    # GraphSAGE MeanAggregator (concat=True): mean over neighbor axis, two dense
    # transforms, concat along feature dim, then activation.
    neigh_means = jnp.mean(neigh_vecs, axis=1)
    from_neighs = neigh_means @ W_neigh
    from_self = self_vecs @ W_self
    return act(jnp.concatenate([from_self, from_neighs], axis=1))


def reference(features, samples_0, samples_1, samples_2, W_self_0, W_neigh_0, W_self_1, W_neigh_1):
    samples = [samples_0, samples_1, samples_2]
    # embedding_lookup of features for every sampled node set
    hidden = [jnp.take(features, s, axis=0) for s in samples]
    batch = samples[0].shape[0]
    n_layers = len(NUM_SAMPLES)
    # layer 0: dim_mult = 1, act = relu
    next_hidden = []
    for hop in range(n_layers):
        neigh = hidden[hop + 1].reshape(
            batch * SUPPORT_SIZES[hop], NUM_SAMPLES[n_layers - hop - 1], DIMS[0]
        )
        h = _mean_aggregate(hidden[hop], neigh, W_self_0, W_neigh_0, jax.nn.relu)
        next_hidden.append(h)
    hidden = next_hidden
    # layer 1 (final): dim_mult = 2, act = identity
    neigh = hidden[1].reshape(batch * SUPPORT_SIZES[0], NUM_SAMPLES[1], 2 * DIMS[1])
    h = _mean_aggregate(hidden[0], neigh, W_self_1, W_neigh_1, lambda x: x)
    return h

if __name__ == "__main__":
    import jax
    _d = setup_inputs()
    print(jax.jit(kernel)(*tuple(_d.values())))

</pallas_src>

<mosaic_0001>
#map = affine_map<(d0, d1) -> (0, 0)>
#map1 = affine_map<(d0, d1) -> (0)>
module attributes {stable_mosaic.version = 14 : i64} {
  func.func @_sc_gather(%arg0: i32, %arg1: i32, %arg2: memref<100000x128xf32, #tpu.memory_space<hbm>>, %arg3: memref<1024xi32, #tpu.memory_space<hbm>>, %arg4: memref<10240xi32, #tpu.memory_space<hbm>>, %arg5: memref<256000xi32, #tpu.memory_space<hbm>>, %arg6: memref<1024x128xf32, #tpu.memory_space<hbm>>, %arg7: memref<1024x128xf32, #tpu.memory_space<hbm>>, %arg8: memref<10240x128xf32, #tpu.memory_space<hbm>>, %arg9: memref<10240x128xf32, #tpu.memory_space<hbm>>, %arg10: memref<32xi32, #tpu.memory_space<vmem>>, %arg11: memref<320xi32, #tpu.memory_space<vmem>>, %arg12: memref<8000xi32, #tpu.memory_space<vmem>>, %arg13: memref<32x128xf32, #tpu.memory_space<vmem>>, %arg14: memref<80x128xf32, #tpu.memory_space<vmem>>, %arg15: memref<32x128xf32, #tpu.memory_space<vmem>>, %arg16: memref<2x200x128xf32, #tpu.memory_space<vmem>>, %arg17: memref<2x8x128xf32, #tpu.memory_space<vmem>>, %arg18: memref<!tpu.dma_semaphore, #tpu.memory_space<semaphore_mem>>, %arg19: memref<!tpu.dma_semaphore, #tpu.memory_space<semaphore_mem>>, %arg20: memref<!tpu.dma_semaphore, #tpu.memory_space<semaphore_mem>>, %arg21: memref<!tpu.dma_semaphore, #tpu.memory_space<semaphore_mem>>, %arg22: memref<!tpu.dma_semaphore, #tpu.memory_space<semaphore_mem>>) attributes {dimension_semantics = [#tpu.dimension_semantics<core_parallel>, #tpu.dimension_semantics<subcore_parallel>], iteration_bounds = array<i64: 2, 16>, scalar_prefetch = 0 : i64, scratch_operands = 13 : i64, tpu.core_type = #tpu.core_type<sc_vector_subcore>, window_params = [{transform_indices = #map}, {transform_indices = #map1}, {transform_indices = #map1}, {transform_indices = #map1}, {transform_indices = #map}, {transform_indices = #map}, {transform_indices = #map}, {transform_indices = #map}]} {
    %mul3A = arith.constant 2 : i32
    %mul3A_0 = arith.muli %arg1, %mul3A : i32
    %add3A = arith.addi %mul3A_0, %arg0 : i32
    %mul3A_1 = arith.constant 8000 : i32
    %mul3A_2 = arith.muli %add3A, %mul3A_1 : i32
    "tpu.region"() ({
      %run_scoped3A = tpu.sem_alloc : memref<!tpu.dma_semaphore, #tpu.memory_space<semaphore_mem>>
      %dma_start3A_186 = tpu.memref_slice %arg5[%mul3A_2] : memref<256000xi32, #tpu.memory_space<hbm>> -> memref<8000xi32, #tpu.memory_space<hbm>>
      %dma_start3A_187 = tpu.memref_slice %arg5[%mul3A_2] : memref<256000xi32, #tpu.memory_space<hbm>> -> memref<8000xi32, #tpu.memory_space<hbm>>
      tpu.enqueue_dma source(%dma_start3A_187 : memref<8000xi32, #tpu.memory_space<hbm>>) target(%arg12 : memref<8000xi32, #tpu.memory_space<vmem>>) target_semaphore(%run_scoped3A : memref<!tpu.dma_semaphore, #tpu.memory_space<semaphore_mem>>)
      %dma_wait3A_188 = tpu.memref_slice %arg5[%mul3A_2] : memref<256000xi32, #tpu.memory_space<hbm>> -> memref<8000xi32, #tpu.memory_space<hbm>>
      %dma_wait3A_189 = tpu.memref_slice %arg5[%mul3A_2] : memref<256000xi32, #tpu.memory_space<hbm>> -> memref<8000xi32, #tpu.memory_space<hbm>>
      tpu.wait_dma2 semaphore(%run_scoped3A : memref<!tpu.dma_semaphore, #tpu.memory_space<semaphore_mem>>) src(%dma_wait3A_189 : memref<8000xi32, #tpu.memory_space<hbm>>) dst(%arg12 : memref<8000xi32, #tpu.memory_space<vmem>>)
      tpu.yield
    }) : () -> ()
    %dma_start3A = arith.constant 0 : i32
    %dma_start3A_3 = arith.constant 0 : i32
    %dma_start3A_4 = arith.constant 0 : i32
    %dma_start3A_5 = tpu.memref_slice %arg16[%dma_start3A, %dma_start3A_3, %dma_start3A_4] : memref<2x200x128xf32, #tpu.memory_space<vmem>> -> memref<1x200x128xf32, #tpu.memory_space<vmem>>
    %dma_start3A_6 = tpu.memref_squeeze %dma_start3A_5 : memref<1x200x128xf32, #tpu.memory_space<vmem>> -> memref<200x128xf32, #tpu.memory_space<vmem>>
    %dma_start3A_7 = arith.constant 0 : i32
    %dma_start3A_8 = arith.constant 0 : i32
    %dma_start3A_9 = tpu.memref_slice %dma_start3A_6[%dma_start3A_7, %dma_start3A_8] : memref<200x128xf32, #tpu.memory_space<vmem>> -> memref<104x128xf32, #tpu.memory_space<vmem>>
    %dma_start3A_10 = arith.constant 0 : i32
    %dma_start3A_11 = tpu.memref_slice %arg12[%dma_start3A_10] : memref<8000xi32, #tpu.memory_space<vmem>> -> memref<104xi32, #tpu.memory_space<vmem>>
    %dma_start3A_12 = arith.constant 0 : i32
    %dma_start3A_13 = arith.constant 0 : i32
    %dma_start3A_14 = tpu.memref_slice %arg2[%dma_start3A_12, %dma_start3A_13] : memref<100000x128xf32, #tpu.memory_space<hbm>> -> memref<100000x128xf32, #tpu.memory_space<hbm>>
    tpu.enqueue_indirect_dma source(%dma_start3A_14 : memref<100000x128xf32, #tpu.memory_space<hbm>>) target(%dma_start3A_9 : memref<104x128xf32, #tpu.memory_space<vmem>>) offsets(%dma_start3A_11 : memref<104xi32, #tpu.memory_space<vmem>>) semaphore(%arg19 : memref<!tpu.dma_semaphore, #tpu.memory_space<semaphore_mem>>)
    %dma_start3A_15 = arith.constant 0 : i32
    %dma_start3A_16 = arith.constant 0 : i32
    %dma_start3A_17 = arith.constant 0 : i32
    %dma_start3A_18 = tpu.memref_slice %arg16[%dma_start3A_15, %dma_start3A_16, %dma_start3A_17] : memref<2x200x128xf32, #tpu.memory_space<vmem>> -> memref<1x200x128xf32, #tpu.memory_space<vmem>>
    %dma_start3A_19 = tpu.memref_squeeze %dma_start3A_18 : memref<1x200x128xf32, #tpu.memory_space<vmem>> -> memref<200x128xf32, #tpu.memory_space<vmem>>
    %dma_start3A_20 = arith.constant 104 : i32
    %dma_start3A_21 = arith.constant 0 : i32
    %dma_start3A_22 = tpu.memref_slice %dma_start3A_19[%dma_start3A_20, %dma_start3A_21] : memref<200x128xf32, #tpu.memory_space<vmem>> -> memref<96x128xf32, #tpu.memory_space<vmem>>
    %dma_start3A_23 = arith.constant 104 : i32
    %dma_start3A_24 = tpu.memref_slice %arg12[%dma_start3A_23] : memref<8000xi32, #tpu.memory_space<vmem>> -> memref<96xi32, #tpu.memory_space<vmem>>
    %dma_start3A_25 = arith.constant 0 : i32
    %dma_start3A_26 = arith.constant 0 : i32
    %dma_start3A_27 = tpu.memref_slice %arg2[%dma_start3A_25, %dma_start3A_26] : memref<100000x128xf32, #tpu.memory_space<hbm>> -> memref<100000x128xf32, #tpu.memory_space<hbm>>
    tpu.enqueue_indirect_dma source(%dma_start3A_27 : memref<100000x128xf32, #tpu.memory_space<hbm>>) target(%dma_start3A_22 : memref<96x128xf32, #tpu.memory_space<vmem>>) offsets(%dma_start3A_24 : memref<96xi32, #tpu.memory_space<vmem>>) semaphore(%arg19 : memref<!tpu.dma_semaphore, #tpu.memory_space<semaphore_mem>>)
    %dma_start3A_28 = arith.constant 1 : i32
    %dma_start3A_29 = arith.constant 0 : i32
    %dma_start3A_30 = arith.constant 0 : i32
    %dma_start3A_31 = tpu.memref_slice %arg16[%dma_start3A_28, %dma_start3A_29, %dma_start3A_30] : memref<2x200x128xf32, #tpu.memory_space<vmem>> -> memref<1x200x128xf32, #tpu.memory_space<vmem>>
    %dma_start3A_32 = tpu.memref_squeeze %dma_start3A_31 : memref<1x200x128xf32, #tpu.memory_space<vmem>> -> memref<200x128xf32, #tpu.memory_space<vmem>>
    %dma_start3A_33 = arith.constant 0 : i32
    %dma_start3A_34 = arith.constant 0 : i32
    %dma_start3A_35 = tpu.memref_slice %dma_start3A_32[%dma_start3A_33, %dma_start3A_34] : memref<200x128xf32, #tpu.memory_space<vmem>> -> memref<104x128xf32, #tpu.memory_space<vmem>>
    %dma_start3A_36 = arith.constant 200 : i32
    %dma_start3A_37 = tpu.memref_slice %arg12[%dma_start3A_36] : memref<8000xi32, #tpu.memory_space<vmem>> -> memref<104xi32, #tpu.memory_space<vmem>>
    %dma_start3A_38 = arith.constant 0 : i32
    %dma_start3A_39 = arith.constant 0 : i32
    %dma_start3A_40 = tpu.memref_slice %arg2[%dma_start3A_38, %dma_start3A_39] : memref<100000x128xf32, #tpu.memory_space<hbm>> -> memref<100000x128xf32, #tpu.memory_space<hbm>>
    tpu.enqueue_indirect_dma source(%dma_start3A_40 : memref<100000x128xf32, #tpu.memory_space<hbm>>) target(%dma_start3A_35 : memref<104x128xf32, #tpu.memory_space<vmem>>) offsets(%dma_start3A_37 : memref<104xi32, #tpu.memory_space<vmem>>) semaphore(%arg20 : memref<!tpu.dma_semaphore, #tpu.memory_space<semaphore_mem>>)
    %dma_start3A_41 = arith.constant 1 : i32
    %dma_start3A_42 = arith.constant 0 : i32
    %dma_start3A_43 = arith.constant 0 : i32
    %dma_start3A_44 = tpu.memref_slice %arg16[%dma_start3A_41, %dma_start3A_42, %dma_start3A_43] : memref<2x200x128xf32, #tpu.memory_space<vmem>> -> memref<1x200x128xf32, #tpu.memory_space<vmem>>
    %dma_start3A_45 = tpu.memref_squeeze %dma_start3A_44 : memref<1x200x128xf32, #tpu.memory_space<vmem>> -> memref<200x128xf32, #tpu.memory_space<vmem>>
    %dma_start3A_46 = arith.constant 104 : i32
    %dma_start3A_47 = arith.constant 0 : i32
    %dma_start3A_48 = tpu.memref_slice %dma_start3A_45[%dma_start3A_46, %dma_start3A_47] : memref<200x128xf32, #tpu.memory_space<vmem>> -> memref<96x128xf32, #tpu.memory_space<vmem>>
    %dma_start3A_49 = arith.constant 304 : i32
    %dma_start3A_50 = tpu.memref_slice %arg12[%dma_start3A_49] : memref<8000xi32, #tpu.memory_space<vmem>> -> memref<96xi32, #tpu.memory_space<vmem>>
    %dma_start3A_51 = arith.constant 0 : i32
    %dma_start3A_52 = arith.constant 0 : i32
    %dma_start3A_53 = tpu.memref_slice %arg2[%dma_start3A_51, %dma_start3A_52] : memref<100000x128xf32, #tpu.memory_space<hbm>> -> memref<100000x128xf32, #tpu.memory_space<hbm>>
    tpu.enqueue_indirect_dma source(%dma_start3A_53 : memref<100000x128xf32, #tpu.memory_space<hbm>>) target(%dma_start3A_48 : memref<96x128xf32, #tpu.memory_space<vmem>>) offsets(%dma_start3A_50 : memref<96xi32, #tpu.memory_space<vmem>>) semaphore(%arg20 : memref<!tpu.dma_semaphore, #tpu.memory_space<semaphore_mem>>)
    %mul3A_54 = arith.constant 32 : i32
    %mul3A_55 = arith.muli %add3A, %mul3A_54 : i32
    "tpu.region"() ({
      %run_scoped3A = tpu.sem_alloc : memref<!tpu.dma_semaphore, #tpu.memory_space<semaphore_mem>>
      %dma_start3A_186 = tpu.memref_slice %arg3[%mul3A_55] : memref<1024xi32, #tpu.memory_space<hbm>> -> memref<32xi32, #tpu.memory_space<hbm>>
      %dma_start3A_187 = tpu.memref_slice %arg3[%mul3A_55] : memref<1024xi32, #tpu.memory_space<hbm>> -> memref<32xi32, #tpu.memory_space<hbm>>
      tpu.enqueue_dma source(%dma_start3A_187 : memref<32xi32, #tpu.memory_space<hbm>>) target(%arg10 : memref<32xi32, #tpu.memory_space<vmem>>) target_semaphore(%run_scoped3A : memref<!tpu.dma_semaphore, #tpu.memory_space<semaphore_mem>>)
      %dma_wait3A_188 = tpu.memref_slice %arg3[%mul3A_55] : memref<1024xi32, #tpu.memory_space<hbm>> -> memref<32xi32, #tpu.memory_space<hbm>>
      %dma_wait3A_189 = tpu.memref_slice %arg3[%mul3A_55] : memref<1024xi32, #tpu.memory_space<hbm>> -> memref<32xi32, #tpu.memory_space<hbm>>
      tpu.wait_dma2 semaphore(%run_scoped3A : memref<!tpu.dma_semaphore, #tpu.memory_space<semaphore_mem>>) src(%dma_wait3A_189 : memref<32xi32, #tpu.memory_space<hbm>>) dst(%arg10 : memref<32xi32, #tpu.memory_space<vmem>>)
      tpu.yield
    }) : () -> ()
    %dma_start3A_56 = arith.constant 0 : i32
    %dma_start3A_57 = arith.constant 0 : i32
    %dma_start3A_58 = tpu.memref_slice %arg2[%dma_start3A_56, %dma_start3A_57] : memref<100000x128xf32, #tpu.memory_space<hbm>> -> memref<100000x128xf32, #tpu.memory_space<hbm>>
    tpu.enqueue_indirect_dma source(%dma_start3A_58 : memref<100000x128xf32, #tpu.memory_space<hbm>>) target(%arg13 : memref<32x128xf32, #tpu.memory_space<vmem>>) offsets(%arg10 : memref<32xi32, #tpu.memory_space<vmem>>) semaphore(%arg18 : memref<!tpu.dma_semaphore, #tpu.memory_space<semaphore_mem>>)
    %dma_wait3A = arith.constant 0 : i32
    %dma_wait3A_59 = arith.constant 0 : i32
    %dma_wait3A_60 = tpu.memref_slice %arg2[%dma_wait3A, %dma_wait3A_59] : memref<100000x128xf32, #tpu.memory_space<hbm>> -> memref<100000x128xf32, #tpu.memory_space<hbm>>
    tpu.wait_indirect_dma semaphore(%arg18 : memref<!tpu.dma_semaphore, #tpu.memory_space<semaphore_mem>>) src(%dma_wait3A_60 : memref<100000x128xf32, #tpu.memory_space<hbm>>) dst(%arg13 : memref<32x128xf32, #tpu.memory_space<vmem>>)
    %mul3A_61 = arith.constant 32 : i32
    %mul3A_62 = arith.muli %add3A, %mul3A_61 : i32
    "tpu.region"() ({
      %run_scoped3A = tpu.sem_alloc : memref<!tpu.dma_semaphore, #tpu.memory_space<semaphore_mem>>
      %dma_start3A_186 = arith.constant 0 : i32
      %dma_start3A_187 = tpu.memref_slice %arg6[%mul3A_62, %dma_start3A_186] : memref<1024x128xf32, #tpu.memory_space<hbm>> -> memref<32x128xf32, #tpu.memory_space<hbm>>
      %dma_start3A_188 = arith.constant 0 : i32
      %dma_start3A_189 = tpu.memref_slice %arg6[%mul3A_62, %dma_start3A_188] : memref<1024x128xf32, #tpu.memory_space<hbm>> -> memref<32x128xf32, #tpu.memory_space<hbm>>
      tpu.enqueue_dma source(%arg13 : memref<32x128xf32, #tpu.memory_space<vmem>>) target(%dma_start3A_189 : memref<32x128xf32, #tpu.memory_space<hbm>>) target_semaphore(%run_scoped3A : memref<!tpu.dma_semaphore, #tpu.memory_space<semaphore_mem>>)
      %dma_wait3A_190 = arith.constant 0 : i32
      %dma_wait3A_191 = tpu.memref_slice %arg6[%mul3A_62, %dma_wait3A_190] : memref<1024x128xf32, #tpu.memory_space<hbm>> -> memref<32x128xf32, #tpu.memory_space<hbm>>
      %dma_wait3A_192 = arith.constant 0 : i32
      %dma_wait3A_193 = tpu.memref_slice %arg6[%mul3A_62, %dma_wait3A_192] : memref<1024x128xf32, #tpu.memory_space<hbm>> -> memref<32x128xf32, #tpu.memory_space<hbm>>
      tpu.wait_dma2 semaphore(%run_scoped3A : memref<!tpu.dma_semaphore, #tpu.memory_space<semaphore_mem>>) src(%arg13 : memref<32x128xf32, #tpu.memory_space<vmem>>) dst(%dma_wait3A_193 : memref<32x128xf32, #tpu.memory_space<hbm>>)
      tpu.yield
    }) : () -> ()
    %mul3A_63 = arith.constant 320 : i32
    %mul3A_64 = arith.muli %add3A, %mul3A_63 : i32
    "tpu.region"() ({
      %run_scoped3A = tpu.sem_alloc : memref<!tpu.dma_semaphore, #tpu.memory_space<semaphore_mem>>
      %dma_start3A_186 = tpu.memref_slice %arg4[%mul3A_64] : memref<10240xi32, #tpu.memory_space<hbm>> -> memref<320xi32, #tpu.memory_space<hbm>>
      %dma_start3A_187 = tpu.memref_slice %arg4[%mul3A_64] : memref<10240xi32, #tpu.memory_space<hbm>> -> memref<320xi32, #tpu.memory_space<hbm>>
      tpu.enqueue_dma source(%dma_start3A_187 : memref<320xi32, #tpu.memory_space<hbm>>) target(%arg11 : memref<320xi32, #tpu.memory_space<vmem>>) target_semaphore(%run_scoped3A : memref<!tpu.dma_semaphore, #tpu.memory_space<semaphore_mem>>)
      %dma_wait3A_188 = tpu.memref_slice %arg4[%mul3A_64] : memref<10240xi32, #tpu.memory_space<hbm>> -> memref<320xi32, #tpu.memory_space<hbm>>
      %dma_wait3A_189 = tpu.memref_slice %arg4[%mul3A_64] : memref<10240xi32, #tpu.memory_space<hbm>> -> memref<320xi32, #tpu.memory_space<hbm>>
      tpu.wait_dma2 semaphore(%run_scoped3A : memref<!tpu.dma_semaphore, #tpu.memory_space<semaphore_mem>>) src(%dma_wait3A_189 : memref<320xi32, #tpu.memory_space<hbm>>) dst(%arg11 : memref<320xi32, #tpu.memory_space<vmem>>)
      tpu.yield
    }) : () -> ()
    %dma_start3A_65 = arith.constant 0 : i32
    %dma_start3A_66 = tpu.memref_slice %arg11[%dma_start3A_65] : memref<320xi32, #tpu.memory_space<vmem>> -> memref<80xi32, #tpu.memory_space<vmem>>
    %dma_start3A_67 = arith.constant 0 : i32
    %dma_start3A_68 = arith.constant 0 : i32
    %dma_start3A_69 = tpu.memref_slice %arg2[%dma_start3A_67, %dma_start3A_68] : memref<100000x128xf32, #tpu.memory_space<hbm>> -> memref<100000x128xf32, #tpu.memory_space<hbm>>
    tpu.enqueue_indirect_dma source(%dma_start3A_69 : memref<100000x128xf32, #tpu.memory_space<hbm>>) target(%arg14 : memref<80x128xf32, #tpu.memory_space<vmem>>) offsets(%dma_start3A_66 : memref<80xi32, #tpu.memory_space<vmem>>) semaphore(%arg18 : memref<!tpu.dma_semaphore, #tpu.memory_space<semaphore_mem>>)
    %dma_wait3A_70 = arith.constant 0 : i32
    %dma_wait3A_71 = tpu.memref_slice %arg11[%dma_wait3A_70] : memref<320xi32, #tpu.memory_space<vmem>> -> memref<80xi32, #tpu.memory_space<vmem>>
    %dma_wait3A_72 = arith.constant 0 : i32
    %dma_wait3A_73 = arith.constant 0 : i32
    %dma_wait3A_74 = tpu.memref_slice %arg2[%dma_wait3A_72, %dma_wait3A_73] : memref<100000x128xf32, #tpu.memory_space<hbm>> -> memref<100000x128xf32, #tpu.memory_space<hbm>>
    tpu.wait_indirect_dma semaphore(%arg18 : memref<!tpu.dma_semaphore, #tpu.memory_space<semaphore_mem>>) src(%dma_wait3A_74 : memref<100000x128xf32, #tpu.memory_space<hbm>>) dst(%arg14 : memref<80x128xf32, #tpu.memory_space<vmem>>)
    %mul3A_75 = arith.constant 320 : i32
    %mul3A_76 = arith.muli %add3A, %mul3A_75 : i32
    %add3A_77 = arith.constant 0 : i32
    %add3A_78 = arith.addi %mul3A_76, %add3A_77 : i32
    "tpu.region"() ({
      %run_scoped3A = tpu.sem_alloc : memref<!tpu.dma_semaphore, #tpu.memory_space<semaphore_mem>>
      %dma_start3A_186 = arith.constant 0 : i32
      %dma_start3A_187 = tpu.memref_slice %arg8[%add3A_78, %dma_start3A_186] : memref<10240x128xf32, #tpu.memory_space<hbm>> -> memref<80x128xf32, #tpu.memory_space<hbm>>
      %dma_start3A_188 = arith.constant 0 : i32
      %dma_start3A_189 = tpu.memref_slice %arg8[%add3A_78, %dma_start3A_188] : memref<10240x128xf32, #tpu.memory_space<hbm>> -> memref<80x128xf32, #tpu.memory_space<hbm>>
      tpu.enqueue_dma source(%arg14 : memref<80x128xf32, #tpu.memory_space<vmem>>) target(%dma_start3A_189 : memref<80x128xf32, #tpu.memory_space<hbm>>) target_semaphore(%run_scoped3A : memref<!tpu.dma_semaphore, #tpu.memory_space<semaphore_mem>>)
      %dma_wait3A_190 = arith.constant 0 : i32
      %dma_wait3A_191 = tpu.memref_slice %arg8[%add3A_78, %dma_wait3A_190] : memref<10240x128xf32, #tpu.memory_space<hbm>> -> memref<80x128xf32, #tpu.memory_space<hbm>>
      %dma_wait3A_192 = arith.constant 0 : i32
      %dma_wait3A_193 = tpu.memref_slice %arg8[%add3A_78, %dma_wait3A_192] : memref<10240x128xf32, #tpu.memory_space<hbm>> -> memref<80x128xf32, #tpu.memory_space<hbm>>
      tpu.wait_dma2 semaphore(%run_scoped3A : memref<!tpu.dma_semaphore, #tpu.memory_space<semaphore_mem>>) src(%arg14 : memref<80x128xf32, #tpu.memory_space<vmem>>) dst(%dma_wait3A_193 : memref<80x128xf32, #tpu.memory_space<hbm>>)
      tpu.yield
    }) : () -> ()
    %scan3A = arith.constant 0 : i32
    %scan3A_79 = arith.constant 0 : i32
    %scan3A_80 = arith.constant 8 : i32
    %scan3A_81 = arith.addi %scan3A_79, %scan3A_80 : i32
    %scan3A_82 = arith.constant 1 : i32
    scf.for %scan3A_186 = %scan3A_79 to %scan3A_81 step %scan3A_82  : i32 {
      %mul3A_187 = arith.constant 10 : i32
      %mul3A_188 = arith.muli %mul3A_187, %scan3A_186 : i32
      %add3A_189 = arith.constant 0 : i32
      %add3A_190 = arith.addi %add3A_189, %scan3A_186 : i32
      %broadcast_in_dim3A = arith.constant 0.000000e+00 : f32
      %broadcast_in_dim3A_191 = vector.broadcast %broadcast_in_dim3A : f32 to vector<16xf32>
      %broadcast_in_dim3A_192 = arith.constant 0.000000e+00 : f32
      %broadcast_in_dim3A_193 = vector.broadcast %broadcast_in_dim3A_192 : f32 to vector<16xf32>
      %broadcast_in_dim3A_194 = arith.constant 0.000000e+00 : f32
      %broadcast_in_dim3A_195 = vector.broadcast %broadcast_in_dim3A_194 : f32 to vector<16xf32>
      %broadcast_in_dim3A_196 = arith.constant 0.000000e+00 : f32
      %broadcast_in_dim3A_197 = vector.broadcast %broadcast_in_dim3A_196 : f32 to vector<16xf32>
      %broadcast_in_dim3A_198 = arith.constant 0.000000e+00 : f32
      %broadcast_in_dim3A_199 = vector.broadcast %broadcast_in_dim3A_198 : f32 to vector<16xf32>
      %broadcast_in_dim3A_200 = arith.constant 0.000000e+00 : f32
      %broadcast_in_dim3A_201 = vector.broadcast %broadcast_in_dim3A_200 : f32 to vector<16xf32>
      %broadcast_in_dim3A_202 = arith.constant 0.000000e+00 : f32
      %broadcast_in_dim3A_203 = vector.broadcast %broadcast_in_dim3A_202 : f32 to vector<16xf32>
      %broadcast_in_dim3A_204 = arith.constant 0.000000e+00 : f32
      %broadcast_in_dim3A_205 = vector.broadcast %broadcast_in_dim3A_204 : f32 to vector<16xf32>
      %scan3A_206 = arith.constant 0 : i32
      %scan3A_207 = arith.constant 2 : i32
      %scan3A_208 = arith.addi %scan3A_206, %scan3A_207 : i32
      %scan3A_209 = arith.constant 1 : i32
      %scan3A_210:8 = scf.for %scan3A_275 = %scan3A_206 to %scan3A_208 step %scan3A_209 iter_args(%scan3A_276 = %broadcast_in_dim3A_191, %scan3A_277 = %broadcast_in_dim3A_193, %scan3A_278 = %broadcast_in_dim3A_195, %scan3A_279 = %broadcast_in_dim3A_197, %scan3A_280 = %broadcast_in_dim3A_199, %scan3A_281 = %broadcast_in_dim3A_201, %scan3A_282 = %broadcast_in_dim3A_203, %scan3A_283 = %broadcast_in_dim3A_205) -> (vector<16xf32>, vector<16xf32>, vector<16xf32>, vector<16xf32>, vector<16xf32>, vector<16xf32>, vector<16xf32>, vector<16xf32>)  : i32 {
        %mul3A_284 = arith.constant 5 : i32
        %mul3A_285 = arith.muli %scan3A_275, %mul3A_284 : i32
        %add3A_286 = arith.addi %mul3A_188, %mul3A_285 : i32
        %add3A_287 = arith.constant 0 : i32
        %add3A_288 = arith.addi %add3A_286, %add3A_287 : i32
        %get3A = arith.index_cast %add3A_288 : i32 to index
        %get3A_289 = arith.constant 0 : index
        %get3A_290 = tpu.vector_load %arg14[%get3A, %get3A_289] {strides = array<i32>} : memref<80x128xf32, #tpu.memory_space<vmem>>, vector<1x16xf32>,
        %get3A_291 = vector.shape_cast %get3A_290 : vector<1x16xf32> to vector<16xf32>
        %add3A_292 = arith.addf %scan3A_276, %get3A_291 : vector<16xf32>
        %get3A_293 = arith.index_cast %add3A_288 : i32 to index
        %get3A_294 = arith.constant 16 : index
        %get3A_295 = tpu.vector_load %arg14[%get3A_293, %get3A_294] {strides = array<i32>} : memref<80x128xf32, #tpu.memory_space<vmem>>, vector<1x16xf32>,
        %get3A_296 = vector.shape_cast %get3A_295 : vector<1x16xf32> to vector<16xf32>
        %add3A_297 = arith.addf %scan3A_277, %get3A_296 : vector<16xf32>
        %get3A_298 = arith.index_cast %add3A_288 : i32 to index
        %get3A_299 = arith.constant 32 : index
        %get3A_300 = tpu.vector_load %arg14[%get3A_298, %get3A_299] {strides = array<i32>} : memref<80x128xf32, #tpu.memory_space<vmem>>, vector<1x16xf32>,
        %get3A_301 = vector.shape_cast %get3A_300 : vector<1x16xf32> to vector<16xf32>
        %add3A_302 = arith.addf %scan3A_278, %get3A_301 : vector<16xf32>
        %get3A_303 = arith.index_cast %add3A_288 : i32 to index
        %get3A_304 = arith.constant 48 : index
        %get3A_305 = tpu.vector_load %arg14[%get3A_303, %get3A_304] {strides = array<i32>} : memref<80x128xf32, #tpu.memory_space<vmem>>, vector<1x16xf32>,
        %get3A_306 = vector.shape_cast %get3A_305 : vector<1x16xf32> to vector<16xf32>
        %add3A_307 = arith.addf %scan3A_279, %get3A_306 : vector<16xf32>
        %get3A_308 = arith.index_cast %add3A_288 : i32 to index
        %get3A_309 = arith.constant 64 : index
        %get3A_310 = tpu.vector_load %arg14[%get3A_308, %get3A_309] {strides = array<i32>} : memref<80x128xf32, #tpu.memory_space<vmem>>, vector<1x16xf32>,
        %get3A_311 = vector.shape_cast %get3A_310 : vector<1x16xf32> to vector<16xf32>
        %add3A_312 = arith.addf %scan3A_280, %get3A_311 : vector<16xf32>
        %get3A_313 = arith.index_cast %add3A_288 : i32 to index
        %get3A_314 = arith.constant 80 : index
        %get3A_315 = tpu.vector_load %arg14[%get3A_313, %get3A_314] {strides = array<i32>} : memref<80x128xf32, #tpu.memory_space<vmem>>, vector<1x16xf32>,
        %get3A_316 = vector.shape_cast %get3A_315 : vector<1x16xf32> to vector<16xf32>
        %add3A_317 = arith.addf %scan3A_281, %get3A_316 : vector<16xf32>
        %get3A_318 = arith.index_cast %add3A_288 : i32 to index
        %get3A_319 = arith.constant 96 : index
        %get3A_320 = tpu.vector_load %arg14[%get3A_318, %get3A_319] {strides = array<i32>} : memref<80x128xf32, #tpu.memory_space<vmem>>, vector<1x16xf32>,
        %get3A_321 = vector.shape_cast %get3A_320 : vector<1x16xf32> to vector<16xf32>
        %add3A_322 = arith.addf %scan3A_282, %get3A_321 : vector<16xf32>
        %get3A_323 = arith.index_cast %add3A_288 : i32 to index
        %get3A_324 = arith.constant 112 : index
        %get3A_325 = tpu.vector_load %arg14[%get3A_323, %get3A_324] {strides = array<i32>} : memref<80x128xf32, #tpu.memory_space<vmem>>, vector<1x16xf32>,
        %get3A_326 = vector.shape_cast %get3A_325 : vector<1x16xf32> to vector<16xf32>
        %add3A_327 = arith.addf %scan3A_283, %get3A_326 : vector<16xf32>
        %mul3A_328 = arith.constant 5 : i32
        %mul3A_329 = arith.muli %scan3A_275, %mul3A_328 : i32
        %add3A_330 = arith.addi %mul3A_188, %mul3A_329 : i32
        %add3A_331 = arith.constant 1 : i32
        %add3A_332 = arith.addi %add3A_330, %add3A_331 : i32
        %get3A_333 = arith.index_cast %add3A_332 : i32 to index
        %get3A_334 = arith.constant 0 : index
        %get3A_335 = tpu.vector_load %arg14[%get3A_333, %get3A_334] {strides = array<i32>} : memref<80x128xf32, #tpu.memory_space<vmem>>, vector<1x16xf32>,
        %get3A_336 = vector.shape_cast %get3A_335 : vector<1x16xf32> to vector<16xf32>
        %add3A_337 = arith.addf %add3A_292, %get3A_336 : vector<16xf32>
        %get3A_338 = arith.index_cast %add3A_332 : i32 to index
        %get3A_339 = arith.constant 16 : index
        %get3A_340 = tpu.vector_load %arg14[%get3A_338, %get3A_339] {strides = array<i32>} : memref<80x128xf32, #tpu.memory_space<vmem>>, vector<1x16xf32>,
        %get3A_341 = vector.shape_cast %get3A_340 : vector<1x16xf32> to vector<16xf32>
        %add3A_342 = arith.addf %add3A_297, %get3A_341 : vector<16xf32>
        %get3A_343 = arith.index_cast %add3A_332 : i32 to index
        %get3A_344 = arith.constant 32 : index
        %get3A_345 = tpu.vector_load %arg14[%get3A_343, %get3A_344] {strides = array<i32>} : memref<80x128xf32, #tpu.memory_space<vmem>>, vector<1x16xf32>,
        %get3A_346 = vector.shape_cast %get3A_345 : vector<1x16xf32> to vector<16xf32>
        %add3A_347 = arith.addf %add3A_302, %get3A_346 : vector<16xf32>
        %get3A_348 = arith.index_cast %add3A_332 : i32 to index
        %get3A_349 = arith.constant 48 : index
        %get3A_350 = tpu.vector_load %arg14[%get3A_348, %get3A_349] {strides = array<i32>} : memref<80x128xf32, #tpu.memory_space<vmem>>, vector<1x16xf32>,
        %get3A_351 = vector.shape_cast %get3A_350 : vector<1x16xf32> to vector<16xf32>
        %add3A_352 = arith.addf %add3A_307, %get3A_351 : vector<16xf32>
        %get3A_353 = arith.index_cast %add3A_332 : i32 to index
        %get3A_354 = arith.constant 64 : index
        %get3A_355 = tpu.vector_load %arg14[%get3A_353, %get3A_354] {strides = array<i32>} : memref<80x128xf32, #tpu.memory_space<vmem>>, vector<1x16xf32>,
        %get3A_356 = vector.shape_cast %get3A_355 : vector<1x16xf32> to vector<16xf32>
        %add3A_357 = arith.addf %add3A_312, %get3A_356 : vector<16xf32>
        %get3A_358 = arith.index_cast %add3A_332 : i32 to index
        %get3A_359 = arith.constant 80 : index
        %get3A_360 = tpu.vector_load %arg14[%get3A_358, %get3A_359] {strides = array<i32>} : memref<80x128xf32, #tpu.memory_space<vmem>>, vector<1x16xf32>,
        %get3A_361 = vector.shape_cast %get3A_360 : vector<1x16xf32> to vector<16xf32>
        %add3A_362 = arith.addf %add3A_317, %get3A_361 : vector<16xf32>
        %get3A_363 = arith.index_cast %add3A_332 : i32 to index
        %get3A_364 = arith.constant 96 : index
        %get3A_365 = tpu.vector_load %arg14[%get3A_363, %get3A_364] {strides = array<i32>} : memref<80x128xf32, #tpu.memory_space<vmem>>, vector<1x16xf32>,
        %get3A_366 = vector.shape_cast %get3A_365 : vector<1x16xf32> to vector<16xf32>
        %add3A_367 = arith.addf %add3A_322, %get3A_366 : vector<16xf32>
        %get3A_368 = arith.index_cast %add3A_332 : i32 to index
        %get3A_369 = arith.constant 112 : index
        %get3A_370 = tpu.vector_load %arg14[%get3A_368, %get3A_369] {strides = array<i32>} : memref<80x128xf32, #tpu.memory_space<vmem>>, vector<1x16xf32>,
        %get3A_371 = vector.shape_cast %get3A_370 : vector<1x16xf32> to vector<16xf32>
        %add3A_372 = arith.addf %add3A_327, %get3A_371 : vector<16xf32>
        %mul3A_373 = arith.constant 5 : i32
        %mul3A_374 = arith.muli %scan3A_275, %mul3A_373 : i32
        %add3A_375 = arith.addi %mul3A_188, %mul3A_374 : i32
        %add3A_376 = arith.constant 2 : i32
        %add3A_377 = arith.addi %add3A_375, %add3A_376 : i32
        %get3A_378 = arith.index_cast %add3A_377 : i32 to index
        %get3A_379 = arith.constant 0 : index
        %get3A_380 = tpu.vector_load %arg14[%get3A_378, %get3A_379] {strides = array<i32>} : memref<80x128xf32, #tpu.memory_space<vmem>>, vector<1x16xf32>,
        %get3A_381 = vector.shape_cast %get3A_380 : vector<1x16xf32> to vector<16xf32>
        %add3A_382 = arith.addf %add3A_337, %get3A_381 : vector<16xf32>
        %get3A_383 = arith.index_cast %add3A_377 : i32 to index
        %get3A_384 = arith.constant 16 : index
        %get3A_385 = tpu.vector_load %arg14[%get3A_383, %get3A_384] {strides = array<i32>} : memref<80x128xf32, #tpu.memory_space<vmem>>, vector<1x16xf32>,
        %get3A_386 = vector.shape_cast %get3A_385 : vector<1x16xf32> to vector<16xf32>
        %add3A_387 = arith.addf %add3A_342, %get3A_386 : vector<16xf32>
        %get3A_388 = arith.index_cast %add3A_377 : i32 to index
        %get3A_389 = arith.constant 32 : index
        %get3A_390 = tpu.vector_load %arg14[%get3A_388, %get3A_389] {strides = array<i32>} : memref<80x128xf32, #tpu.memory_space<vmem>>, vector<1x16xf32>,
        %get3A_391 = vector.shape_cast %get3A_390 : vector<1x16xf32> to vector<16xf32>
        %add3A_392 = arith.addf %add3A_347, %get3A_391 : vector<16xf32>
        %get3A_393 = arith.index_cast %add3A_377 : i32 to index
        %get3A_394 = arith.constant 48 : index
        %get3A_395 = tpu.vector_load %arg14[%get3A_393, %get3A_394] {strides = array<i32>} : memref<80x128xf32, #tpu.memory_space<vmem>>, vector<1x16xf32>,
        %get3A_396 = vector.shape_cast %get3A_395 : vector<1x16xf32> to vector<16xf32>
        %add3A_397 = arith.addf %add3A_352, %get3A_396 : vector<16xf32>
        %get3A_398 = arith.index_cast %add3A_377 : i32 to index
        %get3A_399 = arith.constant 64 : index
        %get3A_400 = tpu.vector_load %arg14[%get3A_398, %get3A_399] {strides = array<i32>} : memref<80x128xf32, #tpu.memory_space<vmem>>, vector<1x16xf32>,
        %get3A_401 = vector.shape_cast %get3A_400 : vector<1x16xf32> to vector<16xf32>
        %add3A_402 = arith.addf %add3A_357, %get3A_401 : vector<16xf32>
        %get3A_403 = arith.index_cast %add3A_377 : i32 to index
        %get3A_404 = arith.constant 80 : index
        %get3A_405 = tpu.vector_load %arg14[%get3A_403, %get3A_404] {strides = array<i32>} : memref<80x128xf32, #tpu.memory_space<vmem>>, vector<1x16xf32>,
        %get3A_406 = vector.shape_cast %get3A_405 : vector<1x16xf32> to vector<16xf32>
        %add3A_407 = arith.addf %add3A_362, %get3A_406 : vector<16xf32>
        %get3A_408 = arith.index_cast %add3A_377 : i32 to index
        %get3A_409 = arith.constant 96 : index
        %get3A_410 = tpu.vector_load %arg14[%get3A_408, %get3A_409] {strides = array<i32>} : memref<80x128xf32, #tpu.memory_space<vmem>>, vector<1x16xf32>,
        %get3A_411 = vector.shape_cast %get3A_410 : vector<1x16xf32> to vector<16xf32>
        %add3A_412 = arith.addf %add3A_367, %get3A_411 : vector<16xf32>
        %get3A_413 = arith.index_cast %add3A_377 : i32 to index
        %get3A_414 = arith.constant 112 : index
        %get3A_415 = tpu.vector_load %arg14[%get3A_413, %get3A_414] {strides = array<i32>} : memref<80x128xf32, #tpu.memory_space<vmem>>, vector<1x16xf32>,
        %get3A_416 = vector.shape_cast %get3A_415 : vector<1x16xf32> to vector<16xf32>
        %add3A_417 = arith.addf %add3A_372, %get3A_416 : vector<16xf32>
        %mul3A_418 = arith.constant 5 : i32
        %mul3A_419 = arith.muli %scan3A_275, %mul3A_418 : i32
        %add3A_420 = arith.addi %mul3A_188, %mul3A_419 : i32
        %add3A_421 = arith.constant 3 : i32
        %add3A_422 = arith.addi %add3A_420, %add3A_421 : i32
        %get3A_423 = arith.index_cast %add3A_422 : i32 to index
        %get3A_424 = arith.constant 0 : index
        %get3A_425 = tpu.vector_load %arg14[%get3A_423, %get3A_424] {strides = array<i32>} : memref<80x128xf32, #tpu.memory_space<vmem>>, vector<1x16xf32>,
        %get3A_426 = vector.shape_cast %get3A_425 : vector<1x16xf32> to vector<16xf32>
        %add3A_427 = arith.addf %add3A_382, %get3A_426 : vector<16xf32>
        %get3A_428 = arith.index_cast %add3A_422 : i32 to index
        %get3A_429 = arith.constant 16 : index
        %get3A_430 = tpu.vector_load %arg14[%get3A_428, %get3A_429] {strides = array<i32>} : memref<80x128xf32, #tpu.memory_space<vmem>>, vector<1x16xf32>,
        %get3A_431 = vector.shape_cast %get3A_430 : vector<1x16xf32> to vector<16xf32>
        %add3A_432 = arith.addf %add3A_387, %get3A_431 : vector<16xf32>
        %get3A_433 = arith.index_cast %add3A_422 : i32 to index
        %get3A_434 = arith.constant 32 : index
        %get3A_435 = tpu.vector_load %arg14[%get3A_433, %get3A_434] {strides = array<i32>} : memref<80x128xf32, #tpu.memory_space<vmem>>, vector<1x16xf32>,
        %get3A_436 = vector.shape_cast %get3A_435 : vector<1x16xf32> to vector<16xf32>
        %add3A_437 = arith.addf %add3A_392, %get3A_436 : vector<16xf32>
        %get3A_438 = arith.index_cast %add3A_422 : i32 to index
        %get3A_439 = arith.constant 48 : index
        %get3A_440 = tpu.vector_load %arg14[%get3A_438, %get3A_439] {strides = array<i32>} : memref<80x128xf32, #tpu.memory_space<vmem>>, vector<1x16xf32>,
        %get3A_441 = vector.shape_cast %get3A_440 : vector<1x16xf32> to vector<16xf32>
        %add3A_442 = arith.addf %add3A_397, %get3A_441 : vector<16xf32>
        %get3A_443 = arith.index_cast %add3A_422 : i32 to index
        %get3A_444 = arith.constant 64 : index
        %get3A_445 = tpu.vector_load %arg14[%get3A_443, %get3A_444] {strides = array<i32>} : memref<80x128xf32, #tpu.memory_space<vmem>>, vector<1x16xf32>,
        %get3A_446 = vector.shape_cast %get3A_445 : vector<1x16xf32> to vector<16xf32>
        %add3A_447 = arith.addf %add3A_402, %get3A_446 : vector<16xf32>
        %get3A_448 = arith.index_cast %add3A_422 : i32 to index
        %get3A_449 = arith.constant 80 : index
        %get3A_450 = tpu.vector_load %arg14[%get3A_448, %get3A_449] {strides = array<i32>} : memref<80x128xf32, #tpu.memory_space<vmem>>, vector<1x16xf32>,
        %get3A_451 = vector.shape_cast %get3A_450 : vector<1x16xf32> to vector<16xf32>
        %add3A_452 = arith.addf %add3A_407, %get3A_451 : vector<16xf32>
        %get3A_453 = arith.index_cast %add3A_422 : i32 to index
        %get3A_454 = arith.constant 96 : index
        %get3A_455 = tpu.vector_load %arg14[%get3A_453, %get3A_454] {strides = array<i32>} : memref<80x128xf32, #tpu.memory_space<vmem>>, vector<1x16xf32>,
        %get3A_456 = vector.shape_cast %get3A_455 : vector<1x16xf32> to vector<16xf32>
        %add3A_457 = arith.addf %add3A_412, %get3A_456 : vector<16xf32>
        %get3A_458 = arith.index_cast %add3A_422 : i32 to index
        %get3A_459 = arith.constant 112 : index
        %get3A_460 = tpu.vector_load %arg14[%get3A_458, %get3A_459] {strides = array<i32>} : memref<80x128xf32, #tpu.memory_space<vmem>>, vector<1x16xf32>,
        %get3A_461 = vector.shape_cast %get3A_460 : vector<1x16xf32> to vector<16xf32>
        %add3A_462 = arith.addf %add3A_417, %get3A_461 : vector<16xf32>
        %mul3A_463 = arith.constant 5 : i32
        %mul3A_464 = arith.muli %scan3A_275, %mul3A_463 : i32
        %add3A_465 = arith.addi %mul3A_188, %mul3A_464 : i32
        %add3A_466 = arith.constant 4 : i32
        %add3A_467 = arith.addi %add3A_465, %add3A_466 : i32
        %get3A_468 = arith.index_cast %add3A_467 : i32 to index
        %get3A_469 = arith.constant 0 : index
        %get3A_470 = tpu.vector_load %arg14[%get3A_468, %get3A_469] {strides = array<i32>} : memref<80x128xf32, #tpu.memory_space<vmem>>, vector<1x16xf32>,
        %get3A_471 = vector.shape_cast %get3A_470 : vector<1x16xf32> to vector<16xf32>
        %add3A_472 = arith.addf %add3A_427, %get3A_471 : vector<16xf32>
        %get3A_473 = arith.index_cast %add3A_467 : i32 to index
        %get3A_474 = arith.constant 16 : index
        %get3A_475 = tpu.vector_load %arg14[%get3A_473, %get3A_474] {strides = array<i32>} : memref<80x128xf32, #tpu.memory_space<vmem>>, vector<1x16xf32>,
        %get3A_476 = vector.shape_cast %get3A_475 : vector<1x16xf32> to vector<16xf32>
        %add3A_477 = arith.addf %add3A_432, %get3A_476 : vector<16xf32>
        %get3A_478 = arith.index_cast %add3A_467 : i32 to index
        %get3A_479 = arith.constant 32 : index
        %get3A_480 = tpu.vector_load %arg14[%get3A_478, %get3A_479] {strides = array<i32>} : memref<80x128xf32, #tpu.memory_space<vmem>>, vector<1x16xf32>,
        %get3A_481 = vector.shape_cast %get3A_480 : vector<1x16xf32> to vector<16xf32>
        %add3A_482 = arith.addf %add3A_437, %get3A_481 : vector<16xf32>
        %get3A_483 = arith.index_cast %add3A_467 : i32 to index
        %get3A_484 = arith.constant 48 : index
        %get3A_485 = tpu.vector_load %arg14[%get3A_483, %get3A_484] {strides = array<i32>} : memref<80x128xf32, #tpu.memory_space<vmem>>, vector<1x16xf32>,
        %get3A_486 = vector.shape_cast %get3A_485 : vector<1x16xf32> to vector<16xf32>
        %add3A_487 = arith.addf %add3A_442, %get3A_486 : vector<16xf32>
        %get3A_488 = arith.index_cast %add3A_467 : i32 to index
        %get3A_489 = arith.constant 64 : index
        %get3A_490 = tpu.vector_load %arg14[%get3A_488, %get3A_489] {strides = array<i32>} : memref<80x128xf32, #tpu.memory_space<vmem>>, vector<1x16xf32>,
        %get3A_491 = vector.shape_cast %get3A_490 : vector<1x16xf32> to vector<16xf32>
        %add3A_492 = arith.addf %add3A_447, %get3A_491 : vector<16xf32>
        %get3A_493 = arith.index_cast %add3A_467 : i32 to index
        %get3A_494 = arith.constant 80 : index
        %get3A_495 = tpu.vector_load %arg14[%get3A_493, %get3A_494] {strides = array<i32>} : memref<80x128xf32, #tpu.memory_space<vmem>>, vector<1x16xf32>,
        %get3A_496 = vector.shape_cast %get3A_495 : vector<1x16xf32> to vector<16xf32>
        %add3A_497 = arith.addf %add3A_452, %get3A_496 : vector<16xf32>
        %get3A_498 = arith.index_cast %add3A_467 : i32 to index
        %get3A_499 = arith.constant 96 : index
        %get3A_500 = tpu.vector_load %arg14[%get3A_498, %get3A_499] {strides = array<i32>} : memref<80x128xf32, #tpu.memory_space<vmem>>, vector<1x16xf32>,
        %get3A_501 = vector.shape_cast %get3A_500 : vector<1x16xf32> to vector<16xf32>
        %add3A_502 = arith.addf %add3A_457, %get3A_501 : vector<16xf32>
        %get3A_503 = arith.index_cast %add3A_467 : i32 to index
        %get3A_504 = arith.constant 112 : index
        %get3A_505 = tpu.vector_load %arg14[%get3A_503, %get3A_504] {strides = array<i32>} : memref<80x128xf32, #tpu.memory_space<vmem>>, vector<1x16xf32>,
        %get3A_506 = vector.shape_cast %get3A_505 : vector<1x16xf32> to vector<16xf32>
        %add3A_507 = arith.addf %add3A_462, %get3A_506 : vector<16xf32>
        scf.yield %add3A_472, %add3A_477, %add3A_482, %add3A_487, %add3A_492, %add3A_497, %add3A_502, %add3A_507 : vector<16xf32>, vector<16xf32>, vector<16xf32>, vector<16xf32>, vector<16xf32>, vector<16xf32>, vector<16xf32>, vector<16xf32>
      }
      %scan3A_211 = arith.constant 2 : i32
      %mul3A_212 = arith.constant 1.000000e-01 : f32
      %mul3A_213 = vector.broadcast %mul3A_212 : f32 to vector<16xf32>
      %mul3A_214 = arith.mulf %scan3A_210#0, %mul3A_213 : vector<16xf32>
      %swap3A = arith.index_cast %add3A_190 : i32 to index
      %swap3A_215 = arith.constant 0 : index
      %swap3A_216 = tpu.vector_load %arg15[%swap3A, %swap3A_215] {strides = array<i32>} : memref<32x128xf32, #tpu.memory_space<vmem>>, vector<1x16xf32>,
      %swap3A_217 = vector.shape_cast %swap3A_216 : vector<1x16xf32> to vector<16xf32>
      %swap3A_218 = vector.shape_cast %mul3A_214 : vector<16xf32> to vector<1x16xf32>
      tpu.vector_store %arg15[%swap3A, %swap3A_215], %swap3A_218 {strides = array<i32>} : memref<32x128xf32, #tpu.memory_space<vmem>>, vector<1x16xf32>,
      %mul3A_219 = arith.constant 1.000000e-01 : f32
      %mul3A_220 = vector.broadcast %mul3A_219 : f32 to vector<16xf32>
      %mul3A_221 = arith.mulf %scan3A_210#1, %mul3A_220 : vector<16xf32>
      %swap3A_222 = arith.index_cast %add3A_190 : i32 to index
      %swap3A_223 = arith.constant 16 : index
      %swap3A_224 = tpu.vector_load %arg15[%swap3A_222, %swap3A_223] {strides = array<i32>} : memref<32x128xf32, #tpu.memory_space<vmem>>, vector<1x16xf32>,
      %swap3A_225 = vector.shape_cast %swap3A_224 : vector<1x16xf32> to vector<16xf32>
      %swap3A_226 = vector.shape_cast %mul3A_221 : vector<16xf32> to vector<1x16xf32>
      tpu.vector_store %arg15[%swap3A_222, %swap3A_223], %swap3A_226 {strides = array<i32>} : memref<32x128xf32, #tpu.memory_space<vmem>>, vector<1x16xf32>,
      %mul3A_227 = arith.constant 1.000000e-01 : f32
      %mul3A_228 = vector.broadcast %mul3A_227 : f32 to vector<16xf32>
      %mul3A_229 = arith.mulf %scan3A_210#2, %mul3A_228 : vector<16xf32>
      %swap3A_230 = arith.index_cast %add3A_190 : i32 to index
      %swap3A_231 = arith.constant 32 : index
      %swap3A_232 = tpu.vector_load %arg15[%swap3A_230, %swap3A_231] {strides = array<i32>} : memref<32x128xf32, #tpu.memory_space<vmem>>, vector<1x16xf32>,
      %swap3A_233 = vector.shape_cast %swap3A_232 : vector<1x16xf32> to vector<16xf32>
      %swap3A_234 = vector.shape_cast %mul3A_229 : vector<16xf32> to vector<1x16xf32>
      tpu.vector_store %arg15[%swap3A_230, %swap3A_231], %swap3A_234 {strides = array<i32>} : memref<32x128xf32, #tpu.memory_space<vmem>>, vector<1x16xf32>,
      %mul3A_235 = arith.constant 1.000000e-01 : f32
      %mul3A_236 = vector.broadcast %mul3A_235 : f32 to vector<16xf32>
      %mul3A_237 = arith.mulf %scan3A_210#3, %mul3A_236 : vector<16xf32>
      %swap3A_238 = arith.index_cast %add3A_190 : i32 to index
      %swap3A_239 = arith.constant 48 : index
      %swap3A_240 = tpu.vector_load %arg15[%swap3A_238, %swap3A_239] {strides = array<i32>} : memref<32x128xf32, #tpu.memory_space<vmem>>, vector<1x16xf32>,
      %swap3A_241 = vector.shape_cast %swap3A_240 : vector<1x16xf32> to vector<16xf32>
      %swap3A_242 = vector.shape_cast %mul3A_237 : vector<16xf32> to vector<1x16xf32>
      tpu.vector_store %arg15[%swap3A_238, %swap3A_239], %swap3A_242 {strides = array<i32>} : memref<32x128xf32, #tpu.memory_space<vmem>>, vector<1x16xf32>,
      %mul3A_243 = arith.constant 1.000000e-01 : f32
      %mul3A_244 = vector.broadcast %mul3A_243 : f32 to vector<16xf32>
      %mul3A_245 = arith.mulf %scan3A_210#4, %mul3A_244 : vector<16xf32>
      %swap3A_246 = arith.index_cast %add3A_190 : i32 to index
      %swap3A_247 = arith.constant 64 : index
      %swap3A_248 = tpu.vector_load %arg15[%swap3A_246, %swap3A_247] {strides = array<i32>} : memref<32x128xf32, #tpu.memory_space<vmem>>, vector<1x16xf32>,
      %swap3A_249 = vector.shape_cast %swap3A_248 : vector<1x16xf32> to vector<16xf32>
      %swap3A_250 = vector.shape_cast %mul3A_245 : vector<16xf32> to vector<1x16xf32>
      tpu.vector_store %arg15[%swap3A_246, %swap3A_247], %swap3A_250 {strides = array<i32>} : memref<32x128xf32, #tpu.memory_space<vmem>>, vector<1x16xf32>,
      %mul3A_251 = arith.constant 1.000000e-01 : f32
      %mul3A_252 = vector.broadcast %mul3A_251 : f32 to vector<16xf32>
      %mul3A_253 = arith.mulf %scan3A_210#5, %mul3A_252 : vector<16xf32>
      %swap3A_254 = arith.index_cast %add3A_190 : i32 to index
      %swap3A_255 = arith.constant 80 : index
      %swap3A_256 = tpu.vector_load %arg15[%swap3A_254, %swap3A_255] {strides = array<i32>} : memref<32x128xf32, #tpu.memory_space<vmem>>, vector<1x16xf32>,
      %swap3A_257 = vector.shape_cast %swap3A_256 : vector<1x16xf32> to vector<16xf32>
      %swap3A_258 = vector.shape_cast %mul3A_253 : vector<16xf32> to vector<1x16xf32>
      tpu.vector_store %arg15[%swap3A_254, %swap3A_255], %swap3A_258 {strides = array<i32>} : memref<32x128xf32, #tpu.memory_space<vmem>>, vector<1x16xf32>,
      %mul3A_259 = arith.constant 1.000000e-01 : f32
      %mul3A_260 = vector.broadcast %mul3A_259 : f32 to vector<16xf32>
      %mul3A_261 = arith.mulf %scan3A_210#6, %mul3A_260 : vector<16xf32>
      %swap3A_262 = arith.index_cast %add3A_190 : i32 to index
      %swap3A_263 = arith.constant 96 : index
      %swap3A_264 = tpu.vector_load %arg15[%swap3A_262, %swap3A_263] {strides = array<i32>} : memref<32x128xf32, #tpu.memory_space<vmem>>, vector<1x16xf32>,
      %swap3A_265 = vector.shape_cast %swap3A_264 : vector<1x16xf32> to vector<16xf32>
      %swap3A_266 = vector.shape_cast %mul3A_261 : vector<16xf32> to vector<1x16xf32>
      tpu.vector_store %arg15[%swap3A_262, %swap3A_263], %swap3A_266 {strides = array<i32>} : memref<32x128xf32, #tpu.memory_space<vmem>>, vector<1x16xf32>,
      %mul3A_267 = arith.constant 1.000000e-01 : f32
      %mul3A_268 = vector.broadcast %mul3A_267 : f32 to vector<16xf32>
      %mul3A_269 = arith.mulf %scan3A_210#7, %mul3A_268 : vector<16xf32>
      %swap3A_270 = arith.index_cast %add3A_190 : i32 to index
      %swap3A_271 = arith.constant 112 : index
      %swap3A_272 = tpu.vector_load %arg15[%swap3A_270, %swap3A_271] {strides = array<i32>} : memref<32x128xf32, #tpu.memory_space<vmem>>, vector<1x16xf32>,
      %swap3A_273 = vector.shape_cast %swap3A_272 : vector<1x16xf32> to vector<16xf32>
      %swap3A_274 = vector.shape_cast %mul3A_269 : vector<16xf32> to vector<1x16xf32>
      tpu.vector_store %arg15[%swap3A_270, %swap3A_271], %swap3A_274 {strides = array<i32>} : memref<32x128xf32, #tpu.memory_space<vmem>>, vector<1x16xf32>,
    }
    %scan3A_83 = arith.constant 8 : i32
    %dma_start3A_84 = arith.constant 80 : i32
    %dma_start3A_85 = tpu.memref_slice %arg11[%dma_start3A_84] : memref<320xi32, #tpu.memory_space<vmem>> -> memref<80xi32, #tpu.memory_space<vmem>>
    %dma_start3A_86 = arith.constant 0 : i32
    %dma_start3A_87 = arith.constant 0 : i32
    %dma_start3A_88 = tpu.memref_slice %arg2[%dma_start3A_86, %dma_start3A_87] : memref<100000x128xf32, #tpu.memory_space<hbm>> -> memref<100000x128xf32, #tpu.memory_space<hbm>>
    tpu.enqueue_indirect_dma source(%dma_start3A_88 : memref<100000x128xf32, #tpu.memory_space<hbm>>) target(%arg14 : memref<80x128xf32, #tpu.memory_space<vmem>>) offsets(%dma_start3A_85 : memref<80xi32, #tpu.memory_space<vmem>>) semaphore(%arg18 : memref<!tpu.dma_semaphore, #tpu.memory_space<semaphore_mem>>)
    %dma_wait3A_89 = arith.constant 80 : i32
    %dma_wait3A_90 = tpu.memref_slice %arg11[%dma_wait3A_89] : memref<320xi32, #tpu.memory_space<vmem>> -> memref<80xi32, #tpu.memory_space<vmem>>
    %dma_wait3A_91 = arith.constant 0 : i32
    %dma_wait3A_92 = arith.constant 0 : i32
    %dma_wait3A_93 = tpu.memref_slice %arg2[%dma_wait3A_91, %dma_wait3A_92] : memref<100000x128xf32, #tpu.memory_space<hbm>> -> memref<100000x128xf32, #tpu.memory_space<hbm>>
    tpu.wait_indirect_dma semaphore(%arg18 : memref<!tpu.dma_semaphore, #tpu.memory_space<semaphore_mem>>) src(%dma_wait3A_93 : memref<100000x128xf32, #tpu.memory_space<hbm>>) dst(%arg14 : memref<80x128xf32, #tpu.memory_space<vmem>>)
    %mul3A_94 = arith.constant 320 : i32
    %mul3A_95 = arith.muli %add3A, %mul3A_94 : i32
    %add3A_96 = arith.constant 80 : i32
    %add3A_97 = arith.addi %mul3A_95, %add3A_96 : i32
    "tpu.region"() ({
      %run_scoped3A = tpu.sem_alloc : memref<!tpu.dma_semaphore, #tpu.memory_space<semaphore_mem>>
      %dma_start3A_186 = arith.constant 0 : i32
      %dma_start3A_187 = tpu.memref_slice %arg8[%add3A_97, %dma_start3A_186] : memref<10240x128xf32, #tpu.memory_space<hbm>> -> memref<80x128xf32, #tpu.memory_space<hbm>>
      %dma_start3A_188 = arith.constant 0 : i32
      %dma_start3A_189 = tpu.memref_slice %arg8[%add3A_97, %dma_start3A_188] : memref<10240x128xf32, #tpu.memory_space<hbm>> -> memref<80x128xf32, #tpu.memory_space<hbm>>
      tpu.enqueue_dma source(%arg14 : memref<80x128xf32, #tpu.memory_space<vmem>>) target(%dma_start3A_189 : memref<80x128xf32, #tpu.memory_space<hbm>>) target_semaphore(%run_scoped3A : memref<!tpu.dma_semaphore, #tpu.memory_space<semaphore_mem>>)
      %dma_wait3A_190 = arith.constant 0 : i32
      %dma_wait3A_191 = tpu.memref_slice %arg8[%add3A_97, %dma_wait3A_190] : memref<10240x128xf32, #tpu.memory_space<hbm>> -> memref<80x128xf32, #tpu.memory_space<hbm>>
      %dma_wait3A_192 = arith.constant 0 : i32
      %dma_wait3A_193 = tpu.memref_slice %arg8[%add3A_97, %dma_wait3A_192] : memref<10240x128xf32, #tpu.memory_space<hbm>> -> memref<80x128xf32, #tpu.memory_space<hbm>>
      tpu.wait_dma2 semaphore(%run_scoped3A : memref<!tpu.dma_semaphore, #tpu.memory_space<semaphore_mem>>) src(%arg14 : memref<80x128xf32, #tpu.memory_space<vmem>>) dst(%dma_wait3A_193 : memref<80x128xf32, #tpu.memory_space<hbm>>)
      tpu.yield
    }) : () -> ()
    %scan3A_98 = arith.constant 0 : i32
    %scan3A_99 = arith.constant 0 : i32
    %scan3A_100 = arith.constant 8 : i32
    %scan3A_101 = arith.addi %scan3A_99, %scan3A_100 : i32
    %scan3A_102 = arith.constant 1 : i32
    scf.for %scan3A_186 = %scan3A_99 to %scan3A_101 step %scan3A_102  : i32 {
      %mul3A_187 = arith.constant 10 : i32
      %mul3A_188 = arith.muli %mul3A_187, %scan3A_186 : i32
      %add3A_189 = arith.constant 8 : i32
      %add3A_190 = arith.addi %add3A_189, %scan3A_186 : i32
      %broadcast_in_dim3A = arith.constant 0.000000e+00 : f32
      %broadcast_in_dim3A_191 = vector.broadcast %broadcast_in_dim3A : f32 to vector<16xf32>
      %broadcast_in_dim3A_192 = arith.constant 0.000000e+00 : f32
      %broadcast_in_dim3A_193 = vector.broadcast %broadcast_in_dim3A_192 : f32 to vector<16xf32>
      %broadcast_in_dim3A_194 = arith.constant 0.000000e+00 : f32
      %broadcast_in_dim3A_195 = vector.broadcast %broadcast_in_dim3A_194 : f32 to vector<16xf32>
      %broadcast_in_dim3A_196 = arith.constant 0.000000e+00 : f32
      %broadcast_in_dim3A_197 = vector.broadcast %broadcast_in_dim3A_196 : f32 to vector<16xf32>
      %broadcast_in_dim3A_198 = arith.constant 0.000000e+00 : f32
      %broadcast_in_dim3A_199 = vector.broadcast %broadcast_in_dim3A_198 : f32 to vector<16xf32>
      %broadcast_in_dim3A_200 = arith.constant 0.000000e+00 : f32
      %broadcast_in_dim3A_201 = vector.broadcast %broadcast_in_dim3A_200 : f32 to vector<16xf32>
      %broadcast_in_dim3A_202 = arith.constant 0.000000e+00 : f32
      %broadcast_in_dim3A_203 = vector.broadcast %broadcast_in_dim3A_202 : f32 to vector<16xf32>
      %broadcast_in_dim3A_204 = arith.constant 0.000000e+00 : f32
      %broadcast_in_dim3A_205 = vector.broadcast %broadcast_in_dim3A_204 : f32 to vector<16xf32>
      %scan3A_206 = arith.constant 0 : i32
      %scan3A_207 = arith.constant 2 : i32
      %scan3A_208 = arith.addi %scan3A_206, %scan3A_207 : i32
      %scan3A_209 = arith.constant 1 : i32
      %scan3A_210:8 = scf.for %scan3A_275 = %scan3A_206 to %scan3A_208 step %scan3A_209 iter_args(%scan3A_276 = %broadcast_in_dim3A_191, %scan3A_277 = %broadcast_in_dim3A_193, %scan3A_278 = %broadcast_in_dim3A_195, %scan3A_279 = %broadcast_in_dim3A_197, %scan3A_280 = %broadcast_in_dim3A_199, %scan3A_281 = %broadcast_in_dim3A_201, %scan3A_282 = %broadcast_in_dim3A_203, %scan3A_283 = %broadcast_in_dim3A_205) -> (vector<16xf32>, vector<16xf32>, vector<16xf32>, vector<16xf32>, vector<16xf32>, vector<16xf32>, vector<16xf32>, vector<16xf32>)  : i32 {
        %mul3A_284 = arith.constant 5 : i32
        %mul3A_285 = arith.muli %scan3A_275, %mul3A_284 : i32
        %add3A_286 = arith.addi %mul3A_188, %mul3A_285 : i32
        %add3A_287 = arith.constant 0 : i32
        %add3A_288 = arith.addi %add3A_286, %add3A_287 : i32
        %get3A = arith.index_cast %add3A_288 : i32 to index
        %get3A_289 = arith.constant 0 : index
        %get3A_290 = tpu.vector_load %arg14[%get3A, %get3A_289] {strides = array<i32>} : memref<80x128xf32, #tpu.memory_space<vmem>>, vector<1x16xf32>,
        %get3A_291 = vector.shape_cast %get3A_290 : vector<1x16xf32> to vector<16xf32>
        %add3A_292 = arith.addf %scan3A_276, %get3A_291 : vector<16xf32>
        %get3A_293 = arith.index_cast %add3A_288 : i32 to index
        %get3A_294 = arith.constant 16 : index
        %get3A_295 = tpu.vector_load %arg14[%get3A_293, %get3A_294] {strides = array<i32>} : memref<80x128xf32, #tpu.memory_space<vmem>>, vector<1x16xf32>,
        %get3A_296 = vector.shape_cast %get3A_295 : vector<1x16xf32> to vector<16xf32>
        %add3A_297 = arith.addf %scan3A_277, %get3A_296 : vector<16xf32>
        %get3A_298 = arith.index_cast %add3A_288 : i32 to index
        %get3A_299 = arith.constant 32 : index
        %get3A_300 = tpu.vector_load %arg14[%get3A_298, %get3A_299] {strides = array<i32>} : memref<80x128xf32, #tpu.memory_space<vmem>>, vector<1x16xf32>,
        %get3A_301 = vector.shape_cast %get3A_300 : vector<1x16xf32> to vector<16xf32>
        %add3A_302 = arith.addf %scan3A_278, %get3A_301 : vector<16xf32>
        %get3A_303 = arith.index_cast %add3A_288 : i32 to index
        %get3A_304 = arith.constant 48 : index
        %get3A_305 = tpu.vector_load %arg14[%get3A_303, %get3A_304] {strides = array<i32>} : memref<80x128xf32, #tpu.memory_space<vmem>>, vector<1x16xf32>,
        %get3A_306 = vector.shape_cast %get3A_305 : vector<1x16xf32> to vector<16xf32>
        %add3A_307 = arith.addf %scan3A_279, %get3A_306 : vector<16xf32>
        %get3A_308 = arith.index_cast %add3A_288 : i32 to index
        %get3A_309 = arith.constant 64 : index
        %get3A_310 = tpu.vector_load %arg14[%get3A_308, %get3A_309] {strides = array<i32>} : memref<80x128xf32, #tpu.memory_space<vmem>>, vector<1x16xf32>,
        %get3A_311 = vector.shape_cast %get3A_310 : vector<1x16xf32> to vector<16xf32>
        %add3A_312 = arith.addf %scan3A_280, %get3A_311 : vector<16xf32>
        %get3A_313 = arith.index_cast %add3A_288 : i32 to index
        %get3A_314 = arith.constant 80 : index
        %get3A_315 = tpu.vector_load %arg14[%get3A_313, %get3A_314] {strides = array<i32>} : memref<80x128xf32, #tpu.memory_space<vmem>>, vector<1x16xf32>,
        %get3A_316 = vector.shape_cast %get3A_315 : vector<1x16xf32> to vector<16xf32>
        %add3A_317 = arith.addf %scan3A_281, %get3A_316 : vector<16xf32>
        %get3A_318 = arith.index_cast %add3A_288 : i32 to index
        %get3A_319 = arith.constant 96 : index
        %get3A_320 = tpu.vector_load %arg14[%get3A_318, %get3A_319] {strides = array<i32>} : memref<80x128xf32, #tpu.memory_space<vmem>>, vector<1x16xf32>,
        %get3A_321 = vector.shape_cast %get3A_320 : vector<1x16xf32> to vector<16xf32>
        %add3A_322 = arith.addf %scan3A_282, %get3A_321 : vector<16xf32>
        %get3A_323 = arith.index_cast %add3A_288 : i32 to index
        %get3A_324 = arith.constant 112 : index
        %get3A_325 = tpu.vector_load %arg14[%get3A_323, %get3A_324] {strides = array<i32>} : memref<80x128xf32, #tpu.memory_space<vmem>>, vector<1x16xf32>,
        %get3A_326 = vector.shape_cast %get3A_325 : vector<1x16xf32> to vector<16xf32>
        %add3A_327 = arith.addf %scan3A_283, %get3A_326 : vector<16xf32>
        %mul3A_328 = arith.constant 5 : i32
        %mul3A_329 = arith.muli %scan3A_275, %mul3A_328 : i32
        %add3A_330 = arith.addi %mul3A_188, %mul3A_329 : i32
        %add3A_331 = arith.constant 1 : i32
        %add3A_332 = arith.addi %add3A_330, %add3A_331 : i32
        %get3A_333 = arith.index_cast %add3A_332 : i32 to index
        %get3A_334 = arith.constant 0 : index
        %get3A_335 = tpu.vector_load %arg14[%get3A_333, %get3A_334] {strides = array<i32>} : memref<80x128xf32, #tpu.memory_space<vmem>>, vector<1x16xf32>,
        %get3A_336 = vector.shape_cast %get3A_335 : vector<1x16xf32> to vector<16xf32>
        %add3A_337 = arith.addf %add3A_292, %get3A_336 : vector<16xf32>
        %get3A_338 = arith.index_cast %add3A_332 : i32 to index
        %get3A_339 = arith.constant 16 : index
        %get3A_340 = tpu.vector_load %arg14[%get3A_338, %get3A_339] {strides = array<i32>} : memref<80x128xf32, #tpu.memory_space<vmem>>, vector<1x16xf32>,
        %get3A_341 = vector.shape_cast %get3A_340 : vector<1x16xf32> to vector<16xf32>
        %add3A_342 = arith.addf %add3A_297, %get3A_341 : vector<16xf32>
        %get3A_343 = arith.index_cast %add3A_332 : i32 to index
        %get3A_344 = arith.constant 32 : index
        %get3A_345 = tpu.vector_load %arg14[%get3A_343, %get3A_344] {strides = array<i32>} : memref<80x128xf32, #tpu.memory_space<vmem>>, vector<1x16xf32>,
        %get3A_346 = vector.shape_cast %get3A_345 : vector<1x16xf32> to vector<16xf32>
        %add3A_347 = arith.addf %add3A_302, %get3A_346 : vector<16xf32>
        %get3A_348 = arith.index_cast %add3A_332 : i32 to index
        %get3A_349 = arith.constant 48 : index
        %get3A_350 = tpu.vector_load %arg14[%get3A_348, %get3A_349] {strides = array<i32>} : memref<80x128xf32, #tpu.memory_space<vmem>>, vector<1x16xf32>,
        %get3A_351 = vector.shape_cast %get3A_350 : vector<1x16xf32> to vector<16xf32>
        %add3A_352 = arith.addf %add3A_307, %get3A_351 : vector<16xf32>
        %get3A_353 = arith.index_cast %add3A_332 : i32 to index
        %get3A_354 = arith.constant 64 : index
        %get3A_355 = tpu.vector_load %arg14[%get3A_353, %get3A_354] {strides = array<i32>} : memref<80x128xf32, #tpu.memory_space<vmem>>, vector<1x16xf32>,
        %get3A_356 = vector.shape_cast %get3A_355 : vector<1x16xf32> to vector<16xf32>
        %add3A_357 = arith.addf %add3A_312, %get3A_356 : vector<16xf32>
        %get3A_358 = arith.index_cast %add3A_332 : i32 to index
        %get3A_359 = arith.constant 80 : index
        %get3A_360 = tpu.vector_load %arg14[%get3A_358, %get3A_359] {strides = array<i32>} : memref<80x128xf32, #tpu.memory_space<vmem>>, vector<1x16xf32>,
        %get3A_361 = vector.shape_cast %get3A_360 : vector<1x16xf32> to vector<16xf32>
        %add3A_362 = arith.addf %add3A_317, %get3A_361 : vector<16xf32>
        %get3A_363 = arith.index_cast %add3A_332 : i32 to index
        %get3A_364 = arith.constant 96 : index
        %get3A_365 = tpu.vector_load %arg14[%get3A_363, %get3A_364] {strides = array<i32>} : memref<80x128xf32, #tpu.memory_space<vmem>>, vector<1x16xf32>,
        %get3A_366 = vector.shape_cast %get3A_365 : vector<1x16xf32> to vector<16xf32>
        %add3A_367 = arith.addf %add3A_322, %get3A_366 : vector<16xf32>
        %get3A_368 = arith.index_cast %add3A_332 : i32 to index
        %get3A_369 = arith.constant 112 : index
        %get3A_370 = tpu.vector_load %arg14[%get3A_368, %get3A_369] {strides = array<i32>} : memref<80x128xf32, #tpu.memory_space<vmem>>, vector<1x16xf32>,
        %get3A_371 = vector.shape_cast %get3A_370 : vector<1x16xf32> to vector<16xf32>
        %add3A_372 = arith.addf %add3A_327, %get3A_371 : vector<16xf32>
        %mul3A_373 = arith.constant 5 : i32
        %mul3A_374 = arith.muli %scan3A_275, %mul3A_373 : i32
        %add3A_375 = arith.addi %mul3A_188, %mul3A_374 : i32
        %add3A_376 = arith.constant 2 : i32
        %add3A_377 = arith.addi %add3A_375, %add3A_376 : i32
        %get3A_378 = arith.index_cast %add3A_377 : i32 to index
        %get3A_379 = arith.constant 0 : index
        %get3A_380 = tpu.vector_load %arg14[%get3A_378, %get3A_379] {strides = array<i32>} : memref<80x128xf32, #tpu.memory_space<vmem>>, vector<1x16xf32>,
        %get3A_381 = vector.shape_cast %get3A_380 : vector<1x16xf32> to vector<16xf32>
        %add3A_382 = arith.addf %add3A_337, %get3A_381 : vector<16xf32>
        %get3A_383 = arith.index_cast %add3A_377 : i32 to index
        %get3A_384 = arith.constant 16 : index
        %get3A_385 = tpu.vector_load %arg14[%get3A_383, %get3A_384] {strides = array<i32>} : memref<80x128xf32, #tpu.memory_space<vmem>>, vector<1x16xf32>,
        %get3A_386 = vector.shape_cast %get3A_385 : vector<1x16xf32> to vector<16xf32>
        %add3A_387 = arith.addf %add3A_342, %get3A_386 : vector<16xf32>
        %get3A_388 = arith.index_cast %add3A_377 : i32 to index
        %get3A_389 = arith.constant 32 : index
        %get3A_390 = tpu.vector_load %arg14[%get3A_388, %get3A_389] {strides = array<i32>} : memref<80x128xf32, #tpu.memory_space<vmem>>, vector<1x16xf32>,
        %get3A_391 = vector.shape_cast %get3A_390 : vector<1x16xf32> to vector<16xf32>
        %add3A_392 = arith.addf %add3A_347, %get3A_391 : vector<16xf32>
        %get3A_393 = arith.index_cast %add3A_377 : i32 to index
        %get3A_394 = arith.constant 48 : index
        %get3A_395 = tpu.vector_load %arg14[%get3A_393, %get3A_394] {strides = array<i32>} : memref<80x128xf32, #tpu.memory_space<vmem>>, vector<1x16xf32>,
        %get3A_396 = vector.shape_cast %get3A_395 : vector<1x16xf32> to vector<16xf32>
        %add3A_397 = arith.addf %add3A_352, %get3A_396 : vector<16xf32>
        %get3A_398 = arith.index_cast %add3A_377 : i32 to index
        %get3A_399 = arith.constant 64 : index
        %get3A_400 = tpu.vector_load %arg14[%get3A_398, %get3A_399] {strides = array<i32>} : memref<80x128xf32, #tpu.memory_space<vmem>>, vector<1x16xf32>,
        %get3A_401 = vector.shape_cast %get3A_400 : vector<1x16xf32> to vector<16xf32>
        %add3A_402 = arith.addf %add3A_357, %get3A_401 : vector<16xf32>
        %get3A_403 = arith.index_cast %add3A_377 : i32 to index
        %get3A_404 = arith.constant 80 : index
        %get3A_405 = tpu.vector_load %arg14[%get3A_403, %get3A_404] {strides = array<i32>} : memref<80x128xf32, #tpu.memory_space<vmem>>, vector<1x16xf32>,
        %get3A_406 = vector.shape_cast %get3A_405 : vector<1x16xf32> to vector<16xf32>
        %add3A_407 = arith.addf %add3A_362, %get3A_406 : vector<16xf32>
        %get3A_408 = arith.index_cast %add3A_377 : i32 to index
        %get3A_409 = arith.constant 96 : index
        %get3A_410 = tpu.vector_load %arg14[%get3A_408, %get3A_409] {strides = array<i32>} : memref<80x128xf32, #tpu.memory_space<vmem>>, vector<1x16xf32>,
        %get3A_411 = vector.shape_cast %get3A_410 : vector<1x16xf32> to vector<16xf32>
        %add3A_412 = arith.addf %add3A_367, %get3A_411 : vector<16xf32>
        %get3A_413 = arith.index_cast %add3A_377 : i32 to index
        %get3A_414 = arith.constant 112 : index
        %get3A_415 = tpu.vector_load %arg14[%get3A_413, %get3A_414] {strides = array<i32>} : memref<80x128xf32, #tpu.memory_space<vmem>>, vector<1x16xf32>,
        %get3A_416 = vector.shape_cast %get3A_415 : vector<1x16xf32> to vector<16xf32>
        %add3A_417 = arith.addf %add3A_372, %get3A_416 : vector<16xf32>
        %mul3A_418 = arith.constant 5 : i32
        %mul3A_419 = arith.muli %scan3A_275, %mul3A_418 : i32
        %add3A_420 = arith.addi %mul3A_188, %mul3A_419 : i32
        %add3A_421 = arith.constant 3 : i32
        %add3A_422 = arith.addi %add3A_420, %add3A_421 : i32
        %get3A_423 = arith.index_cast %add3A_422 : i32 to index
        %get3A_424 = arith.constant 0 : index
        %get3A_425 = tpu.vector_load %arg14[%get3A_423, %get3A_424] {strides = array<i32>} : memref<80x128xf32, #tpu.memory_space<vmem>>, vector<1x16xf32>,
        %get3A_426 = vector.shape_cast %get3A_425 : vector<1x16xf32> to vector<16xf32>
        %add3A_427 = arith.addf %add3A_382, %get3A_426 : vector<16xf32>
        %get3A_428 = arith.index_cast %add3A_422 : i32 to index
        %get3A_429 = arith.constant 16 : index
        %get3A_430 = tpu.vector_load %arg14[%get3A_428, %get3A_429] {strides = array<i32>} : memref<80x128xf32, #tpu.memory_space<vmem>>, vector<1x16xf32>,
        %get3A_431 = vector.shape_cast %get3A_430 : vector<1x16xf32> to vector<16xf32>
        %add3A_432 = arith.addf %add3A_387, %get3A_431 : vector<16xf32>
        %get3A_433 = arith.index_cast %add3A_422 : i32 to index
        %get3A_434 = arith.constant 32 : index
        %get3A_435 = tpu.vector_load %arg14[%get3A_433, %get3A_434] {strides = array<i32>} : memref<80x128xf32, #tpu.memory_space<vmem>>, vector<1x16xf32>,
        %get3A_436 = vector.shape_cast %get3A_435 : vector<1x16xf32> to vector<16xf32>
        %add3A_437 = arith.addf %add3A_392, %get3A_436 : vector<16xf32>
        %get3A_438 = arith.index_cast %add3A_422 : i32 to index
        %get3A_439 = arith.constant 48 : index
        %get3A_440 = tpu.vector_load %arg14[%get3A_438, %get3A_439] {strides = array<i32>} : memref<80x128xf32, #tpu.memory_space<vmem>>, vector<1x16xf32>,
        %get3A_441 = vector.shape_cast %get3A_440 : vector<1x16xf32> to vector<16xf32>
        %add3A_442 = arith.addf %add3A_397, %get3A_441 : vector<16xf32>
        %get3A_443 = arith.index_cast %add3A_422 : i32 to index
        %get3A_444 = arith.constant 64 : index
        %get3A_445 = tpu.vector_load %arg14[%get3A_443, %get3A_444] {strides = array<i32>} : memref<80x128xf32, #tpu.memory_space<vmem>>, vector<1x16xf32>,
        %get3A_446 = vector.shape_cast %get3A_445 : vector<1x16xf32> to vector<16xf32>
        %add3A_447 = arith.addf %add3A_402, %get3A_446 : vector<16xf32>
        %get3A_448 = arith.index_cast %add3A_422 : i32 to index
        %get3A_449 = arith.constant 80 : index
        %get3A_450 = tpu.vector_load %arg14[%get3A_448, %get3A_449] {strides = array<i32>} : memref<80x128xf32, #tpu.memory_space<vmem>>, vector<1x16xf32>,
        %get3A_451 = vector.shape_cast %get3A_450 : vector<1x16xf32> to vector<16xf32>
        %add3A_452 = arith.addf %add3A_407, %get3A_451 : vector<16xf32>
        %get3A_453 = arith.index_cast %add3A_422 : i32 to index
        %get3A_454 = arith.constant 96 : index
        %get3A_455 = tpu.vector_load %arg14[%get3A_453, %get3A_454] {strides = array<i32>} : memref<80x128xf32, #tpu.memory_space<vmem>>, vector<1x16xf32>,
        %get3A_456 = vector.shape_cast %get3A_455 : vector<1x16xf32> to vector<16xf32>
        %add3A_457 = arith.addf %add3A_412, %get3A_456 : vector<16xf32>
        %get3A_458 = arith.index_cast %add3A_422 : i32 to index
        %get3A_459 = arith.constant 112 : index
        %get3A_460 = tpu.vector_load %arg14[%get3A_458, %get3A_459] {strides = array<i32>} : memref<80x128xf32, #tpu.memory_space<vmem>>, vector<1x16xf32>,
        %get3A_461 = vector.shape_cast %get3A_460 : vector<1x16xf32> to vector<16xf32>
        %add3A_462 = arith.addf %add3A_417, %get3A_461 : vector<16xf32>
        %mul3A_463 = arith.constant 5 : i32
        %mul3A_464 = arith.muli %scan3A_275, %mul3A_463 : i32
        %add3A_465 = arith.addi %mul3A_188, %mul3A_464 : i32
        %add3A_466 = arith.constant 4 : i32
        %add3A_467 = arith.addi %add3A_465, %add3A_466 : i32
        %get3A_468 = arith.index_cast %add3A_467 : i32 to index
        %get3A_469 = arith.constant 0 : index
        %get3A_470 = tpu.vector_load %arg14[%get3A_468, %get3A_469] {strides = array<i32>} : memref<80x128xf32, #tpu.memory_space<vmem>>, vector<1x16xf32>,
        %get3A_471 = vector.shape_cast %get3A_470 : vector<1x16xf32> to vector<16xf32>
        %add3A_472 = arith.addf %add3A_427, %get3A_471 : vector<16xf32>
        %get3A_473 = arith.index_cast %add3A_467 : i32 to index
        %get3A_474 = arith.constant 16 : index
        %get3A_475 = tpu.vector_load %arg14[%get3A_473, %get3A_474] {strides = array<i32>} : memref<80x128xf32, #tpu.memory_space<vmem>>, vector<1x16xf32>,
        %get3A_476 = vector.shape_cast %get3A_475 : vector<1x16xf32> to vector<16xf32>
        %add3A_477 = arith.addf %add3A_432, %get3A_476 : vector<16xf32>
        %get3A_478 = arith.index_cast %add3A_467 : i32 to index
        %get3A_479 = arith.constant 32 : index
        %get3A_480 = tpu.vector_load %arg14[%get3A_478, %get3A_479] {strides = array<i32>} : memref<80x128xf32, #tpu.memory_space<vmem>>, vector<1x16xf32>,
        %get3A_481 = vector.shape_cast %get3A_480 : vector<1x16xf32> to vector<16xf32>
        %add3A_482 = arith.addf %add3A_437, %get3A_481 : vector<16xf32>
        %get3A_483 = arith.index_cast %add3A_467 : i32 to index
        %get3A_484 = arith.constant 48 : index
        %get3A_485 = tpu.vector_load %arg14[%get3A_483, %get3A_484] {strides = array<i32>} : memref<80x128xf32, #tpu.memory_space<vmem>>, vector<1x16xf32>,
        %get3A_486 = vector.shape_cast %get3A_485 : vector<1x16xf32> to vector<16xf32>
        %add3A_487 = arith.addf %add3A_442, %get3A_486 : vector<16xf32>
        %get3A_488 = arith.index_cast %add3A_467 : i32 to index
        %get3A_489 = arith.constant 64 : index
        %get3A_490 = tpu.vector_load %arg14[%get3A_488, %get3A_489] {strides = array<i32>} : memref<80x128xf32, #tpu.memory_space<vmem>>, vector<1x16xf32>,
        %get3A_491 = vector.shape_cast %get3A_490 : vector<1x16xf32> to vector<16xf32>
        %add3A_492 = arith.addf %add3A_447, %get3A_491 : vector<16xf32>
        %get3A_493 = arith.index_cast %add3A_467 : i32 to index
        %get3A_494 = arith.constant 80 : index
        %get3A_495 = tpu.vector_load %arg14[%get3A_493, %get3A_494] {strides = array<i32>} : memref<80x128xf32, #tpu.memory_space<vmem>>, vector<1x16xf32>,
        %get3A_496 = vector.shape_cast %get3A_495 : vector<1x16xf32> to vector<16xf32>
        %add3A_497 = arith.addf %add3A_452, %get3A_496 : vector<16xf32>
        %get3A_498 = arith.index_cast %add3A_467 : i32 to index
        %get3A_499 = arith.constant 96 : index
        %get3A_500 = tpu.vector_load %arg14[%get3A_498, %get3A_499] {strides = array<i32>} : memref<80x128xf32, #tpu.memory_space<vmem>>, vector<1x16xf32>,
        %get3A_501 = vector.shape_cast %get3A_500 : vector<1x16xf32> to vector<16xf32>
        %add3A_502 = arith.addf %add3A_457, %get3A_501 : vector<16xf32>
        %get3A_503 = arith.index_cast %add3A_467 : i32 to index
        %get3A_504 = arith.constant 112 : index
        %get3A_505 = tpu.vector_load %arg14[%get3A_503, %get3A_504] {strides = array<i32>} : memref<80x128xf32, #tpu.memory_space<vmem>>, vector<1x16xf32>,
        %get3A_506 = vector.shape_cast %get3A_505 : vector<1x16xf32> to vector<16xf32>
        %add3A_507 = arith.addf %add3A_462, %get3A_506 : vector<16xf32>
        scf.yield %add3A_472, %add3A_477, %add3A_482, %add3A_487, %add3A_492, %add3A_497, %add3A_502, %add3A_507 : vector<16xf32>, vector<16xf32>, vector<16xf32>, vector<16xf32>, vector<16xf32>, vector<16xf32>, vector<16xf32>, vector<16xf32>
      }
      %scan3A_211 = arith.constant 2 : i32
      %mul3A_212 = arith.constant 1.000000e-01 : f32
      %mul3A_213 = vector.broadcast %mul3A_212 : f32 to vector<16xf32>
      %mul3A_214 = arith.mulf %scan3A_210#0, %mul3A_213 : vector<16xf32>
      %swap3A = arith.index_cast %add3A_190 : i32 to index
      %swap3A_215 = arith.constant 0 : index
      %swap3A_216 = tpu.vector_load %arg15[%swap3A, %swap3A_215] {strides = array<i32>} : memref<32x128xf32, #tpu.memory_space<vmem>>, vector<1x16xf32>,
      %swap3A_217 = vector.shape_cast %swap3A_216 : vector<1x16xf32> to vector<16xf32>
      %swap3A_218 = vector.shape_cast %mul3A_214 : vector<16xf32> to vector<1x16xf32>
      tpu.vector_store %arg15[%swap3A, %swap3A_215], %swap3A_218 {strides = array<i32>} : memref<32x128xf32, #tpu.memory_space<vmem>>, vector<1x16xf32>,
      %mul3A_219 = arith.constant 1.000000e-01 : f32
      %mul3A_220 = vector.broadcast %mul3A_219 : f32 to vector<16xf32>
      %mul3A_221 = arith.mulf %scan3A_210#1, %mul3A_220 : vector<16xf32>
      %swap3A_222 = arith.index_cast %add3A_190 : i32 to index
      %swap3A_223 = arith.constant 16 : index
      %swap3A_224 = tpu.vector_load %arg15[%swap3A_222, %swap3A_223] {strides = array<i32>} : memref<32x128xf32, #tpu.memory_space<vmem>>, vector<1x16xf32>,
      %swap3A_225 = vector.shape_cast %swap3A_224 : vector<1x16xf32> to vector<16xf32>
      %swap3A_226 = vector.shape_cast %mul3A_221 : vector<16xf32> to vector<1x16xf32>
      tpu.vector_store %arg15[%swap3A_222, %swap3A_223], %swap3A_226 {strides = array<i32>} : memref<32x128xf32, #tpu.memory_space<vmem>>, vector<1x16xf32>,
      %mul3A_227 = arith.constant 1.000000e-01 : f32
      %mul3A_228 = vector.broadcast %mul3A_227 : f32 to vector<16xf32>
      %mul3A_229 = arith.mulf %scan3A_210#2, %mul3A_228 : vector<16xf32>
      %swap3A_230 = arith.index_cast %add3A_190 : i32 to index
      %swap3A_231 = arith.constant 32 : index
      %swap3A_232 = tpu.vector_load %arg15[%swap3A_230, %swap3A_231] {strides = array<i32>} : memref<32x128xf32, #tpu.memory_space<vmem>>, vector<1x16xf32>,
      %swap3A_233 = vector.shape_cast %swap3A_232 : vector<1x16xf32> to vector<16xf32>
      %swap3A_234 = vector.shape_cast %mul3A_229 : vector<16xf32> to vector<1x16xf32>
      tpu.vector_store %arg15[%swap3A_230, %swap3A_231], %swap3A_234 {strides = array<i32>} : memref<32x128xf32, #tpu.memory_space<vmem>>, vector<1x16xf32>,
      %mul3A_235 = arith.constant 1.000000e-01 : f32
      %mul3A_236 = vector.broadcast %mul3A_235 : f32 to vector<16xf32>
      %mul3A_237 = arith.mulf %scan3A_210#3, %mul3A_236 : vector<16xf32>
      %swap3A_238 = arith.index_cast %add3A_190 : i32 to index
      %swap3A_239 = arith.constant 48 : index
      %swap3A_240 = tpu.vector_load %arg15[%swap3A_238, %swap3A_239] {strides = array<i32>} : memref<32x128xf32, #tpu.memory_space<vmem>>, vector<1x16xf32>,
      %swap3A_241 = vector.shape_cast %swap3A_240 : vector<1x16xf32> to vector<16xf32>
      %swap3A_242 = vector.shape_cast %mul3A_237 : vector<16xf32> to vector<1x16xf32>
      tpu.vector_store %arg15[%swap3A_238, %swap3A_239], %swap3A_242 {strides = array<i32>} : memref<32x128xf32, #tpu.memory_space<vmem>>, vector<1x16xf32>,
      %mul3A_243 = arith.constant 1.000000e-01 : f32
      %mul3A_244 = vector.broadcast %mul3A_243 : f32 to vector<16xf32>
      %mul3A_245 = arith.mulf %scan3A_210#4, %mul3A_244 : vector<16xf32>
      %swap3A_246 = arith.index_cast %add3A_190 : i32 to index
      %swap3A_247 = arith.constant 64 : index
      %swap3A_248 = tpu.vector_load %arg15[%swap3A_246, %swap3A_247] {strides = array<i32>} : memref<32x128xf32, #tpu.memory_space<vmem>>, vector<1x16xf32>,
      %swap3A_249 = vector.shape_cast %swap3A_248 : vector<1x16xf32> to vector<16xf32>
      %swap3A_250 = vector.shape_cast %mul3A_245 : vector<16xf32> to vector<1x16xf32>
      tpu.vector_store %arg15[%swap3A_246, %swap3A_247], %swap3A_250 {strides = array<i32>} : memref<32x128xf32, #tpu.memory_space<vmem>>, vector<1x16xf32>,
      %mul3A_251 = arith.constant 1.000000e-01 : f32
      %mul3A_252 = vector.broadcast %mul3A_251 : f32 to vector<16xf32>
      %mul3A_253 = arith.mulf %scan3A_210#5, %mul3A_252 : vector<16xf32>
      %swap3A_254 = arith.index_cast %add3A_190 : i32 to index
      %swap3A_255 = arith.constant 80 : index
      %swap3A_256 = tpu.vector_load %arg15[%swap3A_254, %swap3A_255] {strides = array<i32>} : memref<32x128xf32, #tpu.memory_space<vmem>>, vector<1x16xf32>,
      %swap3A_257 = vector.shape_cast %swap3A_256 : vector<1x16xf32> to vector<16xf32>
      %swap3A_258 = vector.shape_cast %mul3A_253 : vector<16xf32> to vector<1x16xf32>
      tpu.vector_store %arg15[%swap3A_254, %swap3A_255], %swap3A_258 {strides = array<i32>} : memref<32x128xf32, #tpu.memory_space<vmem>>, vector<1x16xf32>,
      %mul3A_259 = arith.constant 1.000000e-01 : f32
      %mul3A_260 = vector.broadcast %mul3A_259 : f32 to vector<16xf32>
      %mul3A_261 = arith.mulf %scan3A_210#6, %mul3A_260 : vector<16xf32>
      %swap3A_262 = arith.index_cast %add3A_190 : i32 to index
      %swap3A_263 = arith.constant 96 : index
      %swap3A_264 = tpu.vector_load %arg15[%swap3A_262, %swap3A_263] {strides = array<i32>} : memref<32x128xf32, #tpu.memory_space<vmem>>, vector<1x16xf32>,
      %swap3A_265 = vector.shape_cast %swap3A_264 : vector<1x16xf32> to vector<16xf32>
      %swap3A_266 = vector.shape_cast %mul3A_261 : vector<16xf32> to vector<1x16xf32>
      tpu.vector_store %arg15[%swap3A_262, %swap3A_263], %swap3A_266 {strides = array<i32>} : memref<32x128xf32, #tpu.memory_space<vmem>>, vector<1x16xf32>,
      %mul3A_267 = arith.constant 1.000000e-01 : f32
      %mul3A_268 = vector.broadcast %mul3A_267 : f32 to vector<16xf32>
      %mul3A_269 = arith.mulf %scan3A_210#7, %mul3A_268 : vector<16xf32>
      %swap3A_270 = arith.index_cast %add3A_190 : i32 to index
      %swap3A_271 = arith.constant 112 : index
      %swap3A_272 = tpu.vector_load %arg15[%swap3A_270, %swap3A_271] {strides = array<i32>} : memref<32x128xf32, #tpu.memory_space<vmem>>, vector<1x16xf32>,
      %swap3A_273 = vector.shape_cast %swap3A_272 : vector<1x16xf32> to vector<16xf32>
      %swap3A_274 = vector.shape_cast %mul3A_269 : vector<16xf32> to vector<1x16xf32>
      tpu.vector_store %arg15[%swap3A_270, %swap3A_271], %swap3A_274 {strides = array<i32>} : memref<32x128xf32, #tpu.memory_space<vmem>>, vector<1x16xf32>,
    }
    %scan3A_103 = arith.constant 8 : i32
    %dma_start3A_104 = arith.constant 160 : i32
    %dma_start3A_105 = tpu.memref_slice %arg11[%dma_start3A_104] : memref<320xi32, #tpu.memory_space<vmem>> -> memref<80xi32, #tpu.memory_space<vmem>>
    %dma_start3A_106 = arith.constant 0 : i32
    %dma_start3A_107 = arith.constant 0 : i32
    %dma_start3A_108 = tpu.memref_slice %arg2[%dma_start3A_106, %dma_start3A_107] : memref<100000x128xf32, #tpu.memory_space<hbm>> -> memref<100000x128xf32, #tpu.memory_space<hbm>>
    tpu.enqueue_indirect_dma source(%dma_start3A_108 : memref<100000x128xf32, #tpu.memory_space<hbm>>) target(%arg14 : memref<80x128xf32, #tpu.memory_space<vmem>>) offsets(%dma_start3A_105 : memref<80xi32, #tpu.memory_space<vmem>>) semaphore(%arg18 : memref<!tpu.dma_semaphore, #tpu.memory_space<semaphore_mem>>)
    %dma_wait3A_109 = arith.constant 160 : i32
    %dma_wait3A_110 = tpu.memref_slice %arg11[%dma_wait3A_109] : memref<320xi32, #tpu.memory_space<vmem>> -> memref<80xi32, #tpu.memory_space<vmem>>
    %dma_wait3A_111 = arith.constant 0 : i32
    %dma_wait3A_112 = arith.constant 0 : i32
    %dma_wait3A_113 = tpu.memref_slice %arg2[%dma_wait3A_111, %dma_wait3A_112] : memref<100000x128xf32, #tpu.memory_space<hbm>> -> memref<100000x128xf32, #tpu.memory_space<hbm>>
    tpu.wait_indirect_dma semaphore(%arg18 : memref<!tpu.dma_semaphore, #tpu.memory_space<semaphore_mem>>) src(%dma_wait3A_113 : memref<100000x128xf32, #tpu.memory_space<hbm>>) dst(%arg14 : memref<80x128xf32, #tpu.memory_space<vmem>>)
    %mul3A_114 = arith.constant 320 : i32
    %mul3A_115 = arith.muli %add3A, %mul3A_114 : i32
    %add3A_116 = arith.constant 160 : i32
    %add3A_117 = arith.addi %mul3A_115, %add3A_116 : i32
    "tpu.region"() ({
      %run_scoped3A = tpu.sem_alloc : memref<!tpu.dma_semaphore, #tpu.memory_space<semaphore_mem>>
      %dma_start3A_186 = arith.constant 0 : i32
      %dma_start3A_187 = tpu.memref_slice %arg8[%add3A_117, %dma_start3A_186] : memref<10240x128xf32, #tpu.memory_space<hbm>> -> memref<80x128xf32, #tpu.memory_space<hbm>>
      %dma_start3A_188 = arith.constant 0 : i32
      %dma_start3A_189 = tpu.memref_slice %arg8[%add3A_117, %dma_start3A_188] : memref<10240x128xf32, #tpu.memory_space<hbm>> -> memref<80x128xf32, #tpu.memory_space<hbm>>
      tpu.enqueue_dma source(%arg14 : memref<80x128xf32, #tpu.memory_space<vmem>>) target(%dma_start3A_189 : memref<80x128xf32, #tpu.memory_space<hbm>>) target_semaphore(%run_scoped3A : memref<!tpu.dma_semaphore, #tpu.memory_space<semaphore_mem>>)
      %dma_wait3A_190 = arith.constant 0 : i32
      %dma_wait3A_191 = tpu.memref_slice %arg8[%add3A_117, %dma_wait3A_190] : memref<10240x128xf32, #tpu.memory_space<hbm>> -> memref<80x128xf32, #tpu.memory_space<hbm>>
      %dma_wait3A_192 = arith.constant 0 : i32
      %dma_wait3A_193 = tpu.memref_slice %arg8[%add3A_117, %dma_wait3A_192] : memref<10240x128xf32, #tpu.memory_space<hbm>> -> memref<80x128xf32, #tpu.memory_space<hbm>>
      tpu.wait_dma2 semaphore(%run_scoped3A : memref<!tpu.dma_semaphore, #tpu.memory_space<semaphore_mem>>) src(%arg14 : memref<80x128xf32, #tpu.memory_space<vmem>>) dst(%dma_wait3A_193 : memref<80x128xf32, #tpu.memory_space<hbm>>)
      tpu.yield
    }) : () -> ()
    %scan3A_118 = arith.constant 0 : i32
    %scan3A_119 = arith.constant 0 : i32
    %scan3A_120 = arith.constant 8 : i32
    %scan3A_121 = arith.addi %scan3A_119, %scan3A_120 : i32
    %scan3A_122 = arith.constant 1 : i32
    scf.for %scan3A_186 = %scan3A_119 to %scan3A_121 step %scan3A_122  : i32 {
      %mul3A_187 = arith.constant 10 : i32
      %mul3A_188 = arith.muli %mul3A_187, %scan3A_186 : i32
      %add3A_189 = arith.constant 16 : i32
      %add3A_190 = arith.addi %add3A_189, %scan3A_186 : i32
      %broadcast_in_dim3A = arith.constant 0.000000e+00 : f32
      %broadcast_in_dim3A_191 = vector.broadcast %broadcast_in_dim3A : f32 to vector<16xf32>
      %broadcast_in_dim3A_192 = arith.constant 0.000000e+00 : f32
      %broadcast_in_dim3A_193 = vector.broadcast %broadcast_in_dim3A_192 : f32 to vector<16xf32>
      %broadcast_in_dim3A_194 = arith.constant 0.000000e+00 : f32
      %broadcast_in_dim3A_195 = vector.broadcast %broadcast_in_dim3A_194 : f32 to vector<16xf32>
      %broadcast_in_dim3A_196 = arith.constant 0.000000e+00 : f32
      %broadcast_in_dim3A_197 = vector.broadcast %broadcast_in_dim3A_196 : f32 to vector<16xf32>
      %broadcast_in_dim3A_198 = arith.constant 0.000000e+00 : f32
      %broadcast_in_dim3A_199 = vector.broadcast %broadcast_in_dim3A_198 : f32 to vector<16xf32>
      %broadcast_in_dim3A_200 = arith.constant 0.000000e+00 : f32
      %broadcast_in_dim3A_201 = vector.broadcast %broadcast_in_dim3A_200 : f32 to vector<16xf32>
      %broadcast_in_dim3A_202 = arith.constant 0.000000e+00 : f32
      %broadcast_in_dim3A_203 = vector.broadcast %broadcast_in_dim3A_202 : f32 to vector<16xf32>
      %broadcast_in_dim3A_204 = arith.constant 0.000000e+00 : f32
      %broadcast_in_dim3A_205 = vector.broadcast %broadcast_in_dim3A_204 : f32 to vector<16xf32>
      %scan3A_206 = arith.constant 0 : i32
      %scan3A_207 = arith.constant 2 : i32
      %scan3A_208 = arith.addi %scan3A_206, %scan3A_207 : i32
      %scan3A_209 = arith.constant 1 : i32
      %scan3A_210:8 = scf.for %scan3A_275 = %scan3A_206 to %scan3A_208 step %scan3A_209 iter_args(%scan3A_276 = %broadcast_in_dim3A_191, %scan3A_277 = %broadcast_in_dim3A_193, %scan3A_278 = %broadcast_in_dim3A_195, %scan3A_279 = %broadcast_in_dim3A_197, %scan3A_280 = %broadcast_in_dim3A_199, %scan3A_281 = %broadcast_in_dim3A_201, %scan3A_282 = %broadcast_in_dim3A_203, %scan3A_283 = %broadcast_in_dim3A_205) -> (vector<16xf32>, vector<16xf32>, vector<16xf32>, vector<16xf32>, vector<16xf32>, vector<16xf32>, vector<16xf32>, vector<16xf32>)  : i32 {
        %mul3A_284 = arith.constant 5 : i32
        %mul3A_285 = arith.muli %scan3A_275, %mul3A_284 : i32
        %add3A_286 = arith.addi %mul3A_188, %mul3A_285 : i32
        %add3A_287 = arith.constant 0 : i32
        %add3A_288 = arith.addi %add3A_286, %add3A_287 : i32
        %get3A = arith.index_cast %add3A_288 : i32 to index
        %get3A_289 = arith.constant 0 : index
        %get3A_290 = tpu.vector_load %arg14[%get3A, %get3A_289] {strides = array<i32>} : memref<80x128xf32, #tpu.memory_space<vmem>>, vector<1x16xf32>,
        %get3A_291 = vector.shape_cast %get3A_290 : vector<1x16xf32> to vector<16xf32>
        %add3A_292 = arith.addf %scan3A_276, %get3A_291 : vector<16xf32>
        %get3A_293 = arith.index_cast %add3A_288 : i32 to index
        %get3A_294 = arith.constant 16 : index
        %get3A_295 = tpu.vector_load %arg14[%get3A_293, %get3A_294] {strides = array<i32>} : memref<80x128xf32, #tpu.memory_space<vmem>>, vector<1x16xf32>,
        %get3A_296 = vector.shape_cast %get3A_295 : vector<1x16xf32> to vector<16xf32>
        %add3A_297 = arith.addf %scan3A_277, %get3A_296 : vector<16xf32>
        %get3A_298 = arith.index_cast %add3A_288 : i32 to index
        %get3A_299 = arith.constant 32 : index
        %get3A_300 = tpu.vector_load %arg14[%get3A_298, %get3A_299] {strides = array<i32>} : memref<80x128xf32, #tpu.memory_space<vmem>>, vector<1x16xf32>,
        %get3A_301 = vector.shape_cast %get3A_300 : vector<1x16xf32> to vector<16xf32>
        %add3A_302 = arith.addf %scan3A_278, %get3A_301 : vector<16xf32>
        %get3A_303 = arith.index_cast %add3A_288 : i32 to index
        %get3A_304 = arith.constant 48 : index
        %get3A_305 = tpu.vector_load %arg14[%get3A_303, %get3A_304] {strides = array<i32>} : memref<80x128xf32, #tpu.memory_space<vmem>>, vector<1x16xf32>,
        %get3A_306 = vector.shape_cast %get3A_305 : vector<1x16xf32> to vector<16xf32>
        %add3A_307 = arith.addf %scan3A_279, %get3A_306 : vector<16xf32>
        %get3A_308 = arith.index_cast %add3A_288 : i32 to index
        %get3A_309 = arith.constant 64 : index
        %get3A_310 = tpu.vector_load %arg14[%get3A_308, %get3A_309] {strides = array<i32>} : memref<80x128xf32, #tpu.memory_space<vmem>>, vector<1x16xf32>,
        %get3A_311 = vector.shape_cast %get3A_310 : vector<1x16xf32> to vector<16xf32>
        %add3A_312 = arith.addf %scan3A_280, %get3A_311 : vector<16xf32>
        %get3A_313 = arith.index_cast %add3A_288 : i32 to index
        %get3A_314 = arith.constant 80 : index
        %get3A_315 = tpu.vector_load %arg14[%get3A_313, %get3A_314] {strides = array<i32>} : memref<80x128xf32, #tpu.memory_space<vmem>>, vector<1x16xf32>,
        %get3A_316 = vector.shape_cast %get3A_315 : vector<1x16xf32> to vector<16xf32>
        %add3A_317 = arith.addf %scan3A_281, %get3A_316 : vector<16xf32>
        %get3A_318 = arith.index_cast %add3A_288 : i32 to index
        %get3A_319 = arith.constant 96 : index
        %get3A_320 = tpu.vector_load %arg14[%get3A_318, %get3A_319] {strides = array<i32>} : memref<80x128xf32, #tpu.memory_space<vmem>>, vector<1x16xf32>,
        %get3A_321 = vector.shape_cast %get3A_320 : vector<1x16xf32> to vector<16xf32>
        %add3A_322 = arith.addf %scan3A_282, %get3A_321 : vector<16xf32>
        %get3A_323 = arith.index_cast %add3A_288 : i32 to index
        %get3A_324 = arith.constant 112 : index
        %get3A_325 = tpu.vector_load %arg14[%get3A_323, %get3A_324] {strides = array<i32>} : memref<80x128xf32, #tpu.memory_space<vmem>>, vector<1x16xf32>,
        %get3A_326 = vector.shape_cast %get3A_325 : vector<1x16xf32> to vector<16xf32>
        %add3A_327 = arith.addf %scan3A_283, %get3A_326 : vector<16xf32>
        %mul3A_328 = arith.constant 5 : i32
        %mul3A_329 = arith.muli %scan3A_275, %mul3A_328 : i32
        %add3A_330 = arith.addi %mul3A_188, %mul3A_329 : i32
        %add3A_331 = arith.constant 1 : i32
        %add3A_332 = arith.addi %add3A_330, %add3A_331 : i32
        %get3A_333 = arith.index_cast %add3A_332 : i32 to index
        %get3A_334 = arith.constant 0 : index
        %get3A_335 = tpu.vector_load %arg14[%get3A_333, %get3A_334] {strides = array<i32>} : memref<80x128xf32, #tpu.memory_space<vmem>>, vector<1x16xf32>,
        %get3A_336 = vector.shape_cast %get3A_335 : vector<1x16xf32> to vector<16xf32>
        %add3A_337 = arith.addf %add3A_292, %get3A_336 : vector<16xf32>
        %get3A_338 = arith.index_cast %add3A_332 : i32 to index
        %get3A_339 = arith.constant 16 : index
        %get3A_340 = tpu.vector_load %arg14[%get3A_338, %get3A_339] {strides = array<i32>} : memref<80x128xf32, #tpu.memory_space<vmem>>, vector<1x16xf32>,
        %get3A_341 = vector.shape_cast %get3A_340 : vector<1x16xf32> to vector<16xf32>
        %add3A_342 = arith.addf %add3A_297, %get3A_341 : vector<16xf32>
        %get3A_343 = arith.index_cast %add3A_332 : i32 to index
        %get3A_344 = arith.constant 32 : index
        %get3A_345 = tpu.vector_load %arg14[%get3A_343, %get3A_344] {strides = array<i32>} : memref<80x128xf32, #tpu.memory_space<vmem>>, vector<1x16xf32>,
        %get3A_346 = vector.shape_cast %get3A_345 : vector<1x16xf32> to vector<16xf32>
        %add3A_347 = arith.addf %add3A_302, %get3A_346 : vector<16xf32>
        %get3A_348 = arith.index_cast %add3A_332 : i32 to index
        %get3A_349 = arith.constant 48 : index
        %get3A_350 = tpu.vector_load %arg14[%get3A_348, %get3A_349] {strides = array<i32>} : memref<80x128xf32, #tpu.memory_space<vmem>>, vector<1x16xf32>,
        %get3A_351 = vector.shape_cast %get3A_350 : vector<1x16xf32> to vector<16xf32>
        %add3A_352 = arith.addf %add3A_307, %get3A_351 : vector<16xf32>
        %get3A_353 = arith.index_cast %add3A_332 : i32 to index
        %get3A_354 = arith.constant 64 : index
        %get3A_355 = tpu.vector_load %arg14[%get3A_353, %get3A_354] {strides = array<i32>} : memref<80x128xf32, #tpu.memory_space<vmem>>, vector<1x16xf32>,
        %get3A_356 = vector.shape_cast %get3A_355 : vector<1x16xf32> to vector<16xf32>
        %add3A_357 = arith.addf %add3A_312, %get3A_356 : vector<16xf32>
        %get3A_358 = arith.index_cast %add3A_332 : i32 to index
        %get3A_359 = arith.constant 80 : index
        %get3A_360 = tpu.vector_load %arg14[%get3A_358, %get3A_359] {strides = array<i32>} : memref<80x128xf32, #tpu.memory_space<vmem>>, vector<1x16xf32>,
        %get3A_361 = vector.shape_cast %get3A_360 : vector<1x16xf32> to vector<16xf32>
        %add3A_362 = arith.addf %add3A_317, %get3A_361 : vector<16xf32>
        %get3A_363 = arith.index_cast %add3A_332 : i32 to index
        %get3A_364 = arith.constant 96 : index
        %get3A_365 = tpu.vector_load %arg14[%get3A_363, %get3A_364] {strides = array<i32>} : memref<80x128xf32, #tpu.memory_space<vmem>>, vector<1x16xf32>,
        %get3A_366 = vector.shape_cast %get3A_365 : vector<1x16xf32> to vector<16xf32>
        %add3A_367 = arith.addf %add3A_322, %get3A_366 : vector<16xf32>
        %get3A_368 = arith.index_cast %add3A_332 : i32 to index
        %get3A_369 = arith.constant 112 : index
        %get3A_370 = tpu.vector_load %arg14[%get3A_368, %get3A_369] {strides = array<i32>} : memref<80x128xf32, #tpu.memory_space<vmem>>, vector<1x16xf32>,
        %get3A_371 = vector.shape_cast %get3A_370 : vector<1x16xf32> to vector<16xf32>
        %add3A_372 = arith.addf %add3A_327, %get3A_371 : vector<16xf32>
        %mul3A_373 = arith.constant 5 : i32
        %mul3A_374 = arith.muli %scan3A_275, %mul3A_373 : i32
        %add3A_375 = arith.addi %mul3A_188, %mul3A_374 : i32
        %add3A_376 = arith.constant 2 : i32
        %add3A_377 = arith.addi %add3A_375, %add3A_376 : i32
        %get3A_378 = arith.index_cast %add3A_377 : i32 to index
        %get3A_379 = arith.constant 0 : index
        %get3A_380 = tpu.vector_load %arg14[%get3A_378, %get3A_379] {strides = array<i32>} : memref<80x128xf32, #tpu.memory_space<vmem>>, vector<1x16xf32>,
        %get3A_381 = vector.shape_cast %get3A_380 : vector<1x16xf32> to vector<16xf32>
        %add3A_382 = arith.addf %add3A_337, %get3A_381 : vector<16xf32>
        %get3A_383 = arith.index_cast %add3A_377 : i32 to index
        %get3A_384 = arith.constant 16 : index
        %get3A_385 = tpu.vector_load %arg14[%get3A_383, %get3A_384] {strides = array<i32>} : memref<80x128xf32, #tpu.memory_space<vmem>>, vector<1x16xf32>,
        %get3A_386 = vector.shape_cast %get3A_385 : vector<1x16xf32> to vector<16xf32>
        %add3A_387 = arith.addf %add3A_342, %get3A_386 : vector<16xf32>
        %get3A_388 = arith.index_cast %add3A_377 : i32 to index
        %get3A_389 = arith.constant 32 : index
        %get3A_390 = tpu.vector_load %arg14[%get3A_388, %get3A_389] {strides = array<i32>} : memref<80x128xf32, #tpu.memory_space<vmem>>, vector<1x16xf32>,
        %get3A_391 = vector.shape_cast %get3A_390 : vector<1x16xf32> to vector<16xf32>
        %add3A_392 = arith.addf %add3A_347, %get3A_391 : vector<16xf32>
        %get3A_393 = arith.index_cast %add3A_377 : i32 to index
        %get3A_394 = arith.constant 48 : index
        %get3A_395 = tpu.vector_load %arg14[%get3A_393, %get3A_394] {strides = array<i32>} : memref<80x128xf32, #tpu.memory_space<vmem>>, vector<1x16xf32>,
        %get3A_396 = vector.shape_cast %get3A_395 : vector<1x16xf32> to vector<16xf32>
        %add3A_397 = arith.addf %add3A_352, %get3A_396 : vector<16xf32>
        %get3A_398 = arith.index_cast %add3A_377 : i32 to index
        %get3A_399 = arith.constant 64 : index
        %get3A_400 = tpu.vector_load %arg14[%get3A_398, %get3A_399] {strides = array<i32>} : memref<80x128xf32, #tpu.memory_space<vmem>>, vector<1x16xf32>,
        %get3A_401 = vector.shape_cast %get3A_400 : vector<1x16xf32> to vector<16xf32>
        %add3A_402 = arith.addf %add3A_357, %get3A_401 : vector<16xf32>
        %get3A_403 = arith.index_cast %add3A_377 : i32 to index
        %get3A_404 = arith.constant 80 : index
        %get3A_405 = tpu.vector_load %arg14[%get3A_403, %get3A_404] {strides = array<i32>} : memref<80x128xf32, #tpu.memory_space<vmem>>, vector<1x16xf32>,
        %get3A_406 = vector.shape_cast %get3A_405 : vector<1x16xf32> to vector<16xf32>
        %add3A_407 = arith.addf %add3A_362, %get3A_406 : vector<16xf32>
        %get3A_408 = arith.index_cast %add3A_377 : i32 to index
        %get3A_409 = arith.constant 96 : index
        %get3A_410 = tpu.vector_load %arg14[%get3A_408, %get3A_409] {strides = array<i32>} : memref<80x128xf32, #tpu.memory_space<vmem>>, vector<1x16xf32>,
        %get3A_411 = vector.shape_cast %get3A_410 : vector<1x16xf32> to vector<16xf32>
        %add3A_412 = arith.addf %add3A_367, %get3A_411 : vector<16xf32>
        %get3A_413 = arith.index_cast %add3A_377 : i32 to index
        %get3A_414 = arith.constant 112 : index
        %get3A_415 = tpu.vector_load %arg14[%get3A_413, %get3A_414] {strides = array<i32>} : memref<80x128xf32, #tpu.memory_space<vmem>>, vector<1x16xf32>,
        %get3A_416 = vector.shape_cast %get3A_415 : vector<1x16xf32> to vector<16xf32>
        %add3A_417 = arith.addf %add3A_372, %get3A_416 : vector<16xf32>
        %mul3A_418 = arith.constant 5 : i32
        %mul3A_419 = arith.muli %scan3A_275, %mul3A_418 : i32
        %add3A_420 = arith.addi %mul3A_188, %mul3A_419 : i32
        %add3A_421 = arith.constant 3 : i32
        %add3A_422 = arith.addi %add3A_420, %add3A_421 : i32
        %get3A_423 = arith.index_cast %add3A_422 : i32 to index
        %get3A_424 = arith.constant 0 : index
        %get3A_425 = tpu.vector_load %arg14[%get3A_423, %get3A_424] {strides = array<i32>} : memref<80x128xf32, #tpu.memory_space<vmem>>, vector<1x16xf32>,
        %get3A_426 = vector.shape_cast %get3A_425 : vector<1x16xf32> to vector<16xf32>
        %add3A_427 = arith.addf %add3A_382, %get3A_426 : vector<16xf32>
        %get3A_428 = arith.index_cast %add3A_422 : i32 to index
        %get3A_429 = arith.constant 16 : index
        %get3A_430 = tpu.vector_load %arg14[%get3A_428, %get3A_429] {strides = array<i32>} : memref<80x128xf32, #tpu.memory_space<vmem>>, vector<1x16xf32>,
        %get3A_431 = vector.shape_cast %get3A_430 : vector<1x16xf32> to vector<16xf32>
        %add3A_432 = arith.addf %add3A_387, %get3A_431 : vector<16xf32>
        %get3A_433 = arith.index_cast %add3A_422 : i32 to index
        %get3A_434 = arith.constant 32 : index
        %get3A_435 = tpu.vector_load %arg14[%get3A_433, %get3A_434] {strides = array<i32>} : memref<80x128xf32, #tpu.memory_space<vmem>>, vector<1x16xf32>,
        %get3A_436 = vector.shape_cast %get3A_435 : vector<1x16xf32> to vector<16xf32>
        %add3A_437 = arith.addf %add3A_392, %get3A_436 : vector<16xf32>
        %get3A_438 = arith.index_cast %add3A_422 : i32 to index
        %get3A_439 = arith.constant 48 : index
        %get3A_440 = tpu.vector_load %arg14[%get3A_438, %get3A_439] {strides = array<i32>} : memref<80x128xf32, #tpu.memory_space<vmem>>, vector<1x16xf32>,
        %get3A_441 = vector.shape_cast %get3A_440 : vector<1x16xf32> to vector<16xf32>
        %add3A_442 = arith.addf %add3A_397, %get3A_441 : vector<16xf32>
        %get3A_443 = arith.index_cast %add3A_422 : i32 to index
        %get3A_444 = arith.constant 64 : index
        %get3A_445 = tpu.vector_load %arg14[%get3A_443, %get3A_444] {strides = array<i32>} : memref<80x128xf32, #tpu.memory_space<vmem>>, vector<1x16xf32>,
        %get3A_446 = vector.shape_cast %get3A_445 : vector<1x16xf32> to vector<16xf32>
        %add3A_447 = arith.addf %add3A_402, %get3A_446 : vector<16xf32>
        %get3A_448 = arith.index_cast %add3A_422 : i32 to index
        %get3A_449 = arith.constant 80 : index
        %get3A_450 = tpu.vector_load %arg14[%get3A_448, %get3A_449] {strides = array<i32>} : memref<80x128xf32, #tpu.memory_space<vmem>>, vector<1x16xf32>,
        %get3A_451 = vector.shape_cast %get3A_450 : vector<1x16xf32> to vector<16xf32>
        %add3A_452 = arith.addf %add3A_407, %get3A_451 : vector<16xf32>
        %get3A_453 = arith.index_cast %add3A_422 : i32 to index
        %get3A_454 = arith.constant 96 : index
        %get3A_455 = tpu.vector_load %arg14[%get3A_453, %get3A_454] {strides = array<i32>} : memref<80x128xf32, #tpu.memory_space<vmem>>, vector<1x16xf32>,
        %get3A_456 = vector.shape_cast %get3A_455 : vector<1x16xf32> to vector<16xf32>
        %add3A_457 = arith.addf %add3A_412, %get3A_456 : vector<16xf32>
        %get3A_458 = arith.index_cast %add3A_422 : i32 to index
        %get3A_459 = arith.constant 112 : index
        %get3A_460 = tpu.vector_load %arg14[%get3A_458, %get3A_459] {strides = array<i32>} : memref<80x128xf32, #tpu.memory_space<vmem>>, vector<1x16xf32>,
        %get3A_461 = vector.shape_cast %get3A_460 : vector<1x16xf32> to vector<16xf32>
        %add3A_462 = arith.addf %add3A_417, %get3A_461 : vector<16xf32>
        %mul3A_463 = arith.constant 5 : i32
        %mul3A_464 = arith.muli %scan3A_275, %mul3A_463 : i32
        %add3A_465 = arith.addi %mul3A_188, %mul3A_464 : i32
        %add3A_466 = arith.constant 4 : i32
        %add3A_467 = arith.addi %add3A_465, %add3A_466 : i32
        %get3A_468 = arith.index_cast %add3A_467 : i32 to index
        %get3A_469 = arith.constant 0 : index
        %get3A_470 = tpu.vector_load %arg14[%get3A_468, %get3A_469] {strides = array<i32>} : memref<80x128xf32, #tpu.memory_space<vmem>>, vector<1x16xf32>,
        %get3A_471 = vector.shape_cast %get3A_470 : vector<1x16xf32> to vector<16xf32>
        %add3A_472 = arith.addf %add3A_427, %get3A_471 : vector<16xf32>
        %get3A_473 = arith.index_cast %add3A_467 : i32 to index
        %get3A_474 = arith.constant 16 : index
        %get3A_475 = tpu.vector_load %arg14[%get3A_473, %get3A_474] {strides = array<i32>} : memref<80x128xf32, #tpu.memory_space<vmem>>, vector<1x16xf32>,
        %get3A_476 = vector.shape_cast %get3A_475 : vector<1x16xf32> to vector<16xf32>
        %add3A_477 = arith.addf %add3A_432, %get3A_476 : vector<16xf32>
        %get3A_478 = arith.index_cast %add3A_467 : i32 to index
        %get3A_479 = arith.constant 32 : index
        %get3A_480 = tpu.vector_load %arg14[%get3A_478, %get3A_479] {strides = array<i32>} : memref<80x128xf32, #tpu.memory_space<vmem>>, vector<1x16xf32>,
        %get3A_481 = vector.shape_cast %get3A_480 : vector<1x16xf32> to vector<16xf32>
        %add3A_482 = arith.addf %add3A_437, %get3A_481 : vector<16xf32>
        %get3A_483 = arith.index_cast %add3A_467 : i32 to index
        %get3A_484 = arith.constant 48 : index
        %get3A_485 = tpu.vector_load %arg14[%get3A_483, %get3A_484] {strides = array<i32>} : memref<80x128xf32, #tpu.memory_space<vmem>>, vector<1x16xf32>,
        %get3A_486 = vector.shape_cast %get3A_485 : vector<1x16xf32> to vector<16xf32>
        %add3A_487 = arith.addf %add3A_442, %get3A_486 : vector<16xf32>
        %get3A_488 = arith.index_cast %add3A_467 : i32 to index
        %get3A_489 = arith.constant 64 : index
        %get3A_490 = tpu.vector_load %arg14[%get3A_488, %get3A_489] {strides = array<i32>} : memref<80x128xf32, #tpu.memory_space<vmem>>, vector<1x16xf32>,
        %get3A_491 = vector.shape_cast %get3A_490 : vector<1x16xf32> to vector<16xf32>
        %add3A_492 = arith.addf %add3A_447, %get3A_491 : vector<16xf32>
        %get3A_493 = arith.index_cast %add3A_467 : i32 to index
        %get3A_494 = arith.constant 80 : index
        %get3A_495 = tpu.vector_load %arg14[%get3A_493, %get3A_494] {strides = array<i32>} : memref<80x128xf32, #tpu.memory_space<vmem>>, vector<1x16xf32>,
        %get3A_496 = vector.shape_cast %get3A_495 : vector<1x16xf32> to vector<16xf32>
        %add3A_497 = arith.addf %add3A_452, %get3A_496 : vector<16xf32>
        %get3A_498 = arith.index_cast %add3A_467 : i32 to index
        %get3A_499 = arith.constant 96 : index
        %get3A_500 = tpu.vector_load %arg14[%get3A_498, %get3A_499] {strides = array<i32>} : memref<80x128xf32, #tpu.memory_space<vmem>>, vector<1x16xf32>,
        %get3A_501 = vector.shape_cast %get3A_500 : vector<1x16xf32> to vector<16xf32>
        %add3A_502 = arith.addf %add3A_457, %get3A_501 : vector<16xf32>
        %get3A_503 = arith.index_cast %add3A_467 : i32 to index
        %get3A_504 = arith.constant 112 : index
        %get3A_505 = tpu.vector_load %arg14[%get3A_503, %get3A_504] {strides = array<i32>} : memref<80x128xf32, #tpu.memory_space<vmem>>, vector<1x16xf32>,
        %get3A_506 = vector.shape_cast %get3A_505 : vector<1x16xf32> to vector<16xf32>
        %add3A_507 = arith.addf %add3A_462, %get3A_506 : vector<16xf32>
        scf.yield %add3A_472, %add3A_477, %add3A_482, %add3A_487, %add3A_492, %add3A_497, %add3A_502, %add3A_507 : vector<16xf32>, vector<16xf32>, vector<16xf32>, vector<16xf32>, vector<16xf32>, vector<16xf32>, vector<16xf32>, vector<16xf32>
      }
      %scan3A_211 = arith.constant 2 : i32
      %mul3A_212 = arith.constant 1.000000e-01 : f32
      %mul3A_213 = vector.broadcast %mul3A_212 : f32 to vector<16xf32>
      %mul3A_214 = arith.mulf %scan3A_210#0, %mul3A_213 : vector<16xf32>
      %swap3A = arith.index_cast %add3A_190 : i32 to index
      %swap3A_215 = arith.constant 0 : index
      %swap3A_216 = tpu.vector_load %arg15[%swap3A, %swap3A_215] {strides = array<i32>} : memref<32x128xf32, #tpu.memory_space<vmem>>, vector<1x16xf32>,
      %swap3A_217 = vector.shape_cast %swap3A_216 : vector<1x16xf32> to vector<16xf32>
      %swap3A_218 = vector.shape_cast %mul3A_214 : vector<16xf32> to vector<1x16xf32>
      tpu.vector_store %arg15[%swap3A, %swap3A_215], %swap3A_218 {strides = array<i32>} : memref<32x128xf32, #tpu.memory_space<vmem>>, vector<1x16xf32>,
      %mul3A_219 = arith.constant 1.000000e-01 : f32
      %mul3A_220 = vector.broadcast %mul3A_219 : f32 to vector<16xf32>
      %mul3A_221 = arith.mulf %scan3A_210#1, %mul3A_220 : vector<16xf32>
      %swap3A_222 = arith.index_cast %add3A_190 : i32 to index
      %swap3A_223 = arith.constant 16 : index
      %swap3A_224 = tpu.vector_load %arg15[%swap3A_222, %swap3A_223] {strides = array<i32>} : memref<32x128xf32, #tpu.memory_space<vmem>>, vector<1x16xf32>,
      %swap3A_225 = vector.shape_cast %swap3A_224 : vector<1x16xf32> to vector<16xf32>
      %swap3A_226 = vector.shape_cast %mul3A_221 : vector<16xf32> to vector<1x16xf32>
      tpu.vector_store %arg15[%swap3A_222, %swap3A_223], %swap3A_226 {strides = array<i32>} : memref<32x128xf32, #tpu.memory_space<vmem>>, vector<1x16xf32>,
      %mul3A_227 = arith.constant 1.000000e-01 : f32
      %mul3A_228 = vector.broadcast %mul3A_227 : f32 to vector<16xf32>
      %mul3A_229 = arith.mulf %scan3A_210#2, %mul3A_228 : vector<16xf32>
      %swap3A_230 = arith.index_cast %add3A_190 : i32 to index
      %swap3A_231 = arith.constant 32 : index
      %swap3A_232 = tpu.vector_load %arg15[%swap3A_230, %swap3A_231] {strides = array<i32>} : memref<32x128xf32, #tpu.memory_space<vmem>>, vector<1x16xf32>,
      %swap3A_233 = vector.shape_cast %swap3A_232 : vector<1x16xf32> to vector<16xf32>
      %swap3A_234 = vector.shape_cast %mul3A_229 : vector<16xf32> to vector<1x16xf32>
      tpu.vector_store %arg15[%swap3A_230, %swap3A_231], %swap3A_234 {strides = array<i32>} : memref<32x128xf32, #tpu.memory_space<vmem>>, vector<1x16xf32>,
      %mul3A_235 = arith.constant 1.000000e-01 : f32
      %mul3A_236 = vector.broadcast %mul3A_235 : f32 to vector<16xf32>
      %mul3A_237 = arith.mulf %scan3A_210#3, %mul3A_236 : vector<16xf32>
      %swap3A_238 = arith.index_cast %add3A_190 : i32 to index
      %swap3A_239 = arith.constant 48 : index
      %swap3A_240 = tpu.vector_load %arg15[%swap3A_238, %swap3A_239] {strides = array<i32>} : memref<32x128xf32, #tpu.memory_space<vmem>>, vector<1x16xf32>,
      %swap3A_241 = vector.shape_cast %swap3A_240 : vector<1x16xf32> to vector<16xf32>
      %swap3A_242 = vector.shape_cast %mul3A_237 : vector<16xf32> to vector<1x16xf32>
      tpu.vector_store %arg15[%swap3A_238, %swap3A_239], %swap3A_242 {strides = array<i32>} : memref<32x128xf32, #tpu.memory_space<vmem>>, vector<1x16xf32>,
      %mul3A_243 = arith.constant 1.000000e-01 : f32
      %mul3A_244 = vector.broadcast %mul3A_243 : f32 to vector<16xf32>
      %mul3A_245 = arith.mulf %scan3A_210#4, %mul3A_244 : vector<16xf32>
      %swap3A_246 = arith.index_cast %add3A_190 : i32 to index
      %swap3A_247 = arith.constant 64 : index
      %swap3A_248 = tpu.vector_load %arg15[%swap3A_246, %swap3A_247] {strides = array<i32>} : memref<32x128xf32, #tpu.memory_space<vmem>>, vector<1x16xf32>,
      %swap3A_249 = vector.shape_cast %swap3A_248 : vector<1x16xf32> to vector<16xf32>
      %swap3A_250 = vector.shape_cast %mul3A_245 : vector<16xf32> to vector<1x16xf32>
      tpu.vector_store %arg15[%swap3A_246, %swap3A_247], %swap3A_250 {strides = array<i32>} : memref<32x128xf32, #tpu.memory_space<vmem>>, vector<1x16xf32>,
      %mul3A_251 = arith.constant 1.000000e-01 : f32
      %mul3A_252 = vector.broadcast %mul3A_251 : f32 to vector<16xf32>
      %mul3A_253 = arith.mulf %scan3A_210#5, %mul3A_252 : vector<16xf32>
      %swap3A_254 = arith.index_cast %add3A_190 : i32 to index
      %swap3A_255 = arith.constant 80 : index
      %swap3A_256 = tpu.vector_load %arg15[%swap3A_254, %swap3A_255] {strides = array<i32>} : memref<32x128xf32, #tpu.memory_space<vmem>>, vector<1x16xf32>,
      %swap3A_257 = vector.shape_cast %swap3A_256 : vector<1x16xf32> to vector<16xf32>
      %swap3A_258 = vector.shape_cast %mul3A_253 : vector<16xf32> to vector<1x16xf32>
      tpu.vector_store %arg15[%swap3A_254, %swap3A_255], %swap3A_258 {strides = array<i32>} : memref<32x128xf32, #tpu.memory_space<vmem>>, vector<1x16xf32>,
      %mul3A_259 = arith.constant 1.000000e-01 : f32
      %mul3A_260 = vector.broadcast %mul3A_259 : f32 to vector<16xf32>
      %mul3A_261 = arith.mulf %scan3A_210#6, %mul3A_260 : vector<16xf32>
      %swap3A_262 = arith.index_cast %add3A_190 : i32 to index
      %swap3A_263 = arith.constant 96 : index
      %swap3A_264 = tpu.vector_load %arg15[%swap3A_262, %swap3A_263] {strides = array<i32>} : memref<32x128xf32, #tpu.memory_space<vmem>>, vector<1x16xf32>,
      %swap3A_265 = vector.shape_cast %swap3A_264 : vector<1x16xf32> to vector<16xf32>
      %swap3A_266 = vector.shape_cast %mul3A_261 : vector<16xf32> to vector<1x16xf32>
      tpu.vector_store %arg15[%swap3A_262, %swap3A_263], %swap3A_266 {strides = array<i32>} : memref<32x128xf32, #tpu.memory_space<vmem>>, vector<1x16xf32>,
      %mul3A_267 = arith.constant 1.000000e-01 : f32
      %mul3A_268 = vector.broadcast %mul3A_267 : f32 to vector<16xf32>
      %mul3A_269 = arith.mulf %scan3A_210#7, %mul3A_268 : vector<16xf32>
      %swap3A_270 = arith.index_cast %add3A_190 : i32 to index
      %swap3A_271 = arith.constant 112 : index
      %swap3A_272 = tpu.vector_load %arg15[%swap3A_270, %swap3A_271] {strides = array<i32>} : memref<32x128xf32, #tpu.memory_space<vmem>>, vector<1x16xf32>,
      %swap3A_273 = vector.shape_cast %swap3A_272 : vector<1x16xf32> to vector<16xf32>
      %swap3A_274 = vector.shape_cast %mul3A_269 : vector<16xf32> to vector<1x16xf32>
      tpu.vector_store %arg15[%swap3A_270, %swap3A_271], %swap3A_274 {strides = array<i32>} : memref<32x128xf32, #tpu.memory_space<vmem>>, vector<1x16xf32>,
    }
    %scan3A_123 = arith.constant 8 : i32
    %dma_start3A_124 = arith.constant 240 : i32
    %dma_start3A_125 = tpu.memref_slice %arg11[%dma_start3A_124] : memref<320xi32, #tpu.memory_space<vmem>> -> memref<80xi32, #tpu.memory_space<vmem>>
    %dma_start3A_126 = arith.constant 0 : i32
    %dma_start3A_127 = arith.constant 0 : i32
    %dma_start3A_128 = tpu.memref_slice %arg2[%dma_start3A_126, %dma_start3A_127] : memref<100000x128xf32, #tpu.memory_space<hbm>> -> memref<100000x128xf32, #tpu.memory_space<hbm>>
    tpu.enqueue_indirect_dma source(%dma_start3A_128 : memref<100000x128xf32, #tpu.memory_space<hbm>>) target(%arg14 : memref<80x128xf32, #tpu.memory_space<vmem>>) offsets(%dma_start3A_125 : memref<80xi32, #tpu.memory_space<vmem>>) semaphore(%arg18 : memref<!tpu.dma_semaphore, #tpu.memory_space<semaphore_mem>>)
    %dma_wait3A_129 = arith.constant 240 : i32
    %dma_wait3A_130 = tpu.memref_slice %arg11[%dma_wait3A_129] : memref<320xi32, #tpu.memory_space<vmem>> -> memref<80xi32, #tpu.memory_space<vmem>>
    %dma_wait3A_131 = arith.constant 0 : i32
    %dma_wait3A_132 = arith.constant 0 : i32
    %dma_wait3A_133 = tpu.memref_slice %arg2[%dma_wait3A_131, %dma_wait3A_132] : memref<100000x128xf32, #tpu.memory_space<hbm>> -> memref<100000x128xf32, #tpu.memory_space<hbm>>
    tpu.wait_indirect_dma semaphore(%arg18 : memref<!tpu.dma_semaphore, #tpu.memory_space<semaphore_mem>>) src(%dma_wait3A_133 : memref<100000x128xf32, #tpu.memory_space<hbm>>) dst(%arg14 : memref<80x128xf32, #tpu.memory_space<vmem>>)
    %mul3A_134 = arith.constant 320 : i32
    %mul3A_135 = arith.muli %add3A, %mul3A_134 : i32
    %add3A_136 = arith.constant 240 : i32
    %add3A_137 = arith.addi %mul3A_135, %add3A_136 : i32
    "tpu.region"() ({
      %run_scoped3A = tpu.sem_alloc : memref<!tpu.dma_semaphore, #tpu.memory_space<semaphore_mem>>
      %dma_start3A_186 = arith.constant 0 : i32
      %dma_start3A_187 = tpu.memref_slice %arg8[%add3A_137, %dma_start3A_186] : memref<10240x128xf32, #tpu.memory_space<hbm>> -> memref<80x128xf32, #tpu.memory_space<hbm>>
      %dma_start3A_188 = arith.constant 0 : i32
      %dma_start3A_189 = tpu.memref_slice %arg8[%add3A_137, %dma_start3A_188] : memref<10240x128xf32, #tpu.memory_space<hbm>> -> memref<80x128xf32, #tpu.memory_space<hbm>>
      tpu.enqueue_dma source(%arg14 : memref<80x128xf32, #tpu.memory_space<vmem>>) target(%dma_start3A_189 : memref<80x128xf32, #tpu.memory_space<hbm>>) target_semaphore(%run_scoped3A : memref<!tpu.dma_semaphore, #tpu.memory_space<semaphore_mem>>)
      %dma_wait3A_190 = arith.constant 0 : i32
      %dma_wait3A_191 = tpu.memref_slice %arg8[%add3A_137, %dma_wait3A_190] : memref<10240x128xf32, #tpu.memory_space<hbm>> -> memref<80x128xf32, #tpu.memory_space<hbm>>
      %dma_wait3A_192 = arith.constant 0 : i32
      %dma_wait3A_193 = tpu.memref_slice %arg8[%add3A_137, %dma_wait3A_192] : memref<10240x128xf32, #tpu.memory_space<hbm>> -> memref<80x128xf32, #tpu.memory_space<hbm>>
      tpu.wait_dma2 semaphore(%run_scoped3A : memref<!tpu.dma_semaphore, #tpu.memory_space<semaphore_mem>>) src(%arg14 : memref<80x128xf32, #tpu.memory_space<vmem>>) dst(%dma_wait3A_193 : memref<80x128xf32, #tpu.memory_space<hbm>>)
      tpu.yield
    }) : () -> ()
    %scan3A_138 = arith.constant 0 : i32
    %scan3A_139 = arith.constant 0 : i32
    %scan3A_140 = arith.constant 8 : i32
    %scan3A_141 = arith.addi %scan3A_139, %scan3A_140 : i32
    %scan3A_142 = arith.constant 1 : i32
    scf.for %scan3A_186 = %scan3A_139 to %scan3A_141 step %scan3A_142  : i32 {
      %mul3A_187 = arith.constant 10 : i32
      %mul3A_188 = arith.muli %mul3A_187, %scan3A_186 : i32
      %add3A_189 = arith.constant 24 : i32
      %add3A_190 = arith.addi %add3A_189, %scan3A_186 : i32
      %broadcast_in_dim3A = arith.constant 0.000000e+00 : f32
      %broadcast_in_dim3A_191 = vector.broadcast %broadcast_in_dim3A : f32 to vector<16xf32>
      %broadcast_in_dim3A_192 = arith.constant 0.000000e+00 : f32
      %broadcast_in_dim3A_193 = vector.broadcast %broadcast_in_dim3A_192 : f32 to vector<16xf32>
      %broadcast_in_dim3A_194 = arith.constant 0.000000e+00 : f32
      %broadcast_in_dim3A_195 = vector.broadcast %broadcast_in_dim3A_194 : f32 to vector<16xf32>
      %broadcast_in_dim3A_196 = arith.constant 0.000000e+00 : f32
      %broadcast_in_dim3A_197 = vector.broadcast %broadcast_in_dim3A_196 : f32 to vector<16xf32>
      %broadcast_in_dim3A_198 = arith.constant 0.000000e+00 : f32
      %broadcast_in_dim3A_199 = vector.broadcast %broadcast_in_dim3A_198 : f32 to vector<16xf32>
      %broadcast_in_dim3A_200 = arith.constant 0.000000e+00 : f32
      %broadcast_in_dim3A_201 = vector.broadcast %broadcast_in_dim3A_200 : f32 to vector<16xf32>
      %broadcast_in_dim3A_202 = arith.constant 0.000000e+00 : f32
      %broadcast_in_dim3A_203 = vector.broadcast %broadcast_in_dim3A_202 : f32 to vector<16xf32>
      %broadcast_in_dim3A_204 = arith.constant 0.000000e+00 : f32
      %broadcast_in_dim3A_205 = vector.broadcast %broadcast_in_dim3A_204 : f32 to vector<16xf32>
      %scan3A_206 = arith.constant 0 : i32
      %scan3A_207 = arith.constant 2 : i32
      %scan3A_208 = arith.addi %scan3A_206, %scan3A_207 : i32
      %scan3A_209 = arith.constant 1 : i32
      %scan3A_210:8 = scf.for %scan3A_275 = %scan3A_206 to %scan3A_208 step %scan3A_209 iter_args(%scan3A_276 = %broadcast_in_dim3A_191, %scan3A_277 = %broadcast_in_dim3A_193, %scan3A_278 = %broadcast_in_dim3A_195, %scan3A_279 = %broadcast_in_dim3A_197, %scan3A_280 = %broadcast_in_dim3A_199, %scan3A_281 = %broadcast_in_dim3A_201, %scan3A_282 = %broadcast_in_dim3A_203, %scan3A_283 = %broadcast_in_dim3A_205) -> (vector<16xf32>, vector<16xf32>, vector<16xf32>, vector<16xf32>, vector<16xf32>, vector<16xf32>, vector<16xf32>, vector<16xf32>)  : i32 {
        %mul3A_284 = arith.constant 5 : i32
        %mul3A_285 = arith.muli %scan3A_275, %mul3A_284 : i32
        %add3A_286 = arith.addi %mul3A_188, %mul3A_285 : i32
        %add3A_287 = arith.constant 0 : i32
        %add3A_288 = arith.addi %add3A_286, %add3A_287 : i32
        %get3A = arith.index_cast %add3A_288 : i32 to index
        %get3A_289 = arith.constant 0 : index
        %get3A_290 = tpu.vector_load %arg14[%get3A, %get3A_289] {strides = array<i32>} : memref<80x128xf32, #tpu.memory_space<vmem>>, vector<1x16xf32>,
        %get3A_291 = vector.shape_cast %get3A_290 : vector<1x16xf32> to vector<16xf32>
        %add3A_292 = arith.addf %scan3A_276, %get3A_291 : vector<16xf32>
        %get3A_293 = arith.index_cast %add3A_288 : i32 to index
        %get3A_294 = arith.constant 16 : index
        %get3A_295 = tpu.vector_load %arg14[%get3A_293, %get3A_294] {strides = array<i32>} : memref<80x128xf32, #tpu.memory_space<vmem>>, vector<1x16xf32>,
        %get3A_296 = vector.shape_cast %get3A_295 : vector<1x16xf32> to vector<16xf32>
        %add3A_297 = arith.addf %scan3A_277, %get3A_296 : vector<16xf32>
        %get3A_298 = arith.index_cast %add3A_288 : i32 to index
        %get3A_299 = arith.constant 32 : index
        %get3A_300 = tpu.vector_load %arg14[%get3A_298, %get3A_299] {strides = array<i32>} : memref<80x128xf32, #tpu.memory_space<vmem>>, vector<1x16xf32>,
        %get3A_301 = vector.shape_cast %get3A_300 : vector<1x16xf32> to vector<16xf32>
        %add3A_302 = arith.addf %scan3A_278, %get3A_301 : vector<16xf32>
        %get3A_303 = arith.index_cast %add3A_288 : i32 to index
        %get3A_304 = arith.constant 48 : index
        %get3A_305 = tpu.vector_load %arg14[%get3A_303, %get3A_304] {strides = array<i32>} : memref<80x128xf32, #tpu.memory_space<vmem>>, vector<1x16xf32>,
        %get3A_306 = vector.shape_cast %get3A_305 : vector<1x16xf32> to vector<16xf32>
        %add3A_307 = arith.addf %scan3A_279, %get3A_306 : vector<16xf32>
        %get3A_308 = arith.index_cast %add3A_288 : i32 to index
        %get3A_309 = arith.constant 64 : index
        %get3A_310 = tpu.vector_load %arg14[%get3A_308, %get3A_309] {strides = array<i32>} : memref<80x128xf32, #tpu.memory_space<vmem>>, vector<1x16xf32>,
        %get3A_311 = vector.shape_cast %get3A_310 : vector<1x16xf32> to vector<16xf32>
        %add3A_312 = arith.addf %scan3A_280, %get3A_311 : vector<16xf32>
        %get3A_313 = arith.index_cast %add3A_288 : i32 to index
        %get3A_314 = arith.constant 80 : index
        %get3A_315 = tpu.vector_load %arg14[%get3A_313, %get3A_314] {strides = array<i32>} : memref<80x128xf32, #tpu.memory_space<vmem>>, vector<1x16xf32>,
        %get3A_316 = vector.shape_cast %get3A_315 : vector<1x16xf32> to vector<16xf32>
        %add3A_317 = arith.addf %scan3A_281, %get3A_316 : vector<16xf32>
        %get3A_318 = arith.index_cast %add3A_288 : i32 to index
        %get3A_319 = arith.constant 96 : index
        %get3A_320 = tpu.vector_load %arg14[%get3A_318, %get3A_319] {strides = array<i32>} : memref<80x128xf32, #tpu.memory_space<vmem>>, vector<1x16xf32>,
        %get3A_321 = vector.shape_cast %get3A_320 : vector<1x16xf32> to vector<16xf32>
        %add3A_322 = arith.addf %scan3A_282, %get3A_321 : vector<16xf32>
        %get3A_323 = arith.index_cast %add3A_288 : i32 to index
        %get3A_324 = arith.constant 112 : index
        %get3A_325 = tpu.vector_load %arg14[%get3A_323, %get3A_324] {strides = array<i32>} : memref<80x128xf32, #tpu.memory_space<vmem>>, vector<1x16xf32>,
        %get3A_326 = vector.shape_cast %get3A_325 : vector<1x16xf32> to vector<16xf32>
        %add3A_327 = arith.addf %scan3A_283, %get3A_326 : vector<16xf32>
        %mul3A_328 = arith.constant 5 : i32
        %mul3A_329 = arith.muli %scan3A_275, %mul3A_328 : i32
        %add3A_330 = arith.addi %mul3A_188, %mul3A_329 : i32
        %add3A_331 = arith.constant 1 : i32
        %add3A_332 = arith.addi %add3A_330, %add3A_331 : i32
        %get3A_333 = arith.index_cast %add3A_332 : i32 to index
        %get3A_334 = arith.constant 0 : index
        %get3A_335 = tpu.vector_load %arg14[%get3A_333, %get3A_334] {strides = array<i32>} : memref<80x128xf32, #tpu.memory_space<vmem>>, vector<1x16xf32>,
        %get3A_336 = vector.shape_cast %get3A_335 : vector<1x16xf32> to vector<16xf32>
        %add3A_337 = arith.addf %add3A_292, %get3A_336 : vector<16xf32>
        %get3A_338 = arith.index_cast %add3A_332 : i32 to index
        %get3A_339 = arith.constant 16 : index
        %get3A_340 = tpu.vector_load %arg14[%get3A_338, %get3A_339] {strides = array<i32>} : memref<80x128xf32, #tpu.memory_space<vmem>>, vector<1x16xf32>,
        %get3A_341 = vector.shape_cast %get3A_340 : vector<1x16xf32> to vector<16xf32>
        %add3A_342 = arith.addf %add3A_297, %get3A_341 : vector<16xf32>
        %get3A_343 = arith.index_cast %add3A_332 : i32 to index
        %get3A_344 = arith.constant 32 : index
        %get3A_345 = tpu.vector_load %arg14[%get3A_343, %get3A_344] {strides = array<i32>} : memref<80x128xf32, #tpu.memory_space<vmem>>, vector<1x16xf32>,
        %get3A_346 = vector.shape_cast %get3A_345 : vector<1x16xf32> to vector<16xf32>
        %add3A_347 = arith.addf %add3A_302, %get3A_346 : vector<16xf32>
        %get3A_348 = arith.index_cast %add3A_332 : i32 to index
        %get3A_349 = arith.constant 48 : index
        %get3A_350 = tpu.vector_load %arg14[%get3A_348, %get3A_349] {strides = array<i32>} : memref<80x128xf32, #tpu.memory_space<vmem>>, vector<1x16xf32>,
        %get3A_351 = vector.shape_cast %get3A_350 : vector<1x16xf32> to vector<16xf32>
        %add3A_352 = arith.addf %add3A_307, %get3A_351 : vector<16xf32>
        %get3A_353 = arith.index_cast %add3A_332 : i32 to index
        %get3A_354 = arith.constant 64 : index
        %get3A_355 = tpu.vector_load %arg14[%get3A_353, %get3A_354] {strides = array<i32>} : memref<80x128xf32, #tpu.memory_space<vmem>>, vector<1x16xf32>,
        %get3A_356 = vector.shape_cast %get3A_355 : vector<1x16xf32> to vector<16xf32>
        %add3A_357 = arith.addf %add3A_312, %get3A_356 : vector<16xf32>
        %get3A_358 = arith.index_cast %add3A_332 : i32 to index
        %get3A_359 = arith.constant 80 : index
        %get3A_360 = tpu.vector_load %arg14[%get3A_358, %get3A_359] {strides = array<i32>} : memref<80x128xf32, #tpu.memory_space<vmem>>, vector<1x16xf32>,
        %get3A_361 = vector.shape_cast %get3A_360 : vector<1x16xf32> to vector<16xf32>
        %add3A_362 = arith.addf %add3A_317, %get3A_361 : vector<16xf32>
        %get3A_363 = arith.index_cast %add3A_332 : i32 to index
        %get3A_364 = arith.constant 96 : index
        %get3A_365 = tpu.vector_load %arg14[%get3A_363, %get3A_364] {strides = array<i32>} : memref<80x128xf32, #tpu.memory_space<vmem>>, vector<1x16xf32>,
        %get3A_366 = vector.shape_cast %get3A_365 : vector<1x16xf32> to vector<16xf32>
        %add3A_367 = arith.addf %add3A_322, %get3A_366 : vector<16xf32>
        %get3A_368 = arith.index_cast %add3A_332 : i32 to index
        %get3A_369 = arith.constant 112 : index
        %get3A_370 = tpu.vector_load %arg14[%get3A_368, %get3A_369] {strides = array<i32>} : memref<80x128xf32, #tpu.memory_space<vmem>>, vector<1x16xf32>,
        %get3A_371 = vector.shape_cast %get3A_370 : vector<1x16xf32> to vector<16xf32>
        %add3A_372 = arith.addf %add3A_327, %get3A_371 : vector<16xf32>
        %mul3A_373 = arith.constant 5 : i32
        %mul3A_374 = arith.muli %scan3A_275, %mul3A_373 : i32
        %add3A_375 = arith.addi %mul3A_188, %mul3A_374 : i32
        %add3A_376 = arith.constant 2 : i32
        %add3A_377 = arith.addi %add3A_375, %add3A_376 : i32
        %get3A_378 = arith.index_cast %add3A_377 : i32 to index
        %get3A_379 = arith.constant 0 : index
        %get3A_380 = tpu.vector_load %arg14[%get3A_378, %get3A_379] {strides = array<i32>} : memref<80x128xf32, #tpu.memory_space<vmem>>, vector<1x16xf32>,
        %get3A_381 = vector.shape_cast %get3A_380 : vector<1x16xf32> to vector<16xf32>
        %add3A_382 = arith.addf %add3A_337, %get3A_381 : vector<16xf32>
        %get3A_383 = arith.index_cast %add3A_377 : i32 to index
        %get3A_384 = arith.constant 16 : index
        %get3A_385 = tpu.vector_load %arg14[%get3A_383, %get3A_384] {strides = array<i32>} : memref<80x128xf32, #tpu.memory_space<vmem>>, vector<1x16xf32>,
        %get3A_386 = vector.shape_cast %get3A_385 : vector<1x16xf32> to vector<16xf32>
        %add3A_387 = arith.addf %add3A_342, %get3A_386 : vector<16xf32>
        %get3A_388 = arith.index_cast %add3A_377 : i32 to index
        %get3A_389 = arith.constant 32 : index
        %get3A_390 = tpu.vector_load %arg14[%get3A_388, %get3A_389] {strides = array<i32>} : memref<80x128xf32, #tpu.memory_space<vmem>>, vector<1x16xf32>,
        %get3A_391 = vector.shape_cast %get3A_390 : vector<1x16xf32> to vector<16xf32>
        %add3A_392 = arith.addf %add3A_347, %get3A_391 : vector<16xf32>
        %get3A_393 = arith.index_cast %add3A_377 : i32 to index
        %get3A_394 = arith.constant 48 : index
        %get3A_395 = tpu.vector_load %arg14[%get3A_393, %get3A_394] {strides = array<i32>} : memref<80x128xf32, #tpu.memory_space<vmem>>, vector<1x16xf32>,
        %get3A_396 = vector.shape_cast %get3A_395 : vector<1x16xf32> to vector<16xf32>
        %add3A_397 = arith.addf %add3A_352, %get3A_396 : vector<16xf32>
        %get3A_398 = arith.index_cast %add3A_377 : i32 to index
        %get3A_399 = arith.constant 64 : index
        %get3A_400 = tpu.vector_load %arg14[%get3A_398, %get3A_399] {strides = array<i32>} : memref<80x128xf32, #tpu.memory_space<vmem>>, vector<1x16xf32>,
        %get3A_401 = vector.shape_cast %get3A_400 : vector<1x16xf32> to vector<16xf32>
        %add3A_402 = arith.addf %add3A_357, %get3A_401 : vector<16xf32>
        %get3A_403 = arith.index_cast %add3A_377 : i32 to index
        %get3A_404 = arith.constant 80 : index
        %get3A_405 = tpu.vector_load %arg14[%get3A_403, %get3A_404] {strides = array<i32>} : memref<80x128xf32, #tpu.memory_space<vmem>>, vector<1x16xf32>,
        %get3A_406 = vector.shape_cast %get3A_405 : vector<1x16xf32> to vector<16xf32>
        %add3A_407 = arith.addf %add3A_362, %get3A_406 : vector<16xf32>
        %get3A_408 = arith.index_cast %add3A_377 : i32 to index
        %get3A_409 = arith.constant 96 : index
        %get3A_410 = tpu.vector_load %arg14[%get3A_408, %get3A_409] {strides = array<i32>} : memref<80x128xf32, #tpu.memory_space<vmem>>, vector<1x16xf32>,
        %get3A_411 = vector.shape_cast %get3A_410 : vector<1x16xf32> to vector<16xf32>
        %add3A_412 = arith.addf %add3A_367, %get3A_411 : vector<16xf32>
        %get3A_413 = arith.index_cast %add3A_377 : i32 to index
        %get3A_414 = arith.constant 112 : index
        %get3A_415 = tpu.vector_load %arg14[%get3A_413, %get3A_414] {strides = array<i32>} : memref<80x128xf32, #tpu.memory_space<vmem>>, vector<1x16xf32>,
        %get3A_416 = vector.shape_cast %get3A_415 : vector<1x16xf32> to vector<16xf32>
        %add3A_417 = arith.addf %add3A_372, %get3A_416 : vector<16xf32>
        %mul3A_418 = arith.constant 5 : i32
        %mul3A_419 = arith.muli %scan3A_275, %mul3A_418 : i32
        %add3A_420 = arith.addi %mul3A_188, %mul3A_419 : i32
        %add3A_421 = arith.constant 3 : i32
        %add3A_422 = arith.addi %add3A_420, %add3A_421 : i32
        %get3A_423 = arith.index_cast %add3A_422 : i32 to index
        %get3A_424 = arith.constant 0 : index
        %get3A_425 = tpu.vector_load %arg14[%get3A_423, %get3A_424] {strides = array<i32>} : memref<80x128xf32, #tpu.memory_space<vmem>>, vector<1x16xf32>,
        %get3A_426 = vector.shape_cast %get3A_425 : vector<1x16xf32> to vector<16xf32>
        %add3A_427 = arith.addf %add3A_382, %get3A_426 : vector<16xf32>
        %get3A_428 = arith.index_cast %add3A_422 : i32 to index
        %get3A_429 = arith.constant 16 : index
        %get3A_430 = tpu.vector_load %arg14[%get3A_428, %get3A_429] {strides = array<i32>} : memref<80x128xf32, #tpu.memory_space<vmem>>, vector<1x16xf32>,
        %get3A_431 = vector.shape_cast %get3A_430 : vector<1x16xf32> to vector<16xf32>
        %add3A_432 = arith.addf %add3A_387, %get3A_431 : vector<16xf32>
        %get3A_433 = arith.index_cast %add3A_422 : i32 to index
        %get3A_434 = arith.constant 32 : index
        %get3A_435 = tpu.vector_load %arg14[%get3A_433, %get3A_434] {strides = array<i32>} : memref<80x128xf32, #tpu.memory_space<vmem>>, vector<1x16xf32>,
        %get3A_436 = vector.shape_cast %get3A_435 : vector<1x16xf32> to vector<16xf32>
        %add3A_437 = arith.addf %add3A_392, %get3A_436 : vector<16xf32>
        %get3A_438 = arith.index_cast %add3A_422 : i32 to index
        %get3A_439 = arith.constant 48 : index
        %get3A_440 = tpu.vector_load %arg14[%get3A_438, %get3A_439] {strides = array<i32>} : memref<80x128xf32, #tpu.memory_space<vmem>>, vector<1x16xf32>,
        %get3A_441 = vector.shape_cast %get3A_440 : vector<1x16xf32> to vector<16xf32>
        %add3A_442 = arith.addf %add3A_397, %get3A_441 : vector<16xf32>
        %get3A_443 = arith.index_cast %add3A_422 : i32 to index
        %get3A_444 = arith.constant 64 : index
        %get3A_445 = tpu.vector_load %arg14[%get3A_443, %get3A_444] {strides = array<i32>} : memref<80x128xf32, #tpu.memory_space<vmem>>, vector<1x16xf32>,
        %get3A_446 = vector.shape_cast %get3A_445 : vector<1x16xf32> to vector<16xf32>
        %add3A_447 = arith.addf %add3A_402, %get3A_446 : vector<16xf32>
        %get3A_448 = arith.index_cast %add3A_422 : i32 to index
        %get3A_449 = arith.constant 80 : index
        %get3A_450 = tpu.vector_load %arg14[%get3A_448, %get3A_449] {strides = array<i32>} : memref<80x128xf32, #tpu.memory_space<vmem>>, vector<1x16xf32>,
        %get3A_451 = vector.shape_cast %get3A_450 : vector<1x16xf32> to vector<16xf32>
        %add3A_452 = arith.addf %add3A_407, %get3A_451 : vector<16xf32>
        %get3A_453 = arith.index_cast %add3A_422 : i32 to index
        %get3A_454 = arith.constant 96 : index
        %get3A_455 = tpu.vector_load %arg14[%get3A_453, %get3A_454] {strides = array<i32>} : memref<80x128xf32, #tpu.memory_space<vmem>>, vector<1x16xf32>,
        %get3A_456 = vector.shape_cast %get3A_455 : vector<1x16xf32> to vector<16xf32>
        %add3A_457 = arith.addf %add3A_412, %get3A_456 : vector<16xf32>
        %get3A_458 = arith.index_cast %add3A_422 : i32 to index
        %get3A_459 = arith.constant 112 : index
        %get3A_460 = tpu.vector_load %arg14[%get3A_458, %get3A_459] {strides = array<i32>} : memref<80x128xf32, #tpu.memory_space<vmem>>, vector<1x16xf32>,
        %get3A_461 = vector.shape_cast %get3A_460 : vector<1x16xf32> to vector<16xf32>
        %add3A_462 = arith.addf %add3A_417, %get3A_461 : vector<16xf32>
        %mul3A_463 = arith.constant 5 : i32
        %mul3A_464 = arith.muli %scan3A_275, %mul3A_463 : i32
        %add3A_465 = arith.addi %mul3A_188, %mul3A_464 : i32
        %add3A_466 = arith.constant 4 : i32
        %add3A_467 = arith.addi %add3A_465, %add3A_466 : i32
        %get3A_468 = arith.index_cast %add3A_467 : i32 to index
        %get3A_469 = arith.constant 0 : index
        %get3A_470 = tpu.vector_load %arg14[%get3A_468, %get3A_469] {strides = array<i32>} : memref<80x128xf32, #tpu.memory_space<vmem>>, vector<1x16xf32>,
        %get3A_471 = vector.shape_cast %get3A_470 : vector<1x16xf32> to vector<16xf32>
        %add3A_472 = arith.addf %add3A_427, %get3A_471 : vector<16xf32>
        %get3A_473 = arith.index_cast %add3A_467 : i32 to index
        %get3A_474 = arith.constant 16 : index
        %get3A_475 = tpu.vector_load %arg14[%get3A_473, %get3A_474] {strides = array<i32>} : memref<80x128xf32, #tpu.memory_space<vmem>>, vector<1x16xf32>,
        %get3A_476 = vector.shape_cast %get3A_475 : vector<1x16xf32> to vector<16xf32>
        %add3A_477 = arith.addf %add3A_432, %get3A_476 : vector<16xf32>
        %get3A_478 = arith.index_cast %add3A_467 : i32 to index
        %get3A_479 = arith.constant 32 : index
        %get3A_480 = tpu.vector_load %arg14[%get3A_478, %get3A_479] {strides = array<i32>} : memref<80x128xf32, #tpu.memory_space<vmem>>, vector<1x16xf32>,
        %get3A_481 = vector.shape_cast %get3A_480 : vector<1x16xf32> to vector<16xf32>
        %add3A_482 = arith.addf %add3A_437, %get3A_481 : vector<16xf32>
        %get3A_483 = arith.index_cast %add3A_467 : i32 to index
        %get3A_484 = arith.constant 48 : index
        %get3A_485 = tpu.vector_load %arg14[%get3A_483, %get3A_484] {strides = array<i32>} : memref<80x128xf32, #tpu.memory_space<vmem>>, vector<1x16xf32>,
        %get3A_486 = vector.shape_cast %get3A_485 : vector<1x16xf32> to vector<16xf32>
        %add3A_487 = arith.addf %add3A_442, %get3A_486 : vector<16xf32>
        %get3A_488 = arith.index_cast %add3A_467 : i32 to index
        %get3A_489 = arith.constant 64 : index
        %get3A_490 = tpu.vector_load %arg14[%get3A_488, %get3A_489] {strides = array<i32>} : memref<80x128xf32, #tpu.memory_space<vmem>>, vector<1x16xf32>,
        %get3A_491 = vector.shape_cast %get3A_490 : vector<1x16xf32> to vector<16xf32>
        %add3A_492 = arith.addf %add3A_447, %get3A_491 : vector<16xf32>
        %get3A_493 = arith.index_cast %add3A_467 : i32 to index
        %get3A_494 = arith.constant 80 : index
        %get3A_495 = tpu.vector_load %arg14[%get3A_493, %get3A_494] {strides = array<i32>} : memref<80x128xf32, #tpu.memory_space<vmem>>, vector<1x16xf32>,
        %get3A_496 = vector.shape_cast %get3A_495 : vector<1x16xf32> to vector<16xf32>
        %add3A_497 = arith.addf %add3A_452, %get3A_496 : vector<16xf32>
        %get3A_498 = arith.index_cast %add3A_467 : i32 to index
        %get3A_499 = arith.constant 96 : index
        %get3A_500 = tpu.vector_load %arg14[%get3A_498, %get3A_499] {strides = array<i32>} : memref<80x128xf32, #tpu.memory_space<vmem>>, vector<1x16xf32>,
        %get3A_501 = vector.shape_cast %get3A_500 : vector<1x16xf32> to vector<16xf32>
        %add3A_502 = arith.addf %add3A_457, %get3A_501 : vector<16xf32>
        %get3A_503 = arith.index_cast %add3A_467 : i32 to index
        %get3A_504 = arith.constant 112 : index
        %get3A_505 = tpu.vector_load %arg14[%get3A_503, %get3A_504] {strides = array<i32>} : memref<80x128xf32, #tpu.memory_space<vmem>>, vector<1x16xf32>,
        %get3A_506 = vector.shape_cast %get3A_505 : vector<1x16xf32> to vector<16xf32>
        %add3A_507 = arith.addf %add3A_462, %get3A_506 : vector<16xf32>
        scf.yield %add3A_472, %add3A_477, %add3A_482, %add3A_487, %add3A_492, %add3A_497, %add3A_502, %add3A_507 : vector<16xf32>, vector<16xf32>, vector<16xf32>, vector<16xf32>, vector<16xf32>, vector<16xf32>, vector<16xf32>, vector<16xf32>
      }
      %scan3A_211 = arith.constant 2 : i32
      %mul3A_212 = arith.constant 1.000000e-01 : f32
      %mul3A_213 = vector.broadcast %mul3A_212 : f32 to vector<16xf32>
      %mul3A_214 = arith.mulf %scan3A_210#0, %mul3A_213 : vector<16xf32>
      %swap3A = arith.index_cast %add3A_190 : i32 to index
      %swap3A_215 = arith.constant 0 : index
      %swap3A_216 = tpu.vector_load %arg15[%swap3A, %swap3A_215] {strides = array<i32>} : memref<32x128xf32, #tpu.memory_space<vmem>>, vector<1x16xf32>,
      %swap3A_217 = vector.shape_cast %swap3A_216 : vector<1x16xf32> to vector<16xf32>
      %swap3A_218 = vector.shape_cast %mul3A_214 : vector<16xf32> to vector<1x16xf32>
      tpu.vector_store %arg15[%swap3A, %swap3A_215], %swap3A_218 {strides = array<i32>} : memref<32x128xf32, #tpu.memory_space<vmem>>, vector<1x16xf32>,
      %mul3A_219 = arith.constant 1.000000e-01 : f32
      %mul3A_220 = vector.broadcast %mul3A_219 : f32 to vector<16xf32>
      %mul3A_221 = arith.mulf %scan3A_210#1, %mul3A_220 : vector<16xf32>
      %swap3A_222 = arith.index_cast %add3A_190 : i32 to index
      %swap3A_223 = arith.constant 16 : index
      %swap3A_224 = tpu.vector_load %arg15[%swap3A_222, %swap3A_223] {strides = array<i32>} : memref<32x128xf32, #tpu.memory_space<vmem>>, vector<1x16xf32>,
      %swap3A_225 = vector.shape_cast %swap3A_224 : vector<1x16xf32> to vector<16xf32>
      %swap3A_226 = vector.shape_cast %mul3A_221 : vector<16xf32> to vector<1x16xf32>
      tpu.vector_store %arg15[%swap3A_222, %swap3A_223], %swap3A_226 {strides = array<i32>} : memref<32x128xf32, #tpu.memory_space<vmem>>, vector<1x16xf32>,
      %mul3A_227 = arith.constant 1.000000e-01 : f32
      %mul3A_228 = vector.broadcast %mul3A_227 : f32 to vector<16xf32>
      %mul3A_229 = arith.mulf %scan3A_210#2, %mul3A_228 : vector<16xf32>
      %swap3A_230 = arith.index_cast %add3A_190 : i32 to index
      %swap3A_231 = arith.constant 32 : index
      %swap3A_232 = tpu.vector_load %arg15[%swap3A_230, %swap3A_231] {strides = array<i32>} : memref<32x128xf32, #tpu.memory_space<vmem>>, vector<1x16xf32>,
      %swap3A_233 = vector.shape_cast %swap3A_232 : vector<1x16xf32> to vector<16xf32>
      %swap3A_234 = vector.shape_cast %mul3A_229 : vector<16xf32> to vector<1x16xf32>
      tpu.vector_store %arg15[%swap3A_230, %swap3A_231], %swap3A_234 {strides = array<i32>} : memref<32x128xf32, #tpu.memory_space<vmem>>, vector<1x16xf32>,
      %mul3A_235 = arith.constant 1.000000e-01 : f32
      %mul3A_236 = vector.broadcast %mul3A_235 : f32 to vector<16xf32>
      %mul3A_237 = arith.mulf %scan3A_210#3, %mul3A_236 : vector<16xf32>
      %swap3A_238 = arith.index_cast %add3A_190 : i32 to index
      %swap3A_239 = arith.constant 48 : index
      %swap3A_240 = tpu.vector_load %arg15[%swap3A_238, %swap3A_239] {strides = array<i32>} : memref<32x128xf32, #tpu.memory_space<vmem>>, vector<1x16xf32>,
      %swap3A_241 = vector.shape_cast %swap3A_240 : vector<1x16xf32> to vector<16xf32>
      %swap3A_242 = vector.shape_cast %mul3A_237 : vector<16xf32> to vector<1x16xf32>
      tpu.vector_store %arg15[%swap3A_238, %swap3A_239], %swap3A_242 {strides = array<i32>} : memref<32x128xf32, #tpu.memory_space<vmem>>, vector<1x16xf32>,
      %mul3A_243 = arith.constant 1.000000e-01 : f32
      %mul3A_244 = vector.broadcast %mul3A_243 : f32 to vector<16xf32>
      %mul3A_245 = arith.mulf %scan3A_210#4, %mul3A_244 : vector<16xf32>
      %swap3A_246 = arith.index_cast %add3A_190 : i32 to index
      %swap3A_247 = arith.constant 64 : index
      %swap3A_248 = tpu.vector_load %arg15[%swap3A_246, %swap3A_247] {strides = array<i32>} : memref<32x128xf32, #tpu.memory_space<vmem>>, vector<1x16xf32>,
      %swap3A_249 = vector.shape_cast %swap3A_248 : vector<1x16xf32> to vector<16xf32>
      %swap3A_250 = vector.shape_cast %mul3A_245 : vector<16xf32> to vector<1x16xf32>
      tpu.vector_store %arg15[%swap3A_246, %swap3A_247], %swap3A_250 {strides = array<i32>} : memref<32x128xf32, #tpu.memory_space<vmem>>, vector<1x16xf32>,
      %mul3A_251 = arith.constant 1.000000e-01 : f32
      %mul3A_252 = vector.broadcast %mul3A_251 : f32 to vector<16xf32>
      %mul3A_253 = arith.mulf %scan3A_210#5, %mul3A_252 : vector<16xf32>
      %swap3A_254 = arith.index_cast %add3A_190 : i32 to index
      %swap3A_255 = arith.constant 80 : index
      %swap3A_256 = tpu.vector_load %arg15[%swap3A_254, %swap3A_255] {strides = array<i32>} : memref<32x128xf32, #tpu.memory_space<vmem>>, vector<1x16xf32>,
      %swap3A_257 = vector.shape_cast %swap3A_256 : vector<1x16xf32> to vector<16xf32>
      %swap3A_258 = vector.shape_cast %mul3A_253 : vector<16xf32> to vector<1x16xf32>
      tpu.vector_store %arg15[%swap3A_254, %swap3A_255], %swap3A_258 {strides = array<i32>} : memref<32x128xf32, #tpu.memory_space<vmem>>, vector<1x16xf32>,
      %mul3A_259 = arith.constant 1.000000e-01 : f32
      %mul3A_260 = vector.broadcast %mul3A_259 : f32 to vector<16xf32>
      %mul3A_261 = arith.mulf %scan3A_210#6, %mul3A_260 : vector<16xf32>
      %swap3A_262 = arith.index_cast %add3A_190 : i32 to index
      %swap3A_263 = arith.constant 96 : index
      %swap3A_264 = tpu.vector_load %arg15[%swap3A_262, %swap3A_263] {strides = array<i32>} : memref<32x128xf32, #tpu.memory_space<vmem>>, vector<1x16xf32>,
      %swap3A_265 = vector.shape_cast %swap3A_264 : vector<1x16xf32> to vector<16xf32>
      %swap3A_266 = vector.shape_cast %mul3A_261 : vector<16xf32> to vector<1x16xf32>
      tpu.vector_store %arg15[%swap3A_262, %swap3A_263], %swap3A_266 {strides = array<i32>} : memref<32x128xf32, #tpu.memory_space<vmem>>, vector<1x16xf32>,
      %mul3A_267 = arith.constant 1.000000e-01 : f32
      %mul3A_268 = vector.broadcast %mul3A_267 : f32 to vector<16xf32>
      %mul3A_269 = arith.mulf %scan3A_210#7, %mul3A_268 : vector<16xf32>
      %swap3A_270 = arith.index_cast %add3A_190 : i32 to index
      %swap3A_271 = arith.constant 112 : index
      %swap3A_272 = tpu.vector_load %arg15[%swap3A_270, %swap3A_271] {strides = array<i32>} : memref<32x128xf32, #tpu.memory_space<vmem>>, vector<1x16xf32>,
      %swap3A_273 = vector.shape_cast %swap3A_272 : vector<1x16xf32> to vector<16xf32>
      %swap3A_274 = vector.shape_cast %mul3A_269 : vector<16xf32> to vector<1x16xf32>
      tpu.vector_store %arg15[%swap3A_270, %swap3A_271], %swap3A_274 {strides = array<i32>} : memref<32x128xf32, #tpu.memory_space<vmem>>, vector<1x16xf32>,
    }
    %scan3A_143 = arith.constant 8 : i32
    %mul3A_144 = arith.constant 32 : i32
    %mul3A_145 = arith.muli %add3A, %mul3A_144 : i32
    "tpu.region"() ({
      %run_scoped3A = tpu.sem_alloc : memref<!tpu.dma_semaphore, #tpu.memory_space<semaphore_mem>>
      %dma_start3A_186 = arith.constant 0 : i32
      %dma_start3A_187 = tpu.memref_slice %arg7[%mul3A_145, %dma_start3A_186] : memref<1024x128xf32, #tpu.memory_space<hbm>> -> memref<32x128xf32, #tpu.memory_space<hbm>>
      %dma_start3A_188 = arith.constant 0 : i32
      %dma_start3A_189 = tpu.memref_slice %arg7[%mul3A_145, %dma_start3A_188] : memref<1024x128xf32, #tpu.memory_space<hbm>> -> memref<32x128xf32, #tpu.memory_space<hbm>>
      tpu.enqueue_dma source(%arg15 : memref<32x128xf32, #tpu.memory_space<vmem>>) target(%dma_start3A_189 : memref<32x128xf32, #tpu.memory_space<hbm>>) target_semaphore(%run_scoped3A : memref<!tpu.dma_semaphore, #tpu.memory_space<semaphore_mem>>)
      %dma_wait3A_190 = arith.constant 0 : i32
      %dma_wait3A_191 = tpu.memref_slice %arg7[%mul3A_145, %dma_wait3A_190] : memref<1024x128xf32, #tpu.memory_space<hbm>> -> memref<32x128xf32, #tpu.memory_space<hbm>>
      %dma_wait3A_192 = arith.constant 0 : i32
      %dma_wait3A_193 = tpu.memref_slice %arg7[%mul3A_145, %dma_wait3A_192] : memref<1024x128xf32, #tpu.memory_space<hbm>> -> memref<32x128xf32, #tpu.memory_space<hbm>>
      tpu.wait_dma2 semaphore(%run_scoped3A : memref<!tpu.dma_semaphore, #tpu.memory_space<semaphore_mem>>) src(%arg15 : memref<32x128xf32, #tpu.memory_space<vmem>>) dst(%dma_wait3A_193 : memref<32x128xf32, #tpu.memory_space<hbm>>)
      tpu.yield
    }) : () -> ()
    %scan3A_146 = arith.constant 0 : i32
    %scan3A_147 = arith.constant 0 : i32
    %scan3A_148 = arith.constant 20 : i32
    %scan3A_149 = arith.addi %scan3A_147, %scan3A_148 : i32
    %scan3A_150 = arith.constant 1 : i32
    scf.for %scan3A_186 = %scan3A_147 to %scan3A_149 step %scan3A_150  : i32 {
      %mul3A_187 = arith.constant 2 : i32
      %mul3A_188 = arith.muli %mul3A_187, %scan3A_186 : i32
      %add3A_189 = arith.constant 0 : i32
      %add3A_190 = arith.addi %mul3A_188, %add3A_189 : i32
      %mul3A_191 = arith.constant 200 : i32
      %mul3A_192 = arith.muli %add3A_190, %mul3A_191 : i32
      %add3A_193 = arith.constant 104 : i32
      %add3A_194 = arith.addi %mul3A_192, %add3A_193 : i32
      %dma_wait3A_195 = arith.constant 0 : i32
      %dma_wait3A_196 = arith.constant 0 : i32
      %dma_wait3A_197 = arith.constant 0 : i32
      %dma_wait3A_198 = tpu.memref_slice %arg16[%dma_wait3A_195, %dma_wait3A_196, %dma_wait3A_197] : memref<2x200x128xf32, #tpu.memory_space<vmem>> -> memref<1x200x128xf32, #tpu.memory_space<vmem>>
      %dma_wait3A_199 = tpu.memref_squeeze %dma_wait3A_198 : memref<1x200x128xf32, #tpu.memory_space<vmem>> -> memref<200x128xf32, #tpu.memory_space<vmem>>
      %dma_wait3A_200 = arith.constant 0 : i32
      %dma_wait3A_201 = arith.constant 0 : i32
      %dma_wait3A_202 = tpu.memref_slice %dma_wait3A_199[%dma_wait3A_200, %dma_wait3A_201] : memref<200x128xf32, #tpu.memory_space<vmem>> -> memref<104x128xf32, #tpu.memory_space<vmem>>
      %dma_wait3A_203 = tpu.memref_slice %arg12[%mul3A_192] : memref<8000xi32, #tpu.memory_space<vmem>> -> memref<104xi32, #tpu.memory_space<vmem>>
      %dma_wait3A_204 = arith.constant 0 : i32
      %dma_wait3A_205 = arith.constant 0 : i32
      %dma_wait3A_206 = tpu.memref_slice %arg2[%dma_wait3A_204, %dma_wait3A_205] : memref<100000x128xf32, #tpu.memory_space<hbm>> -> memref<100000x128xf32, #tpu.memory_space<hbm>>
      tpu.wait_indirect_dma semaphore(%arg19 : memref<!tpu.dma_semaphore, #tpu.memory_space<semaphore_mem>>) src(%dma_wait3A_206 : memref<100000x128xf32, #tpu.memory_space<hbm>>) dst(%dma_wait3A_202 : memref<104x128xf32, #tpu.memory_space<vmem>>)
      %dma_wait3A_207 = arith.constant 0 : i32
      %dma_wait3A_208 = arith.constant 0 : i32
      %dma_wait3A_209 = arith.constant 0 : i32
      %dma_wait3A_210 = tpu.memref_slice %arg16[%dma_wait3A_207, %dma_wait3A_208, %dma_wait3A_209] : memref<2x200x128xf32, #tpu.memory_space<vmem>> -> memref<1x200x128xf32, #tpu.memory_space<vmem>>
      %dma_wait3A_211 = tpu.memref_squeeze %dma_wait3A_210 : memref<1x200x128xf32, #tpu.memory_space<vmem>> -> memref<200x128xf32, #tpu.memory_space<vmem>>
      %dma_wait3A_212 = arith.constant 104 : i32
      %dma_wait3A_213 = arith.constant 0 : i32
      %dma_wait3A_214 = tpu.memref_slice %dma_wait3A_211[%dma_wait3A_212, %dma_wait3A_213] : memref<200x128xf32, #tpu.memory_space<vmem>> -> memref<96x128xf32, #tpu.memory_space<vmem>>
      %dma_wait3A_215 = tpu.memref_slice %arg12[%add3A_194] : memref<8000xi32, #tpu.memory_space<vmem>> -> memref<96xi32, #tpu.memory_space<vmem>>
      %dma_wait3A_216 = arith.constant 0 : i32
      %dma_wait3A_217 = arith.constant 0 : i32
      %dma_wait3A_218 = tpu.memref_slice %arg2[%dma_wait3A_216, %dma_wait3A_217] : memref<100000x128xf32, #tpu.memory_space<hbm>> -> memref<100000x128xf32, #tpu.memory_space<hbm>>
      tpu.wait_indirect_dma semaphore(%arg19 : memref<!tpu.dma_semaphore, #tpu.memory_space<semaphore_mem>>) src(%dma_wait3A_218 : memref<100000x128xf32, #tpu.memory_space<hbm>>) dst(%dma_wait3A_214 : memref<96x128xf32, #tpu.memory_space<vmem>>)
      %gt3A = arith.constant 0 : i32
      %gt3A_219 = arith.cmpi sgt, %scan3A_186, %gt3A : i32
      %convert_element_type3A = arith.extui %gt3A_219 : i1 to i32
      %cond3A = arith.constant 0 : i32
      %cond3A_220 = arith.cmpi ne, %convert_element_type3A, %cond3A : i32
      scf.if %cond3A_220 {
        %sub3A = arith.constant 2 : i32
        %sub3A_317 = arith.subi %add3A_190, %sub3A : i32
        %mul3A_318 = arith.constant 320 : i32
        %mul3A_319 = arith.muli %add3A, %mul3A_318 : i32
        %mul3A_320 = arith.constant 8 : i32
        %mul3A_321 = arith.muli %mul3A_320, %sub3A_317 : i32
        %add3A_322 = arith.addi %mul3A_319, %mul3A_321 : i32
        %dma_wait3A_323 = arith.constant 0 : i32
        %dma_wait3A_324 = arith.constant 0 : i32
        %dma_wait3A_325 = arith.constant 0 : i32
        %dma_wait3A_326 = tpu.memref_slice %arg17[%dma_wait3A_323, %dma_wait3A_324, %dma_wait3A_325] : memref<2x8x128xf32, #tpu.memory_space<vmem>> -> memref<1x8x128xf32, #tpu.memory_space<vmem>>
        %dma_wait3A_327 = tpu.memref_squeeze %dma_wait3A_326 : memref<1x8x128xf32, #tpu.memory_space<vmem>> -> memref<8x128xf32, #tpu.memory_space<vmem>>
        %dma_wait3A_328 = arith.constant 0 : i32
        %dma_wait3A_329 = tpu.memref_slice %arg9[%add3A_322, %dma_wait3A_328] : memref<10240x128xf32, #tpu.memory_space<hbm>> -> memref<8x128xf32, #tpu.memory_space<hbm>>
        %dma_wait3A_330 = arith.constant 0 : i32
        %dma_wait3A_331 = tpu.memref_slice %arg9[%add3A_322, %dma_wait3A_330] : memref<10240x128xf32, #tpu.memory_space<hbm>> -> memref<8x128xf32, #tpu.memory_space<hbm>>
        %dma_wait3A_332 = arith.constant 0 : i32
        %dma_wait3A_333 = arith.constant 0 : i32
        %dma_wait3A_334 = tpu.memref_slice %arg17[%dma_wait3A_323, %dma_wait3A_332, %dma_wait3A_333] : memref<2x8x128xf32, #tpu.memory_space<vmem>> -> memref<1x8x128xf32, #tpu.memory_space<vmem>>
        %dma_wait3A_335 = tpu.memref_squeeze %dma_wait3A_334 : memref<1x8x128xf32, #tpu.memory_space<vmem>> -> memref<8x128xf32, #tpu.memory_space<vmem>>
        tpu.wait_dma2 semaphore(%arg21 : memref<!tpu.dma_semaphore, #tpu.memory_space<semaphore_mem>>) src(%dma_wait3A_335 : memref<8x128xf32, #tpu.memory_space<vmem>>) dst(%dma_wait3A_331 : memref<8x128xf32, #tpu.memory_space<hbm>>)
      } else {
      }
      %scan3A_221 = arith.constant 0 : i32
      %scan3A_222 = arith.constant 0 : i32
      %scan3A_223 = arith.constant 0 : i32
      %scan3A_224 = arith.constant 8 : i32
      %scan3A_225 = arith.addi %scan3A_223, %scan3A_224 : i32
      %scan3A_226 = arith.constant 1 : i32
      scf.for %scan3A_317 = %scan3A_223 to %scan3A_225 step %scan3A_226  : i32 {
        %mul3A_318 = arith.constant 25 : i32
        %mul3A_319 = arith.muli %mul3A_318, %scan3A_317 : i32
        %broadcast_in_dim3A = arith.constant 0.000000e+00 : f32
        %broadcast_in_dim3A_320 = vector.broadcast %broadcast_in_dim3A : f32 to vector<16xf32>
        %broadcast_in_dim3A_321 = arith.constant 0.000000e+00 : f32
        %broadcast_in_dim3A_322 = vector.broadcast %broadcast_in_dim3A_321 : f32 to vector<16xf32>
        %broadcast_in_dim3A_323 = arith.constant 0.000000e+00 : f32
        %broadcast_in_dim3A_324 = vector.broadcast %broadcast_in_dim3A_323 : f32 to vector<16xf32>
        %broadcast_in_dim3A_325 = arith.constant 0.000000e+00 : f32
        %broadcast_in_dim3A_326 = vector.broadcast %broadcast_in_dim3A_325 : f32 to vector<16xf32>
        %broadcast_in_dim3A_327 = arith.constant 0.000000e+00 : f32
        %broadcast_in_dim3A_328 = vector.broadcast %broadcast_in_dim3A_327 : f32 to vector<16xf32>
        %broadcast_in_dim3A_329 = arith.constant 0.000000e+00 : f32
        %broadcast_in_dim3A_330 = vector.broadcast %broadcast_in_dim3A_329 : f32 to vector<16xf32>
        %broadcast_in_dim3A_331 = arith.constant 0.000000e+00 : f32
        %broadcast_in_dim3A_332 = vector.broadcast %broadcast_in_dim3A_331 : f32 to vector<16xf32>
        %broadcast_in_dim3A_333 = arith.constant 0.000000e+00 : f32
        %broadcast_in_dim3A_334 = vector.broadcast %broadcast_in_dim3A_333 : f32 to vector<16xf32>
        %scan3A_335 = arith.constant 0 : i32
        %scan3A_336 = arith.constant 5 : i32
        %scan3A_337 = arith.addi %scan3A_335, %scan3A_336 : i32
        %scan3A_338 = arith.constant 1 : i32
        %scan3A_339:8 = scf.for %scan3A_444 = %scan3A_335 to %scan3A_337 step %scan3A_338 iter_args(%scan3A_445 = %broadcast_in_dim3A_320, %scan3A_446 = %broadcast_in_dim3A_322, %scan3A_447 = %broadcast_in_dim3A_324, %scan3A_448 = %broadcast_in_dim3A_326, %scan3A_449 = %broadcast_in_dim3A_328, %scan3A_450 = %broadcast_in_dim3A_330, %scan3A_451 = %broadcast_in_dim3A_332, %scan3A_452 = %broadcast_in_dim3A_334) -> (vector<16xf32>, vector<16xf32>, vector<16xf32>, vector<16xf32>, vector<16xf32>, vector<16xf32>, vector<16xf32>, vector<16xf32>)  : i32 {
          %mul3A_453 = arith.constant 5 : i32
          %mul3A_454 = arith.muli %scan3A_444, %mul3A_453 : i32
          %add3A_455 = arith.addi %mul3A_319, %mul3A_454 : i32
          %add3A_456 = arith.constant 0 : i32
          %add3A_457 = arith.addi %add3A_455, %add3A_456 : i32
          %get3A = arith.constant 0 : i32
          %get3A_458 = arith.constant 0 : i32
          %get3A_459 = tpu.memref_slice %arg16[%scan3A_222, %get3A, %get3A_458] : memref<2x200x128xf32, #tpu.memory_space<vmem>> -> memref<1x200x128xf32, #tpu.memory_space<vmem>>
          %get3A_460 = tpu.memref_squeeze %get3A_459 : memref<1x200x128xf32, #tpu.memory_space<vmem>> -> memref<200x128xf32, #tpu.memory_space<vmem>>
          %get3A_461 = arith.index_cast %add3A_457 : i32 to index
          %get3A_462 = arith.constant 0 : index
          %get3A_463 = tpu.vector_load %get3A_460[%get3A_461, %get3A_462] {strides = array<i32>} : memref<200x128xf32, #tpu.memory_space<vmem>>, vector<1x16xf32>,
          %get3A_464 = vector.shape_cast %get3A_463 : vector<1x16xf32> to vector<16xf32>
          %add3A_465 = arith.addf %scan3A_445, %get3A_464 : vector<16xf32>
          %get3A_466 = arith.constant 0 : i32
          %get3A_467 = arith.constant 0 : i32
          %get3A_468 = tpu.memref_slice %arg16[%scan3A_222, %get3A_466, %get3A_467] : memref<2x200x128xf32, #tpu.memory_space<vmem>> -> memref<1x200x128xf32, #tpu.memory_space<vmem>>
          %get3A_469 = tpu.memref_squeeze %get3A_468 : memref<1x200x128xf32, #tpu.memory_space<vmem>> -> memref<200x128xf32, #tpu.memory_space<vmem>>
          %get3A_470 = arith.index_cast %add3A_457 : i32 to index
          %get3A_471 = arith.constant 16 : index
          %get3A_472 = tpu.vector_load %get3A_469[%get3A_470, %get3A_471] {strides = array<i32>} : memref<200x128xf32, #tpu.memory_space<vmem>>, vector<1x16xf32>,
          %get3A_473 = vector.shape_cast %get3A_472 : vector<1x16xf32> to vector<16xf32>
          %add3A_474 = arith.addf %scan3A_446, %get3A_473 : vector<16xf32>
          %get3A_475 = arith.constant 0 : i32
          %get3A_476 = arith.constant 0 : i32
          %get3A_477 = tpu.memref_slice %arg16[%scan3A_222, %get3A_475, %get3A_476] : memref<2x200x128xf32, #tpu.memory_space<vmem>> -> memref<1x200x128xf32, #tpu.memory_space<vmem>>
          %get3A_478 = tpu.memref_squeeze %get3A_477 : memref<1x200x128xf32, #tpu.memory_space<vmem>> -> memref<200x128xf32, #tpu.memory_space<vmem>>
          %get3A_479 = arith.index_cast %add3A_457 : i32 to index
          %get3A_480 = arith.constant 32 : index
          %get3A_481 = tpu.vector_load %get3A_478[%get3A_479, %get3A_480] {strides = array<i32>} : memref<200x128xf32, #tpu.memory_space<vmem>>, vector<1x16xf32>,
          %get3A_482 = vector.shape_cast %get3A_481 : vector<1x16xf32> to vector<16xf32>
          %add3A_483 = arith.addf %scan3A_447, %get3A_482 : vector<16xf32>
          %get3A_484 = arith.constant 0 : i32
          %get3A_485 = arith.constant 0 : i32
          %get3A_486 = tpu.memref_slice %arg16[%scan3A_222, %get3A_484, %get3A_485] : memref<2x200x128xf32, #tpu.memory_space<vmem>> -> memref<1x200x128xf32, #tpu.memory_space<vmem>>
          %get3A_487 = tpu.memref_squeeze %get3A_486 : memref<1x200x128xf32, #tpu.memory_space<vmem>> -> memref<200x128xf32, #tpu.memory_space<vmem>>
          %get3A_488 = arith.index_cast %add3A_457 : i32 to index
          %get3A_489 = arith.constant 48 : index
          %get3A_490 = tpu.vector_load %get3A_487[%get3A_488, %get3A_489] {strides = array<i32>} : memref<200x128xf32, #tpu.memory_space<vmem>>, vector<1x16xf32>,
          %get3A_491 = vector.shape_cast %get3A_490 : vector<1x16xf32> to vector<16xf32>
          %add3A_492 = arith.addf %scan3A_448, %get3A_491 : vector<16xf32>
          %get3A_493 = arith.constant 0 : i32
          %get3A_494 = arith.constant 0 : i32
          %get3A_495 = tpu.memref_slice %arg16[%scan3A_222, %get3A_493, %get3A_494] : memref<2x200x128xf32, #tpu.memory_space<vmem>> -> memref<1x200x128xf32, #tpu.memory_space<vmem>>
          %get3A_496 = tpu.memref_squeeze %get3A_495 : memref<1x200x128xf32, #tpu.memory_space<vmem>> -> memref<200x128xf32, #tpu.memory_space<vmem>>
          %get3A_497 = arith.index_cast %add3A_457 : i32 to index
          %get3A_498 = arith.constant 64 : index
          %get3A_499 = tpu.vector_load %get3A_496[%get3A_497, %get3A_498] {strides = array<i32>} : memref<200x128xf32, #tpu.memory_space<vmem>>, vector<1x16xf32>,
          %get3A_500 = vector.shape_cast %get3A_499 : vector<1x16xf32> to vector<16xf32>
          %add3A_501 = arith.addf %scan3A_449, %get3A_500 : vector<16xf32>
          %get3A_502 = arith.constant 0 : i32
          %get3A_503 = arith.constant 0 : i32
          %get3A_504 = tpu.memref_slice %arg16[%scan3A_222, %get3A_502, %get3A_503] : memref<2x200x128xf32, #tpu.memory_space<vmem>> -> memref<1x200x128xf32, #tpu.memory_space<vmem>>
          %get3A_505 = tpu.memref_squeeze %get3A_504 : memref<1x200x128xf32, #tpu.memory_space<vmem>> -> memref<200x128xf32, #tpu.memory_space<vmem>>
          %get3A_506 = arith.index_cast %add3A_457 : i32 to index
          %get3A_507 = arith.constant 80 : index
          %get3A_508 = tpu.vector_load %get3A_505[%get3A_506, %get3A_507] {strides = array<i32>} : memref<200x128xf32, #tpu.memory_space<vmem>>, vector<1x16xf32>,
          %get3A_509 = vector.shape_cast %get3A_508 : vector<1x16xf32> to vector<16xf32>
          %add3A_510 = arith.addf %scan3A_450, %get3A_509 : vector<16xf32>
          %get3A_511 = arith.constant 0 : i32
          %get3A_512 = arith.constant 0 : i32
          %get3A_513 = tpu.memref_slice %arg16[%scan3A_222, %get3A_511, %get3A_512] : memref<2x200x128xf32, #tpu.memory_space<vmem>> -> memref<1x200x128xf32, #tpu.memory_space<vmem>>
          %get3A_514 = tpu.memref_squeeze %get3A_513 : memref<1x200x128xf32, #tpu.memory_space<vmem>> -> memref<200x128xf32, #tpu.memory_space<vmem>>
          %get3A_515 = arith.index_cast %add3A_457 : i32 to index
          %get3A_516 = arith.constant 96 : index
          %get3A_517 = tpu.vector_load %get3A_514[%get3A_515, %get3A_516] {strides = array<i32>} : memref<200x128xf32, #tpu.memory_space<vmem>>, vector<1x16xf32>,
          %get3A_518 = vector.shape_cast %get3A_517 : vector<1x16xf32> to vector<16xf32>
          %add3A_519 = arith.addf %scan3A_451, %get3A_518 : vector<16xf32>
          %get3A_520 = arith.constant 0 : i32
          %get3A_521 = arith.constant 0 : i32
          %get3A_522 = tpu.memref_slice %arg16[%scan3A_222, %get3A_520, %get3A_521] : memref<2x200x128xf32, #tpu.memory_space<vmem>> -> memref<1x200x128xf32, #tpu.memory_space<vmem>>
          %get3A_523 = tpu.memref_squeeze %get3A_522 : memref<1x200x128xf32, #tpu.memory_space<vmem>> -> memref<200x128xf32, #tpu.memory_space<vmem>>
          %get3A_524 = arith.index_cast %add3A_457 : i32 to index
          %get3A_525 = arith.constant 112 : index
          %get3A_526 = tpu.vector_load %get3A_523[%get3A_524, %get3A_525] {strides = array<i32>} : memref<200x128xf32, #tpu.memory_space<vmem>>, vector<1x16xf32>,
          %get3A_527 = vector.shape_cast %get3A_526 : vector<1x16xf32> to vector<16xf32>
          %add3A_528 = arith.addf %scan3A_452, %get3A_527 : vector<16xf32>
          %mul3A_529 = arith.constant 5 : i32
          %mul3A_530 = arith.muli %scan3A_444, %mul3A_529 : i32
          %add3A_531 = arith.addi %mul3A_319, %mul3A_530 : i32
          %add3A_532 = arith.constant 1 : i32
          %add3A_533 = arith.addi %add3A_531, %add3A_532 : i32
          %get3A_534 = arith.constant 0 : i32
          %get3A_535 = arith.constant 0 : i32
          %get3A_536 = tpu.memref_slice %arg16[%scan3A_222, %get3A_534, %get3A_535] : memref<2x200x128xf32, #tpu.memory_space<vmem>> -> memref<1x200x128xf32, #tpu.memory_space<vmem>>
          %get3A_537 = tpu.memref_squeeze %get3A_536 : memref<1x200x128xf32, #tpu.memory_space<vmem>> -> memref<200x128xf32, #tpu.memory_space<vmem>>
          %get3A_538 = arith.index_cast %add3A_533 : i32 to index
          %get3A_539 = arith.constant 0 : index
          %get3A_540 = tpu.vector_load %get3A_537[%get3A_538, %get3A_539] {strides = array<i32>} : memref<200x128xf32, #tpu.memory_space<vmem>>, vector<1x16xf32>,
          %get3A_541 = vector.shape_cast %get3A_540 : vector<1x16xf32> to vector<16xf32>
          %add3A_542 = arith.addf %add3A_465, %get3A_541 : vector<16xf32>
          %get3A_543 = arith.constant 0 : i32
          %get3A_544 = arith.constant 0 : i32
          %get3A_545 = tpu.memref_slice %arg16[%scan3A_222, %get3A_543, %get3A_544] : memref<2x200x128xf32, #tpu.memory_space<vmem>> -> memref<1x200x128xf32, #tpu.memory_space<vmem>>
          %get3A_546 = tpu.memref_squeeze %get3A_545 : memref<1x200x128xf32, #tpu.memory_space<vmem>> -> memref<200x128xf32, #tpu.memory_space<vmem>>
          %get3A_547 = arith.index_cast %add3A_533 : i32 to index
          %get3A_548 = arith.constant 16 : index
          %get3A_549 = tpu.vector_load %get3A_546[%get3A_547, %get3A_548] {strides = array<i32>} : memref<200x128xf32, #tpu.memory_space<vmem>>, vector<1x16xf32>,
          %get3A_550 = vector.shape_cast %get3A_549 : vector<1x16xf32> to vector<16xf32>
          %add3A_551 = arith.addf %add3A_474, %get3A_550 : vector<16xf32>
          %get3A_552 = arith.constant 0 : i32
          %get3A_553 = arith.constant 0 : i32
          %get3A_554 = tpu.memref_slice %arg16[%scan3A_222, %get3A_552, %get3A_553] : memref<2x200x128xf32, #tpu.memory_space<vmem>> -> memref<1x200x128xf32, #tpu.memory_space<vmem>>
          %get3A_555 = tpu.memref_squeeze %get3A_554 : memref<1x200x128xf32, #tpu.memory_space<vmem>> -> memref<200x128xf32, #tpu.memory_space<vmem>>
          %get3A_556 = arith.index_cast %add3A_533 : i32 to index
          %get3A_557 = arith.constant 32 : index
          %get3A_558 = tpu.vector_load %get3A_555[%get3A_556, %get3A_557] {strides = array<i32>} : memref<200x128xf32, #tpu.memory_space<vmem>>, vector<1x16xf32>,
          %get3A_559 = vector.shape_cast %get3A_558 : vector<1x16xf32> to vector<16xf32>
          %add3A_560 = arith.addf %add3A_483, %get3A_559 : vector<16xf32>
          %get3A_561 = arith.constant 0 : i32
          %get3A_562 = arith.constant 0 : i32
          %get3A_563 = tpu.memref_slice %arg16[%scan3A_222, %get3A_561, %get3A_562] : memref<2x200x128xf32, #tpu.memory_space<vmem>> -> memref<1x200x128xf32, #tpu.memory_space<vmem>>
          %get3A_564 = tpu.memref_squeeze %get3A_563 : memref<1x200x128xf32, #tpu.memory_space<vmem>> -> memref<200x128xf32, #tpu.memory_space<vmem>>
          %get3A_565 = arith.index_cast %add3A_533 : i32 to index
          %get3A_566 = arith.constant 48 : index
          %get3A_567 = tpu.vector_load %get3A_564[%get3A_565, %get3A_566] {strides = array<i32>} : memref<200x128xf32, #tpu.memory_space<vmem>>, vector<1x16xf32>,
          %get3A_568 = vector.shape_cast %get3A_567 : vector<1x16xf32> to vector<16xf32>
          %add3A_569 = arith.addf %add3A_492, %get3A_568 : vector<16xf32>
          %get3A_570 = arith.constant 0 : i32
          %get3A_571 = arith.constant 0 : i32
          %get3A_572 = tpu.memref_slice %arg16[%scan3A_222, %get3A_570, %get3A_571] : memref<2x200x128xf32, #tpu.memory_space<vmem>> -> memref<1x200x128xf32, #tpu.memory_space<vmem>>
          %get3A_573 = tpu.memref_squeeze %get3A_572 : memref<1x200x128xf32, #tpu.memory_space<vmem>> -> memref<200x128xf32, #tpu.memory_space<vmem>>
          %get3A_574 = arith.index_cast %add3A_533 : i32 to index
          %get3A_575 = arith.constant 64 : index
          %get3A_576 = tpu.vector_load %get3A_573[%get3A_574, %get3A_575] {strides = array<i32>} : memref<200x128xf32, #tpu.memory_space<vmem>>, vector<1x16xf32>,
          %get3A_577 = vector.shape_cast %get3A_576 : vector<1x16xf32> to vector<16xf32>
          %add3A_578 = arith.addf %add3A_501, %get3A_577 : vector<16xf32>
          %get3A_579 = arith.constant 0 : i32
          %get3A_580 = arith.constant 0 : i32
          %get3A_581 = tpu.memref_slice %arg16[%scan3A_222, %get3A_579, %get3A_580] : memref<2x200x128xf32, #tpu.memory_space<vmem>> -> memref<1x200x128xf32, #tpu.memory_space<vmem>>
          %get3A_582 = tpu.memref_squeeze %get3A_581 : memref<1x200x128xf32, #tpu.memory_space<vmem>> -> memref<200x128xf32, #tpu.memory_space<vmem>>
          %get3A_583 = arith.index_cast %add3A_533 : i32 to index
          %get3A_584 = arith.constant 80 : index
          %get3A_585 = tpu.vector_load %get3A_582[%get3A_583, %get3A_584] {strides = array<i32>} : memref<200x128xf32, #tpu.memory_space<vmem>>, vector<1x16xf32>,
          %get3A_586 = vector.shape_cast %get3A_585 : vector<1x16xf32> to vector<16xf32>
          %add3A_587 = arith.addf %add3A_510, %get3A_586 : vector<16xf32>
          %get3A_588 = arith.constant 0 : i32
          %get3A_589 = arith.constant 0 : i32
          %get3A_590 = tpu.memref_slice %arg16[%scan3A_222, %get3A_588, %get3A_589] : memref<2x200x128xf32, #tpu.memory_space<vmem>> -> memref<1x200x128xf32, #tpu.memory_space<vmem>>
          %get3A_591 = tpu.memref_squeeze %get3A_590 : memref<1x200x128xf32, #tpu.memory_space<vmem>> -> memref<200x128xf32, #tpu.memory_space<vmem>>
          %get3A_592 = arith.index_cast %add3A_533 : i32 to index
          %get3A_593 = arith.constant 96 : index
          %get3A_594 = tpu.vector_load %get3A_591[%get3A_592, %get3A_593] {strides = array<i32>} : memref<200x128xf32, #tpu.memory_space<vmem>>, vector<1x16xf32>,
          %get3A_595 = vector.shape_cast %get3A_594 : vector<1x16xf32> to vector<16xf32>
          %add3A_596 = arith.addf %add3A_519, %get3A_595 : vector<16xf32>
          %get3A_597 = arith.constant 0 : i32
          %get3A_598 = arith.constant 0 : i32
          %get3A_599 = tpu.memref_slice %arg16[%scan3A_222, %get3A_597, %get3A_598] : memref<2x200x128xf32, #tpu.memory_space<vmem>> -> memref<1x200x128xf32, #tpu.memory_space<vmem>>
          %get3A_600 = tpu.memref_squeeze %get3A_599 : memref<1x200x128xf32, #tpu.memory_space<vmem>> -> memref<200x128xf32, #tpu.memory_space<vmem>>
          %get3A_601 = arith.index_cast %add3A_533 : i32 to index
          %get3A_602 = arith.constant 112 : index
          %get3A_603 = tpu.vector_load %get3A_600[%get3A_601, %get3A_602] {strides = array<i32>} : memref<200x128xf32, #tpu.memory_space<vmem>>, vector<1x16xf32>,
          %get3A_604 = vector.shape_cast %get3A_603 : vector<1x16xf32> to vector<16xf32>
          %add3A_605 = arith.addf %add3A_528, %get3A_604 : vector<16xf32>
          %mul3A_606 = arith.constant 5 : i32
          %mul3A_607 = arith.muli %scan3A_444, %mul3A_606 : i32
          %add3A_608 = arith.addi %mul3A_319, %mul3A_607 : i32
          %add3A_609 = arith.constant 2 : i32
          %add3A_610 = arith.addi %add3A_608, %add3A_609 : i32
          %get3A_611 = arith.constant 0 : i32
          %get3A_612 = arith.constant 0 : i32
          %get3A_613 = tpu.memref_slice %arg16[%scan3A_222, %get3A_611, %get3A_612] : memref<2x200x128xf32, #tpu.memory_space<vmem>> -> memref<1x200x128xf32, #tpu.memory_space<vmem>>
          %get3A_614 = tpu.memref_squeeze %get3A_613 : memref<1x200x128xf32, #tpu.memory_space<vmem>> -> memref<200x128xf32, #tpu.memory_space<vmem>>
          %get3A_615 = arith.index_cast %add3A_610 : i32 to index
          %get3A_616 = arith.constant 0 : index
          %get3A_617 = tpu.vector_load %get3A_614[%get3A_615, %get3A_616] {strides = array<i32>} : memref<200x128xf32, #tpu.memory_space<vmem>>, vector<1x16xf32>,
          %get3A_618 = vector.shape_cast %get3A_617 : vector<1x16xf32> to vector<16xf32>
          %add3A_619 = arith.addf %add3A_542, %get3A_618 : vector<16xf32>
          %get3A_620 = arith.constant 0 : i32
          %get3A_621 = arith.constant 0 : i32
          %get3A_622 = tpu.memref_slice %arg16[%scan3A_222, %get3A_620, %get3A_621] : memref<2x200x128xf32, #tpu.memory_space<vmem>> -> memref<1x200x128xf32, #tpu.memory_space<vmem>>
          %get3A_623 = tpu.memref_squeeze %get3A_622 : memref<1x200x128xf32, #tpu.memory_space<vmem>> -> memref<200x128xf32, #tpu.memory_space<vmem>>
          %get3A_624 = arith.index_cast %add3A_610 : i32 to index
          %get3A_625 = arith.constant 16 : index
          %get3A_626 = tpu.vector_load %get3A_623[%get3A_624, %get3A_625] {strides = array<i32>} : memref<200x128xf32, #tpu.memory_space<vmem>>, vector<1x16xf32>,
          %get3A_627 = vector.shape_cast %get3A_626 : vector<1x16xf32> to vector<16xf32>
          %add3A_628 = arith.addf %add3A_551, %get3A_627 : vector<16xf32>
          %get3A_629 = arith.constant 0 : i32
          %get3A_630 = arith.constant 0 : i32
          %get3A_631 = tpu.memref_slice %arg16[%scan3A_222, %get3A_629, %get3A_630] : memref<2x200x128xf32, #tpu.memory_space<vmem>> -> memref<1x200x128xf32, #tpu.memory_space<vmem>>
          %get3A_632 = tpu.memref_squeeze %get3A_631 : memref<1x200x128xf32, #tpu.memory_space<vmem>> -> memref<200x128xf32, #tpu.memory_space<vmem>>
          %get3A_633 = arith.index_cast %add3A_610 : i32 to index
          %get3A_634 = arith.constant 32 : index
          %get3A_635 = tpu.vector_load %get3A_632[%get3A_633, %get3A_634] {strides = array<i32>} : memref<200x128xf32, #tpu.memory_space<vmem>>, vector<1x16xf32>,
          %get3A_636 = vector.shape_cast %get3A_635 : vector<1x16xf32> to vector<16xf32>
          %add3A_637 = arith.addf %add3A_560, %get3A_636 : vector<16xf32>
          %get3A_638 = arith.constant 0 : i32
          %get3A_639 = arith.constant 0 : i32
          %get3A_640 = tpu.memref_slice %arg16[%scan3A_222, %get3A_638, %get3A_639] : memref<2x200x128xf32, #tpu.memory_space<vmem>> -> memref<1x200x128xf32, #tpu.memory_space<vmem>>
          %get3A_641 = tpu.memref_squeeze %get3A_640 : memref<1x200x128xf32, #tpu.memory_space<vmem>> -> memref<200x128xf32, #tpu.memory_space<vmem>>
          %get3A_642 = arith.index_cast %add3A_610 : i32 to index
          %get3A_643 = arith.constant 48 : index
          %get3A_644 = tpu.vector_load %get3A_641[%get3A_642, %get3A_643] {strides = array<i32>} : memref<200x128xf32, #tpu.memory_space<vmem>>, vector<1x16xf32>,
          %get3A_645 = vector.shape_cast %get3A_644 : vector<1x16xf32> to vector<16xf32>
          %add3A_646 = arith.addf %add3A_569, %get3A_645 : vector<16xf32>
          %get3A_647 = arith.constant 0 : i32
          %get3A_648 = arith.constant 0 : i32
          %get3A_649 = tpu.memref_slice %arg16[%scan3A_222, %get3A_647, %get3A_648] : memref<2x200x128xf32, #tpu.memory_space<vmem>> -> memref<1x200x128xf32, #tpu.memory_space<vmem>>
          %get3A_650 = tpu.memref_squeeze %get3A_649 : memref<1x200x128xf32, #tpu.memory_space<vmem>> -> memref<200x128xf32, #tpu.memory_space<vmem>>
          %get3A_651 = arith.index_cast %add3A_610 : i32 to index
          %get3A_652 = arith.constant 64 : index
          %get3A_653 = tpu.vector_load %get3A_650[%get3A_651, %get3A_652] {strides = array<i32>} : memref<200x128xf32, #tpu.memory_space<vmem>>, vector<1x16xf32>,
          %get3A_654 = vector.shape_cast %get3A_653 : vector<1x16xf32> to vector<16xf32>
          %add3A_655 = arith.addf %add3A_578, %get3A_654 : vector<16xf32>
          %get3A_656 = arith.constant 0 : i32
          %get3A_657 = arith.constant 0 : i32
          %get3A_658 = tpu.memref_slice %arg16[%scan3A_222, %get3A_656, %get3A_657] : memref<2x200x128xf32, #tpu.memory_space<vmem>> -> memref<1x200x128xf32, #tpu.memory_space<vmem>>
          %get3A_659 = tpu.memref_squeeze %get3A_658 : memref<1x200x128xf32, #tpu.memory_space<vmem>> -> memref<200x128xf32, #tpu.memory_space<vmem>>
          %get3A_660 = arith.index_cast %add3A_610 : i32 to index
          %get3A_661 = arith.constant 80 : index
          %get3A_662 = tpu.vector_load %get3A_659[%get3A_660, %get3A_661] {strides = array<i32>} : memref<200x128xf32, #tpu.memory_space<vmem>>, vector<1x16xf32>,
          %get3A_663 = vector.shape_cast %get3A_662 : vector<1x16xf32> to vector<16xf32>
          %add3A_664 = arith.addf %add3A_587, %get3A_663 : vector<16xf32>
          %get3A_665 = arith.constant 0 : i32
          %get3A_666 = arith.constant 0 : i32
          %get3A_667 = tpu.memref_slice %arg16[%scan3A_222, %get3A_665, %get3A_666] : memref<2x200x128xf32, #tpu.memory_space<vmem>> -> memref<1x200x128xf32, #tpu.memory_space<vmem>>
          %get3A_668 = tpu.memref_squeeze %get3A_667 : memref<1x200x128xf32, #tpu.memory_space<vmem>> -> memref<200x128xf32, #tpu.memory_space<vmem>>
          %get3A_669 = arith.index_cast %add3A_610 : i32 to index
          %get3A_670 = arith.constant 96 : index
          %get3A_671 = tpu.vector_load %get3A_668[%get3A_669, %get3A_670] {strides = array<i32>} : memref<200x128xf32, #tpu.memory_space<vmem>>, vector<1x16xf32>,
          %get3A_672 = vector.shape_cast %get3A_671 : vector<1x16xf32> to vector<16xf32>
          %add3A_673 = arith.addf %add3A_596, %get3A_672 : vector<16xf32>
          %get3A_674 = arith.constant 0 : i32
          %get3A_675 = arith.constant 0 : i32
          %get3A_676 = tpu.memref_slice %arg16[%scan3A_222, %get3A_674, %get3A_675] : memref<2x200x128xf32, #tpu.memory_space<vmem>> -> memref<1x200x128xf32, #tpu.memory_space<vmem>>
          %get3A_677 = tpu.memref_squeeze %get3A_676 : memref<1x200x128xf32, #tpu.memory_space<vmem>> -> memref<200x128xf32, #tpu.memory_space<vmem>>
          %get3A_678 = arith.index_cast %add3A_610 : i32 to index
          %get3A_679 = arith.constant 112 : index
          %get3A_680 = tpu.vector_load %get3A_677[%get3A_678, %get3A_679] {strides = array<i32>} : memref<200x128xf32, #tpu.memory_space<vmem>>, vector<1x16xf32>,
          %get3A_681 = vector.shape_cast %get3A_680 : vector<1x16xf32> to vector<16xf32>
          %add3A_682 = arith.addf %add3A_605, %get3A_681 : vector<16xf32>
          %mul3A_683 = arith.constant 5 : i32
          %mul3A_684 = arith.muli %scan3A_444, %mul3A_683 : i32
          %add3A_685 = arith.addi %mul3A_319, %mul3A_684 : i32
          %add3A_686 = arith.constant 3 : i32
          %add3A_687 = arith.addi %add3A_685, %add3A_686 : i32
          %get3A_688 = arith.constant 0 : i32
          %get3A_689 = arith.constant 0 : i32
          %get3A_690 = tpu.memref_slice %arg16[%scan3A_222, %get3A_688, %get3A_689] : memref<2x200x128xf32, #tpu.memory_space<vmem>> -> memref<1x200x128xf32, #tpu.memory_space<vmem>>
          %get3A_691 = tpu.memref_squeeze %get3A_690 : memref<1x200x128xf32, #tpu.memory_space<vmem>> -> memref<200x128xf32, #tpu.memory_space<vmem>>
          %get3A_692 = arith.index_cast %add3A_687 : i32 to index
          %get3A_693 = arith.constant 0 : index
          %get3A_694 = tpu.vector_load %get3A_691[%get3A_692, %get3A_693] {strides = array<i32>} : memref<200x128xf32, #tpu.memory_space<vmem>>, vector<1x16xf32>,
          %get3A_695 = vector.shape_cast %get3A_694 : vector<1x16xf32> to vector<16xf32>
          %add3A_696 = arith.addf %add3A_619, %get3A_695 : vector<16xf32>
          %get3A_697 = arith.constant 0 : i32
          %get3A_698 = arith.constant 0 : i32
          %get3A_699 = tpu.memref_slice %arg16[%scan3A_222, %get3A_697, %get3A_698] : memref<2x200x128xf32, #tpu.memory_space<vmem>> -> memref<1x200x128xf32, #tpu.memory_space<vmem>>
          %get3A_700 = tpu.memref_squeeze %get3A_699 : memref<1x200x128xf32, #tpu.memory_space<vmem>> -> memref<200x128xf32, #tpu.memory_space<vmem>>
          %get3A_701 = arith.index_cast %add3A_687 : i32 to index
          %get3A_702 = arith.constant 16 : index
          %get3A_703 = tpu.vector_load %get3A_700[%get3A_701, %get3A_702] {strides = array<i32>} : memref<200x128xf32, #tpu.memory_space<vmem>>, vector<1x16xf32>,
          %get3A_704 = vector.shape_cast %get3A_703 : vector<1x16xf32> to vector<16xf32>
          %add3A_705 = arith.addf %add3A_628, %get3A_704 : vector<16xf32>
          %get3A_706 = arith.constant 0 : i32
          %get3A_707 = arith.constant 0 : i32
          %get3A_708 = tpu.memref_slice %arg16[%scan3A_222, %get3A_706, %get3A_707] : memref<2x200x128xf32, #tpu.memory_space<vmem>> -> memref<1x200x128xf32, #tpu.memory_space<vmem>>
          %get3A_709 = tpu.memref_squeeze %get3A_708 : memref<1x200x128xf32, #tpu.memory_space<vmem>> -> memref<200x128xf32, #tpu.memory_space<vmem>>
          %get3A_710 = arith.index_cast %add3A_687 : i32 to index
          %get3A_711 = arith.constant 32 : index
          %get3A_712 = tpu.vector_load %get3A_709[%get3A_710, %get3A_711] {strides = array<i32>} : memref<200x128xf32, #tpu.memory_space<vmem>>, vector<1x16xf32>,
          %get3A_713 = vector.shape_cast %get3A_712 : vector<1x16xf32> to vector<16xf32>
          %add3A_714 = arith.addf %add3A_637, %get3A_713 : vector<16xf32>
          %get3A_715 = arith.constant 0 : i32
          %get3A_716 = arith.constant 0 : i32
          %get3A_717 = tpu.memref_slice %arg16[%scan3A_222, %get3A_715, %get3A_716] : memref<2x200x128xf32, #tpu.memory_space<vmem>> -> memref<1x200x128xf32, #tpu.memory_space<vmem>>
          %get3A_718 = tpu.memref_squeeze %get3A_717 : memref<1x200x128xf32, #tpu.memory_space<vmem>> -> memref<200x128xf32, #tpu.memory_space<vmem>>
          %get3A_719 = arith.index_cast %add3A_687 : i32 to index
          %get3A_720 = arith.constant 48 : index
          %get3A_721 = tpu.vector_load %get3A_718[%get3A_719, %get3A_720] {strides = array<i32>} : memref<200x128xf32, #tpu.memory_space<vmem>>, vector<1x16xf32>,
          %get3A_722 = vector.shape_cast %get3A_721 : vector<1x16xf32> to vector<16xf32>
          %add3A_723 = arith.addf %add3A_646, %get3A_722 : vector<16xf32>
          %get3A_724 = arith.constant 0 : i32
          %get3A_725 = arith.constant 0 : i32
          %get3A_726 = tpu.memref_slice %arg16[%scan3A_222, %get3A_724, %get3A_725] : memref<2x200x128xf32, #tpu.memory_space<vmem>> -> memref<1x200x128xf32, #tpu.memory_space<vmem>>
          %get3A_727 = tpu.memref_squeeze %get3A_726 : memref<1x200x128xf32, #tpu.memory_space<vmem>> -> memref<200x128xf32, #tpu.memory_space<vmem>>
          %get3A_728 = arith.index_cast %add3A_687 : i32 to index
          %get3A_729 = arith.constant 64 : index
          %get3A_730 = tpu.vector_load %get3A_727[%get3A_728, %get3A_729] {strides = array<i32>} : memref<200x128xf32, #tpu.memory_space<vmem>>, vector<1x16xf32>,
          %get3A_731 = vector.shape_cast %get3A_730 : vector<1x16xf32> to vector<16xf32>
          %add3A_732 = arith.addf %add3A_655, %get3A_731 : vector<16xf32>
          %get3A_733 = arith.constant 0 : i32
          %get3A_734 = arith.constant 0 : i32
          %get3A_735 = tpu.memref_slice %arg16[%scan3A_222, %get3A_733, %get3A_734] : memref<2x200x128xf32, #tpu.memory_space<vmem>> -> memref<1x200x128xf32, #tpu.memory_space<vmem>>
          %get3A_736 = tpu.memref_squeeze %get3A_735 : memref<1x200x128xf32, #tpu.memory_space<vmem>> -> memref<200x128xf32, #tpu.memory_space<vmem>>
          %get3A_737 = arith.index_cast %add3A_687 : i32 to index
          %get3A_738 = arith.constant 80 : index
          %get3A_739 = tpu.vector_load %get3A_736[%get3A_737, %get3A_738] {strides = array<i32>} : memref<200x128xf32, #tpu.memory_space<vmem>>, vector<1x16xf32>,
          %get3A_740 = vector.shape_cast %get3A_739 : vector<1x16xf32> to vector<16xf32>
          %add3A_741 = arith.addf %add3A_664, %get3A_740 : vector<16xf32>
          %get3A_742 = arith.constant 0 : i32
          %get3A_743 = arith.constant 0 : i32
          %get3A_744 = tpu.memref_slice %arg16[%scan3A_222, %get3A_742, %get3A_743] : memref<2x200x128xf32, #tpu.memory_space<vmem>> -> memref<1x200x128xf32, #tpu.memory_space<vmem>>
          %get3A_745 = tpu.memref_squeeze %get3A_744 : memref<1x200x128xf32, #tpu.memory_space<vmem>> -> memref<200x128xf32, #tpu.memory_space<vmem>>
          %get3A_746 = arith.index_cast %add3A_687 : i32 to index
          %get3A_747 = arith.constant 96 : index
          %get3A_748 = tpu.vector_load %get3A_745[%get3A_746, %get3A_747] {strides = array<i32>} : memref<200x128xf32, #tpu.memory_space<vmem>>, vector<1x16xf32>,
          %get3A_749 = vector.shape_cast %get3A_748 : vector<1x16xf32> to vector<16xf32>
          %add3A_750 = arith.addf %add3A_673, %get3A_749 : vector<16xf32>
          %get3A_751 = arith.constant 0 : i32
          %get3A_752 = arith.constant 0 : i32
          %get3A_753 = tpu.memref_slice %arg16[%scan3A_222, %get3A_751, %get3A_752] : memref<2x200x128xf32, #tpu.memory_space<vmem>> -> memref<1x200x128xf32, #tpu.memory_space<vmem>>
          %get3A_754 = tpu.memref_squeeze %get3A_753 : memref<1x200x128xf32, #tpu.memory_space<vmem>> -> memref<200x128xf32, #tpu.memory_space<vmem>>
          %get3A_755 = arith.index_cast %add3A_687 : i32 to index
          %get3A_756 = arith.constant 112 : index
          %get3A_757 = tpu.vector_load %get3A_754[%get3A_755, %get3A_756] {strides = array<i32>} : memref<200x128xf32, #tpu.memory_space<vmem>>, vector<1x16xf32>,
          %get3A_758 = vector.shape_cast %get3A_757 : vector<1x16xf32> to vector<16xf32>
          %add3A_759 = arith.addf %add3A_682, %get3A_758 : vector<16xf32>
          %mul3A_760 = arith.constant 5 : i32
          %mul3A_761 = arith.muli %scan3A_444, %mul3A_760 : i32
          %add3A_762 = arith.addi %mul3A_319, %mul3A_761 : i32
          %add3A_763 = arith.constant 4 : i32
          %add3A_764 = arith.addi %add3A_762, %add3A_763 : i32
          %get3A_765 = arith.constant 0 : i32
          %get3A_766 = arith.constant 0 : i32
          %get3A_767 = tpu.memref_slice %arg16[%scan3A_222, %get3A_765, %get3A_766] : memref<2x200x128xf32, #tpu.memory_space<vmem>> -> memref<1x200x128xf32, #tpu.memory_space<vmem>>
          %get3A_768 = tpu.memref_squeeze %get3A_767 : memref<1x200x128xf32, #tpu.memory_space<vmem>> -> memref<200x128xf32, #tpu.memory_space<vmem>>
          %get3A_769 = arith.index_cast %add3A_764 : i32 to index
          %get3A_770 = arith.constant 0 : index
          %get3A_771 = tpu.vector_load %get3A_768[%get3A_769, %get3A_770] {strides = array<i32>} : memref<200x128xf32, #tpu.memory_space<vmem>>, vector<1x16xf32>,
          %get3A_772 = vector.shape_cast %get3A_771 : vector<1x16xf32> to vector<16xf32>
          %add3A_773 = arith.addf %add3A_696, %get3A_772 : vector<16xf32>
          %get3A_774 = arith.constant 0 : i32
          %get3A_775 = arith.constant 0 : i32
          %get3A_776 = tpu.memref_slice %arg16[%scan3A_222, %get3A_774, %get3A_775] : memref<2x200x128xf32, #tpu.memory_space<vmem>> -> memref<1x200x128xf32, #tpu.memory_space<vmem>>
          %get3A_777 = tpu.memref_squeeze %get3A_776 : memref<1x200x128xf32, #tpu.memory_space<vmem>> -> memref<200x128xf32, #tpu.memory_space<vmem>>
          %get3A_778 = arith.index_cast %add3A_764 : i32 to index
          %get3A_779 = arith.constant 16 : index
          %get3A_780 = tpu.vector_load %get3A_777[%get3A_778, %get3A_779] {strides = array<i32>} : memref<200x128xf32, #tpu.memory_space<vmem>>, vector<1x16xf32>,
          %get3A_781 = vector.shape_cast %get3A_780 : vector<1x16xf32> to vector<16xf32>
          %add3A_782 = arith.addf %add3A_705, %get3A_781 : vector<16xf32>
          %get3A_783 = arith.constant 0 : i32
          %get3A_784 = arith.constant 0 : i32
          %get3A_785 = tpu.memref_slice %arg16[%scan3A_222, %get3A_783, %get3A_784] : memref<2x200x128xf32, #tpu.memory_space<vmem>> -> memref<1x200x128xf32, #tpu.memory_space<vmem>>
          %get3A_786 = tpu.memref_squeeze %get3A_785 : memref<1x200x128xf32, #tpu.memory_space<vmem>> -> memref<200x128xf32, #tpu.memory_space<vmem>>
          %get3A_787 = arith.index_cast %add3A_764 : i32 to index
          %get3A_788 = arith.constant 32 : index
          %get3A_789 = tpu.vector_load %get3A_786[%get3A_787, %get3A_788] {strides = array<i32>} : memref<200x128xf32, #tpu.memory_space<vmem>>, vector<1x16xf32>,
          %get3A_790 = vector.shape_cast %get3A_789 : vector<1x16xf32> to vector<16xf32>
          %add3A_791 = arith.addf %add3A_714, %get3A_790 : vector<16xf32>
          %get3A_792 = arith.constant 0 : i32
          %get3A_793 = arith.constant 0 : i32
          %get3A_794 = tpu.memref_slice %arg16[%scan3A_222, %get3A_792, %get3A_793] : memref<2x200x128xf32, #tpu.memory_space<vmem>> -> memref<1x200x128xf32, #tpu.memory_space<vmem>>
          %get3A_795 = tpu.memref_squeeze %get3A_794 : memref<1x200x128xf32, #tpu.memory_space<vmem>> -> memref<200x128xf32, #tpu.memory_space<vmem>>
          %get3A_796 = arith.index_cast %add3A_764 : i32 to index
          %get3A_797 = arith.constant 48 : index
          %get3A_798 = tpu.vector_load %get3A_795[%get3A_796, %get3A_797] {strides = array<i32>} : memref<200x128xf32, #tpu.memory_space<vmem>>, vector<1x16xf32>,
          %get3A_799 = vector.shape_cast %get3A_798 : vector<1x16xf32> to vector<16xf32>
          %add3A_800 = arith.addf %add3A_723, %get3A_799 : vector<16xf32>
          %get3A_801 = arith.constant 0 : i32
          %get3A_802 = arith.constant 0 : i32
          %get3A_803 = tpu.memref_slice %arg16[%scan3A_222, %get3A_801, %get3A_802] : memref<2x200x128xf32, #tpu.memory_space<vmem>> -> memref<1x200x128xf32, #tpu.memory_space<vmem>>
          %get3A_804 = tpu.memref_squeeze %get3A_803 : memref<1x200x128xf32, #tpu.memory_space<vmem>> -> memref<200x128xf32, #tpu.memory_space<vmem>>
          %get3A_805 = arith.index_cast %add3A_764 : i32 to index
          %get3A_806 = arith.constant 64 : index
          %get3A_807 = tpu.vector_load %get3A_804[%get3A_805, %get3A_806] {strides = array<i32>} : memref<200x128xf32, #tpu.memory_space<vmem>>, vector<1x16xf32>,
          %get3A_808 = vector.shape_cast %get3A_807 : vector<1x16xf32> to vector<16xf32>
          %add3A_809 = arith.addf %add3A_732, %get3A_808 : vector<16xf32>
          %get3A_810 = arith.constant 0 : i32
          %get3A_811 = arith.constant 0 : i32
          %get3A_812 = tpu.memref_slice %arg16[%scan3A_222, %get3A_810, %get3A_811] : memref<2x200x128xf32, #tpu.memory_space<vmem>> -> memref<1x200x128xf32, #tpu.memory_space<vmem>>
          %get3A_813 = tpu.memref_squeeze %get3A_812 : memref<1x200x128xf32, #tpu.memory_space<vmem>> -> memref<200x128xf32, #tpu.memory_space<vmem>>
          %get3A_814 = arith.index_cast %add3A_764 : i32 to index
          %get3A_815 = arith.constant 80 : index
          %get3A_816 = tpu.vector_load %get3A_813[%get3A_814, %get3A_815] {strides = array<i32>} : memref<200x128xf32, #tpu.memory_space<vmem>>, vector<1x16xf32>,
          %get3A_817 = vector.shape_cast %get3A_816 : vector<1x16xf32> to vector<16xf32>
          %add3A_818 = arith.addf %add3A_741, %get3A_817 : vector<16xf32>
          %get3A_819 = arith.constant 0 : i32
          %get3A_820 = arith.constant 0 : i32
          %get3A_821 = tpu.memref_slice %arg16[%scan3A_222, %get3A_819, %get3A_820] : memref<2x200x128xf32, #tpu.memory_space<vmem>> -> memref<1x200x128xf32, #tpu.memory_space<vmem>>
          %get3A_822 = tpu.memref_squeeze %get3A_821 : memref<1x200x128xf32, #tpu.memory_space<vmem>> -> memref<200x128xf32, #tpu.memory_space<vmem>>
          %get3A_823 = arith.index_cast %add3A_764 : i32 to index
          %get3A_824 = arith.constant 96 : index
          %get3A_825 = tpu.vector_load %get3A_822[%get3A_823, %get3A_824] {strides = array<i32>} : memref<200x128xf32, #tpu.memory_space<vmem>>, vector<1x16xf32>,
          %get3A_826 = vector.shape_cast %get3A_825 : vector<1x16xf32> to vector<16xf32>
          %add3A_827 = arith.addf %add3A_750, %get3A_826 : vector<16xf32>
          %get3A_828 = arith.constant 0 : i32
          %get3A_829 = arith.constant 0 : i32
          %get3A_830 = tpu.memref_slice %arg16[%scan3A_222, %get3A_828, %get3A_829] : memref<2x200x128xf32, #tpu.memory_space<vmem>> -> memref<1x200x128xf32, #tpu.memory_space<vmem>>
          %get3A_831 = tpu.memref_squeeze %get3A_830 : memref<1x200x128xf32, #tpu.memory_space<vmem>> -> memref<200x128xf32, #tpu.memory_space<vmem>>
          %get3A_832 = arith.index_cast %add3A_764 : i32 to index
          %get3A_833 = arith.constant 112 : index
          %get3A_834 = tpu.vector_load %get3A_831[%get3A_832, %get3A_833] {strides = array<i32>} : memref<200x128xf32, #tpu.memory_space<vmem>>, vector<1x16xf32>,
          %get3A_835 = vector.shape_cast %get3A_834 : vector<1x16xf32> to vector<16xf32>
          %add3A_836 = arith.addf %add3A_759, %get3A_835 : vector<16xf32>
          scf.yield %add3A_773, %add3A_782, %add3A_791, %add3A_800, %add3A_809, %add3A_818, %add3A_827, %add3A_836 : vector<16xf32>, vector<16xf32>, vector<16xf32>, vector<16xf32>, vector<16xf32>, vector<16xf32>, vector<16xf32>, vector<16xf32>
        }
        %scan3A_340 = arith.constant 5 : i32
        %mul3A_341 = arith.constant 4.000000e-02 : f32
        %mul3A_342 = vector.broadcast %mul3A_341 : f32 to vector<16xf32>
        %mul3A_343 = arith.mulf %scan3A_339#0, %mul3A_342 : vector<16xf32>
        %swap3A = arith.constant 0 : i32
        %swap3A_344 = arith.constant 0 : i32
        %swap3A_345 = arith.constant 0 : i32
        %swap3A_346 = tpu.memref_slice %arg17[%swap3A, %swap3A_344, %swap3A_345] : memref<2x8x128xf32, #tpu.memory_space<vmem>> -> memref<1x8x128xf32, #tpu.memory_space<vmem>>
        %swap3A_347 = tpu.memref_squeeze %swap3A_346 : memref<1x8x128xf32, #tpu.memory_space<vmem>> -> memref<8x128xf32, #tpu.memory_space<vmem>>
        %swap3A_348 = arith.index_cast %scan3A_317 : i32 to index
        %swap3A_349 = arith.constant 0 : index
        %swap3A_350 = tpu.vector_load %swap3A_347[%swap3A_348, %swap3A_349] {strides = array<i32>} : memref<8x128xf32, #tpu.memory_space<vmem>>, vector<1x16xf32>,
        %swap3A_351 = vector.shape_cast %swap3A_350 : vector<1x16xf32> to vector<16xf32>
        %swap3A_352 = vector.shape_cast %mul3A_343 : vector<16xf32> to vector<1x16xf32>
        tpu.vector_store %swap3A_347[%swap3A_348, %swap3A_349], %swap3A_352 {strides = array<i32>} : memref<8x128xf32, #tpu.memory_space<vmem>>, vector<1x16xf32>,
        %mul3A_353 = arith.constant 4.000000e-02 : f32
        %mul3A_354 = vector.broadcast %mul3A_353 : f32 to vector<16xf32>
        %mul3A_355 = arith.mulf %scan3A_339#1, %mul3A_354 : vector<16xf32>
        %swap3A_356 = arith.constant 0 : i32
        %swap3A_357 = arith.constant 0 : i32
        %swap3A_358 = arith.constant 0 : i32
        %swap3A_359 = tpu.memref_slice %arg17[%swap3A_356, %swap3A_357, %swap3A_358] : memref<2x8x128xf32, #tpu.memory_space<vmem>> -> memref<1x8x128xf32, #tpu.memory_space<vmem>>
        %swap3A_360 = tpu.memref_squeeze %swap3A_359 : memref<1x8x128xf32, #tpu.memory_space<vmem>> -> memref<8x128xf32, #tpu.memory_space<vmem>>
        %swap3A_361 = arith.index_cast %scan3A_317 : i32 to index
        %swap3A_362 = arith.constant 16 : index
        %swap3A_363 = tpu.vector_load %swap3A_360[%swap3A_361, %swap3A_362] {strides = array<i32>} : memref<8x128xf32, #tpu.memory_space<vmem>>, vector<1x16xf32>,
        %swap3A_364 = vector.shape_cast %swap3A_363 : vector<1x16xf32> to vector<16xf32>
        %swap3A_365 = vector.shape_cast %mul3A_355 : vector<16xf32> to vector<1x16xf32>
        tpu.vector_store %swap3A_360[%swap3A_361, %swap3A_362], %swap3A_365 {strides = array<i32>} : memref<8x128xf32, #tpu.memory_space<vmem>>, vector<1x16xf32>,
        %mul3A_366 = arith.constant 4.000000e-02 : f32
        %mul3A_367 = vector.broadcast %mul3A_366 : f32 to vector<16xf32>
        %mul3A_368 = arith.mulf %scan3A_339#2, %mul3A_367 : vector<16xf32>
        %swap3A_369 = arith.constant 0 : i32
        %swap3A_370 = arith.constant 0 : i32
        %swap3A_371 = arith.constant 0 : i32
        %swap3A_372 = tpu.memref_slice %arg17[%swap3A_369, %swap3A_370, %swap3A_371] : memref<2x8x128xf32, #tpu.memory_space<vmem>> -> memref<1x8x128xf32, #tpu.memory_space<vmem>>
        %swap3A_373 = tpu.memref_squeeze %swap3A_372 : memref<1x8x128xf32, #tpu.memory_space<vmem>> -> memref<8x128xf32, #tpu.memory_space<vmem>>
        %swap3A_374 = arith.index_cast %scan3A_317 : i32 to index
        %swap3A_375 = arith.constant 32 : index
        %swap3A_376 = tpu.vector_load %swap3A_373[%swap3A_374, %swap3A_375] {strides = array<i32>} : memref<8x128xf32, #tpu.memory_space<vmem>>, vector<1x16xf32>,
        %swap3A_377 = vector.shape_cast %swap3A_376 : vector<1x16xf32> to vector<16xf32>
        %swap3A_378 = vector.shape_cast %mul3A_368 : vector<16xf32> to vector<1x16xf32>
        tpu.vector_store %swap3A_373[%swap3A_374, %swap3A_375], %swap3A_378 {strides = array<i32>} : memref<8x128xf32, #tpu.memory_space<vmem>>, vector<1x16xf32>,
        %mul3A_379 = arith.constant 4.000000e-02 : f32
        %mul3A_380 = vector.broadcast %mul3A_379 : f32 to vector<16xf32>
        %mul3A_381 = arith.mulf %scan3A_339#3, %mul3A_380 : vector<16xf32>
        %swap3A_382 = arith.constant 0 : i32
        %swap3A_383 = arith.constant 0 : i32
        %swap3A_384 = arith.constant 0 : i32
        %swap3A_385 = tpu.memref_slice %arg17[%swap3A_382, %swap3A_383, %swap3A_384] : memref<2x8x128xf32, #tpu.memory_space<vmem>> -> memref<1x8x128xf32, #tpu.memory_space<vmem>>
        %swap3A_386 = tpu.memref_squeeze %swap3A_385 : memref<1x8x128xf32, #tpu.memory_space<vmem>> -> memref<8x128xf32, #tpu.memory_space<vmem>>
        %swap3A_387 = arith.index_cast %scan3A_317 : i32 to index
        %swap3A_388 = arith.constant 48 : index
        %swap3A_389 = tpu.vector_load %swap3A_386[%swap3A_387, %swap3A_388] {strides = array<i32>} : memref<8x128xf32, #tpu.memory_space<vmem>>, vector<1x16xf32>,
        %swap3A_390 = vector.shape_cast %swap3A_389 : vector<1x16xf32> to vector<16xf32>
        %swap3A_391 = vector.shape_cast %mul3A_381 : vector<16xf32> to vector<1x16xf32>
        tpu.vector_store %swap3A_386[%swap3A_387, %swap3A_388], %swap3A_391 {strides = array<i32>} : memref<8x128xf32, #tpu.memory_space<vmem>>, vector<1x16xf32>,
        %mul3A_392 = arith.constant 4.000000e-02 : f32
        %mul3A_393 = vector.broadcast %mul3A_392 : f32 to vector<16xf32>
        %mul3A_394 = arith.mulf %scan3A_339#4, %mul3A_393 : vector<16xf32>
        %swap3A_395 = arith.constant 0 : i32
        %swap3A_396 = arith.constant 0 : i32
        %swap3A_397 = arith.constant 0 : i32
        %swap3A_398 = tpu.memref_slice %arg17[%swap3A_395, %swap3A_396, %swap3A_397] : memref<2x8x128xf32, #tpu.memory_space<vmem>> -> memref<1x8x128xf32, #tpu.memory_space<vmem>>
        %swap3A_399 = tpu.memref_squeeze %swap3A_398 : memref<1x8x128xf32, #tpu.memory_space<vmem>> -> memref<8x128xf32, #tpu.memory_space<vmem>>
        %swap3A_400 = arith.index_cast %scan3A_317 : i32 to index
        %swap3A_401 = arith.constant 64 : index
        %swap3A_402 = tpu.vector_load %swap3A_399[%swap3A_400, %swap3A_401] {strides = array<i32>} : memref<8x128xf32, #tpu.memory_space<vmem>>, vector<1x16xf32>,
        %swap3A_403 = vector.shape_cast %swap3A_402 : vector<1x16xf32> to vector<16xf32>
        %swap3A_404 = vector.shape_cast %mul3A_394 : vector<16xf32> to vector<1x16xf32>
        tpu.vector_store %swap3A_399[%swap3A_400, %swap3A_401], %swap3A_404 {strides = array<i32>} : memref<8x128xf32, #tpu.memory_space<vmem>>, vector<1x16xf32>,
        %mul3A_405 = arith.constant 4.000000e-02 : f32
        %mul3A_406 = vector.broadcast %mul3A_405 : f32 to vector<16xf32>
        %mul3A_407 = arith.mulf %scan3A_339#5, %mul3A_406 : vector<16xf32>
        %swap3A_408 = arith.constant 0 : i32
        %swap3A_409 = arith.constant 0 : i32
        %swap3A_410 = arith.constant 0 : i32
        %swap3A_411 = tpu.memref_slice %arg17[%swap3A_408, %swap3A_409, %swap3A_410] : memref<2x8x128xf32, #tpu.memory_space<vmem>> -> memref<1x8x128xf32, #tpu.memory_space<vmem>>
        %swap3A_412 = tpu.memref_squeeze %swap3A_411 : memref<1x8x128xf32, #tpu.memory_space<vmem>> -> memref<8x128xf32, #tpu.memory_space<vmem>>
        %swap3A_413 = arith.index_cast %scan3A_317 : i32 to index
        %swap3A_414 = arith.constant 80 : index
        %swap3A_415 = tpu.vector_load %swap3A_412[%swap3A_413, %swap3A_414] {strides = array<i32>} : memref<8x128xf32, #tpu.memory_space<vmem>>, vector<1x16xf32>,
        %swap3A_416 = vector.shape_cast %swap3A_415 : vector<1x16xf32> to vector<16xf32>
        %swap3A_417 = vector.shape_cast %mul3A_407 : vector<16xf32> to vector<1x16xf32>
        tpu.vector_store %swap3A_412[%swap3A_413, %swap3A_414], %swap3A_417 {strides = array<i32>} : memref<8x128xf32, #tpu.memory_space<vmem>>, vector<1x16xf32>,
        %mul3A_418 = arith.constant 4.000000e-02 : f32
        %mul3A_419 = vector.broadcast %mul3A_418 : f32 to vector<16xf32>
        %mul3A_420 = arith.mulf %scan3A_339#6, %mul3A_419 : vector<16xf32>
        %swap3A_421 = arith.constant 0 : i32
        %swap3A_422 = arith.constant 0 : i32
        %swap3A_423 = arith.constant 0 : i32
        %swap3A_424 = tpu.memref_slice %arg17[%swap3A_421, %swap3A_422, %swap3A_423] : memref<2x8x128xf32, #tpu.memory_space<vmem>> -> memref<1x8x128xf32, #tpu.memory_space<vmem>>
        %swap3A_425 = tpu.memref_squeeze %swap3A_424 : memref<1x8x128xf32, #tpu.memory_space<vmem>> -> memref<8x128xf32, #tpu.memory_space<vmem>>
        %swap3A_426 = arith.index_cast %scan3A_317 : i32 to index
        %swap3A_427 = arith.constant 96 : index
        %swap3A_428 = tpu.vector_load %swap3A_425[%swap3A_426, %swap3A_427] {strides = array<i32>} : memref<8x128xf32, #tpu.memory_space<vmem>>, vector<1x16xf32>,
        %swap3A_429 = vector.shape_cast %swap3A_428 : vector<1x16xf32> to vector<16xf32>
        %swap3A_430 = vector.shape_cast %mul3A_420 : vector<16xf32> to vector<1x16xf32>
        tpu.vector_store %swap3A_425[%swap3A_426, %swap3A_427], %swap3A_430 {strides = array<i32>} : memref<8x128xf32, #tpu.memory_space<vmem>>, vector<1x16xf32>,
        %mul3A_431 = arith.constant 4.000000e-02 : f32
        %mul3A_432 = vector.broadcast %mul3A_431 : f32 to vector<16xf32>
        %mul3A_433 = arith.mulf %scan3A_339#7, %mul3A_432 : vector<16xf32>
        %swap3A_434 = arith.constant 0 : i32
        %swap3A_435 = arith.constant 0 : i32
        %swap3A_436 = arith.constant 0 : i32
        %swap3A_437 = tpu.memref_slice %arg17[%swap3A_434, %swap3A_435, %swap3A_436] : memref<2x8x128xf32, #tpu.memory_space<vmem>> -> memref<1x8x128xf32, #tpu.memory_space<vmem>>
        %swap3A_438 = tpu.memref_squeeze %swap3A_437 : memref<1x8x128xf32, #tpu.memory_space<vmem>> -> memref<8x128xf32, #tpu.memory_space<vmem>>
        %swap3A_439 = arith.index_cast %scan3A_317 : i32 to index
        %swap3A_440 = arith.constant 112 : index
        %swap3A_441 = tpu.vector_load %swap3A_438[%swap3A_439, %swap3A_440] {strides = array<i32>} : memref<8x128xf32, #tpu.memory_space<vmem>>, vector<1x16xf32>,
        %swap3A_442 = vector.shape_cast %swap3A_441 : vector<1x16xf32> to vector<16xf32>
        %swap3A_443 = vector.shape_cast %mul3A_433 : vector<16xf32> to vector<1x16xf32>
        tpu.vector_store %swap3A_438[%swap3A_439, %swap3A_440], %swap3A_443 {strides = array<i32>} : memref<8x128xf32, #tpu.memory_space<vmem>>, vector<1x16xf32>,
      }
      %scan3A_227 = arith.constant 8 : i32
      %mul3A_228 = arith.constant 320 : i32
      %mul3A_229 = arith.muli %add3A, %mul3A_228 : i32
      %mul3A_230 = arith.constant 8 : i32
      %mul3A_231 = arith.muli %mul3A_230, %add3A_190 : i32
      %add3A_232 = arith.addi %mul3A_229, %mul3A_231 : i32
      %dma_start3A_233 = arith.constant 0 : i32
      %dma_start3A_234 = arith.constant 0 : i32
      %dma_start3A_235 = arith.constant 0 : i32
      %dma_start3A_236 = tpu.memref_slice %arg17[%dma_start3A_233, %dma_start3A_234, %dma_start3A_235] : memref<2x8x128xf32, #tpu.memory_space<vmem>> -> memref<1x8x128xf32, #tpu.memory_space<vmem>>
      %dma_start3A_237 = tpu.memref_squeeze %dma_start3A_236 : memref<1x8x128xf32, #tpu.memory_space<vmem>> -> memref<8x128xf32, #tpu.memory_space<vmem>>
      %dma_start3A_238 = arith.constant 0 : i32
      %dma_start3A_239 = tpu.memref_slice %arg9[%add3A_232, %dma_start3A_238] : memref<10240x128xf32, #tpu.memory_space<hbm>> -> memref<8x128xf32, #tpu.memory_space<hbm>>
      %dma_start3A_240 = arith.constant 0 : i32
      %dma_start3A_241 = tpu.memref_slice %arg9[%add3A_232, %dma_start3A_240] : memref<10240x128xf32, #tpu.memory_space<hbm>> -> memref<8x128xf32, #tpu.memory_space<hbm>>
      %dma_start3A_242 = arith.constant 0 : i32
      %dma_start3A_243 = arith.constant 0 : i32
      %dma_start3A_244 = tpu.memref_slice %arg17[%dma_start3A_233, %dma_start3A_242, %dma_start3A_243] : memref<2x8x128xf32, #tpu.memory_space<vmem>> -> memref<1x8x128xf32, #tpu.memory_space<vmem>>
      %dma_start3A_245 = tpu.memref_squeeze %dma_start3A_244 : memref<1x8x128xf32, #tpu.memory_space<vmem>> -> memref<8x128xf32, #tpu.memory_space<vmem>>
      tpu.enqueue_dma source(%dma_start3A_245 : memref<8x128xf32, #tpu.memory_space<vmem>>) target(%dma_start3A_241 : memref<8x128xf32, #tpu.memory_space<hbm>>) target_semaphore(%arg21 : memref<!tpu.dma_semaphore, #tpu.memory_space<semaphore_mem>>)
      %lt3A = arith.constant 19 : i32
      %lt3A_246 = arith.cmpi slt, %scan3A_186, %lt3A : i32
      %convert_element_type3A_247 = arith.extui %lt3A_246 : i1 to i32
      %cond3A_248 = arith.constant 0 : i32
      %cond3A_249 = arith.cmpi ne, %convert_element_type3A_247, %cond3A_248 : i32
      scf.if %cond3A_249 {
        %add3A_317 = arith.constant 2 : i32
        %add3A_318 = arith.addi %add3A_190, %add3A_317 : i32
        %mul3A_319 = arith.constant 200 : i32
        %mul3A_320 = arith.muli %add3A_318, %mul3A_319 : i32
        %add3A_321 = arith.constant 104 : i32
        %add3A_322 = arith.addi %mul3A_320, %add3A_321 : i32
        %dma_start3A_323 = arith.constant 0 : i32
        %dma_start3A_324 = arith.constant 0 : i32
        %dma_start3A_325 = arith.constant 0 : i32
        %dma_start3A_326 = tpu.memref_slice %arg16[%dma_start3A_323, %dma_start3A_324, %dma_start3A_325] : memref<2x200x128xf32, #tpu.memory_space<vmem>> -> memref<1x200x128xf32, #tpu.memory_space<vmem>>
        %dma_start3A_327 = tpu.memref_squeeze %dma_start3A_326 : memref<1x200x128xf32, #tpu.memory_space<vmem>> -> memref<200x128xf32, #tpu.memory_space<vmem>>
        %dma_start3A_328 = arith.constant 0 : i32
        %dma_start3A_329 = arith.constant 0 : i32
        %dma_start3A_330 = tpu.memref_slice %dma_start3A_327[%dma_start3A_328, %dma_start3A_329] : memref<200x128xf32, #tpu.memory_space<vmem>> -> memref<104x128xf32, #tpu.memory_space<vmem>>
        %dma_start3A_331 = tpu.memref_slice %arg12[%mul3A_320] : memref<8000xi32, #tpu.memory_space<vmem>> -> memref<104xi32, #tpu.memory_space<vmem>>
        %dma_start3A_332 = arith.constant 0 : i32
        %dma_start3A_333 = arith.constant 0 : i32
        %dma_start3A_334 = tpu.memref_slice %arg2[%dma_start3A_332, %dma_start3A_333] : memref<100000x128xf32, #tpu.memory_space<hbm>> -> memref<100000x128xf32, #tpu.memory_space<hbm>>
        tpu.enqueue_indirect_dma source(%dma_start3A_334 : memref<100000x128xf32, #tpu.memory_space<hbm>>) target(%dma_start3A_330 : memref<104x128xf32, #tpu.memory_space<vmem>>) offsets(%dma_start3A_331 : memref<104xi32, #tpu.memory_space<vmem>>) semaphore(%arg19 : memref<!tpu.dma_semaphore, #tpu.memory_space<semaphore_mem>>)
        %dma_start3A_335 = arith.constant 0 : i32
        %dma_start3A_336 = arith.constant 0 : i32
        %dma_start3A_337 = arith.constant 0 : i32
        %dma_start3A_338 = tpu.memref_slice %arg16[%dma_start3A_335, %dma_start3A_336, %dma_start3A_337] : memref<2x200x128xf32, #tpu.memory_space<vmem>> -> memref<1x200x128xf32, #tpu.memory_space<vmem>>
        %dma_start3A_339 = tpu.memref_squeeze %dma_start3A_338 : memref<1x200x128xf32, #tpu.memory_space<vmem>> -> memref<200x128xf32, #tpu.memory_space<vmem>>
        %dma_start3A_340 = arith.constant 104 : i32
        %dma_start3A_341 = arith.constant 0 : i32
        %dma_start3A_342 = tpu.memref_slice %dma_start3A_339[%dma_start3A_340, %dma_start3A_341] : memref<200x128xf32, #tpu.memory_space<vmem>> -> memref<96x128xf32, #tpu.memory_space<vmem>>
        %dma_start3A_343 = tpu.memref_slice %arg12[%add3A_322] : memref<8000xi32, #tpu.memory_space<vmem>> -> memref<96xi32, #tpu.memory_space<vmem>>
        %dma_start3A_344 = arith.constant 0 : i32
        %dma_start3A_345 = arith.constant 0 : i32
        %dma_start3A_346 = tpu.memref_slice %arg2[%dma_start3A_344, %dma_start3A_345] : memref<100000x128xf32, #tpu.memory_space<hbm>> -> memref<100000x128xf32, #tpu.memory_space<hbm>>
        tpu.enqueue_indirect_dma source(%dma_start3A_346 : memref<100000x128xf32, #tpu.memory_space<hbm>>) target(%dma_start3A_342 : memref<96x128xf32, #tpu.memory_space<vmem>>) offsets(%dma_start3A_343 : memref<96xi32, #tpu.memory_space<vmem>>) semaphore(%arg19 : memref<!tpu.dma_semaphore, #tpu.memory_space<semaphore_mem>>)
      } else {
      }
      %mul3A_250 = arith.constant 2 : i32
      %mul3A_251 = arith.muli %mul3A_250, %scan3A_186 : i32
      %add3A_252 = arith.constant 1 : i32
      %add3A_253 = arith.addi %mul3A_251, %add3A_252 : i32
      %mul3A_254 = arith.constant 200 : i32
      %mul3A_255 = arith.muli %add3A_253, %mul3A_254 : i32
      %add3A_256 = arith.constant 104 : i32
      %add3A_257 = arith.addi %mul3A_255, %add3A_256 : i32
      %dma_wait3A_258 = arith.constant 1 : i32
      %dma_wait3A_259 = arith.constant 0 : i32
      %dma_wait3A_260 = arith.constant 0 : i32
      %dma_wait3A_261 = tpu.memref_slice %arg16[%dma_wait3A_258, %dma_wait3A_259, %dma_wait3A_260] : memref<2x200x128xf32, #tpu.memory_space<vmem>> -> memref<1x200x128xf32, #tpu.memory_space<vmem>>
      %dma_wait3A_262 = tpu.memref_squeeze %dma_wait3A_261 : memref<1x200x128xf32, #tpu.memory_space<vmem>> -> memref<200x128xf32, #tpu.memory_space<vmem>>
      %dma_wait3A_263 = arith.constant 0 : i32
      %dma_wait3A_264 = arith.constant 0 : i32
      %dma_wait3A_265 = tpu.memref_slice %dma_wait3A_262[%dma_wait3A_263, %dma_wait3A_264] : memref<200x128xf32, #tpu.memory_space<vmem>> -> memref<104x128xf32, #tpu.memory_space<vmem>>
      %dma_wait3A_266 = tpu.memref_slice %arg12[%mul3A_255] : memref<8000xi32, #tpu.memory_space<vmem>> -> memref<104xi32, #tpu.memory_space<vmem>>
      %dma_wait3A_267 = arith.constant 0 : i32
      %dma_wait3A_268 = arith.constant 0 : i32
      %dma_wait3A_269 = tpu.memref_slice %arg2[%dma_wait3A_267, %dma_wait3A_268] : memref<100000x128xf32, #tpu.memory_space<hbm>> -> memref<100000x128xf32, #tpu.memory_space<hbm>>
      tpu.wait_indirect_dma semaphore(%arg20 : memref<!tpu.dma_semaphore, #tpu.memory_space<semaphore_mem>>) src(%dma_wait3A_269 : memref<100000x128xf32, #tpu.memory_space<hbm>>) dst(%dma_wait3A_265 : memref<104x128xf32, #tpu.memory_space<vmem>>)
      %dma_wait3A_270 = arith.constant 1 : i32
      %dma_wait3A_271 = arith.constant 0 : i32
      %dma_wait3A_272 = arith.constant 0 : i32
      %dma_wait3A_273 = tpu.memref_slice %arg16[%dma_wait3A_270, %dma_wait3A_271, %dma_wait3A_272] : memref<2x200x128xf32, #tpu.memory_space<vmem>> -> memref<1x200x128xf32, #tpu.memory_space<vmem>>
      %dma_wait3A_274 = tpu.memref_squeeze %dma_wait3A_273 : memref<1x200x128xf32, #tpu.memory_space<vmem>> -> memref<200x128xf32, #tpu.memory_space<vmem>>
      %dma_wait3A_275 = arith.constant 104 : i32
      %dma_wait3A_276 = arith.constant 0 : i32
      %dma_wait3A_277 = tpu.memref_slice %dma_wait3A_274[%dma_wait3A_275, %dma_wait3A_276] : memref<200x128xf32, #tpu.memory_space<vmem>> -> memref<96x128xf32, #tpu.memory_space<vmem>>
      %dma_wait3A_278 = tpu.memref_slice %arg12[%add3A_257] : memref<8000xi32, #tpu.memory_space<vmem>> -> memref<96xi32, #tpu.memory_space<vmem>>
      %dma_wait3A_279 = arith.constant 0 : i32
      %dma_wait3A_280 = arith.constant 0 : i32
      %dma_wait3A_281 = tpu.memref_slice %arg2[%dma_wait3A_279, %dma_wait3A_280] : memref<100000x128xf32, #tpu.memory_space<hbm>> -> memref<100000x128xf32, #tpu.memory_space<hbm>>
      tpu.wait_indirect_dma semaphore(%arg20 : memref<!tpu.dma_semaphore, #tpu.memory_space<semaphore_mem>>) src(%dma_wait3A_281 : memref<100000x128xf32, #tpu.memory_space<hbm>>) dst(%dma_wait3A_277 : memref<96x128xf32, #tpu.memory_space<vmem>>)
      %gt3A_282 = arith.constant 0 : i32
      %gt3A_283 = arith.cmpi sgt, %scan3A_186, %gt3A_282 : i32
      %convert_element_type3A_284 = arith.extui %gt3A_283 : i1 to i32
      %cond3A_285 = arith.constant 0 : i32
      %cond3A_286 = arith.cmpi ne, %convert_element_type3A_284, %cond3A_285 : i32
      scf.if %cond3A_286 {
        %sub3A = arith.constant 2 : i32
        %sub3A_317 = arith.subi %add3A_253, %sub3A : i32
        %mul3A_318 = arith.constant 320 : i32
        %mul3A_319 = arith.muli %add3A, %mul3A_318 : i32
        %mul3A_320 = arith.constant 8 : i32
        %mul3A_321 = arith.muli %mul3A_320, %sub3A_317 : i32
        %add3A_322 = arith.addi %mul3A_319, %mul3A_321 : i32
        %dma_wait3A_323 = arith.constant 1 : i32
        %dma_wait3A_324 = arith.constant 0 : i32
        %dma_wait3A_325 = arith.constant 0 : i32
        %dma_wait3A_326 = tpu.memref_slice %arg17[%dma_wait3A_323, %dma_wait3A_324, %dma_wait3A_325] : memref<2x8x128xf32, #tpu.memory_space<vmem>> -> memref<1x8x128xf32, #tpu.memory_space<vmem>>
        %dma_wait3A_327 = tpu.memref_squeeze %dma_wait3A_326 : memref<1x8x128xf32, #tpu.memory_space<vmem>> -> memref<8x128xf32, #tpu.memory_space<vmem>>
        %dma_wait3A_328 = arith.constant 0 : i32
        %dma_wait3A_329 = tpu.memref_slice %arg9[%add3A_322, %dma_wait3A_328] : memref<10240x128xf32, #tpu.memory_space<hbm>> -> memref<8x128xf32, #tpu.memory_space<hbm>>
        %dma_wait3A_330 = arith.constant 0 : i32
        %dma_wait3A_331 = tpu.memref_slice %arg9[%add3A_322, %dma_wait3A_330] : memref<10240x128xf32, #tpu.memory_space<hbm>> -> memref<8x128xf32, #tpu.memory_space<hbm>>
        %dma_wait3A_332 = arith.constant 0 : i32
        %dma_wait3A_333 = arith.constant 0 : i32
        %dma_wait3A_334 = tpu.memref_slice %arg17[%dma_wait3A_323, %dma_wait3A_332, %dma_wait3A_333] : memref<2x8x128xf32, #tpu.memory_space<vmem>> -> memref<1x8x128xf32, #tpu.memory_space<vmem>>
        %dma_wait3A_335 = tpu.memref_squeeze %dma_wait3A_334 : memref<1x8x128xf32, #tpu.memory_space<vmem>> -> memref<8x128xf32, #tpu.memory_space<vmem>>
        tpu.wait_dma2 semaphore(%arg22 : memref<!tpu.dma_semaphore, #tpu.memory_space<semaphore_mem>>) src(%dma_wait3A_335 : memref<8x128xf32, #tpu.memory_space<vmem>>) dst(%dma_wait3A_331 : memref<8x128xf32, #tpu.memory_space<hbm>>)
      } else {
      }
      %scan3A_287 = arith.constant 0 : i32
      %scan3A_288 = arith.constant 1 : i32
      %scan3A_289 = arith.constant 0 : i32
      %scan3A_290 = arith.constant 8 : i32
      %scan3A_291 = arith.addi %scan3A_289, %scan3A_290 : i32
      %scan3A_292 = arith.constant 1 : i32
      scf.for %scan3A_317 = %scan3A_289 to %scan3A_291 step %scan3A_292  : i32 {
        %mul3A_318 = arith.constant 25 : i32
        %mul3A_319 = arith.muli %mul3A_318, %scan3A_317 : i32
        %broadcast_in_dim3A = arith.constant 0.000000e+00 : f32
        %broadcast_in_dim3A_320 = vector.broadcast %broadcast_in_dim3A : f32 to vector<16xf32>
        %broadcast_in_dim3A_321 = arith.constant 0.000000e+00 : f32
        %broadcast_in_dim3A_322 = vector.broadcast %broadcast_in_dim3A_321 : f32 to vector<16xf32>
        %broadcast_in_dim3A_323 = arith.constant 0.000000e+00 : f32
        %broadcast_in_dim3A_324 = vector.broadcast %broadcast_in_dim3A_323 : f32 to vector<16xf32>
        %broadcast_in_dim3A_325 = arith.constant 0.000000e+00 : f32
        %broadcast_in_dim3A_326 = vector.broadcast %broadcast_in_dim3A_325 : f32 to vector<16xf32>
        %broadcast_in_dim3A_327 = arith.constant 0.000000e+00 : f32
        %broadcast_in_dim3A_328 = vector.broadcast %broadcast_in_dim3A_327 : f32 to vector<16xf32>
        %broadcast_in_dim3A_329 = arith.constant 0.000000e+00 : f32
        %broadcast_in_dim3A_330 = vector.broadcast %broadcast_in_dim3A_329 : f32 to vector<16xf32>
        %broadcast_in_dim3A_331 = arith.constant 0.000000e+00 : f32
        %broadcast_in_dim3A_332 = vector.broadcast %broadcast_in_dim3A_331 : f32 to vector<16xf32>
        %broadcast_in_dim3A_333 = arith.constant 0.000000e+00 : f32
        %broadcast_in_dim3A_334 = vector.broadcast %broadcast_in_dim3A_333 : f32 to vector<16xf32>
        %scan3A_335 = arith.constant 0 : i32
        %scan3A_336 = arith.constant 5 : i32
        %scan3A_337 = arith.addi %scan3A_335, %scan3A_336 : i32
        %scan3A_338 = arith.constant 1 : i32
        %scan3A_339:8 = scf.for %scan3A_444 = %scan3A_335 to %scan3A_337 step %scan3A_338 iter_args(%scan3A_445 = %broadcast_in_dim3A_320, %scan3A_446 = %broadcast_in_dim3A_322, %scan3A_447 = %broadcast_in_dim3A_324, %scan3A_448 = %broadcast_in_dim3A_326, %scan3A_449 = %broadcast_in_dim3A_328, %scan3A_450 = %broadcast_in_dim3A_330, %scan3A_451 = %broadcast_in_dim3A_332, %scan3A_452 = %broadcast_in_dim3A_334) -> (vector<16xf32>, vector<16xf32>, vector<16xf32>, vector<16xf32>, vector<16xf32>, vector<16xf32>, vector<16xf32>, vector<16xf32>)  : i32 {
          %mul3A_453 = arith.constant 5 : i32
          %mul3A_454 = arith.muli %scan3A_444, %mul3A_453 : i32
          %add3A_455 = arith.addi %mul3A_319, %mul3A_454 : i32
          %add3A_456 = arith.constant 0 : i32
          %add3A_457 = arith.addi %add3A_455, %add3A_456 : i32
          %get3A = arith.constant 0 : i32
          %get3A_458 = arith.constant 0 : i32
          %get3A_459 = tpu.memref_slice %arg16[%scan3A_288, %get3A, %get3A_458] : memref<2x200x128xf32, #tpu.memory_space<vmem>> -> memref<1x200x128xf32, #tpu.memory_space<vmem>>
          %get3A_460 = tpu.memref_squeeze %get3A_459 : memref<1x200x128xf32, #tpu.memory_space<vmem>> -> memref<200x128xf32, #tpu.memory_space<vmem>>
          %get3A_461 = arith.index_cast %add3A_457 : i32 to index
          %get3A_462 = arith.constant 0 : index
          %get3A_463 = tpu.vector_load %get3A_460[%get3A_461, %get3A_462] {strides = array<i32>} : memref<200x128xf32, #tpu.memory_space<vmem>>, vector<1x16xf32>,
          %get3A_464 = vector.shape_cast %get3A_463 : vector<1x16xf32> to vector<16xf32>
          %add3A_465 = arith.addf %scan3A_445, %get3A_464 : vector<16xf32>
          %get3A_466 = arith.constant 0 : i32
          %get3A_467 = arith.constant 0 : i32
          %get3A_468 = tpu.memref_slice %arg16[%scan3A_288, %get3A_466, %get3A_467] : memref<2x200x128xf32, #tpu.memory_space<vmem>> -> memref<1x200x128xf32, #tpu.memory_space<vmem>>
          %get3A_469 = tpu.memref_squeeze %get3A_468 : memref<1x200x128xf32, #tpu.memory_space<vmem>> -> memref<200x128xf32, #tpu.memory_space<vmem>>
          %get3A_470 = arith.index_cast %add3A_457 : i32 to index
          %get3A_471 = arith.constant 16 : index
          %get3A_472 = tpu.vector_load %get3A_469[%get3A_470, %get3A_471] {strides = array<i32>} : memref<200x128xf32, #tpu.memory_space<vmem>>, vector<1x16xf32>,
          %get3A_473 = vector.shape_cast %get3A_472 : vector<1x16xf32> to vector<16xf32>
          %add3A_474 = arith.addf %scan3A_446, %get3A_473 : vector<16xf32>
          %get3A_475 = arith.constant 0 : i32
          %get3A_476 = arith.constant 0 : i32
          %get3A_477 = tpu.memref_slice %arg16[%scan3A_288, %get3A_475, %get3A_476] : memref<2x200x128xf32, #tpu.memory_space<vmem>> -> memref<1x200x128xf32, #tpu.memory_space<vmem>>
          %get3A_478 = tpu.memref_squeeze %get3A_477 : memref<1x200x128xf32, #tpu.memory_space<vmem>> -> memref<200x128xf32, #tpu.memory_space<vmem>>
          %get3A_479 = arith.index_cast %add3A_457 : i32 to index
          %get3A_480 = arith.constant 32 : index
          %get3A_481 = tpu.vector_load %get3A_478[%get3A_479, %get3A_480] {strides = array<i32>} : memref<200x128xf32, #tpu.memory_space<vmem>>, vector<1x16xf32>,
          %get3A_482 = vector.shape_cast %get3A_481 : vector<1x16xf32> to vector<16xf32>
          %add3A_483 = arith.addf %scan3A_447, %get3A_482 : vector<16xf32>
          %get3A_484 = arith.constant 0 : i32
          %get3A_485 = arith.constant 0 : i32
          %get3A_486 = tpu.memref_slice %arg16[%scan3A_288, %get3A_484, %get3A_485] : memref<2x200x128xf32, #tpu.memory_space<vmem>> -> memref<1x200x128xf32, #tpu.memory_space<vmem>>
          %get3A_487 = tpu.memref_squeeze %get3A_486 : memref<1x200x128xf32, #tpu.memory_space<vmem>> -> memref<200x128xf32, #tpu.memory_space<vmem>>
          %get3A_488 = arith.index_cast %add3A_457 : i32 to index
          %get3A_489 = arith.constant 48 : index
          %get3A_490 = tpu.vector_load %get3A_487[%get3A_488, %get3A_489] {strides = array<i32>} : memref<200x128xf32, #tpu.memory_space<vmem>>, vector<1x16xf32>,
          %get3A_491 = vector.shape_cast %get3A_490 : vector<1x16xf32> to vector<16xf32>
          %add3A_492 = arith.addf %scan3A_448, %get3A_491 : vector<16xf32>
          %get3A_493 = arith.constant 0 : i32
          %get3A_494 = arith.constant 0 : i32
          %get3A_495 = tpu.memref_slice %arg16[%scan3A_288, %get3A_493, %get3A_494] : memref<2x200x128xf32, #tpu.memory_space<vmem>> -> memref<1x200x128xf32, #tpu.memory_space<vmem>>
          %get3A_496 = tpu.memref_squeeze %get3A_495 : memref<1x200x128xf32, #tpu.memory_space<vmem>> -> memref<200x128xf32, #tpu.memory_space<vmem>>
          %get3A_497 = arith.index_cast %add3A_457 : i32 to index
          %get3A_498 = arith.constant 64 : index
          %get3A_499 = tpu.vector_load %get3A_496[%get3A_497, %get3A_498] {strides = array<i32>} : memref<200x128xf32, #tpu.memory_space<vmem>>, vector<1x16xf32>,
          %get3A_500 = vector.shape_cast %get3A_499 : vector<1x16xf32> to vector<16xf32>
          %add3A_501 = arith.addf %scan3A_449, %get3A_500 : vector<16xf32>
          %get3A_502 = arith.constant 0 : i32
          %get3A_503 = arith.constant 0 : i32
          %get3A_504 = tpu.memref_slice %arg16[%scan3A_288, %get3A_502, %get3A_503] : memref<2x200x128xf32, #tpu.memory_space<vmem>> -> memref<1x200x128xf32, #tpu.memory_space<vmem>>
          %get3A_505 = tpu.memref_squeeze %get3A_504 : memref<1x200x128xf32, #tpu.memory_space<vmem>> -> memref<200x128xf32, #tpu.memory_space<vmem>>
          %get3A_506 = arith.index_cast %add3A_457 : i32 to index
          %get3A_507 = arith.constant 80 : index
          %get3A_508 = tpu.vector_load %get3A_505[%get3A_506, %get3A_507] {strides = array<i32>} : memref<200x128xf32, #tpu.memory_space<vmem>>, vector<1x16xf32>,
          %get3A_509 = vector.shape_cast %get3A_508 : vector<1x16xf32> to vector<16xf32>
          %add3A_510 = arith.addf %scan3A_450, %get3A_509 : vector<16xf32>
          %get3A_511 = arith.constant 0 : i32
          %get3A_512 = arith.constant 0 : i32
          %get3A_513 = tpu.memref_slice %arg16[%scan3A_288, %get3A_511, %get3A_512] : memref<2x200x128xf32, #tpu.memory_space<vmem>> -> memref<1x200x128xf32, #tpu.memory_space<vmem>>
          %get3A_514 = tpu.memref_squeeze %get3A_513 : memref<1x200x128xf32, #tpu.memory_space<vmem>> -> memref<200x128xf32, #tpu.memory_space<vmem>>
          %get3A_515 = arith.index_cast %add3A_457 : i32 to index
          %get3A_516 = arith.constant 96 : index
          %get3A_517 = tpu.vector_load %get3A_514[%get3A_515, %get3A_516] {strides = array<i32>} : memref<200x128xf32, #tpu.memory_space<vmem>>, vector<1x16xf32>,
          %get3A_518 = vector.shape_cast %get3A_517 : vector<1x16xf32> to vector<16xf32>
          %add3A_519 = arith.addf %scan3A_451, %get3A_518 : vector<16xf32>
          %get3A_520 = arith.constant 0 : i32
          %get3A_521 = arith.constant 0 : i32
          %get3A_522 = tpu.memref_slice %arg16[%scan3A_288, %get3A_520, %get3A_521] : memref<2x200x128xf32, #tpu.memory_space<vmem>> -> memref<1x200x128xf32, #tpu.memory_space<vmem>>
          %get3A_523 = tpu.memref_squeeze %get3A_522 : memref<1x200x128xf32, #tpu.memory_space<vmem>> -> memref<200x128xf32, #tpu.memory_space<vmem>>
          %get3A_524 = arith.index_cast %add3A_457 : i32 to index
          %get3A_525 = arith.constant 112 : index
          %get3A_526 = tpu.vector_load %get3A_523[%get3A_524, %get3A_525] {strides = array<i32>} : memref<200x128xf32, #tpu.memory_space<vmem>>, vector<1x16xf32>,
          %get3A_527 = vector.shape_cast %get3A_526 : vector<1x16xf32> to vector<16xf32>
          %add3A_528 = arith.addf %scan3A_452, %get3A_527 : vector<16xf32>
          %mul3A_529 = arith.constant 5 : i32
          %mul3A_530 = arith.muli %scan3A_444, %mul3A_529 : i32
          %add3A_531 = arith.addi %mul3A_319, %mul3A_530 : i32
          %add3A_532 = arith.constant 1 : i32
          %add3A_533 = arith.addi %add3A_531, %add3A_532 : i32
          %get3A_534 = arith.constant 0 : i32
          %get3A_535 = arith.constant 0 : i32
          %get3A_536 = tpu.memref_slice %arg16[%scan3A_288, %get3A_534, %get3A_535] : memref<2x200x128xf32, #tpu.memory_space<vmem>> -> memref<1x200x128xf32, #tpu.memory_space<vmem>>
          %get3A_537 = tpu.memref_squeeze %get3A_536 : memref<1x200x128xf32, #tpu.memory_space<vmem>> -> memref<200x128xf32, #tpu.memory_space<vmem>>
          %get3A_538 = arith.index_cast %add3A_533 : i32 to index
          %get3A_539 = arith.constant 0 : index
          %get3A_540 = tpu.vector_load %get3A_537[%get3A_538, %get3A_539] {strides = array<i32>} : memref<200x128xf32, #tpu.memory_space<vmem>>, vector<1x16xf32>,
          %get3A_541 = vector.shape_cast %get3A_540 : vector<1x16xf32> to vector<16xf32>
          %add3A_542 = arith.addf %add3A_465, %get3A_541 : vector<16xf32>
          %get3A_543 = arith.constant 0 : i32
          %get3A_544 = arith.constant 0 : i32
          %get3A_545 = tpu.memref_slice %arg16[%scan3A_288, %get3A_543, %get3A_544] : memref<2x200x128xf32, #tpu.memory_space<vmem>> -> memref<1x200x128xf32, #tpu.memory_space<vmem>>
          %get3A_546 = tpu.memref_squeeze %get3A_545 : memref<1x200x128xf32, #tpu.memory_space<vmem>> -> memref<200x128xf32, #tpu.memory_space<vmem>>
          %get3A_547 = arith.index_cast %add3A_533 : i32 to index
          %get3A_548 = arith.constant 16 : index
          %get3A_549 = tpu.vector_load %get3A_546[%get3A_547, %get3A_548] {strides = array<i32>} : memref<200x128xf32, #tpu.memory_space<vmem>>, vector<1x16xf32>,
          %get3A_550 = vector.shape_cast %get3A_549 : vector<1x16xf32> to vector<16xf32>
          %add3A_551 = arith.addf %add3A_474, %get3A_550 : vector<16xf32>
          %get3A_552 = arith.constant 0 : i32
          %get3A_553 = arith.constant 0 : i32
          %get3A_554 = tpu.memref_slice %arg16[%scan3A_288, %get3A_552, %get3A_553] : memref<2x200x128xf32, #tpu.memory_space<vmem>> -> memref<1x200x128xf32, #tpu.memory_space<vmem>>
          %get3A_555 = tpu.memref_squeeze %get3A_554 : memref<1x200x128xf32, #tpu.memory_space<vmem>> -> memref<200x128xf32, #tpu.memory_space<vmem>>
          %get3A_556 = arith.index_cast %add3A_533 : i32 to index
          %get3A_557 = arith.constant 32 : index
          %get3A_558 = tpu.vector_load %get3A_555[%get3A_556, %get3A_557] {strides = array<i32>} : memref<200x128xf32, #tpu.memory_space<vmem>>, vector<1x16xf32>,
          %get3A_559 = vector.shape_cast %get3A_558 : vector<1x16xf32> to vector<16xf32>
          %add3A_560 = arith.addf %add3A_483, %get3A_559 : vector<16xf32>
          %get3A_561 = arith.constant 0 : i32
          %get3A_562 = arith.constant 0 : i32
          %get3A_563 = tpu.memref_slice %arg16[%scan3A_288, %get3A_561, %get3A_562] : memref<2x200x128xf32, #tpu.memory_space<vmem>> -> memref<1x200x128xf32, #tpu.memory_space<vmem>>
          %get3A_564 = tpu.memref_squeeze %get3A_563 : memref<1x200x128xf32, #tpu.memory_space<vmem>> -> memref<200x128xf32, #tpu.memory_space<vmem>>
          %get3A_565 = arith.index_cast %add3A_533 : i32 to index
          %get3A_566 = arith.constant 48 : index
          %get3A_567 = tpu.vector_load %get3A_564[%get3A_565, %get3A_566] {strides = array<i32>} : memref<200x128xf32, #tpu.memory_space<vmem>>, vector<1x16xf32>,
          %get3A_568 = vector.shape_cast %get3A_567 : vector<1x16xf32> to vector<16xf32>
          %add3A_569 = arith.addf %add3A_492, %get3A_568 : vector<16xf32>
          %get3A_570 = arith.constant 0 : i32
          %get3A_571 = arith.constant 0 : i32
          %get3A_572 = tpu.memref_slice %arg16[%scan3A_288, %get3A_570, %get3A_571] : memref<2x200x128xf32, #tpu.memory_space<vmem>> -> memref<1x200x128xf32, #tpu.memory_space<vmem>>
          %get3A_573 = tpu.memref_squeeze %get3A_572 : memref<1x200x128xf32, #tpu.memory_space<vmem>> -> memref<200x128xf32, #tpu.memory_space<vmem>>
          %get3A_574 = arith.index_cast %add3A_533 : i32 to index
          %get3A_575 = arith.constant 64 : index
          %get3A_576 = tpu.vector_load %get3A_573[%get3A_574, %get3A_575] {strides = array<i32>} : memref<200x128xf32, #tpu.memory_space<vmem>>, vector<1x16xf32>,
          %get3A_577 = vector.shape_cast %get3A_576 : vector<1x16xf32> to vector<16xf32>
          %add3A_578 = arith.addf %add3A_501, %get3A_577 : vector<16xf32>
          %get3A_579 = arith.constant 0 : i32
          %get3A_580 = arith.constant 0 : i32
          %get3A_581 = tpu.memref_slice %arg16[%scan3A_288, %get3A_579, %get3A_580] : memref<2x200x128xf32, #tpu.memory_space<vmem>> -> memref<1x200x128xf32, #tpu.memory_space<vmem>>
          %get3A_582 = tpu.memref_squeeze %get3A_581 : memref<1x200x128xf32, #tpu.memory_space<vmem>> -> memref<200x128xf32, #tpu.memory_space<vmem>>
          %get3A_583 = arith.index_cast %add3A_533 : i32 to index
          %get3A_584 = arith.constant 80 : index
          %get3A_585 = tpu.vector_load %get3A_582[%get3A_583, %get3A_584] {strides = array<i32>} : memref<200x128xf32, #tpu.memory_space<vmem>>, vector<1x16xf32>,
          %get3A_586 = vector.shape_cast %get3A_585 : vector<1x16xf32> to vector<16xf32>
          %add3A_587 = arith.addf %add3A_510, %get3A_586 : vector<16xf32>
          %get3A_588 = arith.constant 0 : i32
          %get3A_589 = arith.constant 0 : i32
          %get3A_590 = tpu.memref_slice %arg16[%scan3A_288, %get3A_588, %get3A_589] : memref<2x200x128xf32, #tpu.memory_space<vmem>> -> memref<1x200x128xf32, #tpu.memory_space<vmem>>
          %get3A_591 = tpu.memref_squeeze %get3A_590 : memref<1x200x128xf32, #tpu.memory_space<vmem>> -> memref<200x128xf32, #tpu.memory_space<vmem>>
          %get3A_592 = arith.index_cast %add3A_533 : i32 to index
          %get3A_593 = arith.constant 96 : index
          %get3A_594 = tpu.vector_load %get3A_591[%get3A_592, %get3A_593] {strides = array<i32>} : memref<200x128xf32, #tpu.memory_space<vmem>>, vector<1x16xf32>,
          %get3A_595 = vector.shape_cast %get3A_594 : vector<1x16xf32> to vector<16xf32>
          %add3A_596 = arith.addf %add3A_519, %get3A_595 : vector<16xf32>
          %get3A_597 = arith.constant 0 : i32
          %get3A_598 = arith.constant 0 : i32
          %get3A_599 = tpu.memref_slice %arg16[%scan3A_288, %get3A_597, %get3A_598] : memref<2x200x128xf32, #tpu.memory_space<vmem>> -> memref<1x200x128xf32, #tpu.memory_space<vmem>>
          %get3A_600 = tpu.memref_squeeze %get3A_599 : memref<1x200x128xf32, #tpu.memory_space<vmem>> -> memref<200x128xf32, #tpu.memory_space<vmem>>
          %get3A_601 = arith.index_cast %add3A_533 : i32 to index
          %get3A_602 = arith.constant 112 : index
          %get3A_603 = tpu.vector_load %get3A_600[%get3A_601, %get3A_602] {strides = array<i32>} : memref<200x128xf32, #tpu.memory_space<vmem>>, vector<1x16xf32>,
          %get3A_604 = vector.shape_cast %get3A_603 : vector<1x16xf32> to vector<16xf32>
          %add3A_605 = arith.addf %add3A_528, %get3A_604 : vector<16xf32>
          %mul3A_606 = arith.constant 5 : i32
          %mul3A_607 = arith.muli %scan3A_444, %mul3A_606 : i32
          %add3A_608 = arith.addi %mul3A_319, %mul3A_607 : i32
          %add3A_609 = arith.constant 2 : i32
          %add3A_610 = arith.addi %add3A_608, %add3A_609 : i32
          %get3A_611 = arith.constant 0 : i32
          %get3A_612 = arith.constant 0 : i32
          %get3A_613 = tpu.memref_slice %arg16[%scan3A_288, %get3A_611, %get3A_612] : memref<2x200x128xf32, #tpu.memory_space<vmem>> -> memref<1x200x128xf32, #tpu.memory_space<vmem>>
          %get3A_614 = tpu.memref_squeeze %get3A_613 : memref<1x200x128xf32, #tpu.memory_space<vmem>> -> memref<200x128xf32, #tpu.memory_space<vmem>>
          %get3A_615 = arith.index_cast %add3A_610 : i32 to index
          %get3A_616 = arith.constant 0 : index
          %get3A_617 = tpu.vector_load %get3A_614[%get3A_615, %get3A_616] {strides = array<i32>} : memref<200x128xf32, #tpu.memory_space<vmem>>, vector<1x16xf32>,
          %get3A_618 = vector.shape_cast %get3A_617 : vector<1x16xf32> to vector<16xf32>
          %add3A_619 = arith.addf %add3A_542, %get3A_618 : vector<16xf32>
          %get3A_620 = arith.constant 0 : i32
          %get3A_621 = arith.constant 0 : i32
          %get3A_622 = tpu.memref_slice %arg16[%scan3A_288, %get3A_620, %get3A_621] : memref<2x200x128xf32, #tpu.memory_space<vmem>> -> memref<1x200x128xf32, #tpu.memory_space<vmem>>
          %get3A_623 = tpu.memref_squeeze %get3A_622 : memref<1x200x128xf32, #tpu.memory_space<vmem>> -> memref<200x128xf32, #tpu.memory_space<vmem>>
          %get3A_624 = arith.index_cast %add3A_610 : i32 to index
          %get3A_625 = arith.constant 16 : index
          %get3A_626 = tpu.vector_load %get3A_623[%get3A_624, %get3A_625] {strides = array<i32>} : memref<200x128xf32, #tpu.memory_space<vmem>>, vector<1x16xf32>,
          %get3A_627 = vector.shape_cast %get3A_626 : vector<1x16xf32> to vector<16xf32>
          %add3A_628 = arith.addf %add3A_551, %get3A_627 : vector<16xf32>
          %get3A_629 = arith.constant 0 : i32
          %get3A_630 = arith.constant 0 : i32
          %get3A_631 = tpu.memref_slice %arg16[%scan3A_288, %get3A_629, %get3A_630] : memref<2x200x128xf32, #tpu.memory_space<vmem>> -> memref<1x200x128xf32, #tpu.memory_space<vmem>>
          %get3A_632 = tpu.memref_squeeze %get3A_631 : memref<1x200x128xf32, #tpu.memory_space<vmem>> -> memref<200x128xf32, #tpu.memory_space<vmem>>
          %get3A_633 = arith.index_cast %add3A_610 : i32 to index
          %get3A_634 = arith.constant 32 : index
          %get3A_635 = tpu.vector_load %get3A_632[%get3A_633, %get3A_634] {strides = array<i32>} : memref<200x128xf32, #tpu.memory_space<vmem>>, vector<1x16xf32>,
          %get3A_636 = vector.shape_cast %get3A_635 : vector<1x16xf32> to vector<16xf32>
          %add3A_637 = arith.addf %add3A_560, %get3A_636 : vector<16xf32>
          %get3A_638 = arith.constant 0 : i32
          %get3A_639 = arith.constant 0 : i32
          %get3A_640 = tpu.memref_slice %arg16[%scan3A_288, %get3A_638, %get3A_639] : memref<2x200x128xf32, #tpu.memory_space<vmem>> -> memref<1x200x128xf32, #tpu.memory_space<vmem>>
          %get3A_641 = tpu.memref_squeeze %get3A_640 : memref<1x200x128xf32, #tpu.memory_space<vmem>> -> memref<200x128xf32, #tpu.memory_space<vmem>>
          %get3A_642 = arith.index_cast %add3A_610 : i32 to index
          %get3A_643 = arith.constant 48 : index
          %get3A_644 = tpu.vector_load %get3A_641[%get3A_642, %get3A_643] {strides = array<i32>} : memref<200x128xf32, #tpu.memory_space<vmem>>, vector<1x16xf32>,
          %get3A_645 = vector.shape_cast %get3A_644 : vector<1x16xf32> to vector<16xf32>
          %add3A_646 = arith.addf %add3A_569, %get3A_645 : vector<16xf32>
          %get3A_647 = arith.constant 0 : i32
          %get3A_648 = arith.constant 0 : i32
          %get3A_649 = tpu.memref_slice %arg16[%scan3A_288, %get3A_647, %get3A_648] : memref<2x200x128xf32, #tpu.memory_space<vmem>> -> memref<1x200x128xf32, #tpu.memory_space<vmem>>
          %get3A_650 = tpu.memref_squeeze %get3A_649 : memref<1x200x128xf32, #tpu.memory_space<vmem>> -> memref<200x128xf32, #tpu.memory_space<vmem>>
          %get3A_651 = arith.index_cast %add3A_610 : i32 to index
          %get3A_652 = arith.constant 64 : index
          %get3A_653 = tpu.vector_load %get3A_650[%get3A_651, %get3A_652] {strides = array<i32>} : memref<200x128xf32, #tpu.memory_space<vmem>>, vector<1x16xf32>,
          %get3A_654 = vector.shape_cast %get3A_653 : vector<1x16xf32> to vector<16xf32>
          %add3A_655 = arith.addf %add3A_578, %get3A_654 : vector<16xf32>
          %get3A_656 = arith.constant 0 : i32
          %get3A_657 = arith.constant 0 : i32
          %get3A_658 = tpu.memref_slice %arg16[%scan3A_288, %get3A_656, %get3A_657] : memref<2x200x128xf32, #tpu.memory_space<vmem>> -> memref<1x200x128xf32, #tpu.memory_space<vmem>>
          %get3A_659 = tpu.memref_squeeze %get3A_658 : memref<1x200x128xf32, #tpu.memory_space<vmem>> -> memref<200x128xf32, #tpu.memory_space<vmem>>
          %get3A_660 = arith.index_cast %add3A_610 : i32 to index
          %get3A_661 = arith.constant 80 : index
          %get3A_662 = tpu.vector_load %get3A_659[%get3A_660, %get3A_661] {strides = array<i32>} : memref<200x128xf32, #tpu.memory_space<vmem>>, vector<1x16xf32>,
          %get3A_663 = vector.shape_cast %get3A_662 : vector<1x16xf32> to vector<16xf32>
          %add3A_664 = arith.addf %add3A_587, %get3A_663 : vector<16xf32>
          %get3A_665 = arith.constant 0 : i32
          %get3A_666 = arith.constant 0 : i32
          %get3A_667 = tpu.memref_slice %arg16[%scan3A_288, %get3A_665, %get3A_666] : memref<2x200x128xf32, #tpu.memory_space<vmem>> -> memref<1x200x128xf32, #tpu.memory_space<vmem>>
          %get3A_668 = tpu.memref_squeeze %get3A_667 : memref<1x200x128xf32, #tpu.memory_space<vmem>> -> memref<200x128xf32, #tpu.memory_space<vmem>>
          %get3A_669 = arith.index_cast %add3A_610 : i32 to index
          %get3A_670 = arith.constant 96 : index
          %get3A_671 = tpu.vector_load %get3A_668[%get3A_669, %get3A_670] {strides = array<i32>} : memref<200x128xf32, #tpu.memory_space<vmem>>, vector<1x16xf32>,
          %get3A_672 = vector.shape_cast %get3A_671 : vector<1x16xf32> to vector<16xf32>
          %add3A_673 = arith.addf %add3A_596, %get3A_672 : vector<16xf32>
          %get3A_674 = arith.constant 0 : i32
          %get3A_675 = arith.constant 0 : i32
          %get3A_676 = tpu.memref_slice %arg16[%scan3A_288, %get3A_674, %get3A_675] : memref<2x200x128xf32, #tpu.memory_space<vmem>> -> memref<1x200x128xf32, #tpu.memory_space<vmem>>
          %get3A_677 = tpu.memref_squeeze %get3A_676 : memref<1x200x128xf32, #tpu.memory_space<vmem>> -> memref<200x128xf32, #tpu.memory_space<vmem>>
          %get3A_678 = arith.index_cast %add3A_610 : i32 to index
          %get3A_679 = arith.constant 112 : index
          %get3A_680 = tpu.vector_load %get3A_677[%get3A_678, %get3A_679] {strides = array<i32>} : memref<200x128xf32, #tpu.memory_space<vmem>>, vector<1x16xf32>,
          %get3A_681 = vector.shape_cast %get3A_680 : vector<1x16xf32> to vector<16xf32>
          %add3A_682 = arith.addf %add3A_605, %get3A_681 : vector<16xf32>
          %mul3A_683 = arith.constant 5 : i32
          %mul3A_684 = arith.muli %scan3A_444, %mul3A_683 : i32
          %add3A_685 = arith.addi %mul3A_319, %mul3A_684 : i32
          %add3A_686 = arith.constant 3 : i32
          %add3A_687 = arith.addi %add3A_685, %add3A_686 : i32
          %get3A_688 = arith.constant 0 : i32
          %get3A_689 = arith.constant 0 : i32
          %get3A_690 = tpu.memref_slice %arg16[%scan3A_288, %get3A_688, %get3A_689] : memref<2x200x128xf32, #tpu.memory_space<vmem>> -> memref<1x200x128xf32, #tpu.memory_space<vmem>>
          %get3A_691 = tpu.memref_squeeze %get3A_690 : memref<1x200x128xf32, #tpu.memory_space<vmem>> -> memref<200x128xf32, #tpu.memory_space<vmem>>
          %get3A_692 = arith.index_cast %add3A_687 : i32 to index
          %get3A_693 = arith.constant 0 : index
          %get3A_694 = tpu.vector_load %get3A_691[%get3A_692, %get3A_693] {strides = array<i32>} : memref<200x128xf32, #tpu.memory_space<vmem>>, vector<1x16xf32>,
          %get3A_695 = vector.shape_cast %get3A_694 : vector<1x16xf32> to vector<16xf32>
          %add3A_696 = arith.addf %add3A_619, %get3A_695 : vector<16xf32>
          %get3A_697 = arith.constant 0 : i32
          %get3A_698 = arith.constant 0 : i32
          %get3A_699 = tpu.memref_slice %arg16[%scan3A_288, %get3A_697, %get3A_698] : memref<2x200x128xf32, #tpu.memory_space<vmem>> -> memref<1x200x128xf32, #tpu.memory_space<vmem>>
          %get3A_700 = tpu.memref_squeeze %get3A_699 : memref<1x200x128xf32, #tpu.memory_space<vmem>> -> memref<200x128xf32, #tpu.memory_space<vmem>>
          %get3A_701 = arith.index_cast %add3A_687 : i32 to index
          %get3A_702 = arith.constant 16 : index
          %get3A_703 = tpu.vector_load %get3A_700[%get3A_701, %get3A_702] {strides = array<i32>} : memref<200x128xf32, #tpu.memory_space<vmem>>, vector<1x16xf32>,
          %get3A_704 = vector.shape_cast %get3A_703 : vector<1x16xf32> to vector<16xf32>
          %add3A_705 = arith.addf %add3A_628, %get3A_704 : vector<16xf32>
          %get3A_706 = arith.constant 0 : i32
          %get3A_707 = arith.constant 0 : i32
          %get3A_708 = tpu.memref_slice %arg16[%scan3A_288, %get3A_706, %get3A_707] : memref<2x200x128xf32, #tpu.memory_space<vmem>> -> memref<1x200x128xf32, #tpu.memory_space<vmem>>
          %get3A_709 = tpu.memref_squeeze %get3A_708 : memref<1x200x128xf32, #tpu.memory_space<vmem>> -> memref<200x128xf32, #tpu.memory_space<vmem>>
          %get3A_710 = arith.index_cast %add3A_687 : i32 to index
          %get3A_711 = arith.constant 32 : index
          %get3A_712 = tpu.vector_load %get3A_709[%get3A_710, %get3A_711] {strides = array<i32>} : memref<200x128xf32, #tpu.memory_space<vmem>>, vector<1x16xf32>,
          %get3A_713 = vector.shape_cast %get3A_712 : vector<1x16xf32> to vector<16xf32>
          %add3A_714 = arith.addf %add3A_637, %get3A_713 : vector<16xf32>
          %get3A_715 = arith.constant 0 : i32
          %get3A_716 = arith.constant 0 : i32
          %get3A_717 = tpu.memref_slice %arg16[%scan3A_288, %get3A_715, %get3A_716] : memref<2x200x128xf32, #tpu.memory_space<vmem>> -> memref<1x200x128xf32, #tpu.memory_space<vmem>>
          %get3A_718 = tpu.memref_squeeze %get3A_717 : memref<1x200x128xf32, #tpu.memory_space<vmem>> -> memref<200x128xf32, #tpu.memory_space<vmem>>
          %get3A_719 = arith.index_cast %add3A_687 : i32 to index
          %get3A_720 = arith.constant 48 : index
          %get3A_721 = tpu.vector_load %get3A_718[%get3A_719, %get3A_720] {strides = array<i32>} : memref<200x128xf32, #tpu.memory_space<vmem>>, vector<1x16xf32>,
          %get3A_722 = vector.shape_cast %get3A_721 : vector<1x16xf32> to vector<16xf32>
          %add3A_723 = arith.addf %add3A_646, %get3A_722 : vector<16xf32>
          %get3A_724 = arith.constant 0 : i32
          %get3A_725 = arith.constant 0 : i32
          %get3A_726 = tpu.memref_slice %arg16[%scan3A_288, %get3A_724, %get3A_725] : memref<2x200x128xf32, #tpu.memory_space<vmem>> -> memref<1x200x128xf32, #tpu.memory_space<vmem>>
          %get3A_727 = tpu.memref_squeeze %get3A_726 : memref<1x200x128xf32, #tpu.memory_space<vmem>> -> memref<200x128xf32, #tpu.memory_space<vmem>>
          %get3A_728 = arith.index_cast %add3A_687 : i32 to index
          %get3A_729 = arith.constant 64 : index
          %get3A_730 = tpu.vector_load %get3A_727[%get3A_728, %get3A_729] {strides = array<i32>} : memref<200x128xf32, #tpu.memory_space<vmem>>, vector<1x16xf32>,
          %get3A_731 = vector.shape_cast %get3A_730 : vector<1x16xf32> to vector<16xf32>
          %add3A_732 = arith.addf %add3A_655, %get3A_731 : vector<16xf32>
          %get3A_733 = arith.constant 0 : i32
          %get3A_734 = arith.constant 0 : i32
          %get3A_735 = tpu.memref_slice %arg16[%scan3A_288, %get3A_733, %get3A_734] : memref<2x200x128xf32, #tpu.memory_space<vmem>> -> memref<1x200x128xf32, #tpu.memory_space<vmem>>
          %get3A_736 = tpu.memref_squeeze %get3A_735 : memref<1x200x128xf32, #tpu.memory_space<vmem>> -> memref<200x128xf32, #tpu.memory_space<vmem>>
          %get3A_737 = arith.index_cast %add3A_687 : i32 to index
          %get3A_738 = arith.constant 80 : index
          %get3A_739 = tpu.vector_load %get3A_736[%get3A_737, %get3A_738] {strides = array<i32>} : memref<200x128xf32, #tpu.memory_space<vmem>>, vector<1x16xf32>,
          %get3A_740 = vector.shape_cast %get3A_739 : vector<1x16xf32> to vector<16xf32>
          %add3A_741 = arith.addf %add3A_664, %get3A_740 : vector<16xf32>
          %get3A_742 = arith.constant 0 : i32
          %get3A_743 = arith.constant 0 : i32
          %get3A_744 = tpu.memref_slice %arg16[%scan3A_288, %get3A_742, %get3A_743] : memref<2x200x128xf32, #tpu.memory_space<vmem>> -> memref<1x200x128xf32, #tpu.memory_space<vmem>>
          %get3A_745 = tpu.memref_squeeze %get3A_744 : memref<1x200x128xf32, #tpu.memory_space<vmem>> -> memref<200x128xf32, #tpu.memory_space<vmem>>
          %get3A_746 = arith.index_cast %add3A_687 : i32 to index
          %get3A_747 = arith.constant 96 : index
          %get3A_748 = tpu.vector_load %get3A_745[%get3A_746, %get3A_747] {strides = array<i32>} : memref<200x128xf32, #tpu.memory_space<vmem>>, vector<1x16xf32>,
          %get3A_749 = vector.shape_cast %get3A_748 : vector<1x16xf32> to vector<16xf32>
          %add3A_750 = arith.addf %add3A_673, %get3A_749 : vector<16xf32>
          %get3A_751 = arith.constant 0 : i32
          %get3A_752 = arith.constant 0 : i32
          %get3A_753 = tpu.memref_slice %arg16[%scan3A_288, %get3A_751, %get3A_752] : memref<2x200x128xf32, #tpu.memory_space<vmem>> -> memref<1x200x128xf32, #tpu.memory_space<vmem>>
          %get3A_754 = tpu.memref_squeeze %get3A_753 : memref<1x200x128xf32, #tpu.memory_space<vmem>> -> memref<200x128xf32, #tpu.memory_space<vmem>>
          %get3A_755 = arith.index_cast %add3A_687 : i32 to index
          %get3A_756 = arith.constant 112 : index
          %get3A_757 = tpu.vector_load %get3A_754[%get3A_755, %get3A_756] {strides = array<i32>} : memref<200x128xf32, #tpu.memory_space<vmem>>, vector<1x16xf32>,
          %get3A_758 = vector.shape_cast %get3A_757 : vector<1x16xf32> to vector<16xf32>
          %add3A_759 = arith.addf %add3A_682, %get3A_758 : vector<16xf32>
          %mul3A_760 = arith.constant 5 : i32
          %mul3A_761 = arith.muli %scan3A_444, %mul3A_760 : i32
          %add3A_762 = arith.addi %mul3A_319, %mul3A_761 : i32
          %add3A_763 = arith.constant 4 : i32
          %add3A_764 = arith.addi %add3A_762, %add3A_763 : i32
          %get3A_765 = arith.constant 0 : i32
          %get3A_766 = arith.constant 0 : i32
          %get3A_767 = tpu.memref_slice %arg16[%scan3A_288, %get3A_765, %get3A_766] : memref<2x200x128xf32, #tpu.memory_space<vmem>> -> memref<1x200x128xf32, #tpu.memory_space<vmem>>
          %get3A_768 = tpu.memref_squeeze %get3A_767 : memref<1x200x128xf32, #tpu.memory_space<vmem>> -> memref<200x128xf32, #tpu.memory_space<vmem>>
          %get3A_769 = arith.index_cast %add3A_764 : i32 to index
          %get3A_770 = arith.constant 0 : index
          %get3A_771 = tpu.vector_load %get3A_768[%get3A_769, %get3A_770] {strides = array<i32>} : memref<200x128xf32, #tpu.memory_space<vmem>>, vector<1x16xf32>,
          %get3A_772 = vector.shape_cast %get3A_771 : vector<1x16xf32> to vector<16xf32>
          %add3A_773 = arith.addf %add3A_696, %get3A_772 : vector<16xf32>
          %get3A_774 = arith.constant 0 : i32
          %get3A_775 = arith.constant 0 : i32
          %get3A_776 = tpu.memref_slice %arg16[%scan3A_288, %get3A_774, %get3A_775] : memref<2x200x128xf32, #tpu.memory_space<vmem>> -> memref<1x200x128xf32, #tpu.memory_space<vmem>>
          %get3A_777 = tpu.memref_squeeze %get3A_776 : memref<1x200x128xf32, #tpu.memory_space<vmem>> -> memref<200x128xf32, #tpu.memory_space<vmem>>
          %get3A_778 = arith.index_cast %add3A_764 : i32 to index
          %get3A_779 = arith.constant 16 : index
          %get3A_780 = tpu.vector_load %get3A_777[%get3A_778, %get3A_779] {strides = array<i32>} : memref<200x128xf32, #tpu.memory_space<vmem>>, vector<1x16xf32>,
          %get3A_781 = vector.shape_cast %get3A_780 : vector<1x16xf32> to vector<16xf32>
          %add3A_782 = arith.addf %add3A_705, %get3A_781 : vector<16xf32>
          %get3A_783 = arith.constant 0 : i32
          %get3A_784 = arith.constant 0 : i32
          %get3A_785 = tpu.memref_slice %arg16[%scan3A_288, %get3A_783, %get3A_784] : memref<2x200x128xf32, #tpu.memory_space<vmem>> -> memref<1x200x128xf32, #tpu.memory_space<vmem>>
          %get3A_786 = tpu.memref_squeeze %get3A_785 : memref<1x200x128xf32, #tpu.memory_space<vmem>> -> memref<200x128xf32, #tpu.memory_space<vmem>>
          %get3A_787 = arith.index_cast %add3A_764 : i32 to index
          %get3A_788 = arith.constant 32 : index
          %get3A_789 = tpu.vector_load %get3A_786[%get3A_787, %get3A_788] {strides = array<i32>} : memref<200x128xf32, #tpu.memory_space<vmem>>, vector<1x16xf32>,
          %get3A_790 = vector.shape_cast %get3A_789 : vector<1x16xf32> to vector<16xf32>
          %add3A_791 = arith.addf %add3A_714, %get3A_790 : vector<16xf32>
          %get3A_792 = arith.constant 0 : i32
          %get3A_793 = arith.constant 0 : i32
          %get3A_794 = tpu.memref_slice %arg16[%scan3A_288, %get3A_792, %get3A_793] : memref<2x200x128xf32, #tpu.memory_space<vmem>> -> memref<1x200x128xf32, #tpu.memory_space<vmem>>
          %get3A_795 = tpu.memref_squeeze %get3A_794 : memref<1x200x128xf32, #tpu.memory_space<vmem>> -> memref<200x128xf32, #tpu.memory_space<vmem>>
          %get3A_796 = arith.index_cast %add3A_764 : i32 to index
          %get3A_797 = arith.constant 48 : index
          %get3A_798 = tpu.vector_load %get3A_795[%get3A_796, %get3A_797] {strides = array<i32>} : memref<200x128xf32, #tpu.memory_space<vmem>>, vector<1x16xf32>,
          %get3A_799 = vector.shape_cast %get3A_798 : vector<1x16xf32> to vector<16xf32>
          %add3A_800 = arith.addf %add3A_723, %get3A_799 : vector<16xf32>
          %get3A_801 = arith.constant 0 : i32
          %get3A_802 = arith.constant 0 : i32
          %get3A_803 = tpu.memref_slice %arg16[%scan3A_288, %get3A_801, %get3A_802] : memref<2x200x128xf32, #tpu.memory_space<vmem>> -> memref<1x200x128xf32, #tpu.memory_space<vmem>>
          %get3A_804 = tpu.memref_squeeze %get3A_803 : memref<1x200x128xf32, #tpu.memory_space<vmem>> -> memref<200x128xf32, #tpu.memory_space<vmem>>
          %get3A_805 = arith.index_cast %add3A_764 : i32 to index
          %get3A_806 = arith.constant 64 : index
          %get3A_807 = tpu.vector_load %get3A_804[%get3A_805, %get3A_806] {strides = array<i32>} : memref<200x128xf32, #tpu.memory_space<vmem>>, vector<1x16xf32>,
          %get3A_808 = vector.shape_cast %get3A_807 : vector<1x16xf32> to vector<16xf32>
          %add3A_809 = arith.addf %add3A_732, %get3A_808 : vector<16xf32>
          %get3A_810 = arith.constant 0 : i32
          %get3A_811 = arith.constant 0 : i32
          %get3A_812 = tpu.memref_slice %arg16[%scan3A_288, %get3A_810, %get3A_811] : memref<2x200x128xf32, #tpu.memory_space<vmem>> -> memref<1x200x128xf32, #tpu.memory_space<vmem>>
          %get3A_813 = tpu.memref_squeeze %get3A_812 : memref<1x200x128xf32, #tpu.memory_space<vmem>> -> memref<200x128xf32, #tpu.memory_space<vmem>>
          %get3A_814 = arith.index_cast %add3A_764 : i32 to index
          %get3A_815 = arith.constant 80 : index
          %get3A_816 = tpu.vector_load %get3A_813[%get3A_814, %get3A_815] {strides = array<i32>} : memref<200x128xf32, #tpu.memory_space<vmem>>, vector<1x16xf32>,
          %get3A_817 = vector.shape_cast %get3A_816 : vector<1x16xf32> to vector<16xf32>
          %add3A_818 = arith.addf %add3A_741, %get3A_817 : vector<16xf32>
          %get3A_819 = arith.constant 0 : i32
          %get3A_820 = arith.constant 0 : i32
          %get3A_821 = tpu.memref_slice %arg16[%scan3A_288, %get3A_819, %get3A_820] : memref<2x200x128xf32, #tpu.memory_space<vmem>> -> memref<1x200x128xf32, #tpu.memory_space<vmem>>
          %get3A_822 = tpu.memref_squeeze %get3A_821 : memref<1x200x128xf32, #tpu.memory_space<vmem>> -> memref<200x128xf32, #tpu.memory_space<vmem>>
          %get3A_823 = arith.index_cast %add3A_764 : i32 to index
          %get3A_824 = arith.constant 96 : index
          %get3A_825 = tpu.vector_load %get3A_822[%get3A_823, %get3A_824] {strides = array<i32>} : memref<200x128xf32, #tpu.memory_space<vmem>>, vector<1x16xf32>,
          %get3A_826 = vector.shape_cast %get3A_825 : vector<1x16xf32> to vector<16xf32>
          %add3A_827 = arith.addf %add3A_750, %get3A_826 : vector<16xf32>
          %get3A_828 = arith.constant 0 : i32
          %get3A_829 = arith.constant 0 : i32
          %get3A_830 = tpu.memref_slice %arg16[%scan3A_288, %get3A_828, %get3A_829] : memref<2x200x128xf32, #tpu.memory_space<vmem>> -> memref<1x200x128xf32, #tpu.memory_space<vmem>>
          %get3A_831 = tpu.memref_squeeze %get3A_830 : memref<1x200x128xf32, #tpu.memory_space<vmem>> -> memref<200x128xf32, #tpu.memory_space<vmem>>
          %get3A_832 = arith.index_cast %add3A_764 : i32 to index
          %get3A_833 = arith.constant 112 : index
          %get3A_834 = tpu.vector_load %get3A_831[%get3A_832, %get3A_833] {strides = array<i32>} : memref<200x128xf32, #tpu.memory_space<vmem>>, vector<1x16xf32>,
          %get3A_835 = vector.shape_cast %get3A_834 : vector<1x16xf32> to vector<16xf32>
          %add3A_836 = arith.addf %add3A_759, %get3A_835 : vector<16xf32>
          scf.yield %add3A_773, %add3A_782, %add3A_791, %add3A_800, %add3A_809, %add3A_818, %add3A_827, %add3A_836 : vector<16xf32>, vector<16xf32>, vector<16xf32>, vector<16xf32>, vector<16xf32>, vector<16xf32>, vector<16xf32>, vector<16xf32>
        }
        %scan3A_340 = arith.constant 5 : i32
        %mul3A_341 = arith.constant 4.000000e-02 : f32
        %mul3A_342 = vector.broadcast %mul3A_341 : f32 to vector<16xf32>
        %mul3A_343 = arith.mulf %scan3A_339#0, %mul3A_342 : vector<16xf32>
        %swap3A = arith.constant 1 : i32
        %swap3A_344 = arith.constant 0 : i32
        %swap3A_345 = arith.constant 0 : i32
        %swap3A_346 = tpu.memref_slice %arg17[%swap3A, %swap3A_344, %swap3A_345] : memref<2x8x128xf32, #tpu.memory_space<vmem>> -> memref<1x8x128xf32, #tpu.memory_space<vmem>>
        %swap3A_347 = tpu.memref_squeeze %swap3A_346 : memref<1x8x128xf32, #tpu.memory_space<vmem>> -> memref<8x128xf32, #tpu.memory_space<vmem>>
        %swap3A_348 = arith.index_cast %scan3A_317 : i32 to index
        %swap3A_349 = arith.constant 0 : index
        %swap3A_350 = tpu.vector_load %swap3A_347[%swap3A_348, %swap3A_349] {strides = array<i32>} : memref<8x128xf32, #tpu.memory_space<vmem>>, vector<1x16xf32>,
        %swap3A_351 = vector.shape_cast %swap3A_350 : vector<1x16xf32> to vector<16xf32>
        %swap3A_352 = vector.shape_cast %mul3A_343 : vector<16xf32> to vector<1x16xf32>
        tpu.vector_store %swap3A_347[%swap3A_348, %swap3A_349], %swap3A_352 {strides = array<i32>} : memref<8x128xf32, #tpu.memory_space<vmem>>, vector<1x16xf32>,
        %mul3A_353 = arith.constant 4.000000e-02 : f32
        %mul3A_354 = vector.broadcast %mul3A_353 : f32 to vector<16xf32>
        %mul3A_355 = arith.mulf %scan3A_339#1, %mul3A_354 : vector<16xf32>
        %swap3A_356 = arith.constant 1 : i32
        %swap3A_357 = arith.constant 0 : i32
        %swap3A_358 = arith.constant 0 : i32
        %swap3A_359 = tpu.memref_slice %arg17[%swap3A_356, %swap3A_357, %swap3A_358] : memref<2x8x128xf32, #tpu.memory_space<vmem>> -> memref<1x8x128xf32, #tpu.memory_space<vmem>>
        %swap3A_360 = tpu.memref_squeeze %swap3A_359 : memref<1x8x128xf32, #tpu.memory_space<vmem>> -> memref<8x128xf32, #tpu.memory_space<vmem>>
        %swap3A_361 = arith.index_cast %scan3A_317 : i32 to index
        %swap3A_362 = arith.constant 16 : index
        %swap3A_363 = tpu.vector_load %swap3A_360[%swap3A_361, %swap3A_362] {strides = array<i32>} : memref<8x128xf32, #tpu.memory_space<vmem>>, vector<1x16xf32>,
        %swap3A_364 = vector.shape_cast %swap3A_363 : vector<1x16xf32> to vector<16xf32>
        %swap3A_365 = vector.shape_cast %mul3A_355 : vector<16xf32> to vector<1x16xf32>
        tpu.vector_store %swap3A_360[%swap3A_361, %swap3A_362], %swap3A_365 {strides = array<i32>} : memref<8x128xf32, #tpu.memory_space<vmem>>, vector<1x16xf32>,
        %mul3A_366 = arith.constant 4.000000e-02 : f32
        %mul3A_367 = vector.broadcast %mul3A_366 : f32 to vector<16xf32>
        %mul3A_368 = arith.mulf %scan3A_339#2, %mul3A_367 : vector<16xf32>
        %swap3A_369 = arith.constant 1 : i32
        %swap3A_370 = arith.constant 0 : i32
        %swap3A_371 = arith.constant 0 : i32
        %swap3A_372 = tpu.memref_slice %arg17[%swap3A_369, %swap3A_370, %swap3A_371] : memref<2x8x128xf32, #tpu.memory_space<vmem>> -> memref<1x8x128xf32, #tpu.memory_space<vmem>>
        %swap3A_373 = tpu.memref_squeeze %swap3A_372 : memref<1x8x128xf32, #tpu.memory_space<vmem>> -> memref<8x128xf32, #tpu.memory_space<vmem>>
        %swap3A_374 = arith.index_cast %scan3A_317 : i32 to index
        %swap3A_375 = arith.constant 32 : index
        %swap3A_376 = tpu.vector_load %swap3A_373[%swap3A_374, %swap3A_375] {strides = array<i32>} : memref<8x128xf32, #tpu.memory_space<vmem>>, vector<1x16xf32>,
        %swap3A_377 = vector.shape_cast %swap3A_376 : vector<1x16xf32> to vector<16xf32>
        %swap3A_378 = vector.shape_cast %mul3A_368 : vector<16xf32> to vector<1x16xf32>
        tpu.vector_store %swap3A_373[%swap3A_374, %swap3A_375], %swap3A_378 {strides = array<i32>} : memref<8x128xf32, #tpu.memory_space<vmem>>, vector<1x16xf32>,
        %mul3A_379 = arith.constant 4.000000e-02 : f32
        %mul3A_380 = vector.broadcast %mul3A_379 : f32 to vector<16xf32>
        %mul3A_381 = arith.mulf %scan3A_339#3, %mul3A_380 : vector<16xf32>
        %swap3A_382 = arith.constant 1 : i32
        %swap3A_383 = arith.constant 0 : i32
        %swap3A_384 = arith.constant 0 : i32
        %swap3A_385 = tpu.memref_slice %arg17[%swap3A_382, %swap3A_383, %swap3A_384] : memref<2x8x128xf32, #tpu.memory_space<vmem>> -> memref<1x8x128xf32, #tpu.memory_space<vmem>>
        %swap3A_386 = tpu.memref_squeeze %swap3A_385 : memref<1x8x128xf32, #tpu.memory_space<vmem>> -> memref<8x128xf32, #tpu.memory_space<vmem>>
        %swap3A_387 = arith.index_cast %scan3A_317 : i32 to index
        %swap3A_388 = arith.constant 48 : index
        %swap3A_389 = tpu.vector_load %swap3A_386[%swap3A_387, %swap3A_388] {strides = array<i32>} : memref<8x128xf32, #tpu.memory_space<vmem>>, vector<1x16xf32>,
        %swap3A_390 = vector.shape_cast %swap3A_389 : vector<1x16xf32> to vector<16xf32>
        %swap3A_391 = vector.shape_cast %mul3A_381 : vector<16xf32> to vector<1x16xf32>
        tpu.vector_store %swap3A_386[%swap3A_387, %swap3A_388], %swap3A_391 {strides = array<i32>} : memref<8x128xf32, #tpu.memory_space<vmem>>, vector<1x16xf32>,
        %mul3A_392 = arith.constant 4.000000e-02 : f32
        %mul3A_393 = vector.broadcast %mul3A_392 : f32 to vector<16xf32>
        %mul3A_394 = arith.mulf %scan3A_339#4, %mul3A_393 : vector<16xf32>
        %swap3A_395 = arith.constant 1 : i32
        %swap3A_396 = arith.constant 0 : i32
        %swap3A_397 = arith.constant 0 : i32
        %swap3A_398 = tpu.memref_slice %arg17[%swap3A_395, %swap3A_396, %swap3A_397] : memref<2x8x128xf32, #tpu.memory_space<vmem>> -> memref<1x8x128xf32, #tpu.memory_space<vmem>>
        %swap3A_399 = tpu.memref_squeeze %swap3A_398 : memref<1x8x128xf32, #tpu.memory_space<vmem>> -> memref<8x128xf32, #tpu.memory_space<vmem>>
        %swap3A_400 = arith.index_cast %scan3A_317 : i32 to index
        %swap3A_401 = arith.constant 64 : index
        %swap3A_402 = tpu.vector_load %swap3A_399[%swap3A_400, %swap3A_401] {strides = array<i32>} : memref<8x128xf32, #tpu.memory_space<vmem>>, vector<1x16xf32>,
        %swap3A_403 = vector.shape_cast %swap3A_402 : vector<1x16xf32> to vector<16xf32>
        %swap3A_404 = vector.shape_cast %mul3A_394 : vector<16xf32> to vector<1x16xf32>
        tpu.vector_store %swap3A_399[%swap3A_400, %swap3A_401], %swap3A_404 {strides = array<i32>} : memref<8x128xf32, #tpu.memory_space<vmem>>, vector<1x16xf32>,
        %mul3A_405 = arith.constant 4.000000e-02 : f32
        %mul3A_406 = vector.broadcast %mul3A_405 : f32 to vector<16xf32>
        %mul3A_407 = arith.mulf %scan3A_339#5, %mul3A_406 : vector<16xf32>
        %swap3A_408 = arith.constant 1 : i32
        %swap3A_409 = arith.constant 0 : i32
        %swap3A_410 = arith.constant 0 : i32
        %swap3A_411 = tpu.memref_slice %arg17[%swap3A_408, %swap3A_409, %swap3A_410] : memref<2x8x128xf32, #tpu.memory_space<vmem>> -> memref<1x8x128xf32, #tpu.memory_space<vmem>>
        %swap3A_412 = tpu.memref_squeeze %swap3A_411 : memref<1x8x128xf32, #tpu.memory_space<vmem>> -> memref<8x128xf32, #tpu.memory_space<vmem>>
        %swap3A_413 = arith.index_cast %scan3A_317 : i32 to index
        %swap3A_414 = arith.constant 80 : index
        %swap3A_415 = tpu.vector_load %swap3A_412[%swap3A_413, %swap3A_414] {strides = array<i32>} : memref<8x128xf32, #tpu.memory_space<vmem>>, vector<1x16xf32>,
        %swap3A_416 = vector.shape_cast %swap3A_415 : vector<1x16xf32> to vector<16xf32>
        %swap3A_417 = vector.shape_cast %mul3A_407 : vector<16xf32> to vector<1x16xf32>
        tpu.vector_store %swap3A_412[%swap3A_413, %swap3A_414], %swap3A_417 {strides = array<i32>} : memref<8x128xf32, #tpu.memory_space<vmem>>, vector<1x16xf32>,
        %mul3A_418 = arith.constant 4.000000e-02 : f32
        %mul3A_419 = vector.broadcast %mul3A_418 : f32 to vector<16xf32>
        %mul3A_420 = arith.mulf %scan3A_339#6, %mul3A_419 : vector<16xf32>
        %swap3A_421 = arith.constant 1 : i32
        %swap3A_422 = arith.constant 0 : i32
        %swap3A_423 = arith.constant 0 : i32
        %swap3A_424 = tpu.memref_slice %arg17[%swap3A_421, %swap3A_422, %swap3A_423] : memref<2x8x128xf32, #tpu.memory_space<vmem>> -> memref<1x8x128xf32, #tpu.memory_space<vmem>>
        %swap3A_425 = tpu.memref_squeeze %swap3A_424 : memref<1x8x128xf32, #tpu.memory_space<vmem>> -> memref<8x128xf32, #tpu.memory_space<vmem>>
        %swap3A_426 = arith.index_cast %scan3A_317 : i32 to index
        %swap3A_427 = arith.constant 96 : index
        %swap3A_428 = tpu.vector_load %swap3A_425[%swap3A_426, %swap3A_427] {strides = array<i32>} : memref<8x128xf32, #tpu.memory_space<vmem>>, vector<1x16xf32>,
        %swap3A_429 = vector.shape_cast %swap3A_428 : vector<1x16xf32> to vector<16xf32>
        %swap3A_430 = vector.shape_cast %mul3A_420 : vector<16xf32> to vector<1x16xf32>
        tpu.vector_store %swap3A_425[%swap3A_426, %swap3A_427], %swap3A_430 {strides = array<i32>} : memref<8x128xf32, #tpu.memory_space<vmem>>, vector<1x16xf32>,
        %mul3A_431 = arith.constant 4.000000e-02 : f32
        %mul3A_432 = vector.broadcast %mul3A_431 : f32 to vector<16xf32>
        %mul3A_433 = arith.mulf %scan3A_339#7, %mul3A_432 : vector<16xf32>
        %swap3A_434 = arith.constant 1 : i32
        %swap3A_435 = arith.constant 0 : i32
        %swap3A_436 = arith.constant 0 : i32
        %swap3A_437 = tpu.memref_slice %arg17[%swap3A_434, %swap3A_435, %swap3A_436] : memref<2x8x128xf32, #tpu.memory_space<vmem>> -> memref<1x8x128xf32, #tpu.memory_space<vmem>>
        %swap3A_438 = tpu.memref_squeeze %swap3A_437 : memref<1x8x128xf32, #tpu.memory_space<vmem>> -> memref<8x128xf32, #tpu.memory_space<vmem>>
        %swap3A_439 = arith.index_cast %scan3A_317 : i32 to index
        %swap3A_440 = arith.constant 112 : index
        %swap3A_441 = tpu.vector_load %swap3A_438[%swap3A_439, %swap3A_440] {strides = array<i32>} : memref<8x128xf32, #tpu.memory_space<vmem>>, vector<1x16xf32>,
        %swap3A_442 = vector.shape_cast %swap3A_441 : vector<1x16xf32> to vector<16xf32>
        %swap3A_443 = vector.shape_cast %mul3A_433 : vector<16xf32> to vector<1x16xf32>
        tpu.vector_store %swap3A_438[%swap3A_439, %swap3A_440], %swap3A_443 {strides = array<i32>} : memref<8x128xf32, #tpu.memory_space<vmem>>, vector<1x16xf32>,
      }
      %scan3A_293 = arith.constant 8 : i32
      %mul3A_294 = arith.constant 320 : i32
      %mul3A_295 = arith.muli %add3A, %mul3A_294 : i32
      %mul3A_296 = arith.constant 8 : i32
      %mul3A_297 = arith.muli %mul3A_296, %add3A_253 : i32
      %add3A_298 = arith.addi %mul3A_295, %mul3A_297 : i32
      %dma_start3A_299 = arith.constant 1 : i32
      %dma_start3A_300 = arith.constant 0 : i32
      %dma_start3A_301 = arith.constant 0 : i32
      %dma_start3A_302 = tpu.memref_slice %arg17[%dma_start3A_299, %dma_start3A_300, %dma_start3A_301] : memref<2x8x128xf32, #tpu.memory_space<vmem>> -> memref<1x8x128xf32, #tpu.memory_space<vmem>>
      %dma_start3A_303 = tpu.memref_squeeze %dma_start3A_302 : memref<1x8x128xf32, #tpu.memory_space<vmem>> -> memref<8x128xf32, #tpu.memory_space<vmem>>
      %dma_start3A_304 = arith.constant 0 : i32
      %dma_start3A_305 = tpu.memref_slice %arg9[%add3A_298, %dma_start3A_304] : memref<10240x128xf32, #tpu.memory_space<hbm>> -> memref<8x128xf32, #tpu.memory_space<hbm>>
      %dma_start3A_306 = arith.constant 0 : i32
      %dma_start3A_307 = tpu.memref_slice %arg9[%add3A_298, %dma_start3A_306] : memref<10240x128xf32, #tpu.memory_space<hbm>> -> memref<8x128xf32, #tpu.memory_space<hbm>>
      %dma_start3A_308 = arith.constant 0 : i32
      %dma_start3A_309 = arith.constant 0 : i32
      %dma_start3A_310 = tpu.memref_slice %arg17[%dma_start3A_299, %dma_start3A_308, %dma_start3A_309] : memref<2x8x128xf32, #tpu.memory_space<vmem>> -> memref<1x8x128xf32, #tpu.memory_space<vmem>>
      %dma_start3A_311 = tpu.memref_squeeze %dma_start3A_310 : memref<1x8x128xf32, #tpu.memory_space<vmem>> -> memref<8x128xf32, #tpu.memory_space<vmem>>
      tpu.enqueue_dma source(%dma_start3A_311 : memref<8x128xf32, #tpu.memory_space<vmem>>) target(%dma_start3A_307 : memref<8x128xf32, #tpu.memory_space<hbm>>) target_semaphore(%arg22 : memref<!tpu.dma_semaphore, #tpu.memory_space<semaphore_mem>>)
      %lt3A_312 = arith.constant 19 : i32
      %lt3A_313 = arith.cmpi slt, %scan3A_186, %lt3A_312 : i32
      %convert_element_type3A_314 = arith.extui %lt3A_313 : i1 to i32
      %cond3A_315 = arith.constant 0 : i32
      %cond3A_316 = arith.cmpi ne, %convert_element_type3A_314, %cond3A_315 : i32
      scf.if %cond3A_316 {
        %add3A_317 = arith.constant 2 : i32
        %add3A_318 = arith.addi %add3A_253, %add3A_317 : i32
        %mul3A_319 = arith.constant 200 : i32
        %mul3A_320 = arith.muli %add3A_318, %mul3A_319 : i32
        %add3A_321 = arith.constant 104 : i32
        %add3A_322 = arith.addi %mul3A_320, %add3A_321 : i32
        %dma_start3A_323 = arith.constant 1 : i32
        %dma_start3A_324 = arith.constant 0 : i32
        %dma_start3A_325 = arith.constant 0 : i32
        %dma_start3A_326 = tpu.memref_slice %arg16[%dma_start3A_323, %dma_start3A_324, %dma_start3A_325] : memref<2x200x128xf32, #tpu.memory_space<vmem>> -> memref<1x200x128xf32, #tpu.memory_space<vmem>>
        %dma_start3A_327 = tpu.memref_squeeze %dma_start3A_326 : memref<1x200x128xf32, #tpu.memory_space<vmem>> -> memref<200x128xf32, #tpu.memory_space<vmem>>
        %dma_start3A_328 = arith.constant 0 : i32
        %dma_start3A_329 = arith.constant 0 : i32
        %dma_start3A_330 = tpu.memref_slice %dma_start3A_327[%dma_start3A_328, %dma_start3A_329] : memref<200x128xf32, #tpu.memory_space<vmem>> -> memref<104x128xf32, #tpu.memory_space<vmem>>
        %dma_start3A_331 = tpu.memref_slice %arg12[%mul3A_320] : memref<8000xi32, #tpu.memory_space<vmem>> -> memref<104xi32, #tpu.memory_space<vmem>>
        %dma_start3A_332 = arith.constant 0 : i32
        %dma_start3A_333 = arith.constant 0 : i32
        %dma_start3A_334 = tpu.memref_slice %arg2[%dma_start3A_332, %dma_start3A_333] : memref<100000x128xf32, #tpu.memory_space<hbm>> -> memref<100000x128xf32, #tpu.memory_space<hbm>>
        tpu.enqueue_indirect_dma source(%dma_start3A_334 : memref<100000x128xf32, #tpu.memory_space<hbm>>) target(%dma_start3A_330 : memref<104x128xf32, #tpu.memory_space<vmem>>) offsets(%dma_start3A_331 : memref<104xi32, #tpu.memory_space<vmem>>) semaphore(%arg20 : memref<!tpu.dma_semaphore, #tpu.memory_space<semaphore_mem>>)
        %dma_start3A_335 = arith.constant 1 : i32
        %dma_start3A_336 = arith.constant 0 : i32
        %dma_start3A_337 = arith.constant 0 : i32
        %dma_start3A_338 = tpu.memref_slice %arg16[%dma_start3A_335, %dma_start3A_336, %dma_start3A_337] : memref<2x200x128xf32, #tpu.memory_space<vmem>> -> memref<1x200x128xf32, #tpu.memory_space<vmem>>
        %dma_start3A_339 = tpu.memref_squeeze %dma_start3A_338 : memref<1x200x128xf32, #tpu.memory_space<vmem>> -> memref<200x128xf32, #tpu.memory_space<vmem>>
        %dma_start3A_340 = arith.constant 104 : i32
        %dma_start3A_341 = arith.constant 0 : i32
        %dma_start3A_342 = tpu.memref_slice %dma_start3A_339[%dma_start3A_340, %dma_start3A_341] : memref<200x128xf32, #tpu.memory_space<vmem>> -> memref<96x128xf32, #tpu.memory_space<vmem>>
        %dma_start3A_343 = tpu.memref_slice %arg12[%add3A_322] : memref<8000xi32, #tpu.memory_space<vmem>> -> memref<96xi32, #tpu.memory_space<vmem>>
        %dma_start3A_344 = arith.constant 0 : i32
        %dma_start3A_345 = arith.constant 0 : i32
        %dma_start3A_346 = tpu.memref_slice %arg2[%dma_start3A_344, %dma_start3A_345] : memref<100000x128xf32, #tpu.memory_space<hbm>> -> memref<100000x128xf32, #tpu.memory_space<hbm>>
        tpu.enqueue_indirect_dma source(%dma_start3A_346 : memref<100000x128xf32, #tpu.memory_space<hbm>>) target(%dma_start3A_342 : memref<96x128xf32, #tpu.memory_space<vmem>>) offsets(%dma_start3A_343 : memref<96xi32, #tpu.memory_space<vmem>>) semaphore(%arg20 : memref<!tpu.dma_semaphore, #tpu.memory_space<semaphore_mem>>)
      } else {
      }
    }
    %scan3A_151 = arith.constant 20 : i32
    %mul3A_152 = arith.constant 320 : i32
    %mul3A_153 = arith.muli %add3A, %mul3A_152 : i32
    %add3A_154 = arith.constant 304 : i32
    %add3A_155 = arith.addi %mul3A_153, %add3A_154 : i32
    %dma_wait3A_156 = arith.constant 0 : i32
    %dma_wait3A_157 = arith.constant 0 : i32
    %dma_wait3A_158 = arith.constant 0 : i32
    %dma_wait3A_159 = tpu.memref_slice %arg17[%dma_wait3A_156, %dma_wait3A_157, %dma_wait3A_158] : memref<2x8x128xf32, #tpu.memory_space<vmem>> -> memref<1x8x128xf32, #tpu.memory_space<vmem>>
    %dma_wait3A_160 = tpu.memref_squeeze %dma_wait3A_159 : memref<1x8x128xf32, #tpu.memory_space<vmem>> -> memref<8x128xf32, #tpu.memory_space<vmem>>
    %dma_wait3A_161 = arith.constant 0 : i32
    %dma_wait3A_162 = tpu.memref_slice %arg9[%add3A_155, %dma_wait3A_161] : memref<10240x128xf32, #tpu.memory_space<hbm>> -> memref<8x128xf32, #tpu.memory_space<hbm>>
    %dma_wait3A_163 = arith.constant 0 : i32
    %dma_wait3A_164 = tpu.memref_slice %arg9[%add3A_155, %dma_wait3A_163] : memref<10240x128xf32, #tpu.memory_space<hbm>> -> memref<8x128xf32, #tpu.memory_space<hbm>>
    %dma_wait3A_165 = arith.constant 0 : i32
    %dma_wait3A_166 = arith.constant 0 : i32
    %dma_wait3A_167 = tpu.memref_slice %arg17[%dma_wait3A_156, %dma_wait3A_165, %dma_wait3A_166] : memref<2x8x128xf32, #tpu.memory_space<vmem>> -> memref<1x8x128xf32, #tpu.memory_space<vmem>>
    %dma_wait3A_168 = tpu.memref_squeeze %dma_wait3A_167 : memref<1x8x128xf32, #tpu.memory_space<vmem>> -> memref<8x128xf32, #tpu.memory_space<vmem>>
    tpu.wait_dma2 semaphore(%arg21 : memref<!tpu.dma_semaphore, #tpu.memory_space<semaphore_mem>>) src(%dma_wait3A_168 : memref<8x128xf32, #tpu.memory_space<vmem>>) dst(%dma_wait3A_164 : memref<8x128xf32, #tpu.memory_space<hbm>>)
    %mul3A_169 = arith.constant 320 : i32
    %mul3A_170 = arith.muli %add3A, %mul3A_169 : i32
    %add3A_171 = arith.constant 312 : i32
    %add3A_172 = arith.addi %mul3A_170, %add3A_171 : i32
    %dma_wait3A_173 = arith.constant 1 : i32
    %dma_wait3A_174 = arith.constant 0 : i32
    %dma_wait3A_175 = arith.constant 0 : i32
    %dma_wait3A_176 = tpu.memref_slice %arg17[%dma_wait3A_173, %dma_wait3A_174, %dma_wait3A_175] : memref<2x8x128xf32, #tpu.memory_space<vmem>> -> memref<1x8x128xf32, #tpu.memory_space<vmem>>
    %dma_wait3A_177 = tpu.memref_squeeze %dma_wait3A_176 : memref<1x8x128xf32, #tpu.memory_space<vmem>> -> memref<8x128xf32, #tpu.memory_space<vmem>>
    %dma_wait3A_178 = arith.constant 0 : i32
    %dma_wait3A_179 = tpu.memref_slice %arg9[%add3A_172, %dma_wait3A_178] : memref<10240x128xf32, #tpu.memory_space<hbm>> -> memref<8x128xf32, #tpu.memory_space<hbm>>
    %dma_wait3A_180 = arith.constant 0 : i32
    %dma_wait3A_181 = tpu.memref_slice %arg9[%add3A_172, %dma_wait3A_180] : memref<10240x128xf32, #tpu.memory_space<hbm>> -> memref<8x128xf32, #tpu.memory_space<hbm>>
    %dma_wait3A_182 = arith.constant 0 : i32
    %dma_wait3A_183 = arith.constant 0 : i32
    %dma_wait3A_184 = tpu.memref_slice %arg17[%dma_wait3A_173, %dma_wait3A_182, %dma_wait3A_183] : memref<2x8x128xf32, #tpu.memory_space<vmem>> -> memref<1x8x128xf32, #tpu.memory_space<vmem>>
    %dma_wait3A_185 = tpu.memref_squeeze %dma_wait3A_184 : memref<1x8x128xf32, #tpu.memory_space<vmem>> -> memref<8x128xf32, #tpu.memory_space<vmem>>
    tpu.wait_dma2 semaphore(%arg22 : memref<!tpu.dma_semaphore, #tpu.memory_space<semaphore_mem>>) src(%dma_wait3A_185 : memref<8x128xf32, #tpu.memory_space<vmem>>) dst(%dma_wait3A_181 : memref<8x128xf32, #tpu.memory_space<hbm>>)
    return
  }
}

module attributes {stable_mosaic.version = 14 : i64} {
  func.func @_tc_dense(%arg0: i32, %arg1: memref<1024x128xf32, #tpu.memory_space<vmem>>, %arg2: memref<1024x128xf32, #tpu.memory_space<vmem>>, %arg3: memref<1280x128xf32, #tpu.memory_space<vmem>>, %arg4: memref<1280x128xf32, #tpu.memory_space<vmem>>, %arg5: memref<128x128xf32, #tpu.memory_space<vmem>>, %arg6: memref<128x128xf32, #tpu.memory_space<vmem>>, %arg7: memref<256x128xf32, #tpu.memory_space<vmem>>, %arg8: memref<256x128xf32, #tpu.memory_space<vmem>>, %arg9: memref<128x1280xf32, #tpu.memory_space<vmem>>, %arg10: memref<1024x256xf32, #tpu.memory_space<vmem>>) attributes {dimension_semantics = [#tpu.dimension_semantics<arbitrary>], iteration_bounds = array<i64: 8>, scalar_prefetch = 0 : i64, scratch_operands = 0 : i64, tpu.core_type = #tpu.core_type<tc>, window_params = [{pipeline_mode = #tpu.pipeline_mode<synchronous>, transform_indices = @transform_0, window_bounds = array<i64: 1024, 128>}, {pipeline_mode = #tpu.pipeline_mode<synchronous>, transform_indices = @transform_1, window_bounds = array<i64: 1024, 128>}, {transform_indices = @transform_2, window_bounds = array<i64: 1280, 128>}, {transform_indices = @transform_3, window_bounds = array<i64: 1280, 128>}, {pipeline_mode = #tpu.pipeline_mode<synchronous>, transform_indices = @transform_4, window_bounds = array<i64: 128, 128>}, {pipeline_mode = #tpu.pipeline_mode<synchronous>, transform_indices = @transform_5, window_bounds = array<i64: 128, 128>}, {pipeline_mode = #tpu.pipeline_mode<synchronous>, transform_indices = @transform_6, window_bounds = array<i64: 256, 128>}, {pipeline_mode = #tpu.pipeline_mode<synchronous>, transform_indices = @transform_7, window_bounds = array<i64: 256, 128>}, {pipeline_mode = #tpu.pipeline_mode<synchronous>, transform_indices = @transform_8, window_bounds = array<i64: 128, 1280>}, {pipeline_mode = #tpu.pipeline_mode<synchronous>, transform_indices = @transform_9, window_bounds = array<i64: 1024, 256>}]} {
    %get3A = arith.constant 0 : index
    %get3A_0 = arith.constant 0 : index
    %get3A_1 = vector.load %arg5[%get3A, %get3A_0] : memref<128x128xf32, #tpu.memory_space<vmem>>, vector<128x128xf32>
    %get3A_2 = arith.constant 0 : index
    %get3A_3 = arith.constant 0 : index
    %get3A_4 = vector.load %arg6[%get3A_2, %get3A_3] : memref<128x128xf32, #tpu.memory_space<vmem>>, vector<128x128xf32>
    %eq3A = arith.constant 0 : i32
    %eq3A_5 = arith.cmpi eq, %arg0, %eq3A : i32
    %convert_element_type3A = arith.extui %eq3A_5 : i1 to i32
    %cond3A = arith.constant 0 : i32
    %cond3A_6 = arith.cmpi ne, %convert_element_type3A, %cond3A : i32
    scf.if %cond3A_6 {
      %get3A_44 = arith.constant 0 : index
      %get3A_45 = arith.constant 0 : index
      %get3A_46 = vector.load %arg1[%get3A_44, %get3A_45] : memref<1024x128xf32, #tpu.memory_space<vmem>>, vector<1024x128xf32>
      %dot_general3A_47 = arith.constant dense<0.000000e+00> : vector<1024x128xf32>
      %dot_general3A_48 = tpu.matmul %get3A_46, %get3A_1, %dot_general3A_47 {dimension_numbers = #tpu.dot_dimension_numbers<[1], [0], [0], [1], [0, 0, 1, 1], [], []>, transpose_lhs_hint = false} : vector<1024x128xf32>, vector<128x128xf32>, vector<1024x128xf32> -> vector<1024x128xf32>
      %max3A_49 = arith.constant 0.000000e+00 : f32
      %max3A_50 = vector.broadcast %max3A_49 : f32 to vector<1024x128xf32>
      %max3A_51 = arith.maximumf %dot_general3A_48, %max3A_50 : vector<1024x128xf32>
      %get3A_52 = arith.constant 0 : index
      %get3A_53 = arith.constant 0 : index
      %get3A_54 = vector.load %arg2[%get3A_52, %get3A_53] : memref<1024x128xf32, #tpu.memory_space<vmem>>, vector<1024x128xf32>
      %dot_general3A_55 = arith.constant dense<0.000000e+00> : vector<1024x128xf32>
      %dot_general3A_56 = tpu.matmul %get3A_54, %get3A_4, %dot_general3A_55 {dimension_numbers = #tpu.dot_dimension_numbers<[1], [0], [0], [1], [0, 0, 1, 1], [], []>, transpose_lhs_hint = false} : vector<1024x128xf32>, vector<128x128xf32>, vector<1024x128xf32> -> vector<1024x128xf32>
      %max3A_57 = arith.constant 0.000000e+00 : f32
      %max3A_58 = vector.broadcast %max3A_57 : f32 to vector<1024x128xf32>
      %max3A_59 = arith.maximumf %dot_general3A_56, %max3A_58 : vector<1024x128xf32>
      %get3A_60 = arith.constant 0 : index
      %get3A_61 = arith.constant 0 : index
      %get3A_62 = vector.load %arg7[%get3A_60, %get3A_61] : memref<256x128xf32, #tpu.memory_space<vmem>>, vector<128x128xf32>
      %dot_general3A_63 = arith.constant dense<0.000000e+00> : vector<1024x128xf32>
      %dot_general3A_64 = tpu.matmul %max3A_51, %get3A_62, %dot_general3A_63 {dimension_numbers = #tpu.dot_dimension_numbers<[1], [0], [0], [1], [0, 0, 1, 1], [], []>, transpose_lhs_hint = false} : vector<1024x128xf32>, vector<128x128xf32>, vector<1024x128xf32> -> vector<1024x128xf32>
      %get3A_65 = arith.constant 128 : index
      %get3A_66 = arith.constant 0 : index
      %get3A_67 = vector.load %arg7[%get3A_65, %get3A_66] : memref<256x128xf32, #tpu.memory_space<vmem>>, vector<128x128xf32>
      %dot_general3A_68 = arith.constant dense<0.000000e+00> : vector<1024x128xf32>
      %dot_general3A_69 = tpu.matmul %max3A_59, %get3A_67, %dot_general3A_68 {dimension_numbers = #tpu.dot_dimension_numbers<[1], [0], [0], [1], [0, 0, 1, 1], [], []>, transpose_lhs_hint = false} : vector<1024x128xf32>, vector<128x128xf32>, vector<1024x128xf32> -> vector<1024x128xf32>
      %add3A_70 = arith.addf %dot_general3A_64, %dot_general3A_69 : vector<1024x128xf32>
      %swap3A_71 = arith.constant 0 : index
      %swap3A_72 = arith.constant 0 : index
      %swap3A_73 = vector.load %arg10[%swap3A_71, %swap3A_72] : memref<1024x256xf32, #tpu.memory_space<vmem>>, vector<1024x128xf32>
      tpu.vector_store %arg10[%swap3A_71, %swap3A_72], %add3A_70 {strides = array<i32>} : memref<1024x256xf32, #tpu.memory_space<vmem>>, vector<1024x128xf32>,
    } else {
    }
    %get3A_7 = arith.constant 0 : index
    %get3A_8 = arith.constant 0 : index
    %get3A_9 = vector.load %arg3[%get3A_7, %get3A_8] : memref<1280x128xf32, #tpu.memory_space<vmem>>, vector<1280x128xf32>
    %dot_general3A = arith.constant dense<0.000000e+00> : vector<1280x128xf32>
    %dot_general3A_10 = tpu.matmul %get3A_9, %get3A_1, %dot_general3A {dimension_numbers = #tpu.dot_dimension_numbers<[1], [0], [0], [1], [0, 0, 1, 1], [], []>, transpose_lhs_hint = false} : vector<1280x128xf32>, vector<128x128xf32>, vector<1280x128xf32> -> vector<1280x128xf32>
    %max3A = arith.constant 0.000000e+00 : f32
    %max3A_11 = vector.broadcast %max3A : f32 to vector<1280x128xf32>
    %max3A_12 = arith.maximumf %dot_general3A_10, %max3A_11 : vector<1280x128xf32>
    %get3A_13 = arith.constant 0 : index
    %get3A_14 = arith.constant 0 : index
    %get3A_15 = vector.load %arg4[%get3A_13, %get3A_14] : memref<1280x128xf32, #tpu.memory_space<vmem>>, vector<1280x128xf32>
    %dot_general3A_16 = arith.constant dense<0.000000e+00> : vector<1280x128xf32>
    %dot_general3A_17 = tpu.matmul %get3A_15, %get3A_4, %dot_general3A_16 {dimension_numbers = #tpu.dot_dimension_numbers<[1], [0], [0], [1], [0, 0, 1, 1], [], []>, transpose_lhs_hint = false} : vector<1280x128xf32>, vector<128x128xf32>, vector<1280x128xf32> -> vector<1280x128xf32>
    %max3A_18 = arith.constant 0.000000e+00 : f32
    %max3A_19 = vector.broadcast %max3A_18 : f32 to vector<1280x128xf32>
    %max3A_20 = arith.maximumf %dot_general3A_17, %max3A_19 : vector<1280x128xf32>
    %get3A_21 = arith.constant 0 : index
    %get3A_22 = arith.constant 0 : index
    %get3A_23 = vector.load %arg9[%get3A_21, %get3A_22] : memref<128x1280xf32, #tpu.memory_space<vmem>>, vector<128x1280xf32>
    %dot_general3A_24 = arith.constant dense<0.000000e+00> : vector<128x128xf32>
    %dot_general3A_25 = tpu.matmul %get3A_23, %max3A_12, %dot_general3A_24 {dimension_numbers = #tpu.dot_dimension_numbers<[1], [0], [0], [1], [0, 0, 1, 1], [], []>, transpose_lhs_hint = false} : vector<128x1280xf32>, vector<1280x128xf32>, vector<128x128xf32> -> vector<128x128xf32>
    %get3A_26 = arith.constant 0 : index
    %get3A_27 = arith.constant 0 : index
    %get3A_28 = vector.load %arg9[%get3A_26, %get3A_27] : memref<128x1280xf32, #tpu.memory_space<vmem>>, vector<128x1280xf32>
    %dot_general3A_29 = arith.constant dense<0.000000e+00> : vector<128x128xf32>
    %dot_general3A_30 = tpu.matmul %get3A_28, %max3A_20, %dot_general3A_29 {dimension_numbers = #tpu.dot_dimension_numbers<[1], [0], [0], [1], [0, 0, 1, 1], [], []>, transpose_lhs_hint = false} : vector<128x1280xf32>, vector<1280x128xf32>, vector<128x128xf32> -> vector<128x128xf32>
    %get3A_31 = arith.constant 0 : index
    %get3A_32 = arith.constant 0 : index
    %get3A_33 = vector.load %arg8[%get3A_31, %get3A_32] : memref<256x128xf32, #tpu.memory_space<vmem>>, vector<128x128xf32>
    %dot_general3A_34 = arith.constant dense<0.000000e+00> : vector<128x128xf32>
    %dot_general3A_35 = tpu.matmul %dot_general3A_25, %get3A_33, %dot_general3A_34 {dimension_numbers = #tpu.dot_dimension_numbers<[1], [0], [0], [1], [0, 0, 1, 1], [], []>, transpose_lhs_hint = false} : vector<128x128xf32>, vector<128x128xf32>, vector<128x128xf32> -> vector<128x128xf32>
    %get3A_36 = arith.constant 128 : index
    %get3A_37 = arith.constant 0 : index
    %get3A_38 = vector.load %arg8[%get3A_36, %get3A_37] : memref<256x128xf32, #tpu.memory_space<vmem>>, vector<128x128xf32>
    %dot_general3A_39 = arith.constant dense<0.000000e+00> : vector<128x128xf32>
    %dot_general3A_40 = tpu.matmul %dot_general3A_30, %get3A_38, %dot_general3A_39 {dimension_numbers = #tpu.dot_dimension_numbers<[1], [0], [0], [1], [0, 0, 1, 1], [], []>, transpose_lhs_hint = false} : vector<128x128xf32>, vector<128x128xf32>, vector<128x128xf32> -> vector<128x128xf32>
    %add3A = arith.addf %dot_general3A_35, %dot_general3A_40 : vector<128x128xf32>
    %mul3A = arith.constant 128 : i32
    %mul3A_41 = arith.muli %arg0, %mul3A : i32
    %swap3A = arith.index_cast %mul3A_41 : i32 to index
    %swap3A_42 = arith.constant 128 : index
    %swap3A_43 = vector.load %arg10[%swap3A, %swap3A_42] : memref<1024x256xf32, #tpu.memory_space<vmem>>, vector<128x128xf32>
    tpu.vector_store %arg10[%swap3A, %swap3A_42], %add3A {strides = array<i32>} : memref<1024x256xf32, #tpu.memory_space<vmem>>, vector<128x128xf32>,
    return
  }
  func.func @transform_0(%arg0: i32) -> (i32, i32) {
    %c0_i32 = arith.constant 0 : i32
    %c0_i32_0 = arith.constant 0 : i32
    %c0_i32_1 = arith.constant 0 : i32
    return %c0_i32, %c0_i32_0 : i32, i32
  }
  func.func @transform_1(%arg0: i32) -> (i32, i32) {
    %c0_i32 = arith.constant 0 : i32
    %c0_i32_0 = arith.constant 0 : i32
    %c0_i32_1 = arith.constant 0 : i32
    return %c0_i32, %c0_i32_0 : i32, i32
  }
  func.func @transform_2(%arg0: i32) -> (i32, i32) {
    %c0_i32 = arith.constant 0 : i32
    %c0_i32_0 = arith.constant 0 : i32
    return %arg0, %c0_i32 : i32, i32
  }
  func.func @transform_3(%arg0: i32) -> (i32, i32) {
    %c0_i32 = arith.constant 0 : i32
    %c0_i32_0 = arith.constant 0 : i32
    return %arg0, %c0_i32 : i32, i32
  }
  func.func @transform_4(%arg0: i32) -> (i32, i32) {
    %c0_i32 = arith.constant 0 : i32
    %c0_i32_0 = arith.constant 0 : i32
    %c0_i32_1 = arith.constant 0 : i32
    return %c0_i32, %c0_i32_0 : i32, i32
  }
  func.func @transform_5(%arg0: i32) -> (i32, i32) {
    %c0_i32 = arith.constant 0 : i32
    %c0_i32_0 = arith.constant 0 : i32
    %c0_i32_1 = arith.constant 0 : i32
    return %c0_i32, %c0_i32_0 : i32, i32
  }
  func.func @transform_6(%arg0: i32) -> (i32, i32) {
    %c0_i32 = arith.constant 0 : i32
    %c0_i32_0 = arith.constant 0 : i32
    %c0_i32_1 = arith.constant 0 : i32
    return %c0_i32, %c0_i32_0 : i32, i32
  }
  func.func @transform_7(%arg0: i32) -> (i32, i32) {
    %c0_i32 = arith.constant 0 : i32
    %c0_i32_0 = arith.constant 0 : i32
    %c0_i32_1 = arith.constant 0 : i32
    return %c0_i32, %c0_i32_0 : i32, i32
  }
  func.func @transform_8(%arg0: i32) -> (i32, i32) {
    %c0_i32 = arith.constant 0 : i32
    %c0_i32_0 = arith.constant 0 : i32
    %c0_i32_1 = arith.constant 0 : i32
    return %c0_i32, %c0_i32_0 : i32, i32
  }
  func.func @transform_9(%arg0: i32) -> (i32, i32) {
    %c0_i32 = arith.constant 0 : i32
    %c0_i32_0 = arith.constant 0 : i32
    %c0_i32_1 = arith.constant 0 : i32
    return %c0_i32, %c0_i32_0 : i32, i32
  }
}

</mosaic_0001>

<sc_bundles>
// kernel: kernel.4.cloned.1.call-start
scs
__scs_entry_jumppad:
0x0: {  	(pc) =	sbr.rel $0x88, $3  }
0x1: {  	(tag) =	ssettag $0x0;
	lr =	simm.s32 $0x1  }
0x2: {  	[smem:$0x3F99] =	sst lr;
	_ =	strace $0xD0000000  }
0x3: {  	_ = 	snop  }
0x4: {  	_ = 	snop  }
0x5: {  	_ = 	snop  }
0x6: {  	_ = 	snop  }
0x7: {  	_ = 	snop  }
__scs_overlays_trampoline_lowered:
0x8: {  	[smem:$0x3FA8] =	sst s0  }
0x9: {  	[smem:$0x3FA9] =	sst s1  }
0xa: {  	[smem:$0x3FAA] =	sst s2  }
0xb: {  	[smem:$0x3FAB] =	sst s3  }
0xc: {  	[smem:$0x3FAC] =	sst s4  }
0xd: {  	[smem:$0x3FAD] =	sst s5  }
0xe: {  	[smem:$0x3FAE] =	sst s6  }
0xf: {  	[smem:$0x3FAF] =	sst s7  }
0x10: {  	[smem:$0x3FB0] =	sst s8  }
0x11: {  	[smem:$0x3FB1] =	sst s9;
	s0 =	simm.s32 @!p0 $0x0  }
0x12: {  	s1 =	sld [smem:$0x3F97];
	s0 =	simm.s32 @p0 $0x1  }
0x13: {  	[smem:$0x3FB2] =	sst s0;
	s0 =	simm.s32 @!p1 $0x0  }
0x14: {  	s2 =	sld [smem:$0x3F96];
	s0 =	simm.s32 @p1 $0x1  }
0x15: {  	[smem:$0x3FB3] =	sst s0;
	s0 =	simm.s32 @!p2 $0x0  }
0x16: {  	s3 =	sld [smem:$0x3FDB];
	s0 =	simm.s32 @p2 $0x1  }
0x17: {  	s4 =	simm.s32 $0x1BF5;
	[smem:$0x3FB5] =	sst s0  }
0x18: {  	s0 =	sld [smem:$0x3F98];
	_ =	swait.ge [sflag:s4], $0x0  }
0x19: {  	s7 =	sld [smem:$0x3F99]  }
0x1a: {  	s8 =	sadd.s32 $0xFFFFE003, lr  }
0x1b: {  	s9 =	sadd.s32 $0xFFFFFEF7, lr;
	s5 =	simm.s32 $0xFFFFFFFF;
	p2 =	slt.u32 s8, $0xFFFFF086  }
0x1c: {  	p1 =	slt.u32 s9, $0xF7A;
	s5 =	simm.s32 @!p2 $0x0  }
0x1d: {  	s5 =	simm.s32 @p1 $0x1;
	p0 =	seq.s32 s7, s2  }
0x1e: {  	s7 =	smul.u32 @!p0 $0xF7A, s2;
	p2 =	seq.s32 @!p0 s5, $0x0  }
0x1f: {  	s9 =	smul.u32 $0xF7A, s1;
	s8 =	simm.s32 @!p0 $0x1BF5;
	p2 =	por !p2, p0  }
0x20: {  	[sflag:s8] =	ssyncset.s32 @!p0 $0xFFFFF086;
	s6 =	sadd.s32 @!p0 s3, s7;
	s7 =	simm.s32 @!p0 $0x108  }
0x21: {  	s3 =	sadd.s32 s3, s9;
	s6 =	sadd.s32 @!p0 $0x88, s6;
	s7 =	simm.s32 @p2 $0x1082  }
0x22: {  	[simem:s7], [sflag:s8] =	dma.local @!p0 [hbm:s6], $0xF7A  }
0x23: {  	s9 =	sor.u32 $0xD0000000, s2;
	s6 =	simm.s32 $0x108;
	_ =	swait.ge @!p0 [sflag:s8], $0x0  }
0x24: {  	s3 =	sadd.s32 $0x88, s3;
	s6 =	simm.s32 @!p1 $0x1082;
	[sflag:s4] =	ssyncset.s32 $0xFFFFF086  }
0x25: {  	[simem:s6], [sflag:s4] =	dma.local [hbm:s3], $0xF7A  }
0x26: {  	[smem:$0x3F99] =	sst s1;
	(tag) =	ssettag s2;
	_ =	strace s9  }
0x27: {  	s1 =	sld [smem:$0x3FA9]  }
0x28: {  	s2 =	sld [smem:$0x3FAA]  }
0x29: {  	s4 =	sld [smem:$0x3FAC]  }
0x2a: {  	p0 =	seq.s32 s5, $0x0;
	s5 =	sld [smem:$0x3FAD]  }
0x2b: {  	s6 =	sld [smem:$0x3FAE]  }
0x2c: {  	s7 =	sld [smem:$0x3FAF]  }
0x2d: {  	s3 =	simm.s32 $0x108;
	s8 =	sld [smem:$0x3FB0]  }
0x2e: {  	s3 =	simm.s32 @!p0 $0x1082;
	s9 =	sld [smem:$0x3FB1]  }
0x2f: {  	lr =	sadd.s32 s0, s3;
	s0 =	sld [smem:$0x3FA8]  }
0x30: {  	s3 =	sld [smem:$0x3FAB]  }
0x31: {  	[smem:$0x3FB4] =	sst s10  }
0x32: {  	s10 =	sld [smem:$0x3FB2];
	_ =	sdelay $0x3  }
0x33: {  	p0 =	seq.s32 s10, $0x1;
	s10 =	sld [smem:$0x3FB4];
	_ =	sdelay $0x3  }
0x34: {  	[smem:$0x3FB4] =	sst s10  }
0x35: {  	s10 =	sld [smem:$0x3FB3];
	_ =	sdelay $0x3  }
0x36: {  	p1 =	seq.s32 s10, $0x1;
	s10 =	sld [smem:$0x3FB4];
	_ =	sdelay $0x3  }
0x37: {  	[smem:$0x3FB4] =	sst s10  }
0x38: {  	s10 =	sld [smem:$0x3FB5]  }
0x39: {  	_ = 	snop;
	(pc) =	sbr.ind lr, $3  }
0x3a: {  	_ = 	snop  }
0x3b: {  	_ = 	snop  }
0x3c: {  	p2 =	seq.s32 s10, $0x1;
	s10 =	sld [smem:$0x3FB4]  }
0x3d: {  	_ =	shalt  }
0x3e: {  	_ =	shalt  }
0x3f: {  	_ =	shalt  }
0x40: {  	_ =	shalt  }
0x41: {  	_ =	shalt  }
0x42: {  	_ =	shalt  }
0x43: {  	_ =	shalt  }
0x44: {  	_ =	shalt  }
0x45: {  	_ =	shalt  }
0x46: {  	_ =	shalt  }
0x47: {  	_ =	shalt  }
0x48: {  	_ =	shalt  }
0x49: {  	_ =	shalt  }
0x4a: {  	_ =	shalt  }
0x4b: {  	_ =	shalt  }
0x4c: {  	_ =	shalt  }
0x4d: {  	_ =	shalt  }
0x4e: {  	_ =	shalt  }
0x4f: {  	_ =	shalt  }
0x50: {  	_ =	shalt  }
0x51: {  	_ =	shalt  }
0x52: {  	_ =	shalt  }
0x53: {  	_ =	shalt  }
0x54: {  	_ =	shalt  }
0x55: {  	_ =	shalt  }
0x56: {  	_ =	shalt  }
0x57: {  	_ =	shalt  }
0x58: {  	_ =	shalt  }
0x59: {  	_ =	shalt  }
0x5a: {  	_ =	shalt  }
0x5b: {  	_ =	shalt  }
0x5c: {  	_ =	shalt  }
0x5d: {  	_ =	shalt  }
0x5e: {  	_ =	shalt  }
0x5f: {  	_ =	shalt  }
0x60: {  	_ =	shalt  }
0x61: {  	_ =	shalt  }
0x62: {  	_ =	shalt  }
0x63: {  	_ =	shalt  }
0x64: {  	_ =	shalt  }
0x65: {  	_ =	shalt  }
0x66: {  	_ =	shalt  }
0x67: {  	_ =	shalt  }
0x68: {  	_ =	shalt  }
0x69: {  	_ =	shalt  }
0x6a: {  	_ =	shalt  }
0x6b: {  	_ =	shalt  }
0x6c: {  	_ =	shalt  }
0x6d: {  	_ =	shalt  }
0x6e: {  	_ =	shalt  }
0x6f: {  	_ =	shalt  }
0x70: {  	_ =	shalt  }
0x71: {  	_ =	shalt  }
0x72: {  	_ =	shalt  }
0x73: {  	_ =	shalt  }
0x74: {  	_ =	shalt  }
0x75: {  	_ =	shalt  }
0x76: {  	_ =	shalt  }
0x77: {  	_ =	shalt  }
0x78: {  	_ =	shalt  }
0x79: {  	_ =	shalt  }
0x7a: {  	_ =	shalt  }
0x7b: {  	_ =	shalt  }
0x7c: {  	_ =	shalt  }
0x7d: {  	_ =	shalt  }
0x7e: {  	_ =	shalt  }
0x7f: {  	_ =	shalt  }
0x80: {  	_ =	shalt  }
0x81: {  	_ =	shalt  }
0x82: {  	_ =	shalt  }
0x83: {  	_ =	shalt  }
0x84: {  	_ =	shalt  }
0x85: {  	_ =	shalt  }
0x86: {  	_ =	shalt  }
0x87: {  	_ =	shalt  }
.Lfunc_end0:
.L_simem_size_0:
called_computation_lowered:
.L_overlay_start_0:
0x88: {  	s2 =	sld [smem:$0x3FD9]  }
0x89: {  	s3 =	sld [smem:$0x3FFE];
	_ =	sdelay $0x1  }
0x8a: {  	s1 =	srdreg.scid  }
0x8b: {  	s0 =	sand.u32 $0x1, s1  }
0x8c: {  	s17 =	sshll.u32 s0, $0xA;
	s2 =	sadd.s32 s3, s2  }
0x8d: {  	s2 =	sadd.s32 s2, s17  }
0x8e: {  	[smem:$0x3FC0] =	sst s2  }
0x8f: {  	_ = 	snop  }
0x90: {  	s2 =	sld [smem:$0x3FC9]  }
0x91: {  	s18 =	sld [smem:$0x3FC8]  }
0x92: {  	s4 =	sld [smem:$0x3FC7]  }
0x93: {  	s5 =	sld [smem:$0x3FC6]  }
0x94: {  	s6 =	sld [smem:$0x3FD0];
	(tm) =	ssettm $0x1  }
0x95: {  	s7 =	sld [smem:$0x3FFB];
	_ =	sdelay $0x3  }
0x96: {  	_ =	strace s7  }
0x97: {  	s7 =	sld [smem:$0x3FFC];
	_ =	sdelay $0x3  }
0x98: {  	_ =	strace s7  }
0x99: {  	s7 =	sld [smem:$0x3FFD];
	_ =	sdelay $0x3  }
0x9a: {  	_ =	strace s7  }
0x9b: {  	_ =	strace $0x8FFFFFFF  }
0x9c: {  	s19 =	sld [smem:$0x3FDB];
	_ =	sdelay $0x1  }
0x9d: {  	s8 =	simm.s32 $_scs_section_size  }
0x9e: {  	s9 =	simm.s32 $_size__tile_overlayer_lowered;
	s10 =	simm.s32 $_tile_overlayer_lowered  }
0x9f: {  	s22 =	simm.s32 $0x1BFF;
	s21 =	sshll.u32 s10, $0x1;
	s7 =	sadd.s32 s8, s19  }
0xa0: {  	s11 =	simm.s32 $0x0;
	s20 =	sshll.u32 s9, $0x1;
	s9 =	sadd.s32 s21, s7  }
0xa1: {  	[timem:s11], [sflag:s22] =	dma.local [hbm:s9], s20  }
0xa2: {  	_ =	swait.ge [sflag:s22], s20  }
0xa3: {  	s8 =	ssub.s32 $0x0, s20;
	[sflag:s22] =	ssyncset.done $0x0  }
0xa4: {  	[sflag:s22] =	ssyncadd.s32 s8;
	_ =	sdelay $0x1  }
0xa5: {  	s23 =	simm.s32 $0x1B8B  }
0xa6: {  	_ =	swait.ge [sflag:s23], $0x1  }
0xa7: {  	[sflag:s23] =	ssyncset.done $0x0  }
0xa8: {  	s25 =	simm.s32 $0x1B8E;
	s24 =	sld [smem:$0x3FFE];
	[sflag:s23] =	ssyncadd.s32 $0xFFFFFFFF  }
0xa9: {  	s26 =	simm.s32 $execute0_lowered;
	[smem:$0x3FD2] =	sst s25  }
0xaa: {  	s9 =	sshll.u32 s26, $0x1;
	_ =	strace $0x80000046;
	[dreg:$0x1] =	wrdreg $0xFFFFFFFF  }
0xab: {  	s28 =	simm.s32 $_size_execute0_lowered;
	s7 =	sadd.s32 s7, s9;
	[dreg:$0x0] =	wrdreg $0x0  }
0xac: {  	s9 =	sshll.u32 s28, $0x1;
	[dreg:$0x2] =	wrdreg s7  }
0xad: {  	[dreg:$0x3] =	wrdreg s9  }
0xae: {  	[dreg:$0x4] =	wrdreg $0xC0  }
0xaf: {  	_ =	task [dreg:s11], $0x5FFFF  }
0xb0: {  	[dreg:$0x1] =	wrdreg $0xFFFFFFFF  }
0xb1: {  	[dreg:$0x0] =	wrdreg $0x60  }
0xb2: {  	[dreg:$0x2] =	wrdreg s2  }
0xb3: {  	[dreg:$0x3] =	wrdreg s18  }
0xb4: {  	[dreg:$0x4] =	wrdreg s4  }
0xb5: {  	[dreg:$0x5] =	wrdreg s5  }
0xb6: {  	[dreg:$0x6] =	wrdreg s6  }
0xb7: {  	[dreg:$0x7] =	wrdreg s24  }
0xb8: {  	[dreg:$0x8] =	wrdreg $0x9  }
0xb9: {  	_ =	task.clear_ibuf [dreg:s11], $0x9FFFF;
	_ =	strace $0x90000046  }
0xba: {  	s29 =	simm.s32 $0x9;
	_ =	strace $0x80000048  }
0xbb: {  	_ =	swait.ge [sflag:s29], $0x1  }
0xbc: {  	[sflag:s29] =	ssyncadd.s32 $0xFFFFFFFF  }
0xbd: {  	_ =	strace $0x90000048  }
0xbe: {  	_ =	sfence  }
0xbf: {  	s30 =	sld [smem:$0x0];
	_ =	sdelay $0x2  }
0xc0: {  	s31 =	sshll.u32 s1, $0xD;
	s1 =	sshrl.u32 s1, $0x2  }
0xc1: {  	s3 =	sand.u32 $0x4000, s31;
	s1 =	sadd.s32 s1, s30  }
0xc2: {  	s0 =	sor.u32 s3, s0;
	s1 =	sshll.u32 s1, $0x11  }
0xc3: {  	s0 =	sor.u32 s1, s0  }
0xc4: {  	s0 =	sadd.s32 $0x8F2B, s0  }
0xc5: {  	[sflag:s0] =	ssyncadd.remote.s32 $0x1  }
0xc6: {  	_ =	sfence.sel $0xFFFF  }
0xc7: {  	[dreg:$0x0] =	wrdreg $0xFFFFFFFF;
	(pc) =	sbr.abs _section_cstart, $3  }
0xc8: {  	[dreg:$0x1] =	wrdreg $0xFFFFFFFF  }
0xc9: {  	_ =	task.clear_ibuf [dreg:s11], $0x2FFFF;
	_ =	strace $0x9FFFFFFF  }
0xca: {  	(tm) =	ssettm $0x7FFFFFFF  }
0xcb: {  	_ =	shalt  }
tec
execute0_lowered:
.L_overlay_start_1:
0x0: {  	(tag) =	ssettag $0x1  }
0x1: {  	s0 =	rddreg [dreg:$0x0]  }
0x2: {  	s1 =	rddreg [dreg:$0x1]  }
0x3: {  	s2 =	rddreg [dreg:$0x2]  }
0x4: {  	s6 =	rddreg [dreg:$0x3]  }
0x5: {  	s7 =	rddreg [dreg:$0x4]  }
0x6: {  	s3 =	srdreg.scid;
	s8 =	stileid.u32  }
0x7: {  	s4 =	rddreg [dreg:$0x5];
	s18 =	simm.s32 $0x6;
	s19 =	simm.s32 $0x68  }
0x8: {  	s28 =	simm.s32 $0x10180;
	s30 =	simm.s32 $0x2180;
	s31 =	simm.s32 $0x1  }
0x9: {  	s29 =	simm.s32 $0x2;
	s17 =	simm.s32 $0x5;
	s5 =	sand.u32 $0x1, s3  }
0xa: {  	s8 =	sshll.u32 s8, $0x1;
	s3 =	simm.s32 $0x0;
	s11 =	sadd.s32 $0x1A00, s4  }
0xb: {  	s8 =	sor.u32 s5, s8;
	[smem:$0x7FF] =	sst s3;
	s5 =	ssub.s32 $0x2, s5  }
0xc: {  	s9 =	sshll.u32 s8, $0x9;
	_ =	strace $0x80000047;
	s13 =	smul.u32 $0x3E8, s8  }
0xd: {  	s12 =	sshrl.u32 s5, $0x1;
	s20 =	sshll.u32 s8, $0x2;
	s21 =	smul.u32 $0x28, s8  }
0xe: {  	s22 =	smul.u32 $0x1400, s8;
	s10 =	sadd.s32 s9, s4;
	s4 =	sadd.s32 $0x29A00, s4  }
0xf: {  	s15 =	ssub.s32 s5, s12;
	s5 =	smul.u32 $0xA000, s8;
	s1 =	sadd.s32 s1, s20  }
0x10: {  	s7 =	sadd.s32 s7, s9;
	s20 =	simm.s32 $0x3180;
	[dreg:$0x8] =	wrdreg s1  }
0x11: {  	s6 =	sadd.s32 s6, s13;
	[dreg:$0x9] =	wrdreg s7;
	s2 =	sadd.s32 s2, s21  }
0x12: {  	s25 =	sadd.s32 s11, s22;
	s14 =	sadd.s32 $0x51A00, s10;
	s1 =	sadd.s32 s22, s4  }
0x13: {  	s15 =	smax.u32 s15, $0x1;
	s21 =	simm.s32 $0x60;
	[dreg:$0x7] =	wrdreg s6  }
0x14: {  	s22 =	simm.s32 $0x13180;
	s23 =	sshrl.u32 s5, $0x3;
	[dreg:$0xa] =	wrdreg s2  }
.Ltmp0:
0x15: {  	[dreg:$0xb] =	wrdreg s25;
	s16 =	sadd.s32 $0x80, s1;
	(pc) =	sbr.rel .LBB2_1-.Ltmp0, $4  }
0x16: {  	s25 =	simm.s32 $0xCD80;
	s2 =	simm.s32 $0x80;
	s1 =	simm.s32 $0x50  }
0x17: {  	s6 =	simm.s32 $0x0;
	s24 =	sadd.s32 s11, s23;
	s23 =	simm.s32 $0x3  }
0x18: {  	s26 =	sadd.s32 $0x500, s24;
	s12 =	sadd.s32 $0xA00, s24;
	s13 =	sadd.s32 $0xF00, s24  }
0x19: {  	s24 =	simm.s32 $0x13580;
	[dreg:$0xc] =	wrdreg s26;
	s26 =	simm.s32 $0x4  }
.LBB2_28:
0x1a: {  	s6 =	sadd.s32 $0x1, s6  }
0x1b: {  	_ =	swait.ge [sflag:s26], $0x400;
	p0 =	sne.s32 s6, s15  }
.Ltmp1:
0x1c: {  	[sflag:s26] =	ssyncset.done $0x0;
	(pc) =	sbr.rel @!p0 .LBB2_29-.Ltmp1, $4  }
0x1d: {  	[sflag:s26] =	ssyncadd.s32 $0xFFFFFC00  }
0x1e: {  	_ =	swait.ge [sflag:s17], $0x400  }
0x1f: {  	[sflag:s17] =	ssyncset.done $0x0  }
0x20: {  	[sflag:s17] =	ssyncadd.s32 $0xFFFFFC00  }
.LBB2_1:
0x21: {  	s7 =	rddreg [dreg:$0x7];
	s8 =	simm.s32 $0x200  }
0x22: {  	[tilespmem:s8], [sflag:$0x6] =	stream.linear.gather [hbm4b:s7+s3], $0x1F40, $0x38;
	[tilespmem:$0x13980] =	vst v63  }
0x23: {  	_ =	swait.ge [sflag:s18], $0x1F40  }
0x24: {  	[sflag:s18] =	ssyncset.done $0x0  }
0x25: {  	s9 =	simm.s32 $0x6980;
	[sflag:s18] =	ssyncadd.s32 $0xFFFFE0C0  }
0x26: {  	[tilespmem:s9], [sflag:$0x2] =	stream.indirect.gather [hbm4b:s0+s19], $0x80, s8, s19, $0xb8;
	[tilespmem:$0x13980] =	vst v63  }
0x27: {  	s10 =	simm.s32 $0x268;
	s11 =	simm.s32 $0x9D80  }
0x28: {  	[tilespmem:s11], [sflag:$0x2] =	stream.indirect.gather [hbm4b:s0+s21], $0x80, s10, s21, $0xb8;
	[tilespmem:$0x13980] =	vst v63  }
0x29: {  	s9 =	simm.s32 $0x2C8  }
0x2a: {  	[tilespmem:s25], [sflag:$0x3] =	stream.indirect.gather [hbm4b:s0+s19], $0x80, s9, s19, $0xb8;
	[tilespmem:$0x13980] =	vst v63  }
0x2b: {  	s10 =	simm.s32 $0x330  }
0x2c: {  	[tilespmem:s28], [sflag:$0x3] =	stream.indirect.gather [hbm4b:s0+s21], $0x80, s10, s21, $0xb8;
	[tilespmem:$0x13980] =	vst v63  }
0x2d: {  	s11 =	rddreg [dreg:$0x8]  }
0x2e: {  	[tilespmem:s3], [sflag:$0x6] =	stream.linear.gather [hbm4b:s11+s3], $0x20, $0x38;
	[tilespmem:$0x13980] =	vst v63  }
0x2f: {  	_ =	swait.ge [sflag:s18], $0x20  }
0x30: {  	[sflag:s18] =	ssyncset.done $0x0  }
0x31: {  	s8 =	simm.s32 $0x20;
	[sflag:s18] =	ssyncadd.s32 $0xFFFFFFE0  }
0x32: {  	[tilespmem:s30], [sflag:$0x1] =	stream.indirect.gather [hbm4b:s0+s8], $0x80, s3, s8, $0xb8;
	[tilespmem:$0x13980] =	vst v63  }
0x33: {  	_ =	swait.ge [sflag:s31], $0x1000  }
0x34: {  	[sflag:s31] =	ssyncset.done $0x0  }
0x35: {  	s9 =	rddreg [dreg:$0x9];
	[sflag:s31] =	ssyncadd.s32 $0xFFFFF000  }
0x36: {  	[hbm4b:s9+s3] =	stream.linear.scatter [tilespmem:s30], [sflag:$0x6], $0x1000, $0x38;
	[tilespmem:$0x13980] =	vst v63  }
0x37: {  	_ =	swait.ge [sflag:s18], $0x1000  }
0x38: {  	[sflag:s18] =	ssyncset.done $0x0  }
0x39: {  	s10 =	rddreg [dreg:$0xa];
	[sflag:s18] =	ssyncadd.s32 $0xFFFFF000  }
0x3a: {  	[tilespmem:s2], [sflag:$0x6] =	stream.linear.gather [hbm4b:s10+s3], $0x140, $0x38;
	[tilespmem:$0x13980] =	vst v63  }
0x3b: {  	_ =	swait.ge [sflag:s18], $0x140  }
0x3c: {  	[sflag:s18] =	ssyncset.done $0x0  }
0x3d: {  	[sflag:s18] =	ssyncadd.s32 $0xFFFFFEC0  }
0x3e: {  	[tilespmem:s20], [sflag:$0x1] =	stream.indirect.gather [hbm4b:s0+s1], $0x80, s2, s1, $0xb8;
	[tilespmem:$0x13980] =	vst v63  }
0x3f: {  	_ =	swait.ge [sflag:s31], $0x2800  }
0x40: {  	[sflag:s31] =	ssyncset.done $0x0  }
0x41: {  	s11 =	rddreg [dreg:$0xb];
	[sflag:s31] =	ssyncadd.s32 $0xFFFFD800  }
0x42: {  	[hbm4b:s11+s3] =	stream.linear.scatter [tilespmem:s20], [sflag:$0x6], $0x2800, $0x38;
	[tilespmem:$0x13980] =	vst v63  }
0x43: {  	_ =	swait.ge [sflag:s18], $0x2800  }
0x44: {  	[sflag:s18] =	ssyncset.done $0x0  }
0x45: {  	s7 =	simm.s32 $0x0;
	[sflag:s18] =	ssyncadd.s32 $0xFFFFD800  }
.LBB2_2:
0x46: {  	v0 =	vimm.f32 $0.0e+00;
	v1 =	vimm.f32 $0.0e+00  }
0x47: {  	v2 =	vimm.f32 $0.0e+00;
	v3 =	vimm.f32 $0.0e+00;
	v4 =	vimm.f32 $0.0e+00;
	s8 =	smul.u32 $0xA, s7  }
0x48: {  	s9 =	simm.s32 $0x0;
	p0 =	por $0x1, $0x1;
	v5 =	vimm.f32 $0.0e+00;
	v6 =	vimm.f32 $0.0e+00;
	v7 =	vimm.f32 $0.0e+00  }
.LBB2_3:
0x49: {  	s9 =	sadd.s32 s8, s9  }
0x4a: {  	s9 =	sshll.u32 s9, $0x7  }
0x4b: {  	s9 =	sand.u32 $0x3FFFFF80, s9  }
0x4c: {  	v8 =	vld [tilespmem:s9+$0x3180]  }
0x4d: {  	v9 =	vld [tilespmem:s9+$0x3190]  }
0x4e: {  	v10 =	vld [tilespmem:s9+$0x31A0]  }
0x4f: {  	v11 =	vld [tilespmem:s9+$0x31B0]  }
0x50: {  	v12 =	vld [tilespmem:s9+$0x31C0]  }
0x51: {  	v13 =	vld [tilespmem:s9+$0x31D0]  }
0x52: {  	v14 =	vld [tilespmem:s9+$0x31E0]  }
0x53: {  	v15 =	vld [tilespmem:s9+$0x31F0]  }
0x54: {  	v16 =	vld [tilespmem:s9+$0x3200]  }
0x55: {  	v17 =	vld [tilespmem:s9+$0x3210]  }
0x56: {  	v18 =	vld [tilespmem:s9+$0x3220]  }
0x57: {  	v19 =	vld [tilespmem:s9+$0x3230]  }
0x58: {  	v20 =	vld [tilespmem:s9+$0x3240]  }
0x59: {  	v21 =	vld [tilespmem:s9+$0x3250]  }
0x5a: {  	v22 =	vld [tilespmem:s9+$0x3260]  }
0x5b: {  	v23 =	vld [tilespmem:s9+$0x3270]  }
0x5c: {  	v24 =	vld [tilespmem:s9+$0x3280]  }
0x5d: {  	v25 =	vld [tilespmem:s9+$0x3290]  }
0x5e: {  	v26 =	vld [tilespmem:s9+$0x32A0]  }
0x5f: {  	v27 =	vld [tilespmem:s9+$0x32B0]  }
0x60: {  	v28 =	vld [tilespmem:s9+$0x32C0]  }
0x61: {  	v29 =	vld [tilespmem:s9+$0x32D0]  }
0x62: {  	v30 =	vld [tilespmem:s9+$0x32E0]  }
0x63: {  	v31 =	vld [tilespmem:s9+$0x32F0]  }
0x64: {  	v32 =	vld [tilespmem:s9+$0x3300]  }
0x65: {  	v51 =	vld [tilespmem:s9+$0x3320];
	v7 =	vadd.f32 v8, v7;
	v6 =	vadd.f32 v9, v6  }
0x66: {  	v52 =	vld [tilespmem:s9+$0x3330];
	v5 =	vadd.f32 v10, v5;
	v4 =	vadd.f32 v11, v4  }
0x67: {  	v53 =	vld [tilespmem:s9+$0x3340];
	v3 =	vadd.f32 v12, v3;
	v2 =	vadd.f32 v13, v2  }
0x68: {  	v54 =	vld [tilespmem:s9+$0x3350];
	v1 =	vadd.f32 v14, v1;
	v0 =	vadd.f32 v15, v0  }
0x69: {  	v55 =	vld [tilespmem:s9+$0x3360];
	v7 =	vadd.f32 v16, v7;
	v6 =	vadd.f32 v17, v6  }
0x6a: {  	v56 =	vld [tilespmem:s9+$0x3370];
	v5 =	vadd.f32 v18, v5;
	v4 =	vadd.f32 v19, v4  }
0x6b: {  	v57 =	vld [tilespmem:s9+$0x3380];
	v3 =	vadd.f32 v20, v3;
	v2 =	vadd.f32 v21, v2  }
0x6c: {  	v8 =	vld [tilespmem:s9+$0x3310];
	v1 =	vadd.f32 v22, v1;
	v0 =	vadd.f32 v23, v0  }
0x6d: {  	v58 =	vld [tilespmem:s9+$0x3390];
	v7 =	vadd.f32 v24, v7;
	v6 =	vadd.f32 v25, v6  }
0x6e: {  	v59 =	vld [tilespmem:s9+$0x33A0];
	v5 =	vadd.f32 v26, v5;
	v4 =	vadd.f32 v27, v4  }
0x6f: {  	v60 =	vld [tilespmem:s9+$0x33B0];
	v3 =	vadd.f32 v28, v3;
	v2 =	vadd.f32 v29, v2  }
0x70: {  	v61 =	vld [tilespmem:s9+$0x33C0];
	v1 =	vadd.f32 v30, v1;
	v0 =	vadd.f32 v31, v0  }
0x71: {  	v62 =	vld [tilespmem:s9+$0x33E0];
	v7 =	vadd.f32 v32, v7;
	v6 =	vadd.f32 v8, v6  }
0x72: {  	v63 =	vld [tilespmem:s9+$0x33F0];
	v5 =	vadd.f32 v51, v5;
	v4 =	vadd.f32 v52, v4  }
0x73: {  	p1 =	por p0, p0;
	v8 =	vld [tilespmem:s9+$0x33D0];
	v3 =	vadd.f32 v53, v3;
	v2 =	vadd.f32 v54, v2  }
.Ltmp2:
0x74: {  	v1 =	vadd.f32 v55, v1;
	v0 =	vadd.f32 v56, v0;
	(pc) =	sbr.rel @p1 .LBB2_3-.Ltmp2, $4  }
0x75: {  	v7 =	vadd.f32 v57, v7;
	v6 =	vadd.f32 v58, v6  }
0x76: {  	v5 =	vadd.f32 v59, v5;
	v4 =	vadd.f32 v60, v4  }
0x77: {  	v3 =	vadd.f32 v61, v3;
	v1 =	vadd.f32 v62, v1  }
0x78: {  	p0 =	por $0x0, $0x0;
	s9 =	simm.s32 $0x5;
	v0 =	vadd.f32 v63, v0;
	v2 =	vadd.f32 v8, v2  }
0x79: {  	v7 =	vmul.f32 $1.000000010e-01, v7;
	s8 =	sshll.u32 s7, $0x7  }
0x7a: {  	v6 =	vmul.f32 $1.000000010e-01, v6;
	s8 =	sand.u32 $0x3FFFFF80, s8  }
0x7b: {  	v5 =	vmul.f32 $1.000000010e-01, v5;
	[tilespmem:s8+$0x5980] =	vst v7  }
0x7c: {  	v4 =	vmul.f32 $1.000000010e-01, v4;
	s7 =	sadd.s32 $0x1, s7;
	[tilespmem:s8+$0x5990] =	vst v6  }
0x7d: {  	v3 =	vmul.f32 $1.000000010e-01, v3;
	p0 =	sne.s32 s7, $0x8;
	[tilespmem:s8+$0x59A0] =	vst v5  }
.Ltmp3:
0x7e: {  	v1 =	vmul.f32 $1.000000010e-01, v1;
	[tilespmem:s8+$0x59B0] =	vst v4;
	(pc) =	sbr.rel @p0 .LBB2_2-.Ltmp3, $4  }
0x7f: {  	v2 =	vmul.f32 $1.000000010e-01, v2;
	[tilespmem:s8+$0x59C0] =	vst v3  }
0x80: {  	v0 =	vmul.f32 $1.000000010e-01, v0;
	[tilespmem:s8+$0x59E0] =	vst v1  }
0x81: {  	[tilespmem:s8+$0x59D0] =	vst v2  }
0x82: {  	[tilespmem:s8+$0x59F0] =	vst v0  }
0x83: {  	s7 =	simm.s32 $0xD0  }
0x84: {  	[tilespmem:s20], [sflag:$0x1] =	stream.indirect.gather [hbm4b:s0+s1], $0x80, s7, s1, $0xb8;
	[tilespmem:$0x13980] =	vst v63  }
0x85: {  	_ =	swait.ge [sflag:s31], $0x2800  }
0x86: {  	[sflag:s31] =	ssyncset.done $0x0  }
0x87: {  	s7 =	simm.s32 $0x0;
	s8 =	rddreg [dreg:$0xc];
	[sflag:s31] =	ssyncadd.s32 $0xFFFFD800  }
0x88: {  	[hbm4b:s8+s7] =	stream.linear.scatter [tilespmem:s20], [sflag:$0x6], $0x2800, $0x38;
	[tilespmem:$0x13980] =	vst v63  }
0x89: {  	_ =	swait.ge [sflag:s18], $0x2800  }
0x8a: {  	[sflag:s18] =	ssyncset.done $0x0  }
0x8b: {  	[sflag:s18] =	ssyncadd.s32 $0xFFFFD800  }
.LBB2_6:
0x8c: {  	v0 =	vimm.f32 $0.0e+00;
	v1 =	vimm.f32 $0.0e+00  }
0x8d: {  	v2 =	vimm.f32 $0.0e+00;
	v3 =	vimm.f32 $0.0e+00;
	v4 =	vimm.f32 $0.0e+00;
	s8 =	smul.u32 $0xA, s7  }
0x8e: {  	p0 =	por $0x1, $0x1;
	v5 =	vimm.f32 $0.0e+00;
	v6 =	vimm.f32 $0.0e+00;
	v7 =	vimm.f32 $0.0e+00;
	s9 =	simm.s32 $0x0  }
.LBB2_7:
0x8f: {  	s9 =	sadd.s32 s8, s9  }
0x90: {  	s9 =	sshll.u32 s9, $0x7  }
0x91: {  	s9 =	sand.u32 $0x3FFFFF80, s9  }
0x92: {  	v8 =	vld [tilespmem:s9+$0x3180]  }
0x93: {  	v9 =	vld [tilespmem:s9+$0x3190]  }
0x94: {  	v10 =	vld [tilespmem:s9+$0x31A0]  }
0x95: {  	v11 =	vld [tilespmem:s9+$0x31B0]  }
0x96: {  	v12 =	vld [tilespmem:s9+$0x31C0]  }
0x97: {  	v13 =	vld [tilespmem:s9+$0x31D0]  }
0x98: {  	v14 =	vld [tilespmem:s9+$0x31E0]  }
0x99: {  	v15 =	vld [tilespmem:s9+$0x31F0]  }
0x9a: {  	v16 =	vld [tilespmem:s9+$0x3200]  }
0x9b: {  	v17 =	vld [tilespmem:s9+$0x3210]  }
0x9c: {  	v18 =	vld [tilespmem:s9+$0x3220]  }
0x9d: {  	v19 =	vld [tilespmem:s9+$0x3230]  }
0x9e: {  	v20 =	vld [tilespmem:s9+$0x3240]  }
0x9f: {  	v21 =	vld [tilespmem:s9+$0x3250]  }
0xa0: {  	v22 =	vld [tilespmem:s9+$0x3260]  }
0xa1: {  	v23 =	vld [tilespmem:s9+$0x3270]  }
0xa2: {  	v24 =	vld [tilespmem:s9+$0x3280]  }
0xa3: {  	v25 =	vld [tilespmem:s9+$0x3290]  }
0xa4: {  	v26 =	vld [tilespmem:s9+$0x32A0]  }
0xa5: {  	v27 =	vld [tilespmem:s9+$0x32B0]  }
0xa6: {  	v28 =	vld [tilespmem:s9+$0x32C0]  }
0xa7: {  	v29 =	vld [tilespmem:s9+$0x32D0]  }
0xa8: {  	v30 =	vld [tilespmem:s9+$0x32E0]  }
0xa9: {  	v31 =	vld [tilespmem:s9+$0x32F0]  }
0xaa: {  	v32 =	vld [tilespmem:s9+$0x3300]  }
0xab: {  	v51 =	vld [tilespmem:s9+$0x3320];
	v7 =	vadd.f32 v8, v7;
	v6 =	vadd.f32 v9, v6  }
0xac: {  	v52 =	vld [tilespmem:s9+$0x3330];
	v5 =	vadd.f32 v10, v5;
	v4 =	vadd.f32 v11, v4  }
0xad: {  	v53 =	vld [tilespmem:s9+$0x3340];
	v3 =	vadd.f32 v12, v3;
	v2 =	vadd.f32 v13, v2  }
0xae: {  	v54 =	vld [tilespmem:s9+$0x3350];
	v1 =	vadd.f32 v14, v1;
	v0 =	vadd.f32 v15, v0  }
0xaf: {  	v55 =	vld [tilespmem:s9+$0x3360];
	v7 =	vadd.f32 v16, v7;
	v6 =	vadd.f32 v17, v6  }
0xb0: {  	v56 =	vld [tilespmem:s9+$0x3370];
	v5 =	vadd.f32 v18, v5;
	v4 =	vadd.f32 v19, v4  }
0xb1: {  	v57 =	vld [tilespmem:s9+$0x3380];
	v3 =	vadd.f32 v20, v3;
	v2 =	vadd.f32 v21, v2  }
0xb2: {  	v8 =	vld [tilespmem:s9+$0x3310];
	v1 =	vadd.f32 v22, v1;
	v0 =	vadd.f32 v23, v0  }
0xb3: {  	v58 =	vld [tilespmem:s9+$0x3390];
	v7 =	vadd.f32 v24, v7;
	v6 =	vadd.f32 v25, v6  }
0xb4: {  	v59 =	vld [tilespmem:s9+$0x33A0];
	v5 =	vadd.f32 v26, v5;
	v4 =	vadd.f32 v27, v4  }
0xb5: {  	v60 =	vld [tilespmem:s9+$0x33B0];
	v3 =	vadd.f32 v28, v3;
	v2 =	vadd.f32 v29, v2  }
0xb6: {  	v61 =	vld [tilespmem:s9+$0x33C0];
	v1 =	vadd.f32 v30, v1;
	v0 =	vadd.f32 v31, v0  }
0xb7: {  	v62 =	vld [tilespmem:s9+$0x33E0];
	v7 =	vadd.f32 v32, v7;
	v6 =	vadd.f32 v8, v6  }
0xb8: {  	v63 =	vld [tilespmem:s9+$0x33F0];
	v5 =	vadd.f32 v51, v5;
	v4 =	vadd.f32 v52, v4  }
0xb9: {  	p1 =	por p0, p0;
	v8 =	vld [tilespmem:s9+$0x33D0];
	v3 =	vadd.f32 v53, v3;
	v2 =	vadd.f32 v54, v2  }
.Ltmp4:
0xba: {  	v1 =	vadd.f32 v55, v1;
	v0 =	vadd.f32 v56, v0;
	(pc) =	sbr.rel @p1 .LBB2_7-.Ltmp4, $4  }
0xbb: {  	v7 =	vadd.f32 v57, v7;
	v6 =	vadd.f32 v58, v6  }
0xbc: {  	v5 =	vadd.f32 v59, v5;
	v4 =	vadd.f32 v60, v4  }
0xbd: {  	v3 =	vadd.f32 v61, v3;
	v1 =	vadd.f32 v62, v1  }
0xbe: {  	p0 =	por $0x0, $0x0;
	s9 =	simm.s32 $0x5;
	v0 =	vadd.f32 v63, v0;
	v2 =	vadd.f32 v8, v2  }
0xbf: {  	v7 =	vmul.f32 $1.000000010e-01, v7;
	s8 =	sshll.u32 s7, $0x7  }
0xc0: {  	v6 =	vmul.f32 $1.000000010e-01, v6;
	s8 =	sand.u32 $0x3FFFFF80, s8  }
0xc1: {  	v5 =	vmul.f32 $1.000000010e-01, v5;
	[tilespmem:s8+$0x5D80] =	vst v7  }
0xc2: {  	v4 =	vmul.f32 $1.000000010e-01, v4;
	s7 =	sadd.s32 $0x1, s7;
	[tilespmem:s8+$0x5D90] =	vst v6  }
0xc3: {  	v3 =	vmul.f32 $1.000000010e-01, v3;
	p0 =	sne.s32 s7, $0x8;
	[tilespmem:s8+$0x5DA0] =	vst v5  }
.Ltmp5:
0xc4: {  	v1 =	vmul.f32 $1.000000010e-01, v1;
	[tilespmem:s8+$0x5DB0] =	vst v4;
	(pc) =	sbr.rel @p0 .LBB2_6-.Ltmp5, $4  }
0xc5: {  	v2 =	vmul.f32 $1.000000010e-01, v2;
	[tilespmem:s8+$0x5DC0] =	vst v3  }
0xc6: {  	v0 =	vmul.f32 $1.000000010e-01, v0;
	[tilespmem:s8+$0x5DE0] =	vst v1  }
0xc7: {  	[tilespmem:s8+$0x5DD0] =	vst v2  }
0xc8: {  	[tilespmem:s8+$0x5DF0] =	vst v0  }
0xc9: {  	s7 =	simm.s32 $0x120  }
0xca: {  	[tilespmem:s20], [sflag:$0x1] =	stream.indirect.gather [hbm4b:s0+s1], $0x80, s7, s1, $0xb8;
	[tilespmem:$0x13980] =	vst v63  }
0xcb: {  	_ =	swait.ge [sflag:s31], $0x2800  }
0xcc: {  	[sflag:s31] =	ssyncset.done $0x0  }
0xcd: {  	s7 =	simm.s32 $0x0;
	[sflag:s31] =	ssyncadd.s32 $0xFFFFD800  }
0xce: {  	[hbm4b:s12+s7] =	stream.linear.scatter [tilespmem:s20], [sflag:$0x6], $0x2800, $0x38;
	[tilespmem:$0x13980] =	vst v63  }
0xcf: {  	_ =	swait.ge [sflag:s18], $0x2800  }
0xd0: {  	[sflag:s18] =	ssyncset.done $0x0  }
0xd1: {  	[sflag:s18] =	ssyncadd.s32 $0xFFFFD800  }
.LBB2_10:
0xd2: {  	v0 =	vimm.f32 $0.0e+00;
	v1 =	vimm.f32 $0.0e+00  }
0xd3: {  	v2 =	vimm.f32 $0.0e+00;
	v3 =	vimm.f32 $0.0e+00;
	v4 =	vimm.f32 $0.0e+00;
	s8 =	smul.u32 $0xA, s7  }
0xd4: {  	p0 =	por $0x1, $0x1;
	v5 =	vimm.f32 $0.0e+00;
	v6 =	vimm.f32 $0.0e+00;
	v7 =	vimm.f32 $0.0e+00;
	s9 =	simm.s32 $0x0  }
.LBB2_11:
0xd5: {  	s9 =	sadd.s32 s8, s9  }
0xd6: {  	s9 =	sshll.u32 s9, $0x7  }
0xd7: {  	s9 =	sand.u32 $0x3FFFFF80, s9  }
0xd8: {  	v8 =	vld [tilespmem:s9+$0x3180]  }
0xd9: {  	v9 =	vld [tilespmem:s9+$0x3190]  }
0xda: {  	v10 =	vld [tilespmem:s9+$0x31A0]  }
0xdb: {  	v11 =	vld [tilespmem:s9+$0x31B0]  }
0xdc: {  	v12 =	vld [tilespmem:s9+$0x31C0]  }
0xdd: {  	v13 =	vld [tilespmem:s9+$0x31D0]  }
0xde: {  	v14 =	vld [tilespmem:s9+$0x31E0]  }
0xdf: {  	v15 =	vld [tilespmem:s9+$0x31F0]  }
0xe0: {  	v16 =	vld [tilespmem:s9+$0x3200]  }
0xe1: {  	v17 =	vld [tilespmem:s9+$0x3210]  }
0xe2: {  	v18 =	vld [tilespmem:s9+$0x3220]  }
0xe3: {  	v19 =	vld [tilespmem:s9+$0x3230]  }
0xe4: {  	v20 =	vld [tilespmem:s9+$0x3240]  }
0xe5: {  	v21 =	vld [tilespmem:s9+$0x3250]  }
0xe6: {  	v22 =	vld [tilespmem:s9+$0x3260]  }
0xe7: {  	v23 =	vld [tilespmem:s9+$0x3270]  }
0xe8: {  	v24 =	vld [tilespmem:s9+$0x3280]  }
0xe9: {  	v25 =	vld [tilespmem:s9+$0x3290]  }
0xea: {  	v26 =	vld [tilespmem:s9+$0x32A0]  }
0xeb: {  	v27 =	vld [tilespmem:s9+$0x32B0]  }
0xec: {  	v28 =	vld [tilespmem:s9+$0x32C0]  }
0xed: {  	v29 =	vld [tilespmem:s9+$0x32D0]  }
0xee: {  	v30 =	vld [tilespmem:s9+$0x32E0]  }
0xef: {  	v31 =	vld [tilespmem:s9+$0x32F0]  }
0xf0: {  	v32 =	vld [tilespmem:s9+$0x3300]  }
0xf1: {  	v51 =	vld [tilespmem:s9+$0x3320];
	v7 =	vadd.f32 v8, v7;
	v6 =	vadd.f32 v9, v6  }
0xf2: {  	v52 =	vld [tilespmem:s9+$0x3330];
	v5 =	vadd.f32 v10, v5;
	v4 =	vadd.f32 v11, v4  }
0xf3: {  	v53 =	vld [tilespmem:s9+$0x3340];
	v3 =	vadd.f32 v12, v3;
	v2 =	vadd.f32 v13, v2  }
0xf4: {  	v54 =	vld [tilespmem:s9+$0x3350];
	v1 =	vadd.f32 v14, v1;
	v0 =	vadd.f32 v15, v0  }
0xf5: {  	v55 =	vld [tilespmem:s9+$0x3360];
	v7 =	vadd.f32 v16, v7;
	v6 =	vadd.f32 v17, v6  }
0xf6: {  	v56 =	vld [tilespmem:s9+$0x3370];
	v5 =	vadd.f32 v18, v5;
	v4 =	vadd.f32 v19, v4  }
0xf7: {  	v57 =	vld [tilespmem:s9+$0x3380];
	v3 =	vadd.f32 v20, v3;
	v2 =	vadd.f32 v21, v2  }
0xf8: {  	v8 =	vld [tilespmem:s9+$0x3310];
	v1 =	vadd.f32 v22, v1;
	v0 =	vadd.f32 v23, v0  }
0xf9: {  	v58 =	vld [tilespmem:s9+$0x3390];
	v7 =	vadd.f32 v24, v7;
	v6 =	vadd.f32 v25, v6  }
0xfa: {  	v59 =	vld [tilespmem:s9+$0x33A0];
	v5 =	vadd.f32 v26, v5;
	v4 =	vadd.f32 v27, v4  }
0xfb: {  	v60 =	vld [tilespmem:s9+$0x33B0];
	v3 =	vadd.f32 v28, v3;
	v2 =	vadd.f32 v29, v2  }
0xfc: {  	v61 =	vld [tilespmem:s9+$0x33C0];
	v1 =	vadd.f32 v30, v1;
	v0 =	vadd.f32 v31, v0  }
0xfd: {  	v62 =	vld [tilespmem:s9+$0x33E0];
	v7 =	vadd.f32 v32, v7;
	v6 =	vadd.f32 v8, v6  }
0xfe: {  	v63 =	vld [tilespmem:s9+$0x33F0];
	v5 =	vadd.f32 v51, v5;
	v4 =	vadd.f32 v52, v4  }
0xff: {  	p1 =	por p0, p0;
	v8 =	vld [tilespmem:s9+$0x33D0];
	v3 =	vadd.f32 v53, v3;
	v2 =	vadd.f32 v54, v2  }
.Ltmp6:
0x100: {  	v1 =	vadd.f32 v55, v1;
	v0 =	vadd.f32 v56, v0;
	(pc) =	sbr.rel @p1 .LBB2_11-.Ltmp6, $4  }
0x101: {  	v7 =	vadd.f32 v57, v7;
	v6 =	vadd.f32 v58, v6  }
0x102: {  	v5 =	vadd.f32 v59, v5;
	v4 =	vadd.f32 v60, v4  }
0x103: {  	v3 =	vadd.f32 v61, v3;
	v1 =	vadd.f32 v62, v1  }
0x104: {  	p0 =	por $0x0, $0x0;
	s9 =	simm.s32 $0x5;
	v0 =	vadd.f32 v63, v0;
	v2 =	vadd.f32 v8, v2  }
0x105: {  	v7 =	vmul.f32 $1.000000010e-01, v7;
	s8 =	sshll.u32 s7, $0x7  }
0x106: {  	v6 =	vmul.f32 $1.000000010e-01, v6;
	s8 =	sand.u32 $0x3FFFFF80, s8  }
0x107: {  	v5 =	vmul.f32 $1.000000010e-01, v5;
	[tilespmem:s8+$0x6180] =	vst v7  }
0x108: {  	v4 =	vmul.f32 $1.000000010e-01, v4;
	s7 =	sadd.s32 $0x1, s7;
	[tilespmem:s8+$0x6190] =	vst v6  }
0x109: {  	v3 =	vmul.f32 $1.000000010e-01, v3;
	p0 =	sne.s32 s7, $0x8;
	[tilespmem:s8+$0x61A0] =	vst v5  }
.Ltmp7:
0x10a: {  	v1 =	vmul.f32 $1.000000010e-01, v1;
	[tilespmem:s8+$0x61B0] =	vst v4;
	(pc) =	sbr.rel @p0 .LBB2_10-.Ltmp7, $4  }
0x10b: {  	v2 =	vmul.f32 $1.000000010e-01, v2;
	[tilespmem:s8+$0x61C0] =	vst v3  }
0x10c: {  	v0 =	vmul.f32 $1.000000010e-01, v0;
	[tilespmem:s8+$0x61E0] =	vst v1  }
0x10d: {  	[tilespmem:s8+$0x61D0] =	vst v2  }
0x10e: {  	[tilespmem:s8+$0x61F0] =	vst v0  }
0x10f: {  	s7 =	simm.s32 $0x170  }
0x110: {  	[tilespmem:s20], [sflag:$0x1] =	stream.indirect.gather [hbm4b:s0+s1], $0x80, s7, s1, $0xb8;
	[tilespmem:$0x13980] =	vst v63  }
0x111: {  	_ =	swait.ge [sflag:s31], $0x2800  }
0x112: {  	[sflag:s31] =	ssyncset.done $0x0  }
0x113: {  	s7 =	simm.s32 $0x0;
	[sflag:s31] =	ssyncadd.s32 $0xFFFFD800  }
0x114: {  	[hbm4b:s13+s7] =	stream.linear.scatter [tilespmem:s20], [sflag:$0x6], $0x2800, $0x38;
	[tilespmem:$0x13980] =	vst v63  }
0x115: {  	_ =	swait.ge [sflag:s18], $0x2800  }
0x116: {  	[sflag:s18] =	ssyncset.done $0x0  }
0x117: {  	[sflag:s18] =	ssyncadd.s32 $0xFFFFD800  }
.LBB2_14:
0x118: {  	v0 =	vimm.f32 $0.0e+00;
	v1 =	vimm.f32 $0.0e+00  }
0x119: {  	v2 =	vimm.f32 $0.0e+00;
	v3 =	vimm.f32 $0.0e+00;
	v4 =	vimm.f32 $0.0e+00;
	s8 =	smul.u32 $0xA, s7  }
0x11a: {  	p0 =	por $0x1, $0x1;
	v5 =	vimm.f32 $0.0e+00;
	v6 =	vimm.f32 $0.0e+00;
	v7 =	vimm.f32 $0.0e+00;
	s9 =	simm.s32 $0x0  }
.LBB2_15:
0x11b: {  	s9 =	sadd.s32 s8, s9  }
0x11c: {  	s9 =	sshll.u32 s9, $0x7  }
0x11d: {  	s9 =	sand.u32 $0x3FFFFF80, s9  }
0x11e: {  	v8 =	vld [tilespmem:s9+$0x3180]  }
0x11f: {  	v9 =	vld [tilespmem:s9+$0x3190]  }
0x120: {  	v10 =	vld [tilespmem:s9+$0x31A0]  }
0x121: {  	v11 =	vld [tilespmem:s9+$0x31B0]  }
0x122: {  	v12 =	vld [tilespmem:s9+$0x31C0]  }
0x123: {  	v13 =	vld [tilespmem:s9+$0x31D0]  }
0x124: {  	v14 =	vld [tilespmem:s9+$0x31E0]  }
0x125: {  	v15 =	vld [tilespmem:s9+$0x31F0]  }
0x126: {  	v16 =	vld [tilespmem:s9+$0x3200]  }
0x127: {  	v17 =	vld [tilespmem:s9+$0x3210]  }
0x128: {  	v18 =	vld [tilespmem:s9+$0x3220]  }
0x129: {  	v19 =	vld [tilespmem:s9+$0x3230]  }
0x12a: {  	v20 =	vld [tilespmem:s9+$0x3240]  }
0x12b: {  	v21 =	vld [tilespmem:s9+$0x3250]  }
0x12c: {  	v22 =	vld [tilespmem:s9+$0x3260]  }
0x12d: {  	v23 =	vld [tilespmem:s9+$0x3270]  }
0x12e: {  	v24 =	vld [tilespmem:s9+$0x3280]  }
0x12f: {  	v25 =	vld [tilespmem:s9+$0x3290]  }
0x130: {  	v26 =	vld [tilespmem:s9+$0x32A0]  }
0x131: {  	v27 =	vld [tilespmem:s9+$0x32B0]  }
0x132: {  	v28 =	vld [tilespmem:s9+$0x32C0]  }
0x133: {  	v29 =	vld [tilespmem:s9+$0x32D0]  }
0x134: {  	v30 =	vld [tilespmem:s9+$0x32E0]  }
0x135: {  	v31 =	vld [tilespmem:s9+$0x32F0]  }
0x136: {  	v32 =	vld [tilespmem:s9+$0x3300]  }
0x137: {  	v51 =	vld [tilespmem:s9+$0x3320];
	v7 =	vadd.f32 v8, v7;
	v6 =	vadd.f32 v9, v6  }
0x138: {  	v52 =	vld [tilespmem:s9+$0x3330];
	v5 =	vadd.f32 v10, v5;
	v4 =	vadd.f32 v11, v4  }
0x139: {  	v53 =	vld [tilespmem:s9+$0x3340];
	v3 =	vadd.f32 v12, v3;
	v2 =	vadd.f32 v13, v2  }
0x13a: {  	v54 =	vld [tilespmem:s9+$0x3350];
	v1 =	vadd.f32 v14, v1;
	v0 =	vadd.f32 v15, v0  }
0x13b: {  	v55 =	vld [tilespmem:s9+$0x3360];
	v7 =	vadd.f32 v16, v7;
	v6 =	vadd.f32 v17, v6  }
0x13c: {  	v56 =	vld [tilespmem:s9+$0x3370];
	v5 =	vadd.f32 v18, v5;
	v4 =	vadd.f32 v19, v4  }
0x13d: {  	v57 =	vld [tilespmem:s9+$0x3380];
	v3 =	vadd.f32 v20, v3;
	v2 =	vadd.f32 v21, v2  }
0x13e: {  	v8 =	vld [tilespmem:s9+$0x3310];
	v1 =	vadd.f32 v22, v1;
	v0 =	vadd.f32 v23, v0  }
0x13f: {  	v58 =	vld [tilespmem:s9+$0x3390];
	v7 =	vadd.f32 v24, v7;
	v6 =	vadd.f32 v25, v6  }
0x140: {  	v59 =	vld [tilespmem:s9+$0x33A0];
	v5 =	vadd.f32 v26, v5;
	v4 =	vadd.f32 v27, v4  }
0x141: {  	v60 =	vld [tilespmem:s9+$0x33B0];
	v3 =	vadd.f32 v28, v3;
	v2 =	vadd.f32 v29, v2  }
0x142: {  	v61 =	vld [tilespmem:s9+$0x33C0];
	v1 =	vadd.f32 v30, v1;
	v0 =	vadd.f32 v31, v0  }
0x143: {  	v62 =	vld [tilespmem:s9+$0x33E0];
	v7 =	vadd.f32 v32, v7;
	v6 =	vadd.f32 v8, v6  }
0x144: {  	v63 =	vld [tilespmem:s9+$0x33F0];
	v5 =	vadd.f32 v51, v5;
	v4 =	vadd.f32 v52, v4  }
0x145: {  	p1 =	por p0, p0;
	v8 =	vld [tilespmem:s9+$0x33D0];
	v3 =	vadd.f32 v53, v3;
	v2 =	vadd.f32 v54, v2  }
.Ltmp8:
0x146: {  	v1 =	vadd.f32 v55, v1;
	v0 =	vadd.f32 v56, v0;
	(pc) =	sbr.rel @p1 .LBB2_15-.Ltmp8, $4  }
0x147: {  	v7 =	vadd.f32 v57, v7;
	v6 =	vadd.f32 v58, v6  }
0x148: {  	v5 =	vadd.f32 v59, v5;
	v4 =	vadd.f32 v60, v4  }
0x149: {  	v3 =	vadd.f32 v61, v3;
	v1 =	vadd.f32 v62, v1  }
0x14a: {  	p0 =	por $0x0, $0x0;
	s9 =	simm.s32 $0x5;
	v0 =	vadd.f32 v63, v0;
	v2 =	vadd.f32 v8, v2  }
0x14b: {  	v7 =	vmul.f32 $1.000000010e-01, v7;
	s8 =	sshll.u32 s7, $0x7  }
0x14c: {  	v6 =	vmul.f32 $1.000000010e-01, v6;
	s8 =	sand.u32 $0x3FFFFF80, s8  }
0x14d: {  	v5 =	vmul.f32 $1.000000010e-01, v5;
	[tilespmem:s8+$0x6580] =	vst v7  }
0x14e: {  	v4 =	vmul.f32 $1.000000010e-01, v4;
	s7 =	sadd.s32 $0x1, s7;
	[tilespmem:s8+$0x6590] =	vst v6  }
0x14f: {  	v3 =	vmul.f32 $1.000000010e-01, v3;
	p0 =	sne.s32 s7, $0x8;
	[tilespmem:s8+$0x65A0] =	vst v5  }
.Ltmp9:
0x150: {  	v1 =	vmul.f32 $1.000000010e-01, v1;
	[tilespmem:s8+$0x65B0] =	vst v4;
	(pc) =	sbr.rel @p0 .LBB2_14-.Ltmp9, $4  }
0x151: {  	v2 =	vmul.f32 $1.000000010e-01, v2;
	[tilespmem:s8+$0x65C0] =	vst v3  }
0x152: {  	v0 =	vmul.f32 $1.000000010e-01, v0;
	[tilespmem:s8+$0x65E0] =	vst v1  }
0x153: {  	[tilespmem:s8+$0x65D0] =	vst v2  }
0x154: {  	[tilespmem:s8+$0x65F0] =	vst v0  }
0x155: {  	s7 =	simm.s32 $0x0;
	s8 =	simm.s32 $0x5980  }
0x156: {  	[hbm4b:s14+s7] =	stream.linear.scatter [tilespmem:s8], [sflag:$0x6], $0x1000, $0x38;
	[tilespmem:$0x13980] =	vst v63  }
0x157: {  	_ =	swait.ge [sflag:s18], $0x1000  }
0x158: {  	[sflag:s18] =	ssyncset.done $0x0  }
0x159: {  	[sflag:s18] =	ssyncadd.s32 $0xFFFFF000  }
.LBB2_18:
0x15a: {  	_ =	swait.ge [sflag:s29], $0x3400  }
0x15b: {  	[sflag:s29] =	ssyncset.done $0x0  }
0x15c: {  	[sflag:s29] =	ssyncadd.s32 $0xFFFFCC00  }
0x15d: {  	_ =	swait.ge [sflag:s29], $0x3000  }
0x15e: {  	p0 =	seq.s32 s7, $0x0;
	[sflag:s29] =	ssyncset.done $0x0  }
0x15f: {  	s8 =	simm.s32 @!p0 $0x4;
	[sflag:s29] =	ssyncadd.s32 $0xFFFFD000  }
0x160: {  	_ =	swait.ge @!p0 [sflag:s8], $0x400  }
0x161: {  	[sflag:s8] =	ssyncset.done @!p0 $0x0  }
0x162: {  	s9 =	simm.s32 $0x0;
	[sflag:s8] =	ssyncadd.s32 @!p0 $0xFFFFFC00;
	s8 =	simm.s32 $0x6AC0  }
.LBB2_19:
0x163: {  	v2 =	vmov s8;
	_ =	sdelay $0x3  }
0x164: {  	s10 =	simm.s32 $0x0  }
0x165: {  	v5 =	vld.idx.msk [tilespmem:v2+s10+$0xC0 ss:$0x1], $0xffff  }
0x166: {  	v6 =	vld.idx.msk [tilespmem:v2+s10+$0xD0 ss:$0x1], $0xffff  }
0x167: {  	v7 =	vld.idx.msk [tilespmem:v2+s10+$0xE0 ss:$0x1], $0xffff  }
0x168: {  	v8 =	vld.idx.msk [tilespmem:v2+s10+$0xF0 ss:$0x1], $0xffff  }
0x169: {  	v1 =	vld.idx.msk [tilespmem:v2+s10+$0x100 ss:$0x1], $0xffff  }
0x16a: {  	v0 =	vld.idx.msk [tilespmem:v2+s10+$0x110 ss:$0x1], $0xffff  }
0x16b: {  	v13 =	vld.idx.msk [tilespmem:v2+s10+$0x40 ss:$0x1], $0xffff  }
0x16c: {  	v16 =	vld.idx.msk [tilespmem:v2+s10+$0x50 ss:$0x1], $0xffff  }
0x16d: {  	v10 =	vld.idx.msk [tilespmem:v2+s10+$0x60 ss:$0x1], $0xffff  }
0x16e: {  	v14 =	vld.idx.msk [tilespmem:v2+s10+$0x70 ss:$0x1], $0xffff  }
0x16f: {  	v4 =	vld.idx.msk [tilespmem:v2+s10+$0x80 ss:$0x1], $0xffff  }
0x170: {  	v3 =	vld.idx.msk [tilespmem:v2+s10+$0x90 ss:$0x1], $0xffff  }
0x171: {  	v11 =	vld.idx.msk [tilespmem:v2+s10+$0xFFFFFFC0 ss:$0x1], $0xffff  }
0x172: {  	v17 =	vld.idx.msk [tilespmem:v2+s10+$0xFFFFFFD0 ss:$0x1], $0xffff  }
0x173: {  	v21 =	vld.idx.msk [tilespmem:v2+s10+$0xFFFFFFE0 ss:$0x1], $0xffff  }
0x174: {  	v22 =	vld.idx.msk [tilespmem:v2+s10+$0xFFFFFFF0 ss:$0x1], $0xffff  }
0x175: {  	v18 =	vld.idx.msk [tilespmem:v2+s10+$0xFFFFFF40 ss:$0x1], $0xffff  }
0x176: {  	v23 =	vld.idx.msk [tilespmem:v2+s10+$0xFFFFFF50 ss:$0x1], $0xffff  }
0x177: {  	v19 =	vld.idx.msk [tilespmem:v2+s10+$0xFFFFFEC0 ss:$0x1], $0xffff  }
0x178: {  	v20 =	vld.idx.msk [tilespmem:v2+s10+$0xFFFFFED0 ss:$0x1], $0xffff  }
0x179: {  	v24 =	vld.idx.msk [tilespmem:v2+s10+$0xFFFFFEE0 ss:$0x1], $0xffff  }
0x17a: {  	v25 =	vld.idx.msk [tilespmem:v2+s10+$0xFFFFFEF0 ss:$0x1], $0xffff  }
0x17b: {  	v26 =	vld.idx.msk [tilespmem:v2+s10+$0xFFFFFF60 ss:$0x1], $0xffff  }
0x17c: {  	v27 =	vld.idx.msk [tilespmem:v2+s10+$0xFFFFFF70 ss:$0x1], $0xffff  }
0x17d: {  	v9 =	vimm.f32 $0.0e+00;
	v15 =	vld.idx.msk [tilespmem:v2+s10+$0x0 ss:$0x1], $0xffff  }
0x17e: {  	v12 =	vld.idx.msk [tilespmem:v2+s10+$0x10 ss:$0x1], $0xffff;
	v28 =	vadd.f32 v19, v9;
	v29 =	vadd.f32 v20, v9  }
0x17f: {  	v19 =	vld.idx.msk [tilespmem:v2+s10+$0xFFFFFF80 ss:$0x1], $0xffff;
	v24 =	vadd.f32 v24, v9;
	v25 =	vadd.f32 v25, v9  }
0x180: {  	v20 =	vld.idx.msk [tilespmem:v2+s10+$0xFFFFFF90 ss:$0x1], $0xffff;
	v18 =	vadd.f32 v18, v28;
	v29 =	vadd.f32 v23, v29  }
0x181: {  	v23 =	vld.idx.msk [tilespmem:v2+s10+$0xFFFFFF00 ss:$0x1], $0xffff;
	v26 =	vadd.f32 v26, v24;
	v27 =	vadd.f32 v27, v25  }
0x182: {  	v24 =	vld.idx.msk [tilespmem:v2+s10+$0xFFFFFF10 ss:$0x1], $0xffff;
	v28 =	vadd.f32 v11, v18;
	v29 =	vadd.f32 v17, v29  }
0x183: {  	s11 =	simm.s32 $0xA00;
	v25 =	vld.idx.msk [tilespmem:v2+s10+$0xFFFFFF20 ss:$0x1], $0xffff;
	v18 =	vimm.f32 $0.0e+00;
	v17 =	vimm.f32 $0.0e+00;
	v11 =	vimm.f32 $0.0e+00  }
.LBB2_20:
0x184: {  	p1 =	sne.s32 s11, $0x2800;
	v30 =	vld.idx.msk [tilespmem:v2+s10+$0xFFFFFF30 ss:$0x1], $0xffff;
	v21 =	vadd.f32 v21, v26;
	v22 =	vadd.f32 v22, v27  }
0x185: {  	v26 =	vld.idx.msk [tilespmem:v2+s10+$0xFFFFFFA0 ss:$0x1], $0xffff;
	v13 =	vadd.f32 v13, v28;
	v16 =	vadd.f32 v16, v29  }
0x186: {  	v27 =	vld.idx.msk [tilespmem:v2+s10+$0xFFFFFFB0 ss:$0x1], $0xffff;
	v10 =	vadd.f32 v10, v21;
	v14 =	vadd.f32 v14, v22  }
0x187: {  	v21 =	vld.idx.msk [tilespmem:v2+s10+$0x20 ss:$0x1], $0xffff;
	v28 =	vadd.f32 v5, v13;
	v29 =	vadd.f32 v6, v16  }
0x188: {  	v13 =	vld.idx.msk [tilespmem:v2+s10+$0x30 ss:$0x1], $0xffff;
	v31 =	vadd.f32 v7, v10;
	v32 =	vadd.f32 v8, v14  }
0x189: {  	v5 =	vadd.f32 v23, v9;
	v6 =	vadd.f32 v24, v18;
	v9 =	vld.idx.msk [tilespmem:v2+s10+$0xA0 ss:$0x1], $0xffff  }
0x18a: {  	v7 =	vadd.f32 v25, v17;
	v8 =	vadd.f32 v30, v11;
	v10 =	vld.idx.msk [tilespmem:v2+s10+$0xB0 ss:$0x1], $0xffff  }
0x18b: {  	v11 =	vadd.f32 v19, v5;
	v6 =	vadd.f32 v20, v6;
	v14 =	vld.idx.msk [tilespmem:v2+s10+$0x120 ss:$0x1], $0xffff  }
0x18c: {  	v7 =	vadd.f32 v26, v7;
	v8 =	vadd.f32 v27, v8;
	v16 =	vld.idx.msk [tilespmem:v2+s10+$0x130 ss:$0x1], $0xffff;
	s10 =	sshra.s32 s11, $0x2  }
0x18d: {  	v11 =	vadd.f32 v15, v11;
	v12 =	vadd.f32 v12, v6;
	v5 =	vld.idx.msk [tilespmem:v2+s10+$0xC0 ss:$0x1], $0xffff  }
0x18e: {  	v15 =	vadd.f32 v21, v7;
	v13 =	vadd.f32 v13, v8;
	v6 =	vld.idx.msk [tilespmem:v2+s10+$0xD0 ss:$0x1], $0xffff  }
0x18f: {  	v4 =	vadd.f32 v4, v11;
	v3 =	vadd.f32 v3, v12;
	v7 =	vld.idx.msk [tilespmem:v2+s10+$0xE0 ss:$0x1], $0xffff  }
0x190: {  	v11 =	vadd.f32 v9, v15;
	v10 =	vadd.f32 v10, v13;
	v8 =	vld.idx.msk [tilespmem:v2+s10+$0xF0 ss:$0x1], $0xffff  }
0x191: {  	v9 =	vadd.f32 v1, v4;
	v18 =	vadd.f32 v0, v3;
	v1 =	vld.idx.msk [tilespmem:v2+s10+$0x100 ss:$0x1], $0xffff  }
0x192: {  	v17 =	vadd.f32 v14, v11;
	v11 =	vadd.f32 v16, v10;
	v0 =	vld.idx.msk [tilespmem:v2+s10+$0x110 ss:$0x1], $0xffff  }
0x193: {  	v13 =	vld.idx.msk [tilespmem:v2+s10+$0x40 ss:$0x1], $0xffff  }
0x194: {  	v16 =	vld.idx.msk [tilespmem:v2+s10+$0x50 ss:$0x1], $0xffff  }
0x195: {  	v10 =	vld.idx.msk [tilespmem:v2+s10+$0x60 ss:$0x1], $0xffff  }
0x196: {  	v14 =	vld.idx.msk [tilespmem:v2+s10+$0x70 ss:$0x1], $0xffff  }
0x197: {  	v4 =	vld.idx.msk [tilespmem:v2+s10+$0x80 ss:$0x1], $0xffff  }
0x198: {  	v3 =	vld.idx.msk [tilespmem:v2+s10+$0x90 ss:$0x1], $0xffff  }
0x199: {  	v30 =	vld.idx.msk [tilespmem:v2+s10+$0xFFFFFFC0 ss:$0x1], $0xffff  }
0x19a: {  	v33 =	vld.idx.msk [tilespmem:v2+s10+$0xFFFFFFD0 ss:$0x1], $0xffff  }
0x19b: {  	v21 =	vld.idx.msk [tilespmem:v2+s10+$0xFFFFFFE0 ss:$0x1], $0xffff  }
0x19c: {  	v22 =	vld.idx.msk [tilespmem:v2+s10+$0xFFFFFFF0 ss:$0x1], $0xffff  }
0x19d: {  	v24 =	vld.idx.msk [tilespmem:v2+s10+$0xFFFFFF40 ss:$0x1], $0xffff  }
0x19e: {  	v25 =	vld.idx.msk [tilespmem:v2+s10+$0xFFFFFF50 ss:$0x1], $0xffff  }
0x19f: {  	v19 =	vld.idx.msk [tilespmem:v2+s10+$0xFFFFFEC0 ss:$0x1], $0xffff  }
0x1a0: {  	v20 =	vld.idx.msk [tilespmem:v2+s10+$0xFFFFFED0 ss:$0x1], $0xffff  }
0x1a1: {  	v23 =	vld.idx.msk [tilespmem:v2+s10+$0xFFFFFEE0 ss:$0x1], $0xffff  }
0x1a2: {  	v26 =	vld.idx.msk [tilespmem:v2+s10+$0xFFFFFEF0 ss:$0x1], $0xffff  }
0x1a3: {  	v27 =	vld.idx.msk [tilespmem:v2+s10+$0xFFFFFF60 ss:$0x1], $0xffff  }
0x1a4: {  	v34 =	vld.idx.msk [tilespmem:v2+s10+$0xFFFFFF70 ss:$0x1], $0xffff  }
0x1a5: {  	v15 =	vld.idx.msk [tilespmem:v2+s10+$0x0 ss:$0x1], $0xffff  }
0x1a6: {  	v12 =	vld.idx.msk [tilespmem:v2+s10+$0x10 ss:$0x1], $0xffff  }
.Ltmp10:
0x1a7: {  	v28 =	vadd.f32 v19, v28;
	v29 =	vadd.f32 v20, v29;
	v19 =	vld.idx.msk [tilespmem:v2+s10+$0xFFFFFF80 ss:$0x1], $0xffff;
	(pc) =	sbr.rel @p1 .LBB2_20-.Ltmp10, $4  }
0x1a8: {  	v31 =	vadd.f32 v23, v31;
	v32 =	vadd.f32 v26, v32;
	v20 =	vld.idx.msk [tilespmem:v2+s10+$0xFFFFFF90 ss:$0x1], $0xffff  }
0x1a9: {  	v28 =	vadd.f32 v24, v28;
	v29 =	vadd.f32 v25, v29;
	v23 =	vld.idx.msk [tilespmem:v2+s10+$0xFFFFFF00 ss:$0x1], $0xffff  }
0x1aa: {  	v26 =	vadd.f32 v27, v31;
	v27 =	vadd.f32 v34, v32;
	v24 =	vld.idx.msk [tilespmem:v2+s10+$0xFFFFFF10 ss:$0x1], $0xffff  }
0x1ab: {  	s11 =	sadd.s32 $0xA00, s11;
	v28 =	vadd.f32 v30, v28;
	v29 =	vadd.f32 v33, v29;
	v25 =	vld.idx.msk [tilespmem:v2+s10+$0xFFFFFF20 ss:$0x1], $0xffff  }
0x1ac: {  	_ =	sdelay $0x1  }
0x1ad: {  	v21 =	vadd.f32 v21, v26;
	v22 =	vadd.f32 v22, v27  }
0x1ae: {  	v13 =	vadd.f32 v13, v28;
	v16 =	vadd.f32 v16, v29  }
0x1af: {  	v47 =	vld.idx.msk [tilespmem:v2+s10+$0xFFFFFF30 ss:$0x1], $0xffff;
	v10 =	vadd.f32 v10, v21;
	v14 =	vadd.f32 v14, v22  }
0x1b0: {  	v48 =	vld.idx.msk [tilespmem:v2+s10+$0xFFFFFFA0 ss:$0x1], $0xffff;
	v9 =	vadd.f32 v23, v9;
	v5 =	vadd.f32 v5, v13  }
0x1b1: {  	v49 =	vld.idx.msk [tilespmem:v2+s10+$0xFFFFFFB0 ss:$0x1], $0xffff;
	v6 =	vadd.f32 v6, v16;
	v51 =	vadd.f32 v24, v18  }
0x1b2: {  	v50 =	vld.idx.msk [tilespmem:v2+s10+$0x20 ss:$0x1], $0xffff;
	v7 =	vadd.f32 v7, v10;
	v8 =	vadd.f32 v8, v14  }
0x1b3: {  	v52 =	vld.idx.msk [tilespmem:v2+s10+$0x30 ss:$0x1], $0xffff;
	v17 =	vadd.f32 v25, v17;
	v9 =	vadd.f32 v19, v9  }
0x1b4: {  	v53 =	vld.idx.msk [tilespmem:v2+s10+$0xA0 ss:$0x1], $0xffff;
	v11 =	vadd.f32 v47, v11;
	v14 =	vadd.f32 v20, v51  }
0x1b5: {  	v54 =	vld.idx.msk [tilespmem:v2+s10+$0xB0 ss:$0x1], $0xffff;
	v17 =	vadd.f32 v48, v17;
	v9 =	vadd.f32 v15, v9  }
0x1b6: {  	v55 =	vld.idx.msk [tilespmem:v2+s10+$0x120 ss:$0x1], $0xffff;
	v11 =	vadd.f32 v49, v11;
	v12 =	vadd.f32 v12, v14  }
0x1b7: {  	v56 =	vld.idx.msk [tilespmem:v2+s10+$0x130 ss:$0x1], $0xffff;
	s11 =	sshll.u32 s9, $0x7;
	v5 =	vmul.f32 $3.999999910e-02, v5;
	v10 =	vadd.f32 v50, v17;
	v4 =	vadd.f32 v4, v9  }
0x1b8: {  	s10 =	sand.u32 $0x3FFFFF80, s11;
	v6 =	vmul.f32 $3.999999910e-02, v6;
	v57 =	vadd.f32 v52, v11;
	v3 =	vadd.f32 v3, v12  }
0x1b9: {  	v58 =	vmul.f32 $3.999999910e-02, v7;
	[tilespmem:s10+$0x13180] =	vst v5;
	v10 =	vadd.f32 v53, v10;
	v1 =	vadd.f32 v1, v4  }
0x1ba: {  	s9 =	sadd.s32 $0x1, s9;
	v60 =	vmul.f32 $3.999999910e-02, v8;
	[tilespmem:s10+$0x13190] =	vst v6;
	v59 =	vadd.f32 v54, v57;
	v0 =	vadd.f32 v0, v3  }
0x1bb: {  	p1 =	sne.s32 s9, $0x8;
	[tilespmem:s10+$0x131A0] =	vst v58;
	v61 =	vadd.f32 v55, v10;
	v1 =	vmul.f32 $3.999999910e-02, v1  }
.Ltmp11:
0x1bc: {  	[tilespmem:s10+$0x131B0] =	vst v60;
	v2 =	vadd.f32 v56, v59;
	v0 =	vmul.f32 $3.999999910e-02, v0;
	(pc) =	sbr.rel @p1 .LBB2_19-.Ltmp11, $4  }
0x1bd: {  	[tilespmem:s10+$0x131C0] =	vst v1;
	v62 =	vmul.f32 $3.999999910e-02, v61  }
0x1be: {  	[tilespmem:s10+$0x131D0] =	vst v0;
	v63 =	vmul.f32 $3.999999910e-02, v2  }
0x1bf: {  	[tilespmem:s10+$0x131E0] =	vst v62  }
0x1c0: {  	s8 =	sadd.s32 $0xC80, s8;
	[tilespmem:s10+$0x131F0] =	vst v63  }
0x1c1: {  	s8 =	sshll.u32 s7, $0xB  }
0x1c2: {  	s8 =	sadd.s32 s5, s8  }
0x1c3: {  	p1 =	seq.s32 s7, $0x13;
	s8 =	sshrl.u32 s8, $0x3  }
0x1c4: {  	s9 =	smul.u32 @!p1 $0x640, s7;
	s8 =	sadd.s32 s4, s8  }
0x1c5: {  	[hbm4b:s8+s3] =	stream.linear.scatter [tilespmem:s22], [sflag:$0x4], $0x400, $0x38;
	[tilespmem:$0x13980] =	vst v63  }
0x1c6: {  	s8 =	sshra.s32 @!p1 s9, $0x2  }
0x1c7: {  	s10 =	simm.s32 @!p1 $0x68;
	s11 =	simm.s32 @!p1 $0x6980;
	s9 =	sadd.s32 @!p1 $0x390, s8  }
0x1c8: {  	[tilespmem:s11], [sflag:$0x2] =	stream.indirect.gather @!p1 [hbm4b:s0+s10], $0x80, s9, s10, $0xb8;
	[tilespmem:$0x13980] =	vst v63  }
0x1c9: {  	s8 =	sadd.s32 @!p1 $0x3F8, s8;
	s9 =	simm.s32 @!p1 $0x60;
	s10 =	simm.s32 @!p1 $0x9D80  }
0x1ca: {  	[tilespmem:s10], [sflag:$0x2] =	stream.indirect.gather @!p1 [hbm4b:s0+s9], $0x80, s8, s9, $0xb8;
	[tilespmem:$0x13980] =	vst v63  }
0x1cb: {  	_ =	swait.ge [sflag:s23], $0x3400  }
0x1cc: {  	[sflag:s23] =	ssyncset.done $0x0  }
0x1cd: {  	[sflag:s23] =	ssyncadd.s32 $0xFFFFCC00  }
0x1ce: {  	_ =	swait.ge [sflag:s23], $0x3000  }
0x1cf: {  	[sflag:s23] =	ssyncset.done $0x0  }
0x1d0: {  	s8 =	simm.s32 @!p0 $0x5;
	[sflag:s23] =	ssyncadd.s32 $0xFFFFD000  }
0x1d1: {  	_ =	swait.ge @!p0 [sflag:s8], $0x400  }
0x1d2: {  	[sflag:s8] =	ssyncset.done @!p0 $0x0  }
0x1d3: {  	s9 =	simm.s32 $0x6980;
	[sflag:s8] =	ssyncadd.s32 @!p0 $0xFFFFFC00;
	s8 =	simm.s32 $0x0  }
.LBB2_23:
0x1d4: {  	v2 =	vmov s9;
	_ =	sdelay $0x3  }
0x1d5: {  	s10 =	simm.s32 $0x0  }
0x1d6: {  	v5 =	vld.idx.msk [tilespmem:v2+s10+$0x6600 ss:$0x1], $0xffff  }
0x1d7: {  	v6 =	vld.idx.msk [tilespmem:v2+s10+$0x6610 ss:$0x1], $0xffff  }
0x1d8: {  	v7 =	vld.idx.msk [tilespmem:v2+s10+$0x6620 ss:$0x1], $0xffff  }
0x1d9: {  	v8 =	vld.idx.msk [tilespmem:v2+s10+$0x6630 ss:$0x1], $0xffff  }
0x1da: {  	v1 =	vld.idx.msk [tilespmem:v2+s10+$0x6640 ss:$0x1], $0xffff  }
0x1db: {  	v0 =	vld.idx.msk [tilespmem:v2+s10+$0x6650 ss:$0x1], $0xffff  }
0x1dc: {  	v13 =	vld.idx.msk [tilespmem:v2+s10+$0x6580 ss:$0x1], $0xffff  }
0x1dd: {  	v16 =	vld.idx.msk [tilespmem:v2+s10+$0x6590 ss:$0x1], $0xffff  }
0x1de: {  	v10 =	vld.idx.msk [tilespmem:v2+s10+$0x65A0 ss:$0x1], $0xffff  }
0x1df: {  	v14 =	vld.idx.msk [tilespmem:v2+s10+$0x65B0 ss:$0x1], $0xffff  }
0x1e0: {  	v4 =	vld.idx.msk [tilespmem:v2+s10+$0x65C0 ss:$0x1], $0xffff  }
0x1e1: {  	v3 =	vld.idx.msk [tilespmem:v2+s10+$0x65D0 ss:$0x1], $0xffff  }
0x1e2: {  	v11 =	vld.idx.msk [tilespmem:v2+s10+$0x6500 ss:$0x1], $0xffff  }
0x1e3: {  	v17 =	vld.idx.msk [tilespmem:v2+s10+$0x6510 ss:$0x1], $0xffff  }
0x1e4: {  	v21 =	vld.idx.msk [tilespmem:v2+s10+$0x6520 ss:$0x1], $0xffff  }
0x1e5: {  	v22 =	vld.idx.msk [tilespmem:v2+s10+$0x6530 ss:$0x1], $0xffff  }
0x1e6: {  	v18 =	vld.idx.msk [tilespmem:v2+s10+$0x6480 ss:$0x1], $0xffff  }
0x1e7: {  	v23 =	vld.idx.msk [tilespmem:v2+s10+$0x6490 ss:$0x1], $0xffff  }
0x1e8: {  	v19 =	vld.idx.msk [tilespmem:v2+s10+$0x6400 ss:$0x1], $0xffff  }
0x1e9: {  	v20 =	vld.idx.msk [tilespmem:v2+s10+$0x6410 ss:$0x1], $0xffff  }
0x1ea: {  	v24 =	vld.idx.msk [tilespmem:v2+s10+$0x6420 ss:$0x1], $0xffff  }
0x1eb: {  	v25 =	vld.idx.msk [tilespmem:v2+s10+$0x6430 ss:$0x1], $0xffff  }
0x1ec: {  	v26 =	vld.idx.msk [tilespmem:v2+s10+$0x64A0 ss:$0x1], $0xffff  }
0x1ed: {  	v27 =	vld.idx.msk [tilespmem:v2+s10+$0x64B0 ss:$0x1], $0xffff  }
0x1ee: {  	v9 =	vimm.f32 $0.0e+00;
	v15 =	vld.idx.msk [tilespmem:v2+s10+$0x6540 ss:$0x1], $0xffff  }
0x1ef: {  	v12 =	vld.idx.msk [tilespmem:v2+s10+$0x6550 ss:$0x1], $0xffff;
	v28 =	vadd.f32 v19, v9;
	v29 =	vadd.f32 v20, v9  }
0x1f0: {  	v19 =	vld.idx.msk [tilespmem:v2+s10+$0x64C0 ss:$0x1], $0xffff;
	v24 =	vadd.f32 v24, v9;
	v25 =	vadd.f32 v25, v9  }
0x1f1: {  	v20 =	vld.idx.msk [tilespmem:v2+s10+$0x64D0 ss:$0x1], $0xffff;
	v18 =	vadd.f32 v18, v28;
	v29 =	vadd.f32 v23, v29  }
0x1f2: {  	v23 =	vld.idx.msk [tilespmem:v2+s10+$0x6440 ss:$0x1], $0xffff;
	v26 =	vadd.f32 v26, v24;
	v27 =	vadd.f32 v27, v25  }
0x1f3: {  	v24 =	vld.idx.msk [tilespmem:v2+s10+$0x6450 ss:$0x1], $0xffff;
	v28 =	vadd.f32 v11, v18;
	v29 =	vadd.f32 v17, v29  }
0x1f4: {  	s11 =	simm.s32 $0xA00;
	v25 =	vld.idx.msk [tilespmem:v2+s10+$0x6460 ss:$0x1], $0xffff;
	v18 =	vimm.f32 $0.0e+00;
	v17 =	vimm.f32 $0.0e+00;
	v11 =	vimm.f32 $0.0e+00  }
.LBB2_24:
0x1f5: {  	p0 =	sne.s32 s11, $0x2800;
	v30 =	vld.idx.msk [tilespmem:v2+s10+$0x6470 ss:$0x1], $0xffff;
	v21 =	vadd.f32 v21, v26;
	v22 =	vadd.f32 v22, v27  }
0x1f6: {  	v26 =	vld.idx.msk [tilespmem:v2+s10+$0x64E0 ss:$0x1], $0xffff;
	v13 =	vadd.f32 v13, v28;
	v16 =	vadd.f32 v16, v29  }
0x1f7: {  	v27 =	vld.idx.msk [tilespmem:v2+s10+$0x64F0 ss:$0x1], $0xffff;
	v10 =	vadd.f32 v10, v21;
	v14 =	vadd.f32 v14, v22  }
0x1f8: {  	v21 =	vld.idx.msk [tilespmem:v2+s10+$0x6560 ss:$0x1], $0xffff;
	v28 =	vadd.f32 v5, v13;
	v29 =	vadd.f32 v6, v16  }
0x1f9: {  	v13 =	vld.idx.msk [tilespmem:v2+s10+$0x6570 ss:$0x1], $0xffff;
	v31 =	vadd.f32 v7, v10;
	v32 =	vadd.f32 v8, v14  }
0x1fa: {  	v5 =	vadd.f32 v23, v9;
	v6 =	vadd.f32 v24, v18;
	v9 =	vld.idx.msk [tilespmem:v2+s10+$0x65E0 ss:$0x1], $0xffff  }
0x1fb: {  	v7 =	vadd.f32 v25, v17;
	v8 =	vadd.f32 v30, v11;
	v10 =	vld.idx.msk [tilespmem:v2+s10+$0x65F0 ss:$0x1], $0xffff  }
0x1fc: {  	v11 =	vadd.f32 v19, v5;
	v6 =	vadd.f32 v20, v6;
	v14 =	vld.idx.msk [tilespmem:v2+s10+$0x6660 ss:$0x1], $0xffff  }
0x1fd: {  	v7 =	vadd.f32 v26, v7;
	v8 =	vadd.f32 v27, v8;
	v16 =	vld.idx.msk [tilespmem:v2+s10+$0x6670 ss:$0x1], $0xffff;
	s10 =	sshra.s32 s11, $0x2  }
0x1fe: {  	v11 =	vadd.f32 v15, v11;
	v12 =	vadd.f32 v12, v6;
	v5 =	vld.idx.msk [tilespmem:v2+s10+$0x6600 ss:$0x1], $0xffff  }
0x1ff: {  	v15 =	vadd.f32 v21, v7;
	v13 =	vadd.f32 v13, v8;
	v6 =	vld.idx.msk [tilespmem:v2+s10+$0x6610 ss:$0x1], $0xffff  }
0x200: {  	v4 =	vadd.f32 v4, v11;
	v3 =	vadd.f32 v3, v12;
	v7 =	vld.idx.msk [tilespmem:v2+s10+$0x6620 ss:$0x1], $0xffff  }
0x201: {  	v11 =	vadd.f32 v9, v15;
	v10 =	vadd.f32 v10, v13;
	v8 =	vld.idx.msk [tilespmem:v2+s10+$0x6630 ss:$0x1], $0xffff  }
0x202: {  	v9 =	vadd.f32 v1, v4;
	v18 =	vadd.f32 v0, v3;
	v1 =	vld.idx.msk [tilespmem:v2+s10+$0x6640 ss:$0x1], $0xffff  }
0x203: {  	v17 =	vadd.f32 v14, v11;
	v11 =	vadd.f32 v16, v10;
	v0 =	vld.idx.msk [tilespmem:v2+s10+$0x6650 ss:$0x1], $0xffff  }
0x204: {  	v13 =	vld.idx.msk [tilespmem:v2+s10+$0x6580 ss:$0x1], $0xffff  }
0x205: {  	v16 =	vld.idx.msk [tilespmem:v2+s10+$0x6590 ss:$0x1], $0xffff  }
0x206: {  	v10 =	vld.idx.msk [tilespmem:v2+s10+$0x65A0 ss:$0x1], $0xffff  }
0x207: {  	v14 =	vld.idx.msk [tilespmem:v2+s10+$0x65B0 ss:$0x1], $0xffff  }
0x208: {  	v4 =	vld.idx.msk [tilespmem:v2+s10+$0x65C0 ss:$0x1], $0xffff  }
0x209: {  	v3 =	vld.idx.msk [tilespmem:v2+s10+$0x65D0 ss:$0x1], $0xffff  }
0x20a: {  	v30 =	vld.idx.msk [tilespmem:v2+s10+$0x6500 ss:$0x1], $0xffff  }
0x20b: {  	v33 =	vld.idx.msk [tilespmem:v2+s10+$0x6510 ss:$0x1], $0xffff  }
0x20c: {  	v21 =	vld.idx.msk [tilespmem:v2+s10+$0x6520 ss:$0x1], $0xffff  }
0x20d: {  	v22 =	vld.idx.msk [tilespmem:v2+s10+$0x6530 ss:$0x1], $0xffff  }
0x20e: {  	v24 =	vld.idx.msk [tilespmem:v2+s10+$0x6480 ss:$0x1], $0xffff  }
0x20f: {  	v25 =	vld.idx.msk [tilespmem:v2+s10+$0x6490 ss:$0x1], $0xffff  }
0x210: {  	v19 =	vld.idx.msk [tilespmem:v2+s10+$0x6400 ss:$0x1], $0xffff  }
0x211: {  	v20 =	vld.idx.msk [tilespmem:v2+s10+$0x6410 ss:$0x1], $0xffff  }
0x212: {  	v23 =	vld.idx.msk [tilespmem:v2+s10+$0x6420 ss:$0x1], $0xffff  }
0x213: {  	v26 =	vld.idx.msk [tilespmem:v2+s10+$0x6430 ss:$0x1], $0xffff  }
0x214: {  	v27 =	vld.idx.msk [tilespmem:v2+s10+$0x64A0 ss:$0x1], $0xffff  }
0x215: {  	v34 =	vld.idx.msk [tilespmem:v2+s10+$0x64B0 ss:$0x1], $0xffff  }
0x216: {  	v15 =	vld.idx.msk [tilespmem:v2+s10+$0x6540 ss:$0x1], $0xffff  }
0x217: {  	v12 =	vld.idx.msk [tilespmem:v2+s10+$0x6550 ss:$0x1], $0xffff  }
.Ltmp12:
0x218: {  	v28 =	vadd.f32 v19, v28;
	v29 =	vadd.f32 v20, v29;
	v19 =	vld.idx.msk [tilespmem:v2+s10+$0x64C0 ss:$0x1], $0xffff;
	(pc) =	sbr.rel @p0 .LBB2_24-.Ltmp12, $4  }
0x219: {  	v31 =	vadd.f32 v23, v31;
	v32 =	vadd.f32 v26, v32;
	v20 =	vld.idx.msk [tilespmem:v2+s10+$0x64D0 ss:$0x1], $0xffff  }
0x21a: {  	v28 =	vadd.f32 v24, v28;
	v29 =	vadd.f32 v25, v29;
	v23 =	vld.idx.msk [tilespmem:v2+s10+$0x6440 ss:$0x1], $0xffff  }
0x21b: {  	v26 =	vadd.f32 v27, v31;
	v27 =	vadd.f32 v34, v32;
	v24 =	vld.idx.msk [tilespmem:v2+s10+$0x6450 ss:$0x1], $0xffff  }
0x21c: {  	s11 =	sadd.s32 $0xA00, s11;
	v28 =	vadd.f32 v30, v28;
	v29 =	vadd.f32 v33, v29;
	v25 =	vld.idx.msk [tilespmem:v2+s10+$0x6460 ss:$0x1], $0xffff  }
0x21d: {  	_ =	sdelay $0x1  }
0x21e: {  	v21 =	vadd.f32 v21, v26;
	v22 =	vadd.f32 v22, v27  }
0x21f: {  	v13 =	vadd.f32 v13, v28;
	v16 =	vadd.f32 v16, v29  }
0x220: {  	v47 =	vld.idx.msk [tilespmem:v2+s10+$0x6470 ss:$0x1], $0xffff;
	v10 =	vadd.f32 v10, v21;
	v14 =	vadd.f32 v14, v22  }
0x221: {  	v48 =	vld.idx.msk [tilespmem:v2+s10+$0x64E0 ss:$0x1], $0xffff;
	v9 =	vadd.f32 v23, v9;
	v5 =	vadd.f32 v5, v13  }
0x222: {  	v49 =	vld.idx.msk [tilespmem:v2+s10+$0x64F0 ss:$0x1], $0xffff;
	v6 =	vadd.f32 v6, v16;
	v51 =	vadd.f32 v24, v18  }
0x223: {  	v50 =	vld.idx.msk [tilespmem:v2+s10+$0x6560 ss:$0x1], $0xffff;
	v7 =	vadd.f32 v7, v10;
	v8 =	vadd.f32 v8, v14  }
0x224: {  	v52 =	vld.idx.msk [tilespmem:v2+s10+$0x6570 ss:$0x1], $0xffff;
	v17 =	vadd.f32 v25, v17;
	v9 =	vadd.f32 v19, v9  }
0x225: {  	v53 =	vld.idx.msk [tilespmem:v2+s10+$0x65E0 ss:$0x1], $0xffff;
	v11 =	vadd.f32 v47, v11;
	v14 =	vadd.f32 v20, v51  }
0x226: {  	v54 =	vld.idx.msk [tilespmem:v2+s10+$0x65F0 ss:$0x1], $0xffff;
	v17 =	vadd.f32 v48, v17;
	v9 =	vadd.f32 v15, v9  }
0x227: {  	v55 =	vld.idx.msk [tilespmem:v2+s10+$0x6660 ss:$0x1], $0xffff;
	v11 =	vadd.f32 v49, v11;
	v12 =	vadd.f32 v12, v14  }
0x228: {  	v56 =	vld.idx.msk [tilespmem:v2+s10+$0x6670 ss:$0x1], $0xffff;
	s11 =	sshll.u32 s8, $0x7;
	v5 =	vmul.f32 $3.999999910e-02, v5;
	v10 =	vadd.f32 v50, v17;
	v4 =	vadd.f32 v4, v9  }
0x229: {  	s10 =	sand.u32 $0x3FFFFF80, s11;
	v6 =	vmul.f32 $3.999999910e-02, v6;
	v57 =	vadd.f32 v52, v11;
	v3 =	vadd.f32 v3, v12  }
0x22a: {  	v58 =	vmul.f32 $3.999999910e-02, v7;
	[tilespmem:s10+$0x13580] =	vst v5;
	v10 =	vadd.f32 v53, v10;
	v1 =	vadd.f32 v1, v4  }
0x22b: {  	s8 =	sadd.s32 $0x1, s8;
	v60 =	vmul.f32 $3.999999910e-02, v8;
	[tilespmem:s10+$0x13590] =	vst v6;
	v59 =	vadd.f32 v54, v57;
	v0 =	vadd.f32 v0, v3  }
0x22c: {  	p0 =	sne.s32 s8, $0x8;
	[tilespmem:s10+$0x135A0] =	vst v58;
	v61 =	vadd.f32 v55, v10;
	v1 =	vmul.f32 $3.999999910e-02, v1  }
.Ltmp13:
0x22d: {  	[tilespmem:s10+$0x135B0] =	vst v60;
	v2 =	vadd.f32 v56, v59;
	v0 =	vmul.f32 $3.999999910e-02, v0;
	(pc) =	sbr.rel @p0 .LBB2_23-.Ltmp13, $4  }
0x22e: {  	[tilespmem:s10+$0x135C0] =	vst v1;
	v62 =	vmul.f32 $3.999999910e-02, v61  }
0x22f: {  	[tilespmem:s10+$0x135D0] =	vst v0;
	v63 =	vmul.f32 $3.999999910e-02, v2  }
0x230: {  	[tilespmem:s10+$0x135E0] =	vst v62  }
0x231: {  	s9 =	sadd.s32 $0xC80, s9;
	[tilespmem:s10+$0x135F0] =	vst v63  }
.Ltmp14:
0x232: {  	(pc) =	sbr.rel @p1 .LBB2_28-.Ltmp14, $4  }
0x233: {  	_ = 	snop  }
0x234: {  	s8 =	sshll.u32 s7, $0x8  }
0x235: {  	s8 =	sadd.s32 s16, s8  }
0x236: {  	[hbm4b:s8+s3] =	stream.linear.scatter [tilespmem:s24], [sflag:$0x5], $0x400, $0x38;
	[tilespmem:$0x13980] =	vst v63  }
0x237: {  	s8 =	smul.u32 $0x640, s7;
	_ =	sdelay $0x1  }
.Ltmp15:
0x238: {  	s8 =	sshra.s32 s8, $0x2;
	(pc) =	sbr.rel .LBB2_18-.Ltmp15, $4  }
0x239: {  	s9 =	sadd.s32 $0x458, s8  }
0x23a: {  	[tilespmem:s25], [sflag:$0x3] =	stream.indirect.gather [hbm4b:s0+s19], $0x80, s9, s19, $0xb8;
	[tilespmem:$0x13980] =	vst v63  }
0x23b: {  	s7 =	sadd.s32 $0x1, s7;
	s8 =	sadd.s32 $0x4C0, s8  }
0x23c: {  	[tilespmem:s28], [sflag:$0x3] =	stream.indirect.gather [hbm4b:s0+s21], $0x80, s8, s21, $0xb8;
	[tilespmem:$0x13980] =	vst v63  }
.LBB2_29:
0x23d: {  	_ =	sfence.sel $0x180000  }
0x23e: {  	[bflag:$0x0] =	sbarrier.arrive $0xFFFF  }
0x23f: {  	_ =	strace $0x90000047  }
0x240: {  	s0 =	stileid.u32;
	[bflag:$0x2] =	sbarrier.arrive $0xFFFF  }
0x241: {  	p0 =	sne.s32 s0, $0x0;
	s0 =	rddreg [dreg:$0x6]  }
0x242: {  	s0 =	sadd.s32 @!p0 $0x100000, s0  }
0x243: {  	[sflag:s0] =	ssyncadd.tile.s32 @!p0 $0x1;
	_ =	shalt  }
.Lfunc_end2:
_tile_overlayer_lowered:
.L_overlay_start_2:
0x244: {  	(tag) =	ssettag $0x2  }
0x245: {  	s0 =	rddreg [dreg:$0x0];
	s2 =	stileid.u32  }
0x246: {  	s1 =	rddreg [dreg:$0x1];
	p0 =	sne.s32 s2, $0x0  }
0x247: {  	s3 =	rddreg [dreg:$0x2];
	[bflag:$0x3] =	sbarrier.arrive $0xFFFF;
	s2 =	simm.s32 @!p0 $0x1C06  }
0x248: {  	[timem:s3], [sflag:s2] =	dma.local @!p0 [hbm:s0], s1  }
0x249: {  	s0 =	simm.s32 @!p0 $0x6  }
0x24a: {  	_ =	swait.ge @!p0 [sflag:s0], s1  }
0x24b: {  	s1 =	ssub.s32 @!p0 $0x0, s1;
	[sflag:s0] =	ssyncset.done @!p0 $0x0  }
0x24c: {  	[sflag:s0] =	ssyncadd.s32 @!p0 s1  }
0x24d: {  	[bflag:$0x3] =	sbarrier.arrive $0xFFFF  }
0x24e: {  	_ =	shalt  }

</sc_bundles>
